<compile_context>
chip_gen: v7x
topology: tpu7x:2x2x1
jax: 0.10.2.dev20260603
libtpu: 0.0.44.dev20260713+nightly
codegen_flags: <defaults>
</compile_context>

<pallas_src>
import functools

import jax
import jax.numpy as jnp
from jax import lax
from jax.experimental import pallas as pl
from jax.experimental.pallas import tpu as pltpu
from jax.experimental.pallas import tpu_sc as plsc

N = 10000
E = 640000
C = 128
H = 64
G = 16

NC = 2
NS = 16
NW = NC * NS
CHUNK = 128
CPT = 160
NCH = NW * CPT
EPAD = NCH * CHUNK
NACC = 10112
RPT = NACC // NS
BPAD = 10112
BCH = BPAD // CHUNK
NBUF = 5

_mesh = plsc.VectorSubcoreMesh(core_axis_name="c", subcore_axis_name="s")
_sc_params = pltpu.CompilerParams(
    use_tc_tiling_on_sc=False, needs_layout_passes=False
)


@functools.partial(
    pl.kernel,
    mesh=_mesh,
    compiler_params=_sc_params,
    out_type=[
        jax.ShapeDtypeStruct((NC, NACC), jnp.float32),
        jax.ShapeDtypeStruct((G,), jnp.int32),
    ],
    scratch_types=[
        pltpu.VMEM((CPT, CHUNK), jnp.int32),
        pltpu.VMEM((CHUNK,), jnp.float32),
        pltpu.VMEM((BCH, CHUNK), jnp.int32),
        pltpu.VMEM((N,), jnp.int32),
        pltpu.VMEM((G,), jnp.int32),
        pltpu.VMEM((2 * G,), jnp.float32),
        pltpu.VMEM((G,), jnp.int32),
        pltpu.VMEM_SHARED((NACC,), jnp.float32),
        pltpu.VMEM_SHARED((2 * G,), jnp.float32),
        pltpu.SemaphoreType.DMA,
    ],
)
def _deg_gidx_kernel(dstc_hbm, batchc_hbm, batch_hbm, masked_hbm, z1_hbm,
                     degp_hbm, gidx_hbm,
                     didx_v, ones_v, batch2_v, batch_v, m_v, cnt_v, gidx_v,
                     deg_sh, cnt_sh, dsem):
    c = lax.axis_index("c")
    s = lax.axis_index("s")
    gwid = c * NS + s

    r0 = s * RPT
    pltpu.sync_copy(z1_hbm.at[pl.ds(r0, RPT)], deg_sh.at[pl.ds(r0, RPT)])

    for i in range(CHUNK // 16):
        ones_v[pl.ds(i * 16, 16)] = jnp.full((16,), 1.0, jnp.float32)

    plsc.subcore_barrier()

    base = gwid * CPT
    pltpu.sync_copy(dstc_hbm.at[pl.ds(base, CPT)], didx_v)

    def deg_body(g, carry):
        ds_ = [
            pltpu.async_copy(
                ones_v, deg_sh.at[didx_v.at[g * 8 + b]], dsem, add=True
            )
            for b in range(8)
        ]
        for d in ds_:
            d.wait()
        return carry

    lax.fori_loop(0, CPT // 8, deg_body, 0)

    @pl.when(jnp.logical_and(c == 0, s == 0))
    def _():
        pltpu.sync_copy(z1_hbm.at[pl.ds(0, 2 * G)], cnt_sh)
        pltpu.sync_copy(batchc_hbm, batch2_v)

        def cnt_body(j, carry):
            pltpu.sync_copy(ones_v, cnt_sh.at[batch2_v.at[j]], add=True)
            return carry

        lax.fori_loop(0, BCH, cnt_body, 0)

        pltpu.sync_copy(cnt_sh, cnt_v)
        pltpu.sync_copy(batch_hbm, batch_v)
        pltpu.sync_copy(masked_hbm, m_v)

        m = m_v[...]
        b_m = plsc.load_gather(batch_v, [m])
        cfl = plsc.load_gather(cnt_v, [jnp.maximum(b_m - 1, 0)])
        ci = cfl.astype(jnp.int32)
        off = jnp.where(b_m > 0, ci, 0)
        gidx_v[...] = jnp.clip(m + off, 0, N - 1)
        pltpu.sync_copy(gidx_v, gidx_hbm)

    plsc.subcore_barrier()

    pltpu.sync_copy(deg_sh.at[pl.ds(r0, RPT)], degp_hbm.at[c, pl.ds(r0, RPT)])


@functools.partial(
    pl.kernel,
    mesh=_mesh,
    compiler_params=_sc_params,
    out_type=jax.ShapeDtypeStruct((NC, NACC, H), jnp.float32),
    scratch_types=[
        pltpu.VMEM((NBUF, CHUNK), jnp.int32),
        pltpu.VMEM((NBUF, CHUNK), jnp.int32),
        pltpu.VMEM((NBUF, CHUNK, H), jnp.float32),
        pltpu.VMEM_SHARED((N, H), jnp.float32),
        pltpu.VMEM_SHARED((NACC, H), jnp.float32),
        pltpu.SemaphoreType.DMA,
        pltpu.SemaphoreType.DMA,
    ],
)
def _edge_agg_kernel(y_hbm, srcc_hbm, dstc_hbm, z2_hbm, out_hbm,
                     sidx_v, didx_v, rows_v, ytab_sh, acc_sh, gsem, ssem):
    c = lax.axis_index("c")
    s = lax.axis_index("s")
    gwid = c * NS + s

    r0 = s * RPT
    pltpu.sync_copy(z2_hbm.at[pl.ds(r0, RPT)], acc_sh.at[pl.ds(r0, RPT)])
    yr = N // NS
    pltpu.sync_copy(y_hbm.at[pl.ds(s * yr, yr)], ytab_sh.at[pl.ds(s * yr, yr)])

    plsc.subcore_barrier()

    base = gwid * CPT

    def body(g, carry):
        j0 = base + g * NBUF
        pltpu.sync_copy(srcc_hbm.at[pl.ds(j0, NBUF)], sidx_v)
        pltpu.sync_copy(dstc_hbm.at[pl.ds(j0, NBUF)], didx_v)
        gs = [
            pltpu.async_copy(ytab_sh.at[sidx_v.at[b]], rows_v.at[b], gsem)
            for b in range(NBUF)
        ]
        for d in gs:
            d.wait()
        ss = [
            pltpu.async_copy(
                rows_v.at[b], acc_sh.at[didx_v.at[b]], ssem, add=True
            )
            for b in range(NBUF)
        ]
        for d in ss:
            d.wait()
        return carry

    lax.fori_loop(0, CPT // NBUF, body, 0)

    plsc.subcore_barrier()

    pltpu.sync_copy(acc_sh.at[pl.ds(r0, RPT)], out_hbm.at[c, pl.ds(r0, RPT)])


EPT = CPT * CHUNK


@functools.partial(
    pl.kernel,
    mesh=_mesh,
    compiler_params=_sc_params,
    out_type=[
        jax.ShapeDtypeStruct((NW, EPT), jnp.int32),
        jax.ShapeDtypeStruct((NW, G), jnp.int32),
        jax.ShapeDtypeStruct((NC, NACC), jnp.float32),
    ],
    scratch_types=[
        pltpu.VMEM((NACC,), jnp.int32),
        pltpu.VMEM((EPT,), jnp.int32),
        pltpu.VMEM((EPT + CHUNK,), jnp.int32),
        pltpu.VMEM((G,), jnp.int32),
        pltpu.VMEM((G,), jnp.int32),
        pltpu.VMEM((CHUNK,), jnp.int32),
        pltpu.VMEM((CHUNK,), jnp.float32),
        pltpu.VMEM_SHARED((NACC,), jnp.float32),
        pltpu.SemaphoreType.DMA,
    ],
)
def _scan_kernel(srcf_hbm, dstf_hbm, zi_hbm, z1_hbm, gidx_hbm,
                 pos_hbm, cnt_hbm, flag2p_hbm,
                 flag_v, dflat_v, pos_v, gidx_v, cnt16_v, sv_v, ones_v,
                 flag2_sh, gsem):
    c = lax.axis_index("c")
    s = lax.axis_index("s")
    gwid = c * NS + s

    r0 = s * RPT
    pltpu.sync_copy(z1_hbm.at[pl.ds(r0, RPT)], flag2_sh.at[pl.ds(r0, RPT)])

    for i in range(CHUNK // 16):
        ones_v[pl.ds(i * 16, 16)] = jnp.full((16,), 1.0, jnp.float32)

    pltpu.sync_copy(zi_hbm, flag_v)
    pltpu.sync_copy(gidx_hbm, gidx_v)
    gvec = gidx_v[...]
    plsc.store_scatter(flag_v, [gvec], jnp.full((G,), 1, jnp.int32))

    plsc.subcore_barrier()

    @pl.when(jnp.logical_and(c == 0, s == 0))
    def _():
        pltpu.sync_copy(ones_v.at[pl.ds(0, G)], flag2_sh.at[gidx_v], add=True)

    ebase = gwid * EPT
    pltpu.sync_copy(dstf_hbm.at[pl.ds(ebase, EPT)], dflat_v)

    lanes = lax.iota(jnp.int32, G)

    def filt_body(i, cnt):
        dv = dflat_v[pl.ds(i * 16, 16)]
        fl = plsc.load_gather(flag_v, [dv])
        mask = fl > 0
        plsc.store_compressed(pos_v.at[pl.ds(cnt, 16)], ebase + i * 16 + lanes,
                              mask=mask)
        pc = plsc.all_reduce_population_count(mask)
        return cnt + pc[0]

    cnt = lax.fori_loop(0, EPT // 16, filt_body, jnp.int32(0))

    for k in range(CHUNK // 16):
        pos_v[pl.ds(cnt + k * 16, 16)] = E + gwid * CHUNK + k * 16 + lanes

    nch = (cnt + CHUNK - 1) // CHUNK

    def mark_body(k, carry):
        psl = pos_v.at[pl.ds(k * CHUNK, CHUNK)]
        pltpu.async_copy(srcf_hbm.at[psl], sv_v, gsem).wait()
        pltpu.sync_copy(ones_v, flag2_sh.at[sv_v], add=True)
        pltpu.sync_copy(psl, pos_hbm.at[gwid, pl.ds(k * CHUNK, CHUNK)])
        return carry

    lax.fori_loop(0, nch, mark_body, 0)

    cnt16_v[...] = jnp.broadcast_to(cnt, (G,)).astype(jnp.int32)
    pltpu.sync_copy(cnt16_v, cnt_hbm.at[gwid])

    plsc.subcore_barrier()

    pltpu.sync_copy(flag2_sh.at[pl.ds(r0, RPT)], flag2p_hbm.at[c, pl.ds(r0, RPT)])


@functools.partial(
    pl.kernel,
    mesh=_mesh,
    compiler_params=_sc_params,
    out_type=jax.ShapeDtypeStruct((NC, NACC, H), jnp.float32),
    scratch_types=[
        pltpu.VMEM((NACC,), jnp.int32),
        pltpu.VMEM((EPT,), jnp.int32),
        pltpu.VMEM((EPT + CHUNK,), jnp.int32),
        pltpu.VMEM((2, CHUNK), jnp.int32),
        pltpu.VMEM((2, CHUNK), jnp.int32),
        pltpu.VMEM((2, CHUNK, H), jnp.float32),
        pltpu.VMEM_SHARED((NACC, H), jnp.float32),
        pltpu.SemaphoreType.DMA,
        pltpu.SemaphoreType.DMA,
    ],
)
def _edge_agg_masked_kernel(y_hbm, srcf_hbm, dstf_hbm, uflag_hbm, z2_hbm,
                            out_hbm,
                            flag_v, dflat_v, pos_v, sv_v, dv_v,
                            rows_v, acc_sh, gsem, ssem):
    c = lax.axis_index("c")
    s = lax.axis_index("s")
    gwid = c * NS + s

    r0 = s * RPT
    pltpu.sync_copy(z2_hbm.at[pl.ds(r0, RPT)], acc_sh.at[pl.ds(r0, RPT)])
    pltpu.sync_copy(uflag_hbm, flag_v)

    ebase = gwid * EPT
    pltpu.sync_copy(dstf_hbm.at[pl.ds(ebase, EPT)], dflat_v)

    plsc.subcore_barrier()

    lanes = lax.iota(jnp.int32, G)

    def filt_body(i, cnt):
        dv = dflat_v[pl.ds(i * 16, 16)]
        fl = plsc.load_gather(flag_v, [dv])
        mask = fl > 0
        plsc.store_compressed(pos_v.at[pl.ds(cnt, 16)], ebase + i * 16 + lanes,
                              mask=mask)
        pc = plsc.all_reduce_population_count(mask)
        return cnt + pc[0]

    cnt = lax.fori_loop(0, EPT // 16, filt_body, jnp.int32(0))

    for k in range(CHUNK // 16):
        pos_v[pl.ds(cnt + k * 16, 16)] = E + gwid * CHUNK + k * 16 + lanes

    nch = (cnt + CHUNK - 1) // CHUNK

    def agg_body(k, carry):
        b = lax.rem(k, 2)
        psl = pos_v.at[pl.ds(k * CHUNK, CHUNK)]
        pltpu.async_copy(srcf_hbm.at[psl], sv_v.at[b], gsem).wait()
        pltpu.async_copy(dstf_hbm.at[psl], dv_v.at[b], gsem).wait()
        pltpu.async_copy(y_hbm.at[sv_v.at[b]], rows_v.at[b], gsem).wait()
        pltpu.async_copy(rows_v.at[b], acc_sh.at[dv_v.at[b]], ssem, add=True).wait()
        return carry

    lax.fori_loop(0, nch, agg_body, 0)

    plsc.subcore_barrier()

    pltpu.sync_copy(acc_sh.at[pl.ds(r0, RPT)], out_hbm.at[c, pl.ds(r0, RPT)])


@functools.partial(
    pl.kernel,
    mesh=_mesh,
    compiler_params=_sc_params,
    out_type=[
        jax.ShapeDtypeStruct((NC, G, H), jnp.float32),
        jax.ShapeDtypeStruct((G, H), jnp.float32),
        jax.ShapeDtypeStruct((G,), jnp.float32),
    ],
    scratch_types=[
        pltpu.VMEM((G,), jnp.int32),
        pltpu.VMEM((G,), jnp.int32),
        pltpu.VMEM((CHUNK,), jnp.int32),
        pltpu.VMEM((CHUNK,), jnp.int32),
        pltpu.VMEM((CHUNK,), jnp.int32),
        pltpu.VMEM((CHUNK, H), jnp.float32),
        pltpu.VMEM((G, H), jnp.float32),
        pltpu.VMEM((G, H), jnp.float32),
        pltpu.VMEM((G,), jnp.float32),
        pltpu.VMEM_SHARED((NACC, H), jnp.float32),
        pltpu.SemaphoreType.DMA,
        pltpu.SemaphoreType.DMA,
    ],
)
def _edge_agg_lite3_kernel(y_hbm, srcf_hbm, dstf_hbm, pos_hbm, cnt_hbm,
                           z2_hbm, dinv_hbm, gidx_hbm,
                           out_hbm, y16_hbm, d16_hbm,
                           gidx_v, cnt16_v, pidx_v, sv_v, dv_v,
                           rows_v, res_v, zrows_v, d16_v, acc_sh, gsem, ssem):
    c = lax.axis_index("c")
    s = lax.axis_index("s")
    gwid = c * NS + s

    pltpu.sync_copy(gidx_hbm, gidx_v)
    pltpu.sync_copy(cnt_hbm.at[gwid], cnt16_v)

    @pl.when(s == 0)
    def _():
        pltpu.sync_copy(z2_hbm.at[pl.ds(0, G)], zrows_v)
        pltpu.async_copy(zrows_v, acc_sh.at[gidx_v], gsem).wait()

    plsc.subcore_barrier()

    cnt = cnt16_v[...][0]
    nch = (cnt + CHUNK - 1) // CHUNK

    def agg_body(k, carry):
        pltpu.sync_copy(pos_hbm.at[gwid, pl.ds(k * CHUNK, CHUNK)], pidx_v)
        pltpu.async_copy(srcf_hbm.at[pidx_v], sv_v, gsem).wait()
        pltpu.async_copy(dstf_hbm.at[pidx_v], dv_v, gsem).wait()
        pltpu.async_copy(y_hbm.at[sv_v], rows_v, gsem).wait()
        pltpu.async_copy(rows_v, acc_sh.at[dv_v], ssem, add=True).wait()
        return carry

    lax.fori_loop(0, nch, agg_body, 0)

    plsc.subcore_barrier()

    @pl.when(s == 0)
    def _():
        pltpu.async_copy(acc_sh.at[gidx_v], res_v, gsem).wait()
        pltpu.sync_copy(res_v, out_hbm.at[c])

    @pl.when(jnp.logical_and(c == 0, s == 0))
    def _():
        pltpu.async_copy(y_hbm.at[gidx_v], zrows_v, gsem).wait()
        pltpu.sync_copy(zrows_v, y16_hbm)
        pltpu.async_copy(dinv_hbm.at[gidx_v], d16_v, gsem).wait()
        pltpu.sync_copy(d16_v, d16_hbm)


def _tc_mm1_body(x_ref, w1_ref, degp_ref, f2p_ref, y_ref, dinv_ref, uflag_ref):
    d = degp_ref[0] + degp_ref[1] + 1.0
    dinv = lax.rsqrt(d)[:N]
    xw = jnp.dot(x_ref[...], w1_ref[...], preferred_element_type=jnp.float32)
    y_ref[...] = dinv * xw
    dinv_ref[...] = dinv
    uflag_ref[...] = ((f2p_ref[0] + f2p_ref[1]) > 0.0).astype(jnp.int32)


def _tc_mm1(x, w1, degp, f2p):
    return pl.pallas_call(
        _tc_mm1_body,
        out_shape=[
            jax.ShapeDtypeStruct((N, H), jnp.float32),
            jax.ShapeDtypeStruct((N, 1), jnp.float32),
            jax.ShapeDtypeStruct((NACC, 1), jnp.int32),
        ],
    )(x, w1, degp, f2p)


def _tc_comb_body(p_ref, y_ref, dinv_ref, b_ref, w_ref, yn_ref, *, relu):
    dinv = dinv_ref[...]
    h = dinv * (p_ref[0, :N] + p_ref[1, :N] + y_ref[...]) + b_ref[...]
    if relu:
        h = jnp.maximum(h, 0.0)
    yn_ref[...] = dinv * jnp.dot(h, w_ref[...], preferred_element_type=jnp.float32)


def _tc_comb(p, y, dinv, b, w, relu):
    return pl.pallas_call(
        functools.partial(_tc_comb_body, relu=relu),
        out_shape=jax.ShapeDtypeStruct((N, H), jnp.float32),
    )(p, y, dinv, b, w)


def _tc_logits_body(p16_ref, y16_ref, d16_ref, b3_ref, fcw_ref, fcb_ref,
                    out_ref):
    emb = d16_ref[...] * (p16_ref[0] + p16_ref[1] + y16_ref[...]) + b3_ref[...]
    out_ref[...] = (
        jnp.dot(emb, fcw_ref[...], preferred_element_type=jnp.float32)
        + fcb_ref[...]
    )


def _tc_logits(p16, y16, d16, b3, fcw, fcb):
    return pl.pallas_call(
        _tc_logits_body,
        out_shape=jax.ShapeDtypeStruct((G, C), jnp.float32),
    )(p16, y16, d16, b3, fcw, fcb)


def kernel(x, edge_index, batch, masked_node_idx, W1, b1, W2, b2, W3, b3, fcW, fcb):
    src = edge_index[0]
    dst = edge_index[1]
    pad = EPAD - E
    ar = jnp.arange(pad, dtype=jnp.int32)
    srcf = jnp.concatenate([src, ar % N])
    dstf = jnp.concatenate([dst, N + ar % (NACC - N)])
    srcc = srcf.reshape(NCH, CHUNK)
    dstc = dstf.reshape(NCH, CHUNK)
    batchc = jnp.concatenate(
        [batch, jnp.full((BPAD - N,), G, jnp.int32)]
    ).reshape(BCH, CHUNK)

    z1 = jnp.zeros((NACC,), jnp.float32)
    z2 = jnp.zeros((NACC, H), jnp.float32)
    zi = jnp.zeros((NACC,), jnp.int32)

    degp, gidx = _deg_gidx_kernel(dstc, batchc, batch, masked_node_idx, z1)
    pos3, cnt3, flag2p = _scan_kernel(srcf, dstf, zi, z1, gidx)
    y1, dinv, uflag = _tc_mm1(
        x, W1, degp.reshape(NC, NACC, 1), flag2p.reshape(NC, NACC, 1)
    )

    p1 = _edge_agg_kernel(y1, srcc, dstc, z2)
    y2 = _tc_comb(p1, y1, dinv, b1.reshape(1, H), W2, relu=True)

    p2 = _edge_agg_masked_kernel(y2, srcf, dstf, uflag.reshape(NACC), z2)
    y3 = _tc_comb(p2, y2, dinv, b2.reshape(1, H), W3, relu=True)

    p16, y16, d16 = _edge_agg_lite3_kernel(
        y3, srcf, dstf, pos3, cnt3, z2, dinv.reshape(N), gidx
    )
    return _tc_logits(p16, y16, d16.reshape(G, 1), b3.reshape(1, H),
                      fcW, fcb.reshape(1, C))

# --- scband reference (transcript-rebuilt; emitter-appended) ---
"""Pipeline reference for scband-graph-node-predictor-43121471652154 (READ-ONLY COPY).

The authoritative reference and input builder live on the scoring server;
editing this copy changes nothing except your own understanding.
"""

import jax, jax.numpy as jnp
import numpy as np

N = 10000
E = 640000
NUM_CLASSES = 128
HIDDEN = 64
NUM_GRAPHS = 16


def setup_inputs(seed: int = 0) -> dict:
    key = jax.random.key(seed)
    ks = jax.random.split(key, 12)
    x = jax.random.normal(ks[0], (N, NUM_CLASSES), dtype=jnp.float32)
    edge_index = jax.random.randint(ks[1], (2, E), 0, N, dtype=jnp.int32)
    batch = jnp.sort(jax.random.randint(ks[2], (N,), 0, NUM_GRAPHS, dtype=jnp.int32))
    masked_node_idx = jax.random.randint(ks[3], (NUM_GRAPHS,), 0, 500, dtype=jnp.int32)
    W1 = jax.random.normal(ks[4], (NUM_CLASSES, HIDDEN), dtype=jnp.float32) * 0.05
    b1 = jnp.zeros((HIDDEN,), dtype=jnp.float32)
    W2 = jax.random.normal(ks[5], (HIDDEN, HIDDEN), dtype=jnp.float32) * 0.05
    b2 = jnp.zeros((HIDDEN,), dtype=jnp.float32)
    W3 = jax.random.normal(ks[6], (HIDDEN, HIDDEN), dtype=jnp.float32) * 0.05
    b3 = jnp.zeros((HIDDEN,), dtype=jnp.float32)
    fcW = jax.random.normal(ks[7], (HIDDEN, NUM_CLASSES), dtype=jnp.float32) * 0.05
    fcb = jnp.zeros((NUM_CLASSES,), dtype=jnp.float32)
    return {"x": x, "edge_index": edge_index, "batch": batch,
            "masked_node_idx": masked_node_idx,
            "W1": W1, "b1": b1, "W2": W2, "b2": b2, "W3": W3, "b3": b3,
            "fcW": fcW, "fcb": fcb}


def gcn_conv(x, edge_index, W, b):
    # PyG-style GCNConv: add self-loops, symmetric normalization, scatter-add aggregate
    n = x.shape[0]
    loop = jnp.arange(n, dtype=edge_index.dtype)
    src = jnp.concatenate([edge_index[0], loop])
    dst = jnp.concatenate([edge_index[1], loop])
    deg = jnp.zeros((n,), x.dtype).at[dst].add(1.0)
    dinv = jnp.where(deg > 0, jax.lax.rsqrt(deg), 0.0)
    xw = x @ W
    norm = dinv[src] * dinv[dst]
    msg = xw[src] * norm[:, None]
    out = jnp.zeros((n, W.shape[1]), x.dtype).at[dst].add(msg)
    return out + b


def reference(x, edge_index, batch, masked_node_idx, W1, b1, W2, b2, W3, b3, fcW, fcb):
    h = jax.nn.relu(gcn_conv(x, edge_index, W1, b1))
    # dropout is identity in eval mode
    h = jax.nn.relu(gcn_conv(h, edge_index, W2, b2))
    h = gcn_conv(h, edge_index, W3, b3)
    # faithful translation of the (non-cumulative) batch_offset loop:
    # nodes in batch i get offset = count of nodes in batch i-1; batch 0 gets 0
    counts = jnp.bincount(batch, length=NUM_GRAPHS)
    offsets = jnp.where(batch > 0, counts[jnp.maximum(batch - 1, 0)], 0)
    gidx = masked_node_idx + offsets[masked_node_idx]
    masked_embeddings = h[gidx]
    logits = masked_embeddings @ fcW + fcb
    return logits

if __name__ == "__main__":
    import jax
    _d = setup_inputs()
    print(jax.jit(kernel)(*tuple(_d.values())))

</pallas_src>

<mosaic_0001>
#map = affine_map<(d0, d1) -> (0, 0)>
#map1 = affine_map<(d0, d1) -> (0, 0, 0)>
module attributes {stable_mosaic.version = 14 : i64} {
  func.func @_edge_agg_kernel(%arg0: i32, %arg1: i32, %arg2: memref<10000x64xf32, #tpu.memory_space<hbm>>, %arg3: memref<5120x128xi32, #tpu.memory_space<hbm>>, %arg4: memref<5120x128xi32, #tpu.memory_space<hbm>>, %arg5: memref<10112x64xf32, #tpu.memory_space<hbm>>, %arg6: memref<2x10112x64xf32, #tpu.memory_space<hbm>>, %arg7: memref<5x128xi32, #tpu.memory_space<vmem>>, %arg8: memref<5x128xi32, #tpu.memory_space<vmem>>, %arg9: memref<5x128x64xf32, #tpu.memory_space<vmem>>, %arg10: memref<10000x64xf32, #tpu.memory_space<vmem_shared>>, %arg11: memref<10112x64xf32, #tpu.memory_space<vmem_shared>>, %arg12: memref<!tpu.dma_semaphore, #tpu.memory_space<semaphore_mem>>, %arg13: memref<!tpu.dma_semaphore, #tpu.memory_space<semaphore_mem>>) attributes {dimension_semantics = [#tpu.dimension_semantics<core_parallel>, #tpu.dimension_semantics<subcore_parallel>], iteration_bounds = array<i64: 2, 16>, scalar_prefetch = 0 : i64, scratch_operands = 7 : i64, tpu.core_type = #tpu.core_type<sc_vector_subcore>, window_params = [{transform_indices = #map}, {transform_indices = #map}, {transform_indices = #map}, {transform_indices = #map}, {transform_indices = #map1}]} {
    %mul3A = arith.constant 16 : i32
    %mul3A_0 = arith.muli %arg0, %mul3A : i32
    %add3A = arith.addi %mul3A_0, %arg1 : i32
    %mul3A_1 = arith.constant 632 : i32
    %mul3A_2 = arith.muli %arg1, %mul3A_1 : i32
    "tpu.region"() ({
      %run_scoped3A = tpu.sem_alloc : memref<!tpu.dma_semaphore, #tpu.memory_space<semaphore_mem>>
      %dma_start3A = arith.constant 0 : i32
      %dma_start3A_15 = tpu.memref_slice %arg11[%mul3A_2, %dma_start3A] : memref<10112x64xf32, #tpu.memory_space<vmem_shared>> -> memref<632x64xf32, #tpu.memory_space<vmem_shared>>
      %dma_start3A_16 = arith.constant 0 : i32
      %dma_start3A_17 = tpu.memref_slice %arg5[%mul3A_2, %dma_start3A_16] : memref<10112x64xf32, #tpu.memory_space<hbm>> -> memref<632x64xf32, #tpu.memory_space<hbm>>
      tpu.enqueue_dma source(%dma_start3A_17 : memref<632x64xf32, #tpu.memory_space<hbm>>) target(%dma_start3A_15 : memref<632x64xf32, #tpu.memory_space<vmem_shared>>) target_semaphore(%run_scoped3A : memref<!tpu.dma_semaphore, #tpu.memory_space<semaphore_mem>>)
      %dma_wait3A = arith.constant 0 : i32
      %dma_wait3A_18 = tpu.memref_slice %arg11[%mul3A_2, %dma_wait3A] : memref<10112x64xf32, #tpu.memory_space<vmem_shared>> -> memref<632x64xf32, #tpu.memory_space<vmem_shared>>
      %dma_wait3A_19 = arith.constant 0 : i32
      %dma_wait3A_20 = tpu.memref_slice %arg5[%mul3A_2, %dma_wait3A_19] : memref<10112x64xf32, #tpu.memory_space<hbm>> -> memref<632x64xf32, #tpu.memory_space<hbm>>
      tpu.wait_dma2 semaphore(%run_scoped3A : memref<!tpu.dma_semaphore, #tpu.memory_space<semaphore_mem>>) src(%dma_wait3A_20 : memref<632x64xf32, #tpu.memory_space<hbm>>) dst(%dma_wait3A_18 : memref<632x64xf32, #tpu.memory_space<vmem_shared>>)
      tpu.yield
    }) : () -> ()
    %mul3A_3 = arith.constant 625 : i32
    %mul3A_4 = arith.muli %arg1, %mul3A_3 : i32
    %mul3A_5 = arith.constant 625 : i32
    %mul3A_6 = arith.muli %arg1, %mul3A_5 : i32
    "tpu.region"() ({
      %run_scoped3A = tpu.sem_alloc : memref<!tpu.dma_semaphore, #tpu.memory_space<semaphore_mem>>
      %dma_start3A = arith.constant 0 : i32
      %dma_start3A_15 = tpu.memref_slice %arg10[%mul3A_6, %dma_start3A] : memref<10000x64xf32, #tpu.memory_space<vmem_shared>> -> memref<625x64xf32, #tpu.memory_space<vmem_shared>>
      %dma_start3A_16 = arith.constant 0 : i32
      %dma_start3A_17 = tpu.memref_slice %arg2[%mul3A_4, %dma_start3A_16] : memref<10000x64xf32, #tpu.memory_space<hbm>> -> memref<625x64xf32, #tpu.memory_space<hbm>>
      tpu.enqueue_dma source(%dma_start3A_17 : memref<625x64xf32, #tpu.memory_space<hbm>>) target(%dma_start3A_15 : memref<625x64xf32, #tpu.memory_space<vmem_shared>>) target_semaphore(%run_scoped3A : memref<!tpu.dma_semaphore, #tpu.memory_space<semaphore_mem>>)
      %dma_wait3A = arith.constant 0 : i32
      %dma_wait3A_18 = tpu.memref_slice %arg10[%mul3A_6, %dma_wait3A] : memref<10000x64xf32, #tpu.memory_space<vmem_shared>> -> memref<625x64xf32, #tpu.memory_space<vmem_shared>>
      %dma_wait3A_19 = arith.constant 0 : i32
      %dma_wait3A_20 = tpu.memref_slice %arg2[%mul3A_4, %dma_wait3A_19] : memref<10000x64xf32, #tpu.memory_space<hbm>> -> memref<625x64xf32, #tpu.memory_space<hbm>>
      tpu.wait_dma2 semaphore(%run_scoped3A : memref<!tpu.dma_semaphore, #tpu.memory_space<semaphore_mem>>) src(%dma_wait3A_20 : memref<625x64xf32, #tpu.memory_space<hbm>>) dst(%dma_wait3A_18 : memref<625x64xf32, #tpu.memory_space<vmem_shared>>)
      tpu.yield
    }) : () -> ()
    %barrier3A = arith.constant 0 : index
    tpu.barrier barrier_id(%barrier3A)
    %mul3A_7 = arith.constant 160 : i32
    %mul3A_8 = arith.muli %add3A, %mul3A_7 : i32
    %scan3A = arith.constant 0 : i32
    %scan3A_9 = arith.constant 0 : i32
    %scan3A_10 = arith.constant 32 : i32
    %scan3A_11 = arith.addi %scan3A_9, %scan3A_10 : i32
    %scan3A_12 = arith.constant 1 : i32
    scf.for %scan3A_15 = %scan3A_9 to %scan3A_11 step %scan3A_12  : i32 {
      %mul3A_16 = arith.constant 5 : i32
      %mul3A_17 = arith.muli %scan3A_15, %mul3A_16 : i32
      %add3A_18 = arith.addi %mul3A_8, %mul3A_17 : i32
      "tpu.region"() ({
        %run_scoped3A = tpu.sem_alloc : memref<!tpu.dma_semaphore, #tpu.memory_space<semaphore_mem>>
        %dma_start3A_257 = arith.constant 0 : i32
        %dma_start3A_258 = tpu.memref_slice %arg3[%add3A_18, %dma_start3A_257] : memref<5120x128xi32, #tpu.memory_space<hbm>> -> memref<5x128xi32, #tpu.memory_space<hbm>>
        %dma_start3A_259 = arith.constant 0 : i32
        %dma_start3A_260 = tpu.memref_slice %arg3[%add3A_18, %dma_start3A_259] : memref<5120x128xi32, #tpu.memory_space<hbm>> -> memref<5x128xi32, #tpu.memory_space<hbm>>
        tpu.enqueue_dma source(%dma_start3A_260 : memref<5x128xi32, #tpu.memory_space<hbm>>) target(%arg7 : memref<5x128xi32, #tpu.memory_space<vmem>>) target_semaphore(%run_scoped3A : memref<!tpu.dma_semaphore, #tpu.memory_space<semaphore_mem>>)
        %dma_wait3A_261 = arith.constant 0 : i32
        %dma_wait3A_262 = tpu.memref_slice %arg3[%add3A_18, %dma_wait3A_261] : memref<5120x128xi32, #tpu.memory_space<hbm>> -> memref<5x128xi32, #tpu.memory_space<hbm>>
        %dma_wait3A_263 = arith.constant 0 : i32
        %dma_wait3A_264 = tpu.memref_slice %arg3[%add3A_18, %dma_wait3A_263] : memref<5120x128xi32, #tpu.memory_space<hbm>> -> memref<5x128xi32, #tpu.memory_space<hbm>>
        tpu.wait_dma2 semaphore(%run_scoped3A : memref<!tpu.dma_semaphore, #tpu.memory_space<semaphore_mem>>) src(%dma_wait3A_264 : memref<5x128xi32, #tpu.memory_space<hbm>>) dst(%arg7 : memref<5x128xi32, #tpu.memory_space<vmem>>)
        tpu.yield
      }) : () -> ()
      "tpu.region"() ({
        %run_scoped3A = tpu.sem_alloc : memref<!tpu.dma_semaphore, #tpu.memory_space<semaphore_mem>>
        %dma_start3A_257 = arith.constant 0 : i32
        %dma_start3A_258 = tpu.memref_slice %arg4[%add3A_18, %dma_start3A_257] : memref<5120x128xi32, #tpu.memory_space<hbm>> -> memref<5x128xi32, #tpu.memory_space<hbm>>
        %dma_start3A_259 = arith.constant 0 : i32
        %dma_start3A_260 = tpu.memref_slice %arg4[%add3A_18, %dma_start3A_259] : memref<5120x128xi32, #tpu.memory_space<hbm>> -> memref<5x128xi32, #tpu.memory_space<hbm>>
        tpu.enqueue_dma source(%dma_start3A_260 : memref<5x128xi32, #tpu.memory_space<hbm>>) target(%arg8 : memref<5x128xi32, #tpu.memory_space<vmem>>) target_semaphore(%run_scoped3A : memref<!tpu.dma_semaphore, #tpu.memory_space<semaphore_mem>>)
        %dma_wait3A_261 = arith.constant 0 : i32
        %dma_wait3A_262 = tpu.memref_slice %arg4[%add3A_18, %dma_wait3A_261] : memref<5120x128xi32, #tpu.memory_space<hbm>> -> memref<5x128xi32, #tpu.memory_space<hbm>>
        %dma_wait3A_263 = arith.constant 0 : i32
        %dma_wait3A_264 = tpu.memref_slice %arg4[%add3A_18, %dma_wait3A_263] : memref<5120x128xi32, #tpu.memory_space<hbm>> -> memref<5x128xi32, #tpu.memory_space<hbm>>
        tpu.wait_dma2 semaphore(%run_scoped3A : memref<!tpu.dma_semaphore, #tpu.memory_space<semaphore_mem>>) src(%dma_wait3A_264 : memref<5x128xi32, #tpu.memory_space<hbm>>) dst(%arg8 : memref<5x128xi32, #tpu.memory_space<vmem>>)
        tpu.yield
      }) : () -> ()
      %dma_start3A = arith.constant 0 : i32
      %dma_start3A_19 = arith.constant 0 : i32
      %dma_start3A_20 = arith.constant 0 : i32
      %dma_start3A_21 = arith.constant 0 : i32
      %dma_start3A_22 = tpu.memref_slice %arg9[%dma_start3A_19, %dma_start3A_20, %dma_start3A_21] : memref<5x128x64xf32, #tpu.memory_space<vmem>> -> memref<1x128x64xf32, #tpu.memory_space<vmem>>
      %dma_start3A_23 = tpu.memref_squeeze %dma_start3A_22 : memref<1x128x64xf32, #tpu.memory_space<vmem>> -> memref<128x64xf32, #tpu.memory_space<vmem>>
      %dma_start3A_24 = arith.constant 0 : i32
      %dma_start3A_25 = tpu.memref_slice %arg7[%dma_start3A, %dma_start3A_24] : memref<5x128xi32, #tpu.memory_space<vmem>> -> memref<1x128xi32, #tpu.memory_space<vmem>>
      %dma_start3A_26 = tpu.memref_squeeze %dma_start3A_25 : memref<1x128xi32, #tpu.memory_space<vmem>> -> memref<128xi32, #tpu.memory_space<vmem>>
      %dma_start3A_27 = arith.constant 0 : i32
      %dma_start3A_28 = arith.constant 0 : i32
      %dma_start3A_29 = tpu.memref_slice %arg10[%dma_start3A_27, %dma_start3A_28] : memref<10000x64xf32, #tpu.memory_space<vmem_shared>> -> memref<10000x64xf32, #tpu.memory_space<vmem_shared>>
      tpu.enqueue_indirect_dma source(%dma_start3A_29 : memref<10000x64xf32, #tpu.memory_space<vmem_shared>>) target(%dma_start3A_23 : memref<128x64xf32, #tpu.memory_space<vmem>>) offsets(%dma_start3A_26 : memref<128xi32, #tpu.memory_space<vmem>>) semaphore(%arg12 : memref<!tpu.dma_semaphore, #tpu.memory_space<semaphore_mem>>)
      %dma_start3A_30 = arith.constant 1 : i32
      %dma_start3A_31 = arith.constant 1 : i32
      %dma_start3A_32 = arith.constant 0 : i32
      %dma_start3A_33 = arith.constant 0 : i32
      %dma_start3A_34 = tpu.memref_slice %arg9[%dma_start3A_31, %dma_start3A_32, %dma_start3A_33] : memref<5x128x64xf32, #tpu.memory_space<vmem>> -> memref<1x128x64xf32, #tpu.memory_space<vmem>>
      %dma_start3A_35 = tpu.memref_squeeze %dma_start3A_34 : memref<1x128x64xf32, #tpu.memory_space<vmem>> -> memref<128x64xf32, #tpu.memory_space<vmem>>
      %dma_start3A_36 = arith.constant 0 : i32
      %dma_start3A_37 = tpu.memref_slice %arg7[%dma_start3A_30, %dma_start3A_36] : memref<5x128xi32, #tpu.memory_space<vmem>> -> memref<1x128xi32, #tpu.memory_space<vmem>>
      %dma_start3A_38 = tpu.memref_squeeze %dma_start3A_37 : memref<1x128xi32, #tpu.memory_space<vmem>> -> memref<128xi32, #tpu.memory_space<vmem>>
      %dma_start3A_39 = arith.constant 0 : i32
      %dma_start3A_40 = arith.constant 0 : i32
      %dma_start3A_41 = tpu.memref_slice %arg10[%dma_start3A_39, %dma_start3A_40] : memref<10000x64xf32, #tpu.memory_space<vmem_shared>> -> memref<10000x64xf32, #tpu.memory_space<vmem_shared>>
      tpu.enqueue_indirect_dma source(%dma_start3A_41 : memref<10000x64xf32, #tpu.memory_space<vmem_shared>>) target(%dma_start3A_35 : memref<128x64xf32, #tpu.memory_space<vmem>>) offsets(%dma_start3A_38 : memref<128xi32, #tpu.memory_space<vmem>>) semaphore(%arg12 : memref<!tpu.dma_semaphore, #tpu.memory_space<semaphore_mem>>)
      %dma_start3A_42 = arith.constant 2 : i32
      %dma_start3A_43 = arith.constant 2 : i32
      %dma_start3A_44 = arith.constant 0 : i32
      %dma_start3A_45 = arith.constant 0 : i32
      %dma_start3A_46 = tpu.memref_slice %arg9[%dma_start3A_43, %dma_start3A_44, %dma_start3A_45] : memref<5x128x64xf32, #tpu.memory_space<vmem>> -> memref<1x128x64xf32, #tpu.memory_space<vmem>>
      %dma_start3A_47 = tpu.memref_squeeze %dma_start3A_46 : memref<1x128x64xf32, #tpu.memory_space<vmem>> -> memref<128x64xf32, #tpu.memory_space<vmem>>
      %dma_start3A_48 = arith.constant 0 : i32
      %dma_start3A_49 = tpu.memref_slice %arg7[%dma_start3A_42, %dma_start3A_48] : memref<5x128xi32, #tpu.memory_space<vmem>> -> memref<1x128xi32, #tpu.memory_space<vmem>>
      %dma_start3A_50 = tpu.memref_squeeze %dma_start3A_49 : memref<1x128xi32, #tpu.memory_space<vmem>> -> memref<128xi32, #tpu.memory_space<vmem>>
      %dma_start3A_51 = arith.constant 0 : i32
      %dma_start3A_52 = arith.constant 0 : i32
      %dma_start3A_53 = tpu.memref_slice %arg10[%dma_start3A_51, %dma_start3A_52] : memref<10000x64xf32, #tpu.memory_space<vmem_shared>> -> memref<10000x64xf32, #tpu.memory_space<vmem_shared>>
      tpu.enqueue_indirect_dma source(%dma_start3A_53 : memref<10000x64xf32, #tpu.memory_space<vmem_shared>>) target(%dma_start3A_47 : memref<128x64xf32, #tpu.memory_space<vmem>>) offsets(%dma_start3A_50 : memref<128xi32, #tpu.memory_space<vmem>>) semaphore(%arg12 : memref<!tpu.dma_semaphore, #tpu.memory_space<semaphore_mem>>)
      %dma_start3A_54 = arith.constant 3 : i32
      %dma_start3A_55 = arith.constant 3 : i32
      %dma_start3A_56 = arith.constant 0 : i32
      %dma_start3A_57 = arith.constant 0 : i32
      %dma_start3A_58 = tpu.memref_slice %arg9[%dma_start3A_55, %dma_start3A_56, %dma_start3A_57] : memref<5x128x64xf32, #tpu.memory_space<vmem>> -> memref<1x128x64xf32, #tpu.memory_space<vmem>>
      %dma_start3A_59 = tpu.memref_squeeze %dma_start3A_58 : memref<1x128x64xf32, #tpu.memory_space<vmem>> -> memref<128x64xf32, #tpu.memory_space<vmem>>
      %dma_start3A_60 = arith.constant 0 : i32
      %dma_start3A_61 = tpu.memref_slice %arg7[%dma_start3A_54, %dma_start3A_60] : memref<5x128xi32, #tpu.memory_space<vmem>> -> memref<1x128xi32, #tpu.memory_space<vmem>>
      %dma_start3A_62 = tpu.memref_squeeze %dma_start3A_61 : memref<1x128xi32, #tpu.memory_space<vmem>> -> memref<128xi32, #tpu.memory_space<vmem>>
      %dma_start3A_63 = arith.constant 0 : i32
      %dma_start3A_64 = arith.constant 0 : i32
      %dma_start3A_65 = tpu.memref_slice %arg10[%dma_start3A_63, %dma_start3A_64] : memref<10000x64xf32, #tpu.memory_space<vmem_shared>> -> memref<10000x64xf32, #tpu.memory_space<vmem_shared>>
      tpu.enqueue_indirect_dma source(%dma_start3A_65 : memref<10000x64xf32, #tpu.memory_space<vmem_shared>>) target(%dma_start3A_59 : memref<128x64xf32, #tpu.memory_space<vmem>>) offsets(%dma_start3A_62 : memref<128xi32, #tpu.memory_space<vmem>>) semaphore(%arg12 : memref<!tpu.dma_semaphore, #tpu.memory_space<semaphore_mem>>)
      %dma_start3A_66 = arith.constant 4 : i32
      %dma_start3A_67 = arith.constant 4 : i32
      %dma_start3A_68 = arith.constant 0 : i32
      %dma_start3A_69 = arith.constant 0 : i32
      %dma_start3A_70 = tpu.memref_slice %arg9[%dma_start3A_67, %dma_start3A_68, %dma_start3A_69] : memref<5x128x64xf32, #tpu.memory_space<vmem>> -> memref<1x128x64xf32, #tpu.memory_space<vmem>>
      %dma_start3A_71 = tpu.memref_squeeze %dma_start3A_70 : memref<1x128x64xf32, #tpu.memory_space<vmem>> -> memref<128x64xf32, #tpu.memory_space<vmem>>
      %dma_start3A_72 = arith.constant 0 : i32
      %dma_start3A_73 = tpu.memref_slice %arg7[%dma_start3A_66, %dma_start3A_72] : memref<5x128xi32, #tpu.memory_space<vmem>> -> memref<1x128xi32, #tpu.memory_space<vmem>>
      %dma_start3A_74 = tpu.memref_squeeze %dma_start3A_73 : memref<1x128xi32, #tpu.memory_space<vmem>> -> memref<128xi32, #tpu.memory_space<vmem>>
      %dma_start3A_75 = arith.constant 0 : i32
      %dma_start3A_76 = arith.constant 0 : i32
      %dma_start3A_77 = tpu.memref_slice %arg10[%dma_start3A_75, %dma_start3A_76] : memref<10000x64xf32, #tpu.memory_space<vmem_shared>> -> memref<10000x64xf32, #tpu.memory_space<vmem_shared>>
      tpu.enqueue_indirect_dma source(%dma_start3A_77 : memref<10000x64xf32, #tpu.memory_space<vmem_shared>>) target(%dma_start3A_71 : memref<128x64xf32, #tpu.memory_space<vmem>>) offsets(%dma_start3A_74 : memref<128xi32, #tpu.memory_space<vmem>>) semaphore(%arg12 : memref<!tpu.dma_semaphore, #tpu.memory_space<semaphore_mem>>)
      %dma_wait3A = arith.constant 0 : i32
      %dma_wait3A_78 = arith.constant 0 : i32
      %dma_wait3A_79 = arith.constant 0 : i32
      %dma_wait3A_80 = arith.constant 0 : i32
      %dma_wait3A_81 = tpu.memref_slice %arg9[%dma_wait3A_78, %dma_wait3A_79, %dma_wait3A_80] : memref<5x128x64xf32, #tpu.memory_space<vmem>> -> memref<1x128x64xf32, #tpu.memory_space<vmem>>
      %dma_wait3A_82 = tpu.memref_squeeze %dma_wait3A_81 : memref<1x128x64xf32, #tpu.memory_space<vmem>> -> memref<128x64xf32, #tpu.memory_space<vmem>>
      %dma_wait3A_83 = arith.constant 0 : i32
      %dma_wait3A_84 = tpu.memref_slice %arg7[%dma_wait3A, %dma_wait3A_83] : memref<5x128xi32, #tpu.memory_space<vmem>> -> memref<1x128xi32, #tpu.memory_space<vmem>>
      %dma_wait3A_85 = tpu.memref_squeeze %dma_wait3A_84 : memref<1x128xi32, #tpu.memory_space<vmem>> -> memref<128xi32, #tpu.memory_space<vmem>>
      %dma_wait3A_86 = arith.constant 0 : i32
      %dma_wait3A_87 = arith.constant 0 : i32
      %dma_wait3A_88 = tpu.memref_slice %arg10[%dma_wait3A_86, %dma_wait3A_87] : memref<10000x64xf32, #tpu.memory_space<vmem_shared>> -> memref<10000x64xf32, #tpu.memory_space<vmem_shared>>
      tpu.wait_indirect_dma semaphore(%arg12 : memref<!tpu.dma_semaphore, #tpu.memory_space<semaphore_mem>>) src(%dma_wait3A_88 : memref<10000x64xf32, #tpu.memory_space<vmem_shared>>) dst(%dma_wait3A_82 : memref<128x64xf32, #tpu.memory_space<vmem>>)
      %dma_wait3A_89 = arith.constant 1 : i32
      %dma_wait3A_90 = arith.constant 1 : i32
      %dma_wait3A_91 = arith.constant 0 : i32
      %dma_wait3A_92 = arith.constant 0 : i32
      %dma_wait3A_93 = tpu.memref_slice %arg9[%dma_wait3A_90, %dma_wait3A_91, %dma_wait3A_92] : memref<5x128x64xf32, #tpu.memory_space<vmem>> -> memref<1x128x64xf32, #tpu.memory_space<vmem>>
      %dma_wait3A_94 = tpu.memref_squeeze %dma_wait3A_93 : memref<1x128x64xf32, #tpu.memory_space<vmem>> -> memref<128x64xf32, #tpu.memory_space<vmem>>
      %dma_wait3A_95 = arith.constant 0 : i32
      %dma_wait3A_96 = tpu.memref_slice %arg7[%dma_wait3A_89, %dma_wait3A_95] : memref<5x128xi32, #tpu.memory_space<vmem>> -> memref<1x128xi32, #tpu.memory_space<vmem>>
      %dma_wait3A_97 = tpu.memref_squeeze %dma_wait3A_96 : memref<1x128xi32, #tpu.memory_space<vmem>> -> memref<128xi32, #tpu.memory_space<vmem>>
      %dma_wait3A_98 = arith.constant 0 : i32
      %dma_wait3A_99 = arith.constant 0 : i32
      %dma_wait3A_100 = tpu.memref_slice %arg10[%dma_wait3A_98, %dma_wait3A_99] : memref<10000x64xf32, #tpu.memory_space<vmem_shared>> -> memref<10000x64xf32, #tpu.memory_space<vmem_shared>>
      tpu.wait_indirect_dma semaphore(%arg12 : memref<!tpu.dma_semaphore, #tpu.memory_space<semaphore_mem>>) src(%dma_wait3A_100 : memref<10000x64xf32, #tpu.memory_space<vmem_shared>>) dst(%dma_wait3A_94 : memref<128x64xf32, #tpu.memory_space<vmem>>)
      %dma_wait3A_101 = arith.constant 2 : i32
      %dma_wait3A_102 = arith.constant 2 : i32
      %dma_wait3A_103 = arith.constant 0 : i32
      %dma_wait3A_104 = arith.constant 0 : i32
      %dma_wait3A_105 = tpu.memref_slice %arg9[%dma_wait3A_102, %dma_wait3A_103, %dma_wait3A_104] : memref<5x128x64xf32, #tpu.memory_space<vmem>> -> memref<1x128x64xf32, #tpu.memory_space<vmem>>
      %dma_wait3A_106 = tpu.memref_squeeze %dma_wait3A_105 : memref<1x128x64xf32, #tpu.memory_space<vmem>> -> memref<128x64xf32, #tpu.memory_space<vmem>>
      %dma_wait3A_107 = arith.constant 0 : i32
      %dma_wait3A_108 = tpu.memref_slice %arg7[%dma_wait3A_101, %dma_wait3A_107] : memref<5x128xi32, #tpu.memory_space<vmem>> -> memref<1x128xi32, #tpu.memory_space<vmem>>
      %dma_wait3A_109 = tpu.memref_squeeze %dma_wait3A_108 : memref<1x128xi32, #tpu.memory_space<vmem>> -> memref<128xi32, #tpu.memory_space<vmem>>
      %dma_wait3A_110 = arith.constant 0 : i32
      %dma_wait3A_111 = arith.constant 0 : i32
      %dma_wait3A_112 = tpu.memref_slice %arg10[%dma_wait3A_110, %dma_wait3A_111] : memref<10000x64xf32, #tpu.memory_space<vmem_shared>> -> memref<10000x64xf32, #tpu.memory_space<vmem_shared>>
      tpu.wait_indirect_dma semaphore(%arg12 : memref<!tpu.dma_semaphore, #tpu.memory_space<semaphore_mem>>) src(%dma_wait3A_112 : memref<10000x64xf32, #tpu.memory_space<vmem_shared>>) dst(%dma_wait3A_106 : memref<128x64xf32, #tpu.memory_space<vmem>>)
      %dma_wait3A_113 = arith.constant 3 : i32
      %dma_wait3A_114 = arith.constant 3 : i32
      %dma_wait3A_115 = arith.constant 0 : i32
      %dma_wait3A_116 = arith.constant 0 : i32
      %dma_wait3A_117 = tpu.memref_slice %arg9[%dma_wait3A_114, %dma_wait3A_115, %dma_wait3A_116] : memref<5x128x64xf32, #tpu.memory_space<vmem>> -> memref<1x128x64xf32, #tpu.memory_space<vmem>>
      %dma_wait3A_118 = tpu.memref_squeeze %dma_wait3A_117 : memref<1x128x64xf32, #tpu.memory_space<vmem>> -> memref<128x64xf32, #tpu.memory_space<vmem>>
      %dma_wait3A_119 = arith.constant 0 : i32
      %dma_wait3A_120 = tpu.memref_slice %arg7[%dma_wait3A_113, %dma_wait3A_119] : memref<5x128xi32, #tpu.memory_space<vmem>> -> memref<1x128xi32, #tpu.memory_space<vmem>>
      %dma_wait3A_121 = tpu.memref_squeeze %dma_wait3A_120 : memref<1x128xi32, #tpu.memory_space<vmem>> -> memref<128xi32, #tpu.memory_space<vmem>>
      %dma_wait3A_122 = arith.constant 0 : i32
      %dma_wait3A_123 = arith.constant 0 : i32
      %dma_wait3A_124 = tpu.memref_slice %arg10[%dma_wait3A_122, %dma_wait3A_123] : memref<10000x64xf32, #tpu.memory_space<vmem_shared>> -> memref<10000x64xf32, #tpu.memory_space<vmem_shared>>
      tpu.wait_indirect_dma semaphore(%arg12 : memref<!tpu.dma_semaphore, #tpu.memory_space<semaphore_mem>>) src(%dma_wait3A_124 : memref<10000x64xf32, #tpu.memory_space<vmem_shared>>) dst(%dma_wait3A_118 : memref<128x64xf32, #tpu.memory_space<vmem>>)
      %dma_wait3A_125 = arith.constant 4 : i32
      %dma_wait3A_126 = arith.constant 4 : i32
      %dma_wait3A_127 = arith.constant 0 : i32
      %dma_wait3A_128 = arith.constant 0 : i32
      %dma_wait3A_129 = tpu.memref_slice %arg9[%dma_wait3A_126, %dma_wait3A_127, %dma_wait3A_128] : memref<5x128x64xf32, #tpu.memory_space<vmem>> -> memref<1x128x64xf32, #tpu.memory_space<vmem>>
      %dma_wait3A_130 = tpu.memref_squeeze %dma_wait3A_129 : memref<1x128x64xf32, #tpu.memory_space<vmem>> -> memref<128x64xf32, #tpu.memory_space<vmem>>
      %dma_wait3A_131 = arith.constant 0 : i32
      %dma_wait3A_132 = tpu.memref_slice %arg7[%dma_wait3A_125, %dma_wait3A_131] : memref<5x128xi32, #tpu.memory_space<vmem>> -> memref<1x128xi32, #tpu.memory_space<vmem>>
      %dma_wait3A_133 = tpu.memref_squeeze %dma_wait3A_132 : memref<1x128xi32, #tpu.memory_space<vmem>> -> memref<128xi32, #tpu.memory_space<vmem>>
      %dma_wait3A_134 = arith.constant 0 : i32
      %dma_wait3A_135 = arith.constant 0 : i32
      %dma_wait3A_136 = tpu.memref_slice %arg10[%dma_wait3A_134, %dma_wait3A_135] : memref<10000x64xf32, #tpu.memory_space<vmem_shared>> -> memref<10000x64xf32, #tpu.memory_space<vmem_shared>>
      tpu.wait_indirect_dma semaphore(%arg12 : memref<!tpu.dma_semaphore, #tpu.memory_space<semaphore_mem>>) src(%dma_wait3A_136 : memref<10000x64xf32, #tpu.memory_space<vmem_shared>>) dst(%dma_wait3A_130 : memref<128x64xf32, #tpu.memory_space<vmem>>)
      %dma_start3A_137 = arith.constant 0 : i32
      %dma_start3A_138 = arith.constant 0 : i32
      %dma_start3A_139 = arith.constant 0 : i32
      %dma_start3A_140 = arith.constant 0 : i32
      %dma_start3A_141 = tpu.memref_slice %arg9[%dma_start3A_137, %dma_start3A_139, %dma_start3A_140] : memref<5x128x64xf32, #tpu.memory_space<vmem>> -> memref<1x128x64xf32, #tpu.memory_space<vmem>>
      %dma_start3A_142 = tpu.memref_squeeze %dma_start3A_141 : memref<1x128x64xf32, #tpu.memory_space<vmem>> -> memref<128x64xf32, #tpu.memory_space<vmem>>
      %dma_start3A_143 = arith.constant 0 : i32
      %dma_start3A_144 = tpu.memref_slice %arg8[%dma_start3A_138, %dma_start3A_143] : memref<5x128xi32, #tpu.memory_space<vmem>> -> memref<1x128xi32, #tpu.memory_space<vmem>>
      %dma_start3A_145 = tpu.memref_squeeze %dma_start3A_144 : memref<1x128xi32, #tpu.memory_space<vmem>> -> memref<128xi32, #tpu.memory_space<vmem>>
      %dma_start3A_146 = arith.constant 0 : i32
      %dma_start3A_147 = arith.constant 0 : i32
      %dma_start3A_148 = tpu.memref_slice %arg11[%dma_start3A_146, %dma_start3A_147] : memref<10112x64xf32, #tpu.memory_space<vmem_shared>> -> memref<10112x64xf32, #tpu.memory_space<vmem_shared>>
      tpu.enqueue_indirect_dma source(%dma_start3A_142 : memref<128x64xf32, #tpu.memory_space<vmem>>) target(%dma_start3A_148 : memref<10112x64xf32, #tpu.memory_space<vmem_shared>>) offsets(%dma_start3A_145 : memref<128xi32, #tpu.memory_space<vmem>>) semaphore(%arg13 : memref<!tpu.dma_semaphore, #tpu.memory_space<semaphore_mem>>) {add = true}
      %dma_start3A_149 = arith.constant 1 : i32
      %dma_start3A_150 = arith.constant 1 : i32
      %dma_start3A_151 = arith.constant 0 : i32
      %dma_start3A_152 = arith.constant 0 : i32
      %dma_start3A_153 = tpu.memref_slice %arg9[%dma_start3A_149, %dma_start3A_151, %dma_start3A_152] : memref<5x128x64xf32, #tpu.memory_space<vmem>> -> memref<1x128x64xf32, #tpu.memory_space<vmem>>
      %dma_start3A_154 = tpu.memref_squeeze %dma_start3A_153 : memref<1x128x64xf32, #tpu.memory_space<vmem>> -> memref<128x64xf32, #tpu.memory_space<vmem>>
      %dma_start3A_155 = arith.constant 0 : i32
      %dma_start3A_156 = tpu.memref_slice %arg8[%dma_start3A_150, %dma_start3A_155] : memref<5x128xi32, #tpu.memory_space<vmem>> -> memref<1x128xi32, #tpu.memory_space<vmem>>
      %dma_start3A_157 = tpu.memref_squeeze %dma_start3A_156 : memref<1x128xi32, #tpu.memory_space<vmem>> -> memref<128xi32, #tpu.memory_space<vmem>>
      %dma_start3A_158 = arith.constant 0 : i32
      %dma_start3A_159 = arith.constant 0 : i32
      %dma_start3A_160 = tpu.memref_slice %arg11[%dma_start3A_158, %dma_start3A_159] : memref<10112x64xf32, #tpu.memory_space<vmem_shared>> -> memref<10112x64xf32, #tpu.memory_space<vmem_shared>>
      tpu.enqueue_indirect_dma source(%dma_start3A_154 : memref<128x64xf32, #tpu.memory_space<vmem>>) target(%dma_start3A_160 : memref<10112x64xf32, #tpu.memory_space<vmem_shared>>) offsets(%dma_start3A_157 : memref<128xi32, #tpu.memory_space<vmem>>) semaphore(%arg13 : memref<!tpu.dma_semaphore, #tpu.memory_space<semaphore_mem>>) {add = true}
      %dma_start3A_161 = arith.constant 2 : i32
      %dma_start3A_162 = arith.constant 2 : i32
      %dma_start3A_163 = arith.constant 0 : i32
      %dma_start3A_164 = arith.constant 0 : i32
      %dma_start3A_165 = tpu.memref_slice %arg9[%dma_start3A_161, %dma_start3A_163, %dma_start3A_164] : memref<5x128x64xf32, #tpu.memory_space<vmem>> -> memref<1x128x64xf32, #tpu.memory_space<vmem>>
      %dma_start3A_166 = tpu.memref_squeeze %dma_start3A_165 : memref<1x128x64xf32, #tpu.memory_space<vmem>> -> memref<128x64xf32, #tpu.memory_space<vmem>>
      %dma_start3A_167 = arith.constant 0 : i32
      %dma_start3A_168 = tpu.memref_slice %arg8[%dma_start3A_162, %dma_start3A_167] : memref<5x128xi32, #tpu.memory_space<vmem>> -> memref<1x128xi32, #tpu.memory_space<vmem>>
      %dma_start3A_169 = tpu.memref_squeeze %dma_start3A_168 : memref<1x128xi32, #tpu.memory_space<vmem>> -> memref<128xi32, #tpu.memory_space<vmem>>
      %dma_start3A_170 = arith.constant 0 : i32
      %dma_start3A_171 = arith.constant 0 : i32
      %dma_start3A_172 = tpu.memref_slice %arg11[%dma_start3A_170, %dma_start3A_171] : memref<10112x64xf32, #tpu.memory_space<vmem_shared>> -> memref<10112x64xf32, #tpu.memory_space<vmem_shared>>
      tpu.enqueue_indirect_dma source(%dma_start3A_166 : memref<128x64xf32, #tpu.memory_space<vmem>>) target(%dma_start3A_172 : memref<10112x64xf32, #tpu.memory_space<vmem_shared>>) offsets(%dma_start3A_169 : memref<128xi32, #tpu.memory_space<vmem>>) semaphore(%arg13 : memref<!tpu.dma_semaphore, #tpu.memory_space<semaphore_mem>>) {add = true}
      %dma_start3A_173 = arith.constant 3 : i32
      %dma_start3A_174 = arith.constant 3 : i32
      %dma_start3A_175 = arith.constant 0 : i32
      %dma_start3A_176 = arith.constant 0 : i32
      %dma_start3A_177 = tpu.memref_slice %arg9[%dma_start3A_173, %dma_start3A_175, %dma_start3A_176] : memref<5x128x64xf32, #tpu.memory_space<vmem>> -> memref<1x128x64xf32, #tpu.memory_space<vmem>>
      %dma_start3A_178 = tpu.memref_squeeze %dma_start3A_177 : memref<1x128x64xf32, #tpu.memory_space<vmem>> -> memref<128x64xf32, #tpu.memory_space<vmem>>
      %dma_start3A_179 = arith.constant 0 : i32
      %dma_start3A_180 = tpu.memref_slice %arg8[%dma_start3A_174, %dma_start3A_179] : memref<5x128xi32, #tpu.memory_space<vmem>> -> memref<1x128xi32, #tpu.memory_space<vmem>>
      %dma_start3A_181 = tpu.memref_squeeze %dma_start3A_180 : memref<1x128xi32, #tpu.memory_space<vmem>> -> memref<128xi32, #tpu.memory_space<vmem>>
      %dma_start3A_182 = arith.constant 0 : i32
      %dma_start3A_183 = arith.constant 0 : i32
      %dma_start3A_184 = tpu.memref_slice %arg11[%dma_start3A_182, %dma_start3A_183] : memref<10112x64xf32, #tpu.memory_space<vmem_shared>> -> memref<10112x64xf32, #tpu.memory_space<vmem_shared>>
      tpu.enqueue_indirect_dma source(%dma_start3A_178 : memref<128x64xf32, #tpu.memory_space<vmem>>) target(%dma_start3A_184 : memref<10112x64xf32, #tpu.memory_space<vmem_shared>>) offsets(%dma_start3A_181 : memref<128xi32, #tpu.memory_space<vmem>>) semaphore(%arg13 : memref<!tpu.dma_semaphore, #tpu.memory_space<semaphore_mem>>) {add = true}
      %dma_start3A_185 = arith.constant 4 : i32
      %dma_start3A_186 = arith.constant 4 : i32
      %dma_start3A_187 = arith.constant 0 : i32
      %dma_start3A_188 = arith.constant 0 : i32
      %dma_start3A_189 = tpu.memref_slice %arg9[%dma_start3A_185, %dma_start3A_187, %dma_start3A_188] : memref<5x128x64xf32, #tpu.memory_space<vmem>> -> memref<1x128x64xf32, #tpu.memory_space<vmem>>
      %dma_start3A_190 = tpu.memref_squeeze %dma_start3A_189 : memref<1x128x64xf32, #tpu.memory_space<vmem>> -> memref<128x64xf32, #tpu.memory_space<vmem>>
      %dma_start3A_191 = arith.constant 0 : i32
      %dma_start3A_192 = tpu.memref_slice %arg8[%dma_start3A_186, %dma_start3A_191] : memref<5x128xi32, #tpu.memory_space<vmem>> -> memref<1x128xi32, #tpu.memory_space<vmem>>
      %dma_start3A_193 = tpu.memref_squeeze %dma_start3A_192 : memref<1x128xi32, #tpu.memory_space<vmem>> -> memref<128xi32, #tpu.memory_space<vmem>>
      %dma_start3A_194 = arith.constant 0 : i32
      %dma_start3A_195 = arith.constant 0 : i32
      %dma_start3A_196 = tpu.memref_slice %arg11[%dma_start3A_194, %dma_start3A_195] : memref<10112x64xf32, #tpu.memory_space<vmem_shared>> -> memref<10112x64xf32, #tpu.memory_space<vmem_shared>>
      tpu.enqueue_indirect_dma source(%dma_start3A_190 : memref<128x64xf32, #tpu.memory_space<vmem>>) target(%dma_start3A_196 : memref<10112x64xf32, #tpu.memory_space<vmem_shared>>) offsets(%dma_start3A_193 : memref<128xi32, #tpu.memory_space<vmem>>) semaphore(%arg13 : memref<!tpu.dma_semaphore, #tpu.memory_space<semaphore_mem>>) {add = true}
      %dma_wait3A_197 = arith.constant 0 : i32
      %dma_wait3A_198 = arith.constant 0 : i32
      %dma_wait3A_199 = arith.constant 0 : i32
      %dma_wait3A_200 = arith.constant 0 : i32
      %dma_wait3A_201 = tpu.memref_slice %arg9[%dma_wait3A_197, %dma_wait3A_199, %dma_wait3A_200] : memref<5x128x64xf32, #tpu.memory_space<vmem>> -> memref<1x128x64xf32, #tpu.memory_space<vmem>>
      %dma_wait3A_202 = tpu.memref_squeeze %dma_wait3A_201 : memref<1x128x64xf32, #tpu.memory_space<vmem>> -> memref<128x64xf32, #tpu.memory_space<vmem>>
      %dma_wait3A_203 = arith.constant 0 : i32
      %dma_wait3A_204 = tpu.memref_slice %arg8[%dma_wait3A_198, %dma_wait3A_203] : memref<5x128xi32, #tpu.memory_space<vmem>> -> memref<1x128xi32, #tpu.memory_space<vmem>>
      %dma_wait3A_205 = tpu.memref_squeeze %dma_wait3A_204 : memref<1x128xi32, #tpu.memory_space<vmem>> -> memref<128xi32, #tpu.memory_space<vmem>>
      %dma_wait3A_206 = arith.constant 0 : i32
      %dma_wait3A_207 = arith.constant 0 : i32
      %dma_wait3A_208 = tpu.memref_slice %arg11[%dma_wait3A_206, %dma_wait3A_207] : memref<10112x64xf32, #tpu.memory_space<vmem_shared>> -> memref<10112x64xf32, #tpu.memory_space<vmem_shared>>
      tpu.wait_indirect_dma semaphore(%arg13 : memref<!tpu.dma_semaphore, #tpu.memory_space<semaphore_mem>>) src(%dma_wait3A_202 : memref<128x64xf32, #tpu.memory_space<vmem>>) dst(%dma_wait3A_208 : memref<10112x64xf32, #tpu.memory_space<vmem_shared>>)
      %dma_wait3A_209 = arith.constant 1 : i32
      %dma_wait3A_210 = arith.constant 1 : i32
      %dma_wait3A_211 = arith.constant 0 : i32
      %dma_wait3A_212 = arith.constant 0 : i32
      %dma_wait3A_213 = tpu.memref_slice %arg9[%dma_wait3A_209, %dma_wait3A_211, %dma_wait3A_212] : memref<5x128x64xf32, #tpu.memory_space<vmem>> -> memref<1x128x64xf32, #tpu.memory_space<vmem>>
      %dma_wait3A_214 = tpu.memref_squeeze %dma_wait3A_213 : memref<1x128x64xf32, #tpu.memory_space<vmem>> -> memref<128x64xf32, #tpu.memory_space<vmem>>
      %dma_wait3A_215 = arith.constant 0 : i32
      %dma_wait3A_216 = tpu.memref_slice %arg8[%dma_wait3A_210, %dma_wait3A_215] : memref<5x128xi32, #tpu.memory_space<vmem>> -> memref<1x128xi32, #tpu.memory_space<vmem>>
      %dma_wait3A_217 = tpu.memref_squeeze %dma_wait3A_216 : memref<1x128xi32, #tpu.memory_space<vmem>> -> memref<128xi32, #tpu.memory_space<vmem>>
      %dma_wait3A_218 = arith.constant 0 : i32
      %dma_wait3A_219 = arith.constant 0 : i32
      %dma_wait3A_220 = tpu.memref_slice %arg11[%dma_wait3A_218, %dma_wait3A_219] : memref<10112x64xf32, #tpu.memory_space<vmem_shared>> -> memref<10112x64xf32, #tpu.memory_space<vmem_shared>>
      tpu.wait_indirect_dma semaphore(%arg13 : memref<!tpu.dma_semaphore, #tpu.memory_space<semaphore_mem>>) src(%dma_wait3A_214 : memref<128x64xf32, #tpu.memory_space<vmem>>) dst(%dma_wait3A_220 : memref<10112x64xf32, #tpu.memory_space<vmem_shared>>)
      %dma_wait3A_221 = arith.constant 2 : i32
      %dma_wait3A_222 = arith.constant 2 : i32
      %dma_wait3A_223 = arith.constant 0 : i32
      %dma_wait3A_224 = arith.constant 0 : i32
      %dma_wait3A_225 = tpu.memref_slice %arg9[%dma_wait3A_221, %dma_wait3A_223, %dma_wait3A_224] : memref<5x128x64xf32, #tpu.memory_space<vmem>> -> memref<1x128x64xf32, #tpu.memory_space<vmem>>
      %dma_wait3A_226 = tpu.memref_squeeze %dma_wait3A_225 : memref<1x128x64xf32, #tpu.memory_space<vmem>> -> memref<128x64xf32, #tpu.memory_space<vmem>>
      %dma_wait3A_227 = arith.constant 0 : i32
      %dma_wait3A_228 = tpu.memref_slice %arg8[%dma_wait3A_222, %dma_wait3A_227] : memref<5x128xi32, #tpu.memory_space<vmem>> -> memref<1x128xi32, #tpu.memory_space<vmem>>
      %dma_wait3A_229 = tpu.memref_squeeze %dma_wait3A_228 : memref<1x128xi32, #tpu.memory_space<vmem>> -> memref<128xi32, #tpu.memory_space<vmem>>
      %dma_wait3A_230 = arith.constant 0 : i32
      %dma_wait3A_231 = arith.constant 0 : i32
      %dma_wait3A_232 = tpu.memref_slice %arg11[%dma_wait3A_230, %dma_wait3A_231] : memref<10112x64xf32, #tpu.memory_space<vmem_shared>> -> memref<10112x64xf32, #tpu.memory_space<vmem_shared>>
      tpu.wait_indirect_dma semaphore(%arg13 : memref<!tpu.dma_semaphore, #tpu.memory_space<semaphore_mem>>) src(%dma_wait3A_226 : memref<128x64xf32, #tpu.memory_space<vmem>>) dst(%dma_wait3A_232 : memref<10112x64xf32, #tpu.memory_space<vmem_shared>>)
      %dma_wait3A_233 = arith.constant 3 : i32
      %dma_wait3A_234 = arith.constant 3 : i32
      %dma_wait3A_235 = arith.constant 0 : i32
      %dma_wait3A_236 = arith.constant 0 : i32
      %dma_wait3A_237 = tpu.memref_slice %arg9[%dma_wait3A_233, %dma_wait3A_235, %dma_wait3A_236] : memref<5x128x64xf32, #tpu.memory_space<vmem>> -> memref<1x128x64xf32, #tpu.memory_space<vmem>>
      %dma_wait3A_238 = tpu.memref_squeeze %dma_wait3A_237 : memref<1x128x64xf32, #tpu.memory_space<vmem>> -> memref<128x64xf32, #tpu.memory_space<vmem>>
      %dma_wait3A_239 = arith.constant 0 : i32
      %dma_wait3A_240 = tpu.memref_slice %arg8[%dma_wait3A_234, %dma_wait3A_239] : memref<5x128xi32, #tpu.memory_space<vmem>> -> memref<1x128xi32, #tpu.memory_space<vmem>>
      %dma_wait3A_241 = tpu.memref_squeeze %dma_wait3A_240 : memref<1x128xi32, #tpu.memory_space<vmem>> -> memref<128xi32, #tpu.memory_space<vmem>>
      %dma_wait3A_242 = arith.constant 0 : i32
      %dma_wait3A_243 = arith.constant 0 : i32
      %dma_wait3A_244 = tpu.memref_slice %arg11[%dma_wait3A_242, %dma_wait3A_243] : memref<10112x64xf32, #tpu.memory_space<vmem_shared>> -> memref<10112x64xf32, #tpu.memory_space<vmem_shared>>
      tpu.wait_indirect_dma semaphore(%arg13 : memref<!tpu.dma_semaphore, #tpu.memory_space<semaphore_mem>>) src(%dma_wait3A_238 : memref<128x64xf32, #tpu.memory_space<vmem>>) dst(%dma_wait3A_244 : memref<10112x64xf32, #tpu.memory_space<vmem_shared>>)
      %dma_wait3A_245 = arith.constant 4 : i32
      %dma_wait3A_246 = arith.constant 4 : i32
      %dma_wait3A_247 = arith.constant 0 : i32
      %dma_wait3A_248 = arith.constant 0 : i32
      %dma_wait3A_249 = tpu.memref_slice %arg9[%dma_wait3A_245, %dma_wait3A_247, %dma_wait3A_248] : memref<5x128x64xf32, #tpu.memory_space<vmem>> -> memref<1x128x64xf32, #tpu.memory_space<vmem>>
      %dma_wait3A_250 = tpu.memref_squeeze %dma_wait3A_249 : memref<1x128x64xf32, #tpu.memory_space<vmem>> -> memref<128x64xf32, #tpu.memory_space<vmem>>
      %dma_wait3A_251 = arith.constant 0 : i32
      %dma_wait3A_252 = tpu.memref_slice %arg8[%dma_wait3A_246, %dma_wait3A_251] : memref<5x128xi32, #tpu.memory_space<vmem>> -> memref<1x128xi32, #tpu.memory_space<vmem>>
      %dma_wait3A_253 = tpu.memref_squeeze %dma_wait3A_252 : memref<1x128xi32, #tpu.memory_space<vmem>> -> memref<128xi32, #tpu.memory_space<vmem>>
      %dma_wait3A_254 = arith.constant 0 : i32
      %dma_wait3A_255 = arith.constant 0 : i32
      %dma_wait3A_256 = tpu.memref_slice %arg11[%dma_wait3A_254, %dma_wait3A_255] : memref<10112x64xf32, #tpu.memory_space<vmem_shared>> -> memref<10112x64xf32, #tpu.memory_space<vmem_shared>>
      tpu.wait_indirect_dma semaphore(%arg13 : memref<!tpu.dma_semaphore, #tpu.memory_space<semaphore_mem>>) src(%dma_wait3A_250 : memref<128x64xf32, #tpu.memory_space<vmem>>) dst(%dma_wait3A_256 : memref<10112x64xf32, #tpu.memory_space<vmem_shared>>)
    }
    %scan3A_13 = arith.constant 32 : i32
    %barrier3A_14 = arith.constant 0 : index
    tpu.barrier barrier_id(%barrier3A_14)
    "tpu.region"() ({
      %run_scoped3A = tpu.sem_alloc : memref<!tpu.dma_semaphore, #tpu.memory_space<semaphore_mem>>
      %dma_start3A = arith.constant 0 : i32
      %dma_start3A_15 = tpu.memref_slice %arg6[%arg0, %mul3A_2, %dma_start3A] : memref<2x10112x64xf32, #tpu.memory_space<hbm>> -> memref<1x632x64xf32, #tpu.memory_space<hbm>>
      %dma_start3A_16 = tpu.memref_squeeze %dma_start3A_15 : memref<1x632x64xf32, #tpu.memory_space<hbm>> -> memref<632x64xf32, #tpu.memory_space<hbm>>
      %dma_start3A_17 = arith.constant 0 : i32
      %dma_start3A_18 = tpu.memref_slice %arg11[%mul3A_2, %dma_start3A_17] : memref<10112x64xf32, #tpu.memory_space<vmem_shared>> -> memref<632x64xf32, #tpu.memory_space<vmem_shared>>
      tpu.enqueue_dma source(%dma_start3A_18 : memref<632x64xf32, #tpu.memory_space<vmem_shared>>) target(%dma_start3A_16 : memref<632x64xf32, #tpu.memory_space<hbm>>) target_semaphore(%run_scoped3A : memref<!tpu.dma_semaphore, #tpu.memory_space<semaphore_mem>>)
      %dma_wait3A = arith.constant 0 : i32
      %dma_wait3A_19 = tpu.memref_slice %arg6[%arg0, %mul3A_2, %dma_wait3A] : memref<2x10112x64xf32, #tpu.memory_space<hbm>> -> memref<1x632x64xf32, #tpu.memory_space<hbm>>
      %dma_wait3A_20 = tpu.memref_squeeze %dma_wait3A_19 : memref<1x632x64xf32, #tpu.memory_space<hbm>> -> memref<632x64xf32, #tpu.memory_space<hbm>>
      %dma_wait3A_21 = arith.constant 0 : i32
      %dma_wait3A_22 = tpu.memref_slice %arg11[%mul3A_2, %dma_wait3A_21] : memref<10112x64xf32, #tpu.memory_space<vmem_shared>> -> memref<632x64xf32, #tpu.memory_space<vmem_shared>>
      tpu.wait_dma2 semaphore(%run_scoped3A : memref<!tpu.dma_semaphore, #tpu.memory_space<semaphore_mem>>) src(%dma_wait3A_22 : memref<632x64xf32, #tpu.memory_space<vmem_shared>>) dst(%dma_wait3A_20 : memref<632x64xf32, #tpu.memory_space<hbm>>)
      tpu.yield
    }) : () -> ()
    return
  }
}

#map = affine_map<(d0, d1) -> (0, 0)>
#map1 = affine_map<(d0, d1) -> (0)>
module attributes {stable_mosaic.version = 14 : i64} {
  func.func @_deg_gidx_kernel(%arg0: i32, %arg1: i32, %arg2: memref<5120x128xi32, #tpu.memory_space<hbm>>, %arg3: memref<79x128xi32, #tpu.memory_space<hbm>>, %arg4: memref<10000xi32, #tpu.memory_space<hbm>>, %arg5: memref<16xi32, #tpu.memory_space<hbm>>, %arg6: memref<10112xf32, #tpu.memory_space<hbm>>, %arg7: memref<2x10112xf32, #tpu.memory_space<hbm>>, %arg8: memref<16xi32, #tpu.memory_space<hbm>>, %arg9: memref<160x128xi32, #tpu.memory_space<vmem>>, %arg10: memref<128xf32, #tpu.memory_space<vmem>>, %arg11: memref<79x128xi32, #tpu.memory_space<vmem>>, %arg12: memref<10000xi32, #tpu.memory_space<vmem>>, %arg13: memref<16xi32, #tpu.memory_space<vmem>>, %arg14: memref<32xf32, #tpu.memory_space<vmem>>, %arg15: memref<16xi32, #tpu.memory_space<vmem>>, %arg16: memref<10112xf32, #tpu.memory_space<vmem_shared>>, %arg17: memref<32xf32, #tpu.memory_space<vmem_shared>>, %arg18: memref<!tpu.dma_semaphore, #tpu.memory_space<semaphore_mem>>) attributes {dimension_semantics = [#tpu.dimension_semantics<core_parallel>, #tpu.dimension_semantics<subcore_parallel>], iteration_bounds = array<i64: 2, 16>, scalar_prefetch = 0 : i64, scratch_operands = 10 : i64, tpu.core_type = #tpu.core_type<sc_vector_subcore>, window_params = [{transform_indices = #map}, {transform_indices = #map}, {transform_indices = #map1}, {transform_indices = #map1}, {transform_indices = #map1}, {transform_indices = #map}, {transform_indices = #map1}]} {
    %mul3A = arith.constant 16 : i32
    %mul3A_0 = arith.muli %arg0, %mul3A : i32
    %add3A = arith.addi %mul3A_0, %arg1 : i32
    %mul3A_1 = arith.constant 632 : i32
    %mul3A_2 = arith.muli %arg1, %mul3A_1 : i32
    "tpu.region"() ({
      %run_scoped3A = tpu.sem_alloc : memref<!tpu.dma_semaphore, #tpu.memory_space<semaphore_mem>>
      %dma_start3A = tpu.memref_slice %arg16[%mul3A_2] : memref<10112xf32, #tpu.memory_space<vmem_shared>> -> memref<632xf32, #tpu.memory_space<vmem_shared>>
      %dma_start3A_45 = tpu.memref_slice %arg6[%mul3A_2] : memref<10112xf32, #tpu.memory_space<hbm>> -> memref<632xf32, #tpu.memory_space<hbm>>
      tpu.enqueue_dma source(%dma_start3A_45 : memref<632xf32, #tpu.memory_space<hbm>>) target(%dma_start3A : memref<632xf32, #tpu.memory_space<vmem_shared>>) target_semaphore(%run_scoped3A : memref<!tpu.dma_semaphore, #tpu.memory_space<semaphore_mem>>)
      %dma_wait3A = tpu.memref_slice %arg16[%mul3A_2] : memref<10112xf32, #tpu.memory_space<vmem_shared>> -> memref<632xf32, #tpu.memory_space<vmem_shared>>
      %dma_wait3A_46 = tpu.memref_slice %arg6[%mul3A_2] : memref<10112xf32, #tpu.memory_space<hbm>> -> memref<632xf32, #tpu.memory_space<hbm>>
      tpu.wait_dma2 semaphore(%run_scoped3A : memref<!tpu.dma_semaphore, #tpu.memory_space<semaphore_mem>>) src(%dma_wait3A_46 : memref<632xf32, #tpu.memory_space<hbm>>) dst(%dma_wait3A : memref<632xf32, #tpu.memory_space<vmem_shared>>)
      tpu.yield
    }) : () -> ()
    %broadcast_in_dim3A = arith.constant 1.000000e+00 : f32
    %broadcast_in_dim3A_3 = vector.broadcast %broadcast_in_dim3A : f32 to vector<16xf32>
    %swap3A = arith.constant 0 : index
    %swap3A_4 = tpu.vector_load %arg10[%swap3A] {strides = array<i32>} : memref<128xf32, #tpu.memory_space<vmem>>, vector<16xf32>,
    tpu.vector_store %arg10[%swap3A], %broadcast_in_dim3A_3 {strides = array<i32>} : memref<128xf32, #tpu.memory_space<vmem>>, vector<16xf32>,
    %broadcast_in_dim3A_5 = arith.constant 1.000000e+00 : f32
    %broadcast_in_dim3A_6 = vector.broadcast %broadcast_in_dim3A_5 : f32 to vector<16xf32>
    %swap3A_7 = arith.constant 16 : index
    %swap3A_8 = tpu.vector_load %arg10[%swap3A_7] {strides = array<i32>} : memref<128xf32, #tpu.memory_space<vmem>>, vector<16xf32>,
    tpu.vector_store %arg10[%swap3A_7], %broadcast_in_dim3A_6 {strides = array<i32>} : memref<128xf32, #tpu.memory_space<vmem>>, vector<16xf32>,
    %broadcast_in_dim3A_9 = arith.constant 1.000000e+00 : f32
    %broadcast_in_dim3A_10 = vector.broadcast %broadcast_in_dim3A_9 : f32 to vector<16xf32>
    %swap3A_11 = arith.constant 32 : index
    %swap3A_12 = tpu.vector_load %arg10[%swap3A_11] {strides = array<i32>} : memref<128xf32, #tpu.memory_space<vmem>>, vector<16xf32>,
    tpu.vector_store %arg10[%swap3A_11], %broadcast_in_dim3A_10 {strides = array<i32>} : memref<128xf32, #tpu.memory_space<vmem>>, vector<16xf32>,
    %broadcast_in_dim3A_13 = arith.constant 1.000000e+00 : f32
    %broadcast_in_dim3A_14 = vector.broadcast %broadcast_in_dim3A_13 : f32 to vector<16xf32>
    %swap3A_15 = arith.constant 48 : index
    %swap3A_16 = tpu.vector_load %arg10[%swap3A_15] {strides = array<i32>} : memref<128xf32, #tpu.memory_space<vmem>>, vector<16xf32>,
    tpu.vector_store %arg10[%swap3A_15], %broadcast_in_dim3A_14 {strides = array<i32>} : memref<128xf32, #tpu.memory_space<vmem>>, vector<16xf32>,
    %broadcast_in_dim3A_17 = arith.constant 1.000000e+00 : f32
    %broadcast_in_dim3A_18 = vector.broadcast %broadcast_in_dim3A_17 : f32 to vector<16xf32>
    %swap3A_19 = arith.constant 64 : index
    %swap3A_20 = tpu.vector_load %arg10[%swap3A_19] {strides = array<i32>} : memref<128xf32, #tpu.memory_space<vmem>>, vector<16xf32>,
    tpu.vector_store %arg10[%swap3A_19], %broadcast_in_dim3A_18 {strides = array<i32>} : memref<128xf32, #tpu.memory_space<vmem>>, vector<16xf32>,
    %broadcast_in_dim3A_21 = arith.constant 1.000000e+00 : f32
    %broadcast_in_dim3A_22 = vector.broadcast %broadcast_in_dim3A_21 : f32 to vector<16xf32>
    %swap3A_23 = arith.constant 80 : index
    %swap3A_24 = tpu.vector_load %arg10[%swap3A_23] {strides = array<i32>} : memref<128xf32, #tpu.memory_space<vmem>>, vector<16xf32>,
    tpu.vector_store %arg10[%swap3A_23], %broadcast_in_dim3A_22 {strides = array<i32>} : memref<128xf32, #tpu.memory_space<vmem>>, vector<16xf32>,
    %broadcast_in_dim3A_25 = arith.constant 1.000000e+00 : f32
    %broadcast_in_dim3A_26 = vector.broadcast %broadcast_in_dim3A_25 : f32 to vector<16xf32>
    %swap3A_27 = arith.constant 96 : index
    %swap3A_28 = tpu.vector_load %arg10[%swap3A_27] {strides = array<i32>} : memref<128xf32, #tpu.memory_space<vmem>>, vector<16xf32>,
    tpu.vector_store %arg10[%swap3A_27], %broadcast_in_dim3A_26 {strides = array<i32>} : memref<128xf32, #tpu.memory_space<vmem>>, vector<16xf32>,
    %broadcast_in_dim3A_29 = arith.constant 1.000000e+00 : f32
    %broadcast_in_dim3A_30 = vector.broadcast %broadcast_in_dim3A_29 : f32 to vector<16xf32>
    %swap3A_31 = arith.constant 112 : index
    %swap3A_32 = tpu.vector_load %arg10[%swap3A_31] {strides = array<i32>} : memref<128xf32, #tpu.memory_space<vmem>>, vector<16xf32>,
    tpu.vector_store %arg10[%swap3A_31], %broadcast_in_dim3A_30 {strides = array<i32>} : memref<128xf32, #tpu.memory_space<vmem>>, vector<16xf32>,
    %barrier3A = arith.constant 0 : index
    tpu.barrier barrier_id(%barrier3A)
    %mul3A_33 = arith.constant 160 : i32
    %mul3A_34 = arith.muli %add3A, %mul3A_33 : i32
    "tpu.region"() ({
      %run_scoped3A = tpu.sem_alloc : memref<!tpu.dma_semaphore, #tpu.memory_space<semaphore_mem>>
      %dma_start3A = arith.constant 0 : i32
      %dma_start3A_45 = tpu.memref_slice %arg2[%mul3A_34, %dma_start3A] : memref<5120x128xi32, #tpu.memory_space<hbm>> -> memref<160x128xi32, #tpu.memory_space<hbm>>
      %dma_start3A_46 = arith.constant 0 : i32
      %dma_start3A_47 = tpu.memref_slice %arg2[%mul3A_34, %dma_start3A_46] : memref<5120x128xi32, #tpu.memory_space<hbm>> -> memref<160x128xi32, #tpu.memory_space<hbm>>
      tpu.enqueue_dma source(%dma_start3A_47 : memref<160x128xi32, #tpu.memory_space<hbm>>) target(%arg9 : memref<160x128xi32, #tpu.memory_space<vmem>>) target_semaphore(%run_scoped3A : memref<!tpu.dma_semaphore, #tpu.memory_space<semaphore_mem>>)
      %dma_wait3A = arith.constant 0 : i32
      %dma_wait3A_48 = tpu.memref_slice %arg2[%mul3A_34, %dma_wait3A] : memref<5120x128xi32, #tpu.memory_space<hbm>> -> memref<160x128xi32, #tpu.memory_space<hbm>>
      %dma_wait3A_49 = arith.constant 0 : i32
      %dma_wait3A_50 = tpu.memref_slice %arg2[%mul3A_34, %dma_wait3A_49] : memref<5120x128xi32, #tpu.memory_space<hbm>> -> memref<160x128xi32, #tpu.memory_space<hbm>>
      tpu.wait_dma2 semaphore(%run_scoped3A : memref<!tpu.dma_semaphore, #tpu.memory_space<semaphore_mem>>) src(%dma_wait3A_50 : memref<160x128xi32, #tpu.memory_space<hbm>>) dst(%arg9 : memref<160x128xi32, #tpu.memory_space<vmem>>)
      tpu.yield
    }) : () -> ()
    %scan3A = arith.constant 0 : i32
    %scan3A_35 = arith.constant 0 : i32
    %scan3A_36 = arith.constant 20 : i32
    %scan3A_37 = arith.addi %scan3A_35, %scan3A_36 : i32
    %scan3A_38 = arith.constant 1 : i32
    scf.for %scan3A_45 = %scan3A_35 to %scan3A_37 step %scan3A_38  : i32 {
      %mul3A_46 = arith.constant 8 : i32
      %mul3A_47 = arith.muli %scan3A_45, %mul3A_46 : i32
      %add3A_48 = arith.constant 0 : i32
      %add3A_49 = arith.addi %mul3A_47, %add3A_48 : i32
      %dma_start3A = arith.constant 0 : i32
      %dma_start3A_50 = tpu.memref_slice %arg9[%add3A_49, %dma_start3A] : memref<160x128xi32, #tpu.memory_space<vmem>> -> memref<1x128xi32, #tpu.memory_space<vmem>>
      %dma_start3A_51 = tpu.memref_squeeze %dma_start3A_50 : memref<1x128xi32, #tpu.memory_space<vmem>> -> memref<128xi32, #tpu.memory_space<vmem>>
      %dma_start3A_52 = arith.constant 0 : i32
      %dma_start3A_53 = tpu.memref_slice %arg16[%dma_start3A_52] : memref<10112xf32, #tpu.memory_space<vmem_shared>> -> memref<10112xf32, #tpu.memory_space<vmem_shared>>
      tpu.enqueue_indirect_dma source(%arg10 : memref<128xf32, #tpu.memory_space<vmem>>) target(%dma_start3A_53 : memref<10112xf32, #tpu.memory_space<vmem_shared>>) offsets(%dma_start3A_51 : memref<128xi32, #tpu.memory_space<vmem>>) semaphore(%arg18 : memref<!tpu.dma_semaphore, #tpu.memory_space<semaphore_mem>>) {add = true}
      %mul3A_54 = arith.constant 8 : i32
      %mul3A_55 = arith.muli %scan3A_45, %mul3A_54 : i32
      %add3A_56 = arith.constant 1 : i32
      %add3A_57 = arith.addi %mul3A_55, %add3A_56 : i32
      %dma_start3A_58 = arith.constant 0 : i32
      %dma_start3A_59 = tpu.memref_slice %arg9[%add3A_57, %dma_start3A_58] : memref<160x128xi32, #tpu.memory_space<vmem>> -> memref<1x128xi32, #tpu.memory_space<vmem>>
      %dma_start3A_60 = tpu.memref_squeeze %dma_start3A_59 : memref<1x128xi32, #tpu.memory_space<vmem>> -> memref<128xi32, #tpu.memory_space<vmem>>
      %dma_start3A_61 = arith.constant 0 : i32
      %dma_start3A_62 = tpu.memref_slice %arg16[%dma_start3A_61] : memref<10112xf32, #tpu.memory_space<vmem_shared>> -> memref<10112xf32, #tpu.memory_space<vmem_shared>>
      tpu.enqueue_indirect_dma source(%arg10 : memref<128xf32, #tpu.memory_space<vmem>>) target(%dma_start3A_62 : memref<10112xf32, #tpu.memory_space<vmem_shared>>) offsets(%dma_start3A_60 : memref<128xi32, #tpu.memory_space<vmem>>) semaphore(%arg18 : memref<!tpu.dma_semaphore, #tpu.memory_space<semaphore_mem>>) {add = true}
      %mul3A_63 = arith.constant 8 : i32
      %mul3A_64 = arith.muli %scan3A_45, %mul3A_63 : i32
      %add3A_65 = arith.constant 2 : i32
      %add3A_66 = arith.addi %mul3A_64, %add3A_65 : i32
      %dma_start3A_67 = arith.constant 0 : i32
      %dma_start3A_68 = tpu.memref_slice %arg9[%add3A_66, %dma_start3A_67] : memref<160x128xi32, #tpu.memory_space<vmem>> -> memref<1x128xi32, #tpu.memory_space<vmem>>
      %dma_start3A_69 = tpu.memref_squeeze %dma_start3A_68 : memref<1x128xi32, #tpu.memory_space<vmem>> -> memref<128xi32, #tpu.memory_space<vmem>>
      %dma_start3A_70 = arith.constant 0 : i32
      %dma_start3A_71 = tpu.memref_slice %arg16[%dma_start3A_70] : memref<10112xf32, #tpu.memory_space<vmem_shared>> -> memref<10112xf32, #tpu.memory_space<vmem_shared>>
      tpu.enqueue_indirect_dma source(%arg10 : memref<128xf32, #tpu.memory_space<vmem>>) target(%dma_start3A_71 : memref<10112xf32, #tpu.memory_space<vmem_shared>>) offsets(%dma_start3A_69 : memref<128xi32, #tpu.memory_space<vmem>>) semaphore(%arg18 : memref<!tpu.dma_semaphore, #tpu.memory_space<semaphore_mem>>) {add = true}
      %mul3A_72 = arith.constant 8 : i32
      %mul3A_73 = arith.muli %scan3A_45, %mul3A_72 : i32
      %add3A_74 = arith.constant 3 : i32
      %add3A_75 = arith.addi %mul3A_73, %add3A_74 : i32
      %dma_start3A_76 = arith.constant 0 : i32
      %dma_start3A_77 = tpu.memref_slice %arg9[%add3A_75, %dma_start3A_76] : memref<160x128xi32, #tpu.memory_space<vmem>> -> memref<1x128xi32, #tpu.memory_space<vmem>>
      %dma_start3A_78 = tpu.memref_squeeze %dma_start3A_77 : memref<1x128xi32, #tpu.memory_space<vmem>> -> memref<128xi32, #tpu.memory_space<vmem>>
      %dma_start3A_79 = arith.constant 0 : i32
      %dma_start3A_80 = tpu.memref_slice %arg16[%dma_start3A_79] : memref<10112xf32, #tpu.memory_space<vmem_shared>> -> memref<10112xf32, #tpu.memory_space<vmem_shared>>
      tpu.enqueue_indirect_dma source(%arg10 : memref<128xf32, #tpu.memory_space<vmem>>) target(%dma_start3A_80 : memref<10112xf32, #tpu.memory_space<vmem_shared>>) offsets(%dma_start3A_78 : memref<128xi32, #tpu.memory_space<vmem>>) semaphore(%arg18 : memref<!tpu.dma_semaphore, #tpu.memory_space<semaphore_mem>>) {add = true}
      %mul3A_81 = arith.constant 8 : i32
      %mul3A_82 = arith.muli %scan3A_45, %mul3A_81 : i32
      %add3A_83 = arith.constant 4 : i32
      %add3A_84 = arith.addi %mul3A_82, %add3A_83 : i32
      %dma_start3A_85 = arith.constant 0 : i32
      %dma_start3A_86 = tpu.memref_slice %arg9[%add3A_84, %dma_start3A_85] : memref<160x128xi32, #tpu.memory_space<vmem>> -> memref<1x128xi32, #tpu.memory_space<vmem>>
      %dma_start3A_87 = tpu.memref_squeeze %dma_start3A_86 : memref<1x128xi32, #tpu.memory_space<vmem>> -> memref<128xi32, #tpu.memory_space<vmem>>
      %dma_start3A_88 = arith.constant 0 : i32
      %dma_start3A_89 = tpu.memref_slice %arg16[%dma_start3A_88] : memref<10112xf32, #tpu.memory_space<vmem_shared>> -> memref<10112xf32, #tpu.memory_space<vmem_shared>>
      tpu.enqueue_indirect_dma source(%arg10 : memref<128xf32, #tpu.memory_space<vmem>>) target(%dma_start3A_89 : memref<10112xf32, #tpu.memory_space<vmem_shared>>) offsets(%dma_start3A_87 : memref<128xi32, #tpu.memory_space<vmem>>) semaphore(%arg18 : memref<!tpu.dma_semaphore, #tpu.memory_space<semaphore_mem>>) {add = true}
      %mul3A_90 = arith.constant 8 : i32
      %mul3A_91 = arith.muli %scan3A_45, %mul3A_90 : i32
      %add3A_92 = arith.constant 5 : i32
      %add3A_93 = arith.addi %mul3A_91, %add3A_92 : i32
      %dma_start3A_94 = arith.constant 0 : i32
      %dma_start3A_95 = tpu.memref_slice %arg9[%add3A_93, %dma_start3A_94] : memref<160x128xi32, #tpu.memory_space<vmem>> -> memref<1x128xi32, #tpu.memory_space<vmem>>
      %dma_start3A_96 = tpu.memref_squeeze %dma_start3A_95 : memref<1x128xi32, #tpu.memory_space<vmem>> -> memref<128xi32, #tpu.memory_space<vmem>>
      %dma_start3A_97 = arith.constant 0 : i32
      %dma_start3A_98 = tpu.memref_slice %arg16[%dma_start3A_97] : memref<10112xf32, #tpu.memory_space<vmem_shared>> -> memref<10112xf32, #tpu.memory_space<vmem_shared>>
      tpu.enqueue_indirect_dma source(%arg10 : memref<128xf32, #tpu.memory_space<vmem>>) target(%dma_start3A_98 : memref<10112xf32, #tpu.memory_space<vmem_shared>>) offsets(%dma_start3A_96 : memref<128xi32, #tpu.memory_space<vmem>>) semaphore(%arg18 : memref<!tpu.dma_semaphore, #tpu.memory_space<semaphore_mem>>) {add = true}
      %mul3A_99 = arith.constant 8 : i32
      %mul3A_100 = arith.muli %scan3A_45, %mul3A_99 : i32
      %add3A_101 = arith.constant 6 : i32
      %add3A_102 = arith.addi %mul3A_100, %add3A_101 : i32
      %dma_start3A_103 = arith.constant 0 : i32
      %dma_start3A_104 = tpu.memref_slice %arg9[%add3A_102, %dma_start3A_103] : memref<160x128xi32, #tpu.memory_space<vmem>> -> memref<1x128xi32, #tpu.memory_space<vmem>>
      %dma_start3A_105 = tpu.memref_squeeze %dma_start3A_104 : memref<1x128xi32, #tpu.memory_space<vmem>> -> memref<128xi32, #tpu.memory_space<vmem>>
      %dma_start3A_106 = arith.constant 0 : i32
      %dma_start3A_107 = tpu.memref_slice %arg16[%dma_start3A_106] : memref<10112xf32, #tpu.memory_space<vmem_shared>> -> memref<10112xf32, #tpu.memory_space<vmem_shared>>
      tpu.enqueue_indirect_dma source(%arg10 : memref<128xf32, #tpu.memory_space<vmem>>) target(%dma_start3A_107 : memref<10112xf32, #tpu.memory_space<vmem_shared>>) offsets(%dma_start3A_105 : memref<128xi32, #tpu.memory_space<vmem>>) semaphore(%arg18 : memref<!tpu.dma_semaphore, #tpu.memory_space<semaphore_mem>>) {add = true}
      %mul3A_108 = arith.constant 8 : i32
      %mul3A_109 = arith.muli %scan3A_45, %mul3A_108 : i32
      %add3A_110 = arith.constant 7 : i32
      %add3A_111 = arith.addi %mul3A_109, %add3A_110 : i32
      %dma_start3A_112 = arith.constant 0 : i32
      %dma_start3A_113 = tpu.memref_slice %arg9[%add3A_111, %dma_start3A_112] : memref<160x128xi32, #tpu.memory_space<vmem>> -> memref<1x128xi32, #tpu.memory_space<vmem>>
      %dma_start3A_114 = tpu.memref_squeeze %dma_start3A_113 : memref<1x128xi32, #tpu.memory_space<vmem>> -> memref<128xi32, #tpu.memory_space<vmem>>
      %dma_start3A_115 = arith.constant 0 : i32
      %dma_start3A_116 = tpu.memref_slice %arg16[%dma_start3A_115] : memref<10112xf32, #tpu.memory_space<vmem_shared>> -> memref<10112xf32, #tpu.memory_space<vmem_shared>>
      tpu.enqueue_indirect_dma source(%arg10 : memref<128xf32, #tpu.memory_space<vmem>>) target(%dma_start3A_116 : memref<10112xf32, #tpu.memory_space<vmem_shared>>) offsets(%dma_start3A_114 : memref<128xi32, #tpu.memory_space<vmem>>) semaphore(%arg18 : memref<!tpu.dma_semaphore, #tpu.memory_space<semaphore_mem>>) {add = true}
      %dma_wait3A = arith.constant 0 : i32
      %dma_wait3A_117 = tpu.memref_slice %arg9[%add3A_49, %dma_wait3A] : memref<160x128xi32, #tpu.memory_space<vmem>> -> memref<1x128xi32, #tpu.memory_space<vmem>>
      %dma_wait3A_118 = tpu.memref_squeeze %dma_wait3A_117 : memref<1x128xi32, #tpu.memory_space<vmem>> -> memref<128xi32, #tpu.memory_space<vmem>>
      %dma_wait3A_119 = arith.constant 0 : i32
      %dma_wait3A_120 = tpu.memref_slice %arg16[%dma_wait3A_119] : memref<10112xf32, #tpu.memory_space<vmem_shared>> -> memref<10112xf32, #tpu.memory_space<vmem_shared>>
      tpu.wait_indirect_dma semaphore(%arg18 : memref<!tpu.dma_semaphore, #tpu.memory_space<semaphore_mem>>) src(%arg10 : memref<128xf32, #tpu.memory_space<vmem>>) dst(%dma_wait3A_120 : memref<10112xf32, #tpu.memory_space<vmem_shared>>)
      %dma_wait3A_121 = arith.constant 0 : i32
      %dma_wait3A_122 = tpu.memref_slice %arg9[%add3A_57, %dma_wait3A_121] : memref<160x128xi32, #tpu.memory_space<vmem>> -> memref<1x128xi32, #tpu.memory_space<vmem>>
      %dma_wait3A_123 = tpu.memref_squeeze %dma_wait3A_122 : memref<1x128xi32, #tpu.memory_space<vmem>> -> memref<128xi32, #tpu.memory_space<vmem>>
      %dma_wait3A_124 = arith.constant 0 : i32
      %dma_wait3A_125 = tpu.memref_slice %arg16[%dma_wait3A_124] : memref<10112xf32, #tpu.memory_space<vmem_shared>> -> memref<10112xf32, #tpu.memory_space<vmem_shared>>
      tpu.wait_indirect_dma semaphore(%arg18 : memref<!tpu.dma_semaphore, #tpu.memory_space<semaphore_mem>>) src(%arg10 : memref<128xf32, #tpu.memory_space<vmem>>) dst(%dma_wait3A_125 : memref<10112xf32, #tpu.memory_space<vmem_shared>>)
      %dma_wait3A_126 = arith.constant 0 : i32
      %dma_wait3A_127 = tpu.memref_slice %arg9[%add3A_66, %dma_wait3A_126] : memref<160x128xi32, #tpu.memory_space<vmem>> -> memref<1x128xi32, #tpu.memory_space<vmem>>
      %dma_wait3A_128 = tpu.memref_squeeze %dma_wait3A_127 : memref<1x128xi32, #tpu.memory_space<vmem>> -> memref<128xi32, #tpu.memory_space<vmem>>
      %dma_wait3A_129 = arith.constant 0 : i32
      %dma_wait3A_130 = tpu.memref_slice %arg16[%dma_wait3A_129] : memref<10112xf32, #tpu.memory_space<vmem_shared>> -> memref<10112xf32, #tpu.memory_space<vmem_shared>>
      tpu.wait_indirect_dma semaphore(%arg18 : memref<!tpu.dma_semaphore, #tpu.memory_space<semaphore_mem>>) src(%arg10 : memref<128xf32, #tpu.memory_space<vmem>>) dst(%dma_wait3A_130 : memref<10112xf32, #tpu.memory_space<vmem_shared>>)
      %dma_wait3A_131 = arith.constant 0 : i32
      %dma_wait3A_132 = tpu.memref_slice %arg9[%add3A_75, %dma_wait3A_131] : memref<160x128xi32, #tpu.memory_space<vmem>> -> memref<1x128xi32, #tpu.memory_space<vmem>>
      %dma_wait3A_133 = tpu.memref_squeeze %dma_wait3A_132 : memref<1x128xi32, #tpu.memory_space<vmem>> -> memref<128xi32, #tpu.memory_space<vmem>>
      %dma_wait3A_134 = arith.constant 0 : i32
      %dma_wait3A_135 = tpu.memref_slice %arg16[%dma_wait3A_134] : memref<10112xf32, #tpu.memory_space<vmem_shared>> -> memref<10112xf32, #tpu.memory_space<vmem_shared>>
      tpu.wait_indirect_dma semaphore(%arg18 : memref<!tpu.dma_semaphore, #tpu.memory_space<semaphore_mem>>) src(%arg10 : memref<128xf32, #tpu.memory_space<vmem>>) dst(%dma_wait3A_135 : memref<10112xf32, #tpu.memory_space<vmem_shared>>)
      %dma_wait3A_136 = arith.constant 0 : i32
      %dma_wait3A_137 = tpu.memref_slice %arg9[%add3A_84, %dma_wait3A_136] : memref<160x128xi32, #tpu.memory_space<vmem>> -> memref<1x128xi32, #tpu.memory_space<vmem>>
      %dma_wait3A_138 = tpu.memref_squeeze %dma_wait3A_137 : memref<1x128xi32, #tpu.memory_space<vmem>> -> memref<128xi32, #tpu.memory_space<vmem>>
      %dma_wait3A_139 = arith.constant 0 : i32
      %dma_wait3A_140 = tpu.memref_slice %arg16[%dma_wait3A_139] : memref<10112xf32, #tpu.memory_space<vmem_shared>> -> memref<10112xf32, #tpu.memory_space<vmem_shared>>
      tpu.wait_indirect_dma semaphore(%arg18 : memref<!tpu.dma_semaphore, #tpu.memory_space<semaphore_mem>>) src(%arg10 : memref<128xf32, #tpu.memory_space<vmem>>) dst(%dma_wait3A_140 : memref<10112xf32, #tpu.memory_space<vmem_shared>>)
      %dma_wait3A_141 = arith.constant 0 : i32
      %dma_wait3A_142 = tpu.memref_slice %arg9[%add3A_93, %dma_wait3A_141] : memref<160x128xi32, #tpu.memory_space<vmem>> -> memref<1x128xi32, #tpu.memory_space<vmem>>
      %dma_wait3A_143 = tpu.memref_squeeze %dma_wait3A_142 : memref<1x128xi32, #tpu.memory_space<vmem>> -> memref<128xi32, #tpu.memory_space<vmem>>
      %dma_wait3A_144 = arith.constant 0 : i32
      %dma_wait3A_145 = tpu.memref_slice %arg16[%dma_wait3A_144] : memref<10112xf32, #tpu.memory_space<vmem_shared>> -> memref<10112xf32, #tpu.memory_space<vmem_shared>>
      tpu.wait_indirect_dma semaphore(%arg18 : memref<!tpu.dma_semaphore, #tpu.memory_space<semaphore_mem>>) src(%arg10 : memref<128xf32, #tpu.memory_space<vmem>>) dst(%dma_wait3A_145 : memref<10112xf32, #tpu.memory_space<vmem_shared>>)
      %dma_wait3A_146 = arith.constant 0 : i32
      %dma_wait3A_147 = tpu.memref_slice %arg9[%add3A_102, %dma_wait3A_146] : memref<160x128xi32, #tpu.memory_space<vmem>> -> memref<1x128xi32, #tpu.memory_space<vmem>>
      %dma_wait3A_148 = tpu.memref_squeeze %dma_wait3A_147 : memref<1x128xi32, #tpu.memory_space<vmem>> -> memref<128xi32, #tpu.memory_space<vmem>>
      %dma_wait3A_149 = arith.constant 0 : i32
      %dma_wait3A_150 = tpu.memref_slice %arg16[%dma_wait3A_149] : memref<10112xf32, #tpu.memory_space<vmem_shared>> -> memref<10112xf32, #tpu.memory_space<vmem_shared>>
      tpu.wait_indirect_dma semaphore(%arg18 : memref<!tpu.dma_semaphore, #tpu.memory_space<semaphore_mem>>) src(%arg10 : memref<128xf32, #tpu.memory_space<vmem>>) dst(%dma_wait3A_150 : memref<10112xf32, #tpu.memory_space<vmem_shared>>)
      %dma_wait3A_151 = arith.constant 0 : i32
      %dma_wait3A_152 = tpu.memref_slice %arg9[%add3A_111, %dma_wait3A_151] : memref<160x128xi32, #tpu.memory_space<vmem>> -> memref<1x128xi32, #tpu.memory_space<vmem>>
      %dma_wait3A_153 = tpu.memref_squeeze %dma_wait3A_152 : memref<1x128xi32, #tpu.memory_space<vmem>> -> memref<128xi32, #tpu.memory_space<vmem>>
      %dma_wait3A_154 = arith.constant 0 : i32
      %dma_wait3A_155 = tpu.memref_slice %arg16[%dma_wait3A_154] : memref<10112xf32, #tpu.memory_space<vmem_shared>> -> memref<10112xf32, #tpu.memory_space<vmem_shared>>
      tpu.wait_indirect_dma semaphore(%arg18 : memref<!tpu.dma_semaphore, #tpu.memory_space<semaphore_mem>>) src(%arg10 : memref<128xf32, #tpu.memory_space<vmem>>) dst(%dma_wait3A_155 : memref<10112xf32, #tpu.memory_space<vmem_shared>>)
    }
    %scan3A_39 = arith.constant 20 : i32
    %eq3A = arith.constant 0 : i32
    %eq3A_40 = arith.cmpi eq, %arg0, %eq3A : i32
    %eq3A_41 = arith.constant 0 : i32
    %eq3A_42 = arith.cmpi eq, %arg1, %eq3A_41 : i32
    %and3A = arith.andi %eq3A_40, %eq3A_42 : i1
    %convert_element_type3A = arith.extui %and3A : i1 to i32
    %cond3A = arith.constant 0 : i32
    %cond3A_43 = arith.cmpi ne, %convert_element_type3A, %cond3A : i32
    scf.if %cond3A_43 {
      "tpu.region"() ({
        %run_scoped3A = tpu.sem_alloc : memref<!tpu.dma_semaphore, #tpu.memory_space<semaphore_mem>>
        %dma_start3A = arith.constant 0 : i32
        %dma_start3A_69 = tpu.memref_slice %arg6[%dma_start3A] : memref<10112xf32, #tpu.memory_space<hbm>> -> memref<32xf32, #tpu.memory_space<hbm>>
        tpu.enqueue_dma source(%dma_start3A_69 : memref<32xf32, #tpu.memory_space<hbm>>) target(%arg17 : memref<32xf32, #tpu.memory_space<vmem_shared>>) target_semaphore(%run_scoped3A : memref<!tpu.dma_semaphore, #tpu.memory_space<semaphore_mem>>)
        %dma_wait3A = arith.constant 0 : i32
        %dma_wait3A_70 = tpu.memref_slice %arg6[%dma_wait3A] : memref<10112xf32, #tpu.memory_space<hbm>> -> memref<32xf32, #tpu.memory_space<hbm>>
        tpu.wait_dma2 semaphore(%run_scoped3A : memref<!tpu.dma_semaphore, #tpu.memory_space<semaphore_mem>>) src(%dma_wait3A_70 : memref<32xf32, #tpu.memory_space<hbm>>) dst(%arg17 : memref<32xf32, #tpu.memory_space<vmem_shared>>)
        tpu.yield
      }) : () -> ()
      "tpu.region"() ({
        %run_scoped3A = tpu.sem_alloc : memref<!tpu.dma_semaphore, #tpu.memory_space<semaphore_mem>>
        tpu.enqueue_dma source(%arg3 : memref<79x128xi32, #tpu.memory_space<hbm>>) target(%arg11 : memref<79x128xi32, #tpu.memory_space<vmem>>) target_semaphore(%run_scoped3A : memref<!tpu.dma_semaphore, #tpu.memory_space<semaphore_mem>>)
        tpu.wait_dma2 semaphore(%run_scoped3A : memref<!tpu.dma_semaphore, #tpu.memory_space<semaphore_mem>>) src(%arg3 : memref<79x128xi32, #tpu.memory_space<hbm>>) dst(%arg11 : memref<79x128xi32, #tpu.memory_space<vmem>>)
        tpu.yield
      }) : () -> ()
      %scan3A_45 = arith.constant 0 : i32
      %scan3A_46 = arith.constant 0 : i32
      %scan3A_47 = arith.constant 79 : i32
      %scan3A_48 = arith.addi %scan3A_46, %scan3A_47 : i32
      %scan3A_49 = arith.constant 1 : i32
      scf.for %scan3A_69 = %scan3A_46 to %scan3A_48 step %scan3A_49  : i32 {
        "tpu.region"() ({
          %run_scoped3A = tpu.sem_alloc : memref<!tpu.dma_semaphore, #tpu.memory_space<semaphore_mem>>
          %dma_start3A = arith.constant 0 : i32
          %dma_start3A_70 = tpu.memref_slice %arg11[%scan3A_69, %dma_start3A] : memref<79x128xi32, #tpu.memory_space<vmem>> -> memref<1x128xi32, #tpu.memory_space<vmem>>
          %dma_start3A_71 = tpu.memref_squeeze %dma_start3A_70 : memref<1x128xi32, #tpu.memory_space<vmem>> -> memref<128xi32, #tpu.memory_space<vmem>>
          %dma_start3A_72 = arith.constant 0 : i32
          %dma_start3A_73 = tpu.memref_slice %arg17[%dma_start3A_72] : memref<32xf32, #tpu.memory_space<vmem_shared>> -> memref<32xf32, #tpu.memory_space<vmem_shared>>
          tpu.enqueue_indirect_dma source(%arg10 : memref<128xf32, #tpu.memory_space<vmem>>) target(%dma_start3A_73 : memref<32xf32, #tpu.memory_space<vmem_shared>>) offsets(%dma_start3A_71 : memref<128xi32, #tpu.memory_space<vmem>>) semaphore(%run_scoped3A : memref<!tpu.dma_semaphore, #tpu.memory_space<semaphore_mem>>) {add = true}
          %dma_wait3A = arith.constant 0 : i32
          %dma_wait3A_74 = tpu.memref_slice %arg11[%scan3A_69, %dma_wait3A] : memref<79x128xi32, #tpu.memory_space<vmem>> -> memref<1x128xi32, #tpu.memory_space<vmem>>
          %dma_wait3A_75 = tpu.memref_squeeze %dma_wait3A_74 : memref<1x128xi32, #tpu.memory_space<vmem>> -> memref<128xi32, #tpu.memory_space<vmem>>
          %dma_wait3A_76 = arith.constant 0 : i32
          %dma_wait3A_77 = tpu.memref_slice %arg17[%dma_wait3A_76] : memref<32xf32, #tpu.memory_space<vmem_shared>> -> memref<32xf32, #tpu.memory_space<vmem_shared>>
          tpu.wait_indirect_dma semaphore(%run_scoped3A : memref<!tpu.dma_semaphore, #tpu.memory_space<semaphore_mem>>) src(%arg10 : memref<128xf32, #tpu.memory_space<vmem>>) dst(%dma_wait3A_77 : memref<32xf32, #tpu.memory_space<vmem_shared>>)
          tpu.yield
        }) : () -> ()
      }
      %scan3A_50 = arith.constant 79 : i32
      "tpu.region"() ({
        %run_scoped3A = tpu.sem_alloc : memref<!tpu.dma_semaphore, #tpu.memory_space<semaphore_mem>>
        tpu.enqueue_dma source(%arg17 : memref<32xf32, #tpu.memory_space<vmem_shared>>) target(%arg14 : memref<32xf32, #tpu.memory_space<vmem>>) target_semaphore(%run_scoped3A : memref<!tpu.dma_semaphore, #tpu.memory_space<semaphore_mem>>)
        tpu.wait_dma2 semaphore(%run_scoped3A : memref<!tpu.dma_semaphore, #tpu.memory_space<semaphore_mem>>) src(%arg17 : memref<32xf32, #tpu.memory_space<vmem_shared>>) dst(%arg14 : memref<32xf32, #tpu.memory_space<vmem>>)
        tpu.yield
      }) : () -> ()
      "tpu.region"() ({
        %run_scoped3A = tpu.sem_alloc : memref<!tpu.dma_semaphore, #tpu.memory_space<semaphore_mem>>
        tpu.enqueue_dma source(%arg4 : memref<10000xi32, #tpu.memory_space<hbm>>) target(%arg12 : memref<10000xi32, #tpu.memory_space<vmem>>) target_semaphore(%run_scoped3A : memref<!tpu.dma_semaphore, #tpu.memory_space<semaphore_mem>>)
        tpu.wait_dma2 semaphore(%run_scoped3A : memref<!tpu.dma_semaphore, #tpu.memory_space<semaphore_mem>>) src(%arg4 : memref<10000xi32, #tpu.memory_space<hbm>>) dst(%arg12 : memref<10000xi32, #tpu.memory_space<vmem>>)
        tpu.yield
      }) : () -> ()
      "tpu.region"() ({
        %run_scoped3A = tpu.sem_alloc : memref<!tpu.dma_semaphore, #tpu.memory_space<semaphore_mem>>
        tpu.enqueue_dma source(%arg5 : memref<16xi32, #tpu.memory_space<hbm>>) target(%arg13 : memref<16xi32, #tpu.memory_space<vmem>>) target_semaphore(%run_scoped3A : memref<!tpu.dma_semaphore, #tpu.memory_space<semaphore_mem>>)
        tpu.wait_dma2 semaphore(%run_scoped3A : memref<!tpu.dma_semaphore, #tpu.memory_space<semaphore_mem>>) src(%arg5 : memref<16xi32, #tpu.memory_space<hbm>>) dst(%arg13 : memref<16xi32, #tpu.memory_space<vmem>>)
        tpu.yield
      }) : () -> ()
      %get3A = arith.constant 0 : index
      %get3A_51 = tpu.vector_load %arg13[%get3A] {strides = array<i32>} : memref<16xi32, #tpu.memory_space<vmem>>, vector<16xi32>,
      %gather3A = tpu.vector_load_idx %arg12[%get3A_51] : memref<10000xi32, #tpu.memory_space<vmem>>[vector<16xi32>], vector<16xi32>,
      %sub3A = arith.constant 1 : i32
      %sub3A_52 = vector.broadcast %sub3A : i32 to vector<16xi32>
      %sub3A_53 = arith.subi %gather3A, %sub3A_52 : vector<16xi32>
      %max3A = arith.constant 0 : i32
      %max3A_54 = vector.broadcast %max3A : i32 to vector<16xi32>
      %max3A_55 = arith.maxsi %sub3A_53, %max3A_54 : vector<16xi32>
      %gather3A_56 = tpu.vector_load_idx %arg14[%max3A_55] : memref<32xf32, #tpu.memory_space<vmem>>[vector<16xi32>], vector<16xf32>,
      %convert_element_type3A_57 = arith.fptosi %gather3A_56 : vector<16xf32> to vector<16xi32>
      %gt3A = arith.constant 0 : i32
      %gt3A_58 = vector.broadcast %gt3A : i32 to vector<16xi32>
      %gt3A_59 = arith.cmpi sgt, %gather3A, %gt3A_58 : vector<16xi32>
      %jit3A = arith.constant 0 : i32
      %broadcast_in_dim3A_60 = vector.broadcast %jit3A : i32 to vector<16xi32>
      %select_n3A = arith.select %gt3A_59, %convert_element_type3A_57, %broadcast_in_dim3A_60 : vector<16xi1>, vector<16xi32>
      %add3A_61 = arith.addi %get3A_51, %select_n3A : vector<16xi32>
      %jit3A_62 = arith.constant 0 : i32
      %jit3A_63 = arith.constant 9999 : i32
      %max3A_64 = vector.broadcast %jit3A_62 : i32 to vector<16xi32>
      %max3A_65 = arith.maxsi %max3A_64, %add3A_61 : vector<16xi32>
      %min3A = vector.broadcast %jit3A_63 : i32 to vector<16xi32>
      %min3A_66 = arith.minsi %min3A, %max3A_65 : vector<16xi32>
      %swap3A_67 = arith.constant 0 : index
      %swap3A_68 = tpu.vector_load %arg15[%swap3A_67] {strides = array<i32>} : memref<16xi32, #tpu.memory_space<vmem>>, vector<16xi32>,
      tpu.vector_store %arg15[%swap3A_67], %min3A_66 {strides = array<i32>} : memref<16xi32, #tpu.memory_space<vmem>>, vector<16xi32>,
      "tpu.region"() ({
        %run_scoped3A = tpu.sem_alloc : memref<!tpu.dma_semaphore, #tpu.memory_space<semaphore_mem>>
        tpu.enqueue_dma source(%arg15 : memref<16xi32, #tpu.memory_space<vmem>>) target(%arg8 : memref<16xi32, #tpu.memory_space<hbm>>) target_semaphore(%run_scoped3A : memref<!tpu.dma_semaphore, #tpu.memory_space<semaphore_mem>>)
        tpu.wait_dma2 semaphore(%run_scoped3A : memref<!tpu.dma_semaphore, #tpu.memory_space<semaphore_mem>>) src(%arg15 : memref<16xi32, #tpu.memory_space<vmem>>) dst(%arg8 : memref<16xi32, #tpu.memory_space<hbm>>)
        tpu.yield
      }) : () -> ()
    } else {
    }
    %barrier3A_44 = arith.constant 0 : index
    tpu.barrier barrier_id(%barrier3A_44)
    "tpu.region"() ({
      %run_scoped3A = tpu.sem_alloc : memref<!tpu.dma_semaphore, #tpu.memory_space<semaphore_mem>>
      %dma_start3A = tpu.memref_slice %arg7[%arg0, %mul3A_2] : memref<2x10112xf32, #tpu.memory_space<hbm>> -> memref<1x632xf32, #tpu.memory_space<hbm>>
      %dma_start3A_45 = tpu.memref_squeeze %dma_start3A : memref<1x632xf32, #tpu.memory_space<hbm>> -> memref<632xf32, #tpu.memory_space<hbm>>
      %dma_start3A_46 = tpu.memref_slice %arg16[%mul3A_2] : memref<10112xf32, #tpu.memory_space<vmem_shared>> -> memref<632xf32, #tpu.memory_space<vmem_shared>>
      tpu.enqueue_dma source(%dma_start3A_46 : memref<632xf32, #tpu.memory_space<vmem_shared>>) target(%dma_start3A_45 : memref<632xf32, #tpu.memory_space<hbm>>) target_semaphore(%run_scoped3A : memref<!tpu.dma_semaphore, #tpu.memory_space<semaphore_mem>>)
      %dma_wait3A = tpu.memref_slice %arg7[%arg0, %mul3A_2] : memref<2x10112xf32, #tpu.memory_space<hbm>> -> memref<1x632xf32, #tpu.memory_space<hbm>>
      %dma_wait3A_47 = tpu.memref_squeeze %dma_wait3A : memref<1x632xf32, #tpu.memory_space<hbm>> -> memref<632xf32, #tpu.memory_space<hbm>>
      %dma_wait3A_48 = tpu.memref_slice %arg16[%mul3A_2] : memref<10112xf32, #tpu.memory_space<vmem_shared>> -> memref<632xf32, #tpu.memory_space<vmem_shared>>
      tpu.wait_dma2 semaphore(%run_scoped3A : memref<!tpu.dma_semaphore, #tpu.memory_space<semaphore_mem>>) src(%dma_wait3A_48 : memref<632xf32, #tpu.memory_space<vmem_shared>>) dst(%dma_wait3A_47 : memref<632xf32, #tpu.memory_space<hbm>>)
      tpu.yield
    }) : () -> ()
    return
  }
}

#map = affine_map<(d0, d1) -> (0, 0)>
#map1 = affine_map<(d0, d1) -> (0)>
#map2 = affine_map<(d0, d1) -> (0, 0, 0)>
module attributes {stable_mosaic.version = 14 : i64} {
  func.func @_edge_agg_masked_kernel(%arg0: i32, %arg1: i32, %arg2: memref<10000x64xf32, #tpu.memory_space<hbm>>, %arg3: memref<655360xi32, #tpu.memory_space<hbm>>, %arg4: memref<655360xi32, #tpu.memory_space<hbm>>, %arg5: memref<10112xi32, #tpu.memory_space<hbm>>, %arg6: memref<10112x64xf32, #tpu.memory_space<hbm>>, %arg7: memref<2x10112x64xf32, #tpu.memory_space<hbm>>, %arg8: memref<10112xi32, #tpu.memory_space<vmem>>, %arg9: memref<20480xi32, #tpu.memory_space<vmem>>, %arg10: memref<20608xi32, #tpu.memory_space<vmem>>, %arg11: memref<2x128xi32, #tpu.memory_space<vmem>>, %arg12: memref<2x128xi32, #tpu.memory_space<vmem>>, %arg13: memref<2x128x64xf32, #tpu.memory_space<vmem>>, %arg14: memref<10112x64xf32, #tpu.memory_space<vmem_shared>>, %arg15: memref<!tpu.dma_semaphore, #tpu.memory_space<semaphore_mem>>, %arg16: memref<!tpu.dma_semaphore, #tpu.memory_space<semaphore_mem>>) attributes {dimension_semantics = [#tpu.dimension_semantics<core_parallel>, #tpu.dimension_semantics<subcore_parallel>], iteration_bounds = array<i64: 2, 16>, scalar_prefetch = 0 : i64, scratch_operands = 9 : i64, tpu.core_type = #tpu.core_type<sc_vector_subcore>, window_params = [{transform_indices = #map}, {transform_indices = #map1}, {transform_indices = #map1}, {transform_indices = #map1}, {transform_indices = #map}, {transform_indices = #map2}]} {
    %mul3A = arith.constant 16 : i32
    %mul3A_0 = arith.muli %arg0, %mul3A : i32
    %add3A = arith.addi %mul3A_0, %arg1 : i32
    %mul3A_1 = arith.constant 632 : i32
    %mul3A_2 = arith.muli %arg1, %mul3A_1 : i32
    "tpu.region"() ({
      %run_scoped3A = tpu.sem_alloc : memref<!tpu.dma_semaphore, #tpu.memory_space<semaphore_mem>>
      %dma_start3A = arith.constant 0 : i32
      %dma_start3A_136 = tpu.memref_slice %arg14[%mul3A_2, %dma_start3A] : memref<10112x64xf32, #tpu.memory_space<vmem_shared>> -> memref<632x64xf32, #tpu.memory_space<vmem_shared>>
      %dma_start3A_137 = arith.constant 0 : i32
      %dma_start3A_138 = tpu.memref_slice %arg6[%mul3A_2, %dma_start3A_137] : memref<10112x64xf32, #tpu.memory_space<hbm>> -> memref<632x64xf32, #tpu.memory_space<hbm>>
      tpu.enqueue_dma source(%dma_start3A_138 : memref<632x64xf32, #tpu.memory_space<hbm>>) target(%dma_start3A_136 : memref<632x64xf32, #tpu.memory_space<vmem_shared>>) target_semaphore(%run_scoped3A : memref<!tpu.dma_semaphore, #tpu.memory_space<semaphore_mem>>)
      %dma_wait3A = arith.constant 0 : i32
      %dma_wait3A_139 = tpu.memref_slice %arg14[%mul3A_2, %dma_wait3A] : memref<10112x64xf32, #tpu.memory_space<vmem_shared>> -> memref<632x64xf32, #tpu.memory_space<vmem_shared>>
      %dma_wait3A_140 = arith.constant 0 : i32
      %dma_wait3A_141 = tpu.memref_slice %arg6[%mul3A_2, %dma_wait3A_140] : memref<10112x64xf32, #tpu.memory_space<hbm>> -> memref<632x64xf32, #tpu.memory_space<hbm>>
      tpu.wait_dma2 semaphore(%run_scoped3A : memref<!tpu.dma_semaphore, #tpu.memory_space<semaphore_mem>>) src(%dma_wait3A_141 : memref<632x64xf32, #tpu.memory_space<hbm>>) dst(%dma_wait3A_139 : memref<632x64xf32, #tpu.memory_space<vmem_shared>>)
      tpu.yield
    }) : () -> ()
    "tpu.region"() ({
      %run_scoped3A = tpu.sem_alloc : memref<!tpu.dma_semaphore, #tpu.memory_space<semaphore_mem>>
      tpu.enqueue_dma source(%arg5 : memref<10112xi32, #tpu.memory_space<hbm>>) target(%arg8 : memref<10112xi32, #tpu.memory_space<vmem>>) target_semaphore(%run_scoped3A : memref<!tpu.dma_semaphore, #tpu.memory_space<semaphore_mem>>)
      tpu.wait_dma2 semaphore(%run_scoped3A : memref<!tpu.dma_semaphore, #tpu.memory_space<semaphore_mem>>) src(%arg5 : memref<10112xi32, #tpu.memory_space<hbm>>) dst(%arg8 : memref<10112xi32, #tpu.memory_space<vmem>>)
      tpu.yield
    }) : () -> ()
    %mul3A_3 = arith.constant 20480 : i32
    %mul3A_4 = arith.muli %add3A, %mul3A_3 : i32
    "tpu.region"() ({
      %run_scoped3A = tpu.sem_alloc : memref<!tpu.dma_semaphore, #tpu.memory_space<semaphore_mem>>
      %dma_start3A = tpu.memref_slice %arg4[%mul3A_4] : memref<655360xi32, #tpu.memory_space<hbm>> -> memref<20480xi32, #tpu.memory_space<hbm>>
      %dma_start3A_136 = tpu.memref_slice %arg4[%mul3A_4] : memref<655360xi32, #tpu.memory_space<hbm>> -> memref<20480xi32, #tpu.memory_space<hbm>>
      tpu.enqueue_dma source(%dma_start3A_136 : memref<20480xi32, #tpu.memory_space<hbm>>) target(%arg9 : memref<20480xi32, #tpu.memory_space<vmem>>) target_semaphore(%run_scoped3A : memref<!tpu.dma_semaphore, #tpu.memory_space<semaphore_mem>>)
      %dma_wait3A = tpu.memref_slice %arg4[%mul3A_4] : memref<655360xi32, #tpu.memory_space<hbm>> -> memref<20480xi32, #tpu.memory_space<hbm>>
      %dma_wait3A_137 = tpu.memref_slice %arg4[%mul3A_4] : memref<655360xi32, #tpu.memory_space<hbm>> -> memref<20480xi32, #tpu.memory_space<hbm>>
      tpu.wait_dma2 semaphore(%run_scoped3A : memref<!tpu.dma_semaphore, #tpu.memory_space<semaphore_mem>>) src(%dma_wait3A_137 : memref<20480xi32, #tpu.memory_space<hbm>>) dst(%arg9 : memref<20480xi32, #tpu.memory_space<vmem>>)
      tpu.yield
    }) : () -> ()
    %barrier3A = arith.constant 0 : index
    tpu.barrier barrier_id(%barrier3A)
    %iota3A = tpu.iota {dimensions = array<i32: 0>} : vector<16xi32>
    %scan3A = arith.constant 0 : i32
    %scan3A_5 = arith.constant 0 : i32
    %scan3A_6 = arith.constant 1280 : i32
    %scan3A_7 = arith.addi %scan3A_5, %scan3A_6 : i32
    %scan3A_8 = arith.constant 1 : i32
    %scan3A_9 = scf.for %scan3A_136 = %scan3A_5 to %scan3A_7 step %scan3A_8 iter_args(%scan3A_137 = %scan3A) -> (i32)  : i32 {
      %mul3A_138 = arith.constant 16 : i32
      %mul3A_139 = arith.muli %scan3A_136, %mul3A_138 : i32
      %get3A = arith.index_cast %mul3A_139 : i32 to index
      %get3A_140 = tpu.vector_load %arg9[%get3A] {strides = array<i32>} : memref<20480xi32, #tpu.memory_space<vmem>>, vector<16xi32>,
      %gather3A = tpu.vector_load_idx %arg8[%get3A_140] : memref<10112xi32, #tpu.memory_space<vmem>>[vector<16xi32>], vector<16xi32>,
      %gt3A = arith.constant 0 : i32
      %gt3A_141 = vector.broadcast %gt3A : i32 to vector<16xi32>
      %gt3A_142 = arith.cmpi sgt, %gather3A, %gt3A_141 : vector<16xi32>
      %mul3A_143 = arith.constant 16 : i32
      %mul3A_144 = arith.muli %scan3A_136, %mul3A_143 : i32
      %add3A_145 = arith.addi %mul3A_4, %mul3A_144 : i32
      %add3A_146 = vector.broadcast %add3A_145 : i32 to vector<16xi32>
      %add3A_147 = arith.addi %add3A_146, %iota3A : vector<16xi32>
      %swap3A_148 = arith.index_cast %scan3A_137 : i32 to index
      %swap3A_149 = tpu.vector_load %arg10[%swap3A_148] masked %gt3A_142 {strides = array<i32>} : memref<20608xi32, #tpu.memory_space<vmem>>, vector<16xi32>, vector<16xi1>
      tpu.vector_store %arg10[%swap3A_148], %add3A_147 masked %gt3A_142 {strides = array<i32>} : memref<20608xi32, #tpu.memory_space<vmem>>, vector<16xi32>, vector<16xi1>
      %all_reduce_population_count3A = tpu.all_reduce %gt3A_142 {dim = 0 : i64, kind = #tpu.reduction_kind<sum>} : vector<16xi1> -> vector<16xi32>
      %slice3A = vector.extract_strided_slice %all_reduce_population_count3A {offsets = [0], sizes = [1], strides = [1]} : vector<16xi32> to vector<1xi32>
      %squeeze3A = vector.extract %slice3A[0] : i32 from vector<1xi32>
      %add3A_150 = arith.addi %scan3A_137, %squeeze3A : i32
      scf.yield %add3A_150 : i32
    }
    %scan3A_10 = arith.constant 1280 : i32
    %mul3A_11 = arith.constant 128 : i32
    %mul3A_12 = arith.muli %add3A, %mul3A_11 : i32
    %add3A_13 = arith.constant 640000 : i32
    %add3A_14 = arith.addi %add3A_13, %mul3A_12 : i32
    %add3A_15 = arith.constant 0 : i32
    %add3A_16 = arith.addi %add3A_14, %add3A_15 : i32
    %add3A_17 = vector.broadcast %add3A_16 : i32 to vector<16xi32>
    %add3A_18 = arith.addi %add3A_17, %iota3A : vector<16xi32>
    %add3A_19 = arith.constant 0 : i32
    %add3A_20 = arith.addi %scan3A_9, %add3A_19 : i32
    %swap3A = arith.index_cast %add3A_20 : i32 to index
    %swap3A_21 = tpu.vector_load %arg10[%swap3A] {strides = array<i32>} : memref<20608xi32, #tpu.memory_space<vmem>>, vector<16xi32>,
    tpu.vector_store %arg10[%swap3A], %add3A_18 {strides = array<i32>} : memref<20608xi32, #tpu.memory_space<vmem>>, vector<16xi32>,
    %mul3A_22 = arith.constant 128 : i32
    %mul3A_23 = arith.muli %add3A, %mul3A_22 : i32
    %add3A_24 = arith.constant 640000 : i32
    %add3A_25 = arith.addi %add3A_24, %mul3A_23 : i32
    %add3A_26 = arith.constant 16 : i32
    %add3A_27 = arith.addi %add3A_25, %add3A_26 : i32
    %add3A_28 = vector.broadcast %add3A_27 : i32 to vector<16xi32>
    %add3A_29 = arith.addi %add3A_28, %iota3A : vector<16xi32>
    %add3A_30 = arith.constant 16 : i32
    %add3A_31 = arith.addi %scan3A_9, %add3A_30 : i32
    %swap3A_32 = arith.index_cast %add3A_31 : i32 to index
    %swap3A_33 = tpu.vector_load %arg10[%swap3A_32] {strides = array<i32>} : memref<20608xi32, #tpu.memory_space<vmem>>, vector<16xi32>,
    tpu.vector_store %arg10[%swap3A_32], %add3A_29 {strides = array<i32>} : memref<20608xi32, #tpu.memory_space<vmem>>, vector<16xi32>,
    %mul3A_34 = arith.constant 128 : i32
    %mul3A_35 = arith.muli %add3A, %mul3A_34 : i32
    %add3A_36 = arith.constant 640000 : i32
    %add3A_37 = arith.addi %add3A_36, %mul3A_35 : i32
    %add3A_38 = arith.constant 32 : i32
    %add3A_39 = arith.addi %add3A_37, %add3A_38 : i32
    %add3A_40 = vector.broadcast %add3A_39 : i32 to vector<16xi32>
    %add3A_41 = arith.addi %add3A_40, %iota3A : vector<16xi32>
    %add3A_42 = arith.constant 32 : i32
    %add3A_43 = arith.addi %scan3A_9, %add3A_42 : i32
    %swap3A_44 = arith.index_cast %add3A_43 : i32 to index
    %swap3A_45 = tpu.vector_load %arg10[%swap3A_44] {strides = array<i32>} : memref<20608xi32, #tpu.memory_space<vmem>>, vector<16xi32>,
    tpu.vector_store %arg10[%swap3A_44], %add3A_41 {strides = array<i32>} : memref<20608xi32, #tpu.memory_space<vmem>>, vector<16xi32>,
    %mul3A_46 = arith.constant 128 : i32
    %mul3A_47 = arith.muli %add3A, %mul3A_46 : i32
    %add3A_48 = arith.constant 640000 : i32
    %add3A_49 = arith.addi %add3A_48, %mul3A_47 : i32
    %add3A_50 = arith.constant 48 : i32
    %add3A_51 = arith.addi %add3A_49, %add3A_50 : i32
    %add3A_52 = vector.broadcast %add3A_51 : i32 to vector<16xi32>
    %add3A_53 = arith.addi %add3A_52, %iota3A : vector<16xi32>
    %add3A_54 = arith.constant 48 : i32
    %add3A_55 = arith.addi %scan3A_9, %add3A_54 : i32
    %swap3A_56 = arith.index_cast %add3A_55 : i32 to index
    %swap3A_57 = tpu.vector_load %arg10[%swap3A_56] {strides = array<i32>} : memref<20608xi32, #tpu.memory_space<vmem>>, vector<16xi32>,
    tpu.vector_store %arg10[%swap3A_56], %add3A_53 {strides = array<i32>} : memref<20608xi32, #tpu.memory_space<vmem>>, vector<16xi32>,
    %mul3A_58 = arith.constant 128 : i32
    %mul3A_59 = arith.muli %add3A, %mul3A_58 : i32
    %add3A_60 = arith.constant 640000 : i32
    %add3A_61 = arith.addi %add3A_60, %mul3A_59 : i32
    %add3A_62 = arith.constant 64 : i32
    %add3A_63 = arith.addi %add3A_61, %add3A_62 : i32
    %add3A_64 = vector.broadcast %add3A_63 : i32 to vector<16xi32>
    %add3A_65 = arith.addi %add3A_64, %iota3A : vector<16xi32>
    %add3A_66 = arith.constant 64 : i32
    %add3A_67 = arith.addi %scan3A_9, %add3A_66 : i32
    %swap3A_68 = arith.index_cast %add3A_67 : i32 to index
    %swap3A_69 = tpu.vector_load %arg10[%swap3A_68] {strides = array<i32>} : memref<20608xi32, #tpu.memory_space<vmem>>, vector<16xi32>,
    tpu.vector_store %arg10[%swap3A_68], %add3A_65 {strides = array<i32>} : memref<20608xi32, #tpu.memory_space<vmem>>, vector<16xi32>,
    %mul3A_70 = arith.constant 128 : i32
    %mul3A_71 = arith.muli %add3A, %mul3A_70 : i32
    %add3A_72 = arith.constant 640000 : i32
    %add3A_73 = arith.addi %add3A_72, %mul3A_71 : i32
    %add3A_74 = arith.constant 80 : i32
    %add3A_75 = arith.addi %add3A_73, %add3A_74 : i32
    %add3A_76 = vector.broadcast %add3A_75 : i32 to vector<16xi32>
    %add3A_77 = arith.addi %add3A_76, %iota3A : vector<16xi32>
    %add3A_78 = arith.constant 80 : i32
    %add3A_79 = arith.addi %scan3A_9, %add3A_78 : i32
    %swap3A_80 = arith.index_cast %add3A_79 : i32 to index
    %swap3A_81 = tpu.vector_load %arg10[%swap3A_80] {strides = array<i32>} : memref<20608xi32, #tpu.memory_space<vmem>>, vector<16xi32>,
    tpu.vector_store %arg10[%swap3A_80], %add3A_77 {strides = array<i32>} : memref<20608xi32, #tpu.memory_space<vmem>>, vector<16xi32>,
    %mul3A_82 = arith.constant 128 : i32
    %mul3A_83 = arith.muli %add3A, %mul3A_82 : i32
    %add3A_84 = arith.constant 640000 : i32
    %add3A_85 = arith.addi %add3A_84, %mul3A_83 : i32
    %add3A_86 = arith.constant 96 : i32
    %add3A_87 = arith.addi %add3A_85, %add3A_86 : i32
    %add3A_88 = vector.broadcast %add3A_87 : i32 to vector<16xi32>
    %add3A_89 = arith.addi %add3A_88, %iota3A : vector<16xi32>
    %add3A_90 = arith.constant 96 : i32
    %add3A_91 = arith.addi %scan3A_9, %add3A_90 : i32
    %swap3A_92 = arith.index_cast %add3A_91 : i32 to index
    %swap3A_93 = tpu.vector_load %arg10[%swap3A_92] {strides = array<i32>} : memref<20608xi32, #tpu.memory_space<vmem>>, vector<16xi32>,
    tpu.vector_store %arg10[%swap3A_92], %add3A_89 {strides = array<i32>} : memref<20608xi32, #tpu.memory_space<vmem>>, vector<16xi32>,
    %mul3A_94 = arith.constant 128 : i32
    %mul3A_95 = arith.muli %add3A, %mul3A_94 : i32
    %add3A_96 = arith.constant 640000 : i32
    %add3A_97 = arith.addi %add3A_96, %mul3A_95 : i32
    %add3A_98 = arith.constant 112 : i32
    %add3A_99 = arith.addi %add3A_97, %add3A_98 : i32
    %add3A_100 = vector.broadcast %add3A_99 : i32 to vector<16xi32>
    %add3A_101 = arith.addi %add3A_100, %iota3A : vector<16xi32>
    %add3A_102 = arith.constant 112 : i32
    %add3A_103 = arith.addi %scan3A_9, %add3A_102 : i32
    %swap3A_104 = arith.index_cast %add3A_103 : i32 to index
    %swap3A_105 = tpu.vector_load %arg10[%swap3A_104] {strides = array<i32>} : memref<20608xi32, #tpu.memory_space<vmem>>, vector<16xi32>,
    tpu.vector_store %arg10[%swap3A_104], %add3A_101 {strides = array<i32>} : memref<20608xi32, #tpu.memory_space<vmem>>, vector<16xi32>,
    %add3A_106 = arith.constant 128 : i32
    %add3A_107 = arith.addi %scan3A_9, %add3A_106 : i32
    %sub3A = arith.constant 1 : i32
    %sub3A_108 = arith.subi %add3A_107, %sub3A : i32
    %jit3A = arith.constant 128 : i32
    %div3A = arith.divsi %sub3A_108, %jit3A : i32
    %sign3A = arith.constant 0 : i32
    %sign3A_109 = arith.cmpi sgt, %sub3A_108, %sign3A : i32
    %sign3A_110 = arith.extui %sign3A_109 : i1 to i32
    %sign3A_111 = arith.constant 0 : i32
    %sign3A_112 = arith.cmpi slt, %sub3A_108, %sign3A_111 : i32
    %sign3A_113 = arith.extui %sign3A_112 : i1 to i32
    %sign3A_114 = arith.subi %sign3A_110, %sign3A_113 : i32
    %sign3A_115 = arith.constant 0 : i32
    %sign3A_116 = arith.cmpi sgt, %jit3A, %sign3A_115 : i32
    %sign3A_117 = arith.extui %sign3A_116 : i1 to i32
    %sign3A_118 = arith.constant 0 : i32
    %sign3A_119 = arith.cmpi slt, %jit3A, %sign3A_118 : i32
    %sign3A_120 = arith.extui %sign3A_119 : i1 to i32
    %sign3A_121 = arith.subi %sign3A_117, %sign3A_120 : i32
    %ne3A = arith.cmpi ne, %sign3A_114, %sign3A_121 : i32
    %rem3A = arith.remsi %sub3A_108, %jit3A : i32
    %ne3A_122 = arith.constant 0 : i32
    %ne3A_123 = arith.cmpi ne, %rem3A, %ne3A_122 : i32
    %and3A = arith.andi %ne3A, %ne3A_123 : i1
    %sub3A_124 = arith.constant 1 : i32
    %sub3A_125 = arith.subi %div3A, %sub3A_124 : i32
    %select_n3A = arith.select %and3A, %sub3A_125, %div3A : i32
    %while3A = arith.constant 0 : i32
    %while3A_126 = arith.constant 0 : i32
    %while3A_127 = arith.subi %select_n3A, %while3A_126 : i32
    %while3A_128 = arith.addi %while3A_126, %while3A_127 : i32
    %while3A_129 = arith.constant 1 : i32
    %while3A_130 = arith.divsi %while3A_127, %while3A_129 : i32
    %while3A_131 = arith.muli %while3A_130, %while3A_129 : i32
    %while3A_132 = arith.addi %while3A_126, %while3A_131 : i32
    %while3A_133 = arith.constant 1 : i32
    scf.for %while3A_136 = %while3A_126 to %while3A_132 step %while3A_133  : i32 {
      %rem3A_137 = arith.constant 2 : i32
      %rem3A_138 = arith.remsi %while3A_136, %rem3A_137 : i32
      %mul3A_139 = arith.constant 128 : i32
      %mul3A_140 = arith.muli %while3A_136, %mul3A_139 : i32
      %dma_start3A = arith.constant 0 : i32
      %dma_start3A_141 = tpu.memref_slice %arg11[%rem3A_138, %dma_start3A] : memref<2x128xi32, #tpu.memory_space<vmem>> -> memref<1x128xi32, #tpu.memory_space<vmem>>
      %dma_start3A_142 = tpu.memref_squeeze %dma_start3A_141 : memref<1x128xi32, #tpu.memory_space<vmem>> -> memref<128xi32, #tpu.memory_space<vmem>>
      %dma_start3A_143 = tpu.memref_slice %arg10[%mul3A_140] : memref<20608xi32, #tpu.memory_space<vmem>> -> memref<128xi32, #tpu.memory_space<vmem>>
      %dma_start3A_144 = arith.constant 0 : i32
      %dma_start3A_145 = tpu.memref_slice %arg3[%dma_start3A_144] : memref<655360xi32, #tpu.memory_space<hbm>> -> memref<655360xi32, #tpu.memory_space<hbm>>
      tpu.enqueue_indirect_dma source(%dma_start3A_145 : memref<655360xi32, #tpu.memory_space<hbm>>) target(%dma_start3A_142 : memref<128xi32, #tpu.memory_space<vmem>>) offsets(%dma_start3A_143 : memref<128xi32, #tpu.memory_space<vmem>>) semaphore(%arg15 : memref<!tpu.dma_semaphore, #tpu.memory_space<semaphore_mem>>)
      %dma_wait3A = arith.constant 0 : i32
      %dma_wait3A_146 = tpu.memref_slice %arg11[%rem3A_138, %dma_wait3A] : memref<2x128xi32, #tpu.memory_space<vmem>> -> memref<1x128xi32, #tpu.memory_space<vmem>>
      %dma_wait3A_147 = tpu.memref_squeeze %dma_wait3A_146 : memref<1x128xi32, #tpu.memory_space<vmem>> -> memref<128xi32, #tpu.memory_space<vmem>>
      %dma_wait3A_148 = tpu.memref_slice %arg10[%mul3A_140] : memref<20608xi32, #tpu.memory_space<vmem>> -> memref<128xi32, #tpu.memory_space<vmem>>
      %dma_wait3A_149 = arith.constant 0 : i32
      %dma_wait3A_150 = tpu.memref_slice %arg3[%dma_wait3A_149] : memref<655360xi32, #tpu.memory_space<hbm>> -> memref<655360xi32, #tpu.memory_space<hbm>>
      tpu.wait_indirect_dma semaphore(%arg15 : memref<!tpu.dma_semaphore, #tpu.memory_space<semaphore_mem>>) src(%dma_wait3A_150 : memref<655360xi32, #tpu.memory_space<hbm>>) dst(%dma_wait3A_147 : memref<128xi32, #tpu.memory_space<vmem>>)
      %dma_start3A_151 = arith.constant 0 : i32
      %dma_start3A_152 = tpu.memref_slice %arg12[%rem3A_138, %dma_start3A_151] : memref<2x128xi32, #tpu.memory_space<vmem>> -> memref<1x128xi32, #tpu.memory_space<vmem>>
      %dma_start3A_153 = tpu.memref_squeeze %dma_start3A_152 : memref<1x128xi32, #tpu.memory_space<vmem>> -> memref<128xi32, #tpu.memory_space<vmem>>
      %dma_start3A_154 = tpu.memref_slice %arg10[%mul3A_140] : memref<20608xi32, #tpu.memory_space<vmem>> -> memref<128xi32, #tpu.memory_space<vmem>>
      %dma_start3A_155 = arith.constant 0 : i32
      %dma_start3A_156 = tpu.memref_slice %arg4[%dma_start3A_155] : memref<655360xi32, #tpu.memory_space<hbm>> -> memref<655360xi32, #tpu.memory_space<hbm>>
      tpu.enqueue_indirect_dma source(%dma_start3A_156 : memref<655360xi32, #tpu.memory_space<hbm>>) target(%dma_start3A_153 : memref<128xi32, #tpu.memory_space<vmem>>) offsets(%dma_start3A_154 : memref<128xi32, #tpu.memory_space<vmem>>) semaphore(%arg15 : memref<!tpu.dma_semaphore, #tpu.memory_space<semaphore_mem>>)
      %dma_wait3A_157 = arith.constant 0 : i32
      %dma_wait3A_158 = tpu.memref_slice %arg12[%rem3A_138, %dma_wait3A_157] : memref<2x128xi32, #tpu.memory_space<vmem>> -> memref<1x128xi32, #tpu.memory_space<vmem>>
      %dma_wait3A_159 = tpu.memref_squeeze %dma_wait3A_158 : memref<1x128xi32, #tpu.memory_space<vmem>> -> memref<128xi32, #tpu.memory_space<vmem>>
      %dma_wait3A_160 = tpu.memref_slice %arg10[%mul3A_140] : memref<20608xi32, #tpu.memory_space<vmem>> -> memref<128xi32, #tpu.memory_space<vmem>>
      %dma_wait3A_161 = arith.constant 0 : i32
      %dma_wait3A_162 = tpu.memref_slice %arg4[%dma_wait3A_161] : memref<655360xi32, #tpu.memory_space<hbm>> -> memref<655360xi32, #tpu.memory_space<hbm>>
      tpu.wait_indirect_dma semaphore(%arg15 : memref<!tpu.dma_semaphore, #tpu.memory_space<semaphore_mem>>) src(%dma_wait3A_162 : memref<655360xi32, #tpu.memory_space<hbm>>) dst(%dma_wait3A_159 : memref<128xi32, #tpu.memory_space<vmem>>)
      %dma_start3A_163 = arith.constant 0 : i32
      %dma_start3A_164 = arith.constant 0 : i32
      %dma_start3A_165 = tpu.memref_slice %arg13[%rem3A_138, %dma_start3A_163, %dma_start3A_164] : memref<2x128x64xf32, #tpu.memory_space<vmem>> -> memref<1x128x64xf32, #tpu.memory_space<vmem>>
      %dma_start3A_166 = tpu.memref_squeeze %dma_start3A_165 : memref<1x128x64xf32, #tpu.memory_space<vmem>> -> memref<128x64xf32, #tpu.memory_space<vmem>>
      %dma_start3A_167 = arith.constant 0 : i32
      %dma_start3A_168 = tpu.memref_slice %arg11[%rem3A_138, %dma_start3A_167] : memref<2x128xi32, #tpu.memory_space<vmem>> -> memref<1x128xi32, #tpu.memory_space<vmem>>
      %dma_start3A_169 = tpu.memref_squeeze %dma_start3A_168 : memref<1x128xi32, #tpu.memory_space<vmem>> -> memref<128xi32, #tpu.memory_space<vmem>>
      %dma_start3A_170 = arith.constant 0 : i32
      %dma_start3A_171 = arith.constant 0 : i32
      %dma_start3A_172 = tpu.memref_slice %arg2[%dma_start3A_170, %dma_start3A_171] : memref<10000x64xf32, #tpu.memory_space<hbm>> -> memref<10000x64xf32, #tpu.memory_space<hbm>>
      tpu.enqueue_indirect_dma source(%dma_start3A_172 : memref<10000x64xf32, #tpu.memory_space<hbm>>) target(%dma_start3A_166 : memref<128x64xf32, #tpu.memory_space<vmem>>) offsets(%dma_start3A_169 : memref<128xi32, #tpu.memory_space<vmem>>) semaphore(%arg15 : memref<!tpu.dma_semaphore, #tpu.memory_space<semaphore_mem>>)
      %dma_wait3A_173 = arith.constant 0 : i32
      %dma_wait3A_174 = arith.constant 0 : i32
      %dma_wait3A_175 = tpu.memref_slice %arg13[%rem3A_138, %dma_wait3A_173, %dma_wait3A_174] : memref<2x128x64xf32, #tpu.memory_space<vmem>> -> memref<1x128x64xf32, #tpu.memory_space<vmem>>
      %dma_wait3A_176 = tpu.memref_squeeze %dma_wait3A_175 : memref<1x128x64xf32, #tpu.memory_space<vmem>> -> memref<128x64xf32, #tpu.memory_space<vmem>>
      %dma_wait3A_177 = arith.constant 0 : i32
      %dma_wait3A_178 = tpu.memref_slice %arg11[%rem3A_138, %dma_wait3A_177] : memref<2x128xi32, #tpu.memory_space<vmem>> -> memref<1x128xi32, #tpu.memory_space<vmem>>
      %dma_wait3A_179 = tpu.memref_squeeze %dma_wait3A_178 : memref<1x128xi32, #tpu.memory_space<vmem>> -> memref<128xi32, #tpu.memory_space<vmem>>
      %dma_wait3A_180 = arith.constant 0 : i32
      %dma_wait3A_181 = arith.constant 0 : i32
      %dma_wait3A_182 = tpu.memref_slice %arg2[%dma_wait3A_180, %dma_wait3A_181] : memref<10000x64xf32, #tpu.memory_space<hbm>> -> memref<10000x64xf32, #tpu.memory_space<hbm>>
      tpu.wait_indirect_dma semaphore(%arg15 : memref<!tpu.dma_semaphore, #tpu.memory_space<semaphore_mem>>) src(%dma_wait3A_182 : memref<10000x64xf32, #tpu.memory_space<hbm>>) dst(%dma_wait3A_176 : memref<128x64xf32, #tpu.memory_space<vmem>>)
      %dma_start3A_183 = arith.constant 0 : i32
      %dma_start3A_184 = arith.constant 0 : i32
      %dma_start3A_185 = tpu.memref_slice %arg13[%rem3A_138, %dma_start3A_183, %dma_start3A_184] : memref<2x128x64xf32, #tpu.memory_space<vmem>> -> memref<1x128x64xf32, #tpu.memory_space<vmem>>
      %dma_start3A_186 = tpu.memref_squeeze %dma_start3A_185 : memref<1x128x64xf32, #tpu.memory_space<vmem>> -> memref<128x64xf32, #tpu.memory_space<vmem>>
      %dma_start3A_187 = arith.constant 0 : i32
      %dma_start3A_188 = tpu.memref_slice %arg12[%rem3A_138, %dma_start3A_187] : memref<2x128xi32, #tpu.memory_space<vmem>> -> memref<1x128xi32, #tpu.memory_space<vmem>>
      %dma_start3A_189 = tpu.memref_squeeze %dma_start3A_188 : memref<1x128xi32, #tpu.memory_space<vmem>> -> memref<128xi32, #tpu.memory_space<vmem>>
      %dma_start3A_190 = arith.constant 0 : i32
      %dma_start3A_191 = arith.constant 0 : i32
      %dma_start3A_192 = tpu.memref_slice %arg14[%dma_start3A_190, %dma_start3A_191] : memref<10112x64xf32, #tpu.memory_space<vmem_shared>> -> memref<10112x64xf32, #tpu.memory_space<vmem_shared>>
      tpu.enqueue_indirect_dma source(%dma_start3A_186 : memref<128x64xf32, #tpu.memory_space<vmem>>) target(%dma_start3A_192 : memref<10112x64xf32, #tpu.memory_space<vmem_shared>>) offsets(%dma_start3A_189 : memref<128xi32, #tpu.memory_space<vmem>>) semaphore(%arg16 : memref<!tpu.dma_semaphore, #tpu.memory_space<semaphore_mem>>) {add = true}
      %dma_wait3A_193 = arith.constant 0 : i32
      %dma_wait3A_194 = arith.constant 0 : i32
      %dma_wait3A_195 = tpu.memref_slice %arg13[%rem3A_138, %dma_wait3A_193, %dma_wait3A_194] : memref<2x128x64xf32, #tpu.memory_space<vmem>> -> memref<1x128x64xf32, #tpu.memory_space<vmem>>
      %dma_wait3A_196 = tpu.memref_squeeze %dma_wait3A_195 : memref<1x128x64xf32, #tpu.memory_space<vmem>> -> memref<128x64xf32, #tpu.memory_space<vmem>>
      %dma_wait3A_197 = arith.constant 0 : i32
      %dma_wait3A_198 = tpu.memref_slice %arg12[%rem3A_138, %dma_wait3A_197] : memref<2x128xi32, #tpu.memory_space<vmem>> -> memref<1x128xi32, #tpu.memory_space<vmem>>
      %dma_wait3A_199 = tpu.memref_squeeze %dma_wait3A_198 : memref<1x128xi32, #tpu.memory_space<vmem>> -> memref<128xi32, #tpu.memory_space<vmem>>
      %dma_wait3A_200 = arith.constant 0 : i32
      %dma_wait3A_201 = arith.constant 0 : i32
      %dma_wait3A_202 = tpu.memref_slice %arg14[%dma_wait3A_200, %dma_wait3A_201] : memref<10112x64xf32, #tpu.memory_space<vmem_shared>> -> memref<10112x64xf32, #tpu.memory_space<vmem_shared>>
      tpu.wait_indirect_dma semaphore(%arg16 : memref<!tpu.dma_semaphore, #tpu.memory_space<semaphore_mem>>) src(%dma_wait3A_196 : memref<128x64xf32, #tpu.memory_space<vmem>>) dst(%dma_wait3A_202 : memref<10112x64xf32, #tpu.memory_space<vmem_shared>>)
    }
    %while3A_134 = arith.constant 1 : i32
    scf.for %while3A_136 = %while3A_132 to %while3A_128 step %while3A_134  : i32 {
      %rem3A_137 = arith.constant 2 : i32
      %rem3A_138 = arith.remsi %while3A_136, %rem3A_137 : i32
      %mul3A_139 = arith.constant 128 : i32
      %mul3A_140 = arith.muli %while3A_136, %mul3A_139 : i32
      %dma_start3A = arith.constant 0 : i32
      %dma_start3A_141 = tpu.memref_slice %arg11[%rem3A_138, %dma_start3A] : memref<2x128xi32, #tpu.memory_space<vmem>> -> memref<1x128xi32, #tpu.memory_space<vmem>>
      %dma_start3A_142 = tpu.memref_squeeze %dma_start3A_141 : memref<1x128xi32, #tpu.memory_space<vmem>> -> memref<128xi32, #tpu.memory_space<vmem>>
      %dma_start3A_143 = tpu.memref_slice %arg10[%mul3A_140] : memref<20608xi32, #tpu.memory_space<vmem>> -> memref<128xi32, #tpu.memory_space<vmem>>
      %dma_start3A_144 = arith.constant 0 : i32
      %dma_start3A_145 = tpu.memref_slice %arg3[%dma_start3A_144] : memref<655360xi32, #tpu.memory_space<hbm>> -> memref<655360xi32, #tpu.memory_space<hbm>>
      tpu.enqueue_indirect_dma source(%dma_start3A_145 : memref<655360xi32, #tpu.memory_space<hbm>>) target(%dma_start3A_142 : memref<128xi32, #tpu.memory_space<vmem>>) offsets(%dma_start3A_143 : memref<128xi32, #tpu.memory_space<vmem>>) semaphore(%arg15 : memref<!tpu.dma_semaphore, #tpu.memory_space<semaphore_mem>>)
      %dma_wait3A = arith.constant 0 : i32
      %dma_wait3A_146 = tpu.memref_slice %arg11[%rem3A_138, %dma_wait3A] : memref<2x128xi32, #tpu.memory_space<vmem>> -> memref<1x128xi32, #tpu.memory_space<vmem>>
      %dma_wait3A_147 = tpu.memref_squeeze %dma_wait3A_146 : memref<1x128xi32, #tpu.memory_space<vmem>> -> memref<128xi32, #tpu.memory_space<vmem>>
      %dma_wait3A_148 = tpu.memref_slice %arg10[%mul3A_140] : memref<20608xi32, #tpu.memory_space<vmem>> -> memref<128xi32, #tpu.memory_space<vmem>>
      %dma_wait3A_149 = arith.constant 0 : i32
      %dma_wait3A_150 = tpu.memref_slice %arg3[%dma_wait3A_149] : memref<655360xi32, #tpu.memory_space<hbm>> -> memref<655360xi32, #tpu.memory_space<hbm>>
      tpu.wait_indirect_dma semaphore(%arg15 : memref<!tpu.dma_semaphore, #tpu.memory_space<semaphore_mem>>) src(%dma_wait3A_150 : memref<655360xi32, #tpu.memory_space<hbm>>) dst(%dma_wait3A_147 : memref<128xi32, #tpu.memory_space<vmem>>)
      %dma_start3A_151 = arith.constant 0 : i32
      %dma_start3A_152 = tpu.memref_slice %arg12[%rem3A_138, %dma_start3A_151] : memref<2x128xi32, #tpu.memory_space<vmem>> -> memref<1x128xi32, #tpu.memory_space<vmem>>
      %dma_start3A_153 = tpu.memref_squeeze %dma_start3A_152 : memref<1x128xi32, #tpu.memory_space<vmem>> -> memref<128xi32, #tpu.memory_space<vmem>>
      %dma_start3A_154 = tpu.memref_slice %arg10[%mul3A_140] : memref<20608xi32, #tpu.memory_space<vmem>> -> memref<128xi32, #tpu.memory_space<vmem>>
      %dma_start3A_155 = arith.constant 0 : i32
      %dma_start3A_156 = tpu.memref_slice %arg4[%dma_start3A_155] : memref<655360xi32, #tpu.memory_space<hbm>> -> memref<655360xi32, #tpu.memory_space<hbm>>
      tpu.enqueue_indirect_dma source(%dma_start3A_156 : memref<655360xi32, #tpu.memory_space<hbm>>) target(%dma_start3A_153 : memref<128xi32, #tpu.memory_space<vmem>>) offsets(%dma_start3A_154 : memref<128xi32, #tpu.memory_space<vmem>>) semaphore(%arg15 : memref<!tpu.dma_semaphore, #tpu.memory_space<semaphore_mem>>)
      %dma_wait3A_157 = arith.constant 0 : i32
      %dma_wait3A_158 = tpu.memref_slice %arg12[%rem3A_138, %dma_wait3A_157] : memref<2x128xi32, #tpu.memory_space<vmem>> -> memref<1x128xi32, #tpu.memory_space<vmem>>
      %dma_wait3A_159 = tpu.memref_squeeze %dma_wait3A_158 : memref<1x128xi32, #tpu.memory_space<vmem>> -> memref<128xi32, #tpu.memory_space<vmem>>
      %dma_wait3A_160 = tpu.memref_slice %arg10[%mul3A_140] : memref<20608xi32, #tpu.memory_space<vmem>> -> memref<128xi32, #tpu.memory_space<vmem>>
      %dma_wait3A_161 = arith.constant 0 : i32
      %dma_wait3A_162 = tpu.memref_slice %arg4[%dma_wait3A_161] : memref<655360xi32, #tpu.memory_space<hbm>> -> memref<655360xi32, #tpu.memory_space<hbm>>
      tpu.wait_indirect_dma semaphore(%arg15 : memref<!tpu.dma_semaphore, #tpu.memory_space<semaphore_mem>>) src(%dma_wait3A_162 : memref<655360xi32, #tpu.memory_space<hbm>>) dst(%dma_wait3A_159 : memref<128xi32, #tpu.memory_space<vmem>>)
      %dma_start3A_163 = arith.constant 0 : i32
      %dma_start3A_164 = arith.constant 0 : i32
      %dma_start3A_165 = tpu.memref_slice %arg13[%rem3A_138, %dma_start3A_163, %dma_start3A_164] : memref<2x128x64xf32, #tpu.memory_space<vmem>> -> memref<1x128x64xf32, #tpu.memory_space<vmem>>
      %dma_start3A_166 = tpu.memref_squeeze %dma_start3A_165 : memref<1x128x64xf32, #tpu.memory_space<vmem>> -> memref<128x64xf32, #tpu.memory_space<vmem>>
      %dma_start3A_167 = arith.constant 0 : i32
      %dma_start3A_168 = tpu.memref_slice %arg11[%rem3A_138, %dma_start3A_167] : memref<2x128xi32, #tpu.memory_space<vmem>> -> memref<1x128xi32, #tpu.memory_space<vmem>>
      %dma_start3A_169 = tpu.memref_squeeze %dma_start3A_168 : memref<1x128xi32, #tpu.memory_space<vmem>> -> memref<128xi32, #tpu.memory_space<vmem>>
      %dma_start3A_170 = arith.constant 0 : i32
      %dma_start3A_171 = arith.constant 0 : i32
      %dma_start3A_172 = tpu.memref_slice %arg2[%dma_start3A_170, %dma_start3A_171] : memref<10000x64xf32, #tpu.memory_space<hbm>> -> memref<10000x64xf32, #tpu.memory_space<hbm>>
      tpu.enqueue_indirect_dma source(%dma_start3A_172 : memref<10000x64xf32, #tpu.memory_space<hbm>>) target(%dma_start3A_166 : memref<128x64xf32, #tpu.memory_space<vmem>>) offsets(%dma_start3A_169 : memref<128xi32, #tpu.memory_space<vmem>>) semaphore(%arg15 : memref<!tpu.dma_semaphore, #tpu.memory_space<semaphore_mem>>)
      %dma_wait3A_173 = arith.constant 0 : i32
      %dma_wait3A_174 = arith.constant 0 : i32
      %dma_wait3A_175 = tpu.memref_slice %arg13[%rem3A_138, %dma_wait3A_173, %dma_wait3A_174] : memref<2x128x64xf32, #tpu.memory_space<vmem>> -> memref<1x128x64xf32, #tpu.memory_space<vmem>>
      %dma_wait3A_176 = tpu.memref_squeeze %dma_wait3A_175 : memref<1x128x64xf32, #tpu.memory_space<vmem>> -> memref<128x64xf32, #tpu.memory_space<vmem>>
      %dma_wait3A_177 = arith.constant 0 : i32
      %dma_wait3A_178 = tpu.memref_slice %arg11[%rem3A_138, %dma_wait3A_177] : memref<2x128xi32, #tpu.memory_space<vmem>> -> memref<1x128xi32, #tpu.memory_space<vmem>>
      %dma_wait3A_179 = tpu.memref_squeeze %dma_wait3A_178 : memref<1x128xi32, #tpu.memory_space<vmem>> -> memref<128xi32, #tpu.memory_space<vmem>>
      %dma_wait3A_180 = arith.constant 0 : i32
      %dma_wait3A_181 = arith.constant 0 : i32
      %dma_wait3A_182 = tpu.memref_slice %arg2[%dma_wait3A_180, %dma_wait3A_181] : memref<10000x64xf32, #tpu.memory_space<hbm>> -> memref<10000x64xf32, #tpu.memory_space<hbm>>
      tpu.wait_indirect_dma semaphore(%arg15 : memref<!tpu.dma_semaphore, #tpu.memory_space<semaphore_mem>>) src(%dma_wait3A_182 : memref<10000x64xf32, #tpu.memory_space<hbm>>) dst(%dma_wait3A_176 : memref<128x64xf32, #tpu.memory_space<vmem>>)
      %dma_start3A_183 = arith.constant 0 : i32
      %dma_start3A_184 = arith.constant 0 : i32
      %dma_start3A_185 = tpu.memref_slice %arg13[%rem3A_138, %dma_start3A_183, %dma_start3A_184] : memref<2x128x64xf32, #tpu.memory_space<vmem>> -> memref<1x128x64xf32, #tpu.memory_space<vmem>>
      %dma_start3A_186 = tpu.memref_squeeze %dma_start3A_185 : memref<1x128x64xf32, #tpu.memory_space<vmem>> -> memref<128x64xf32, #tpu.memory_space<vmem>>
      %dma_start3A_187 = arith.constant 0 : i32
      %dma_start3A_188 = tpu.memref_slice %arg12[%rem3A_138, %dma_start3A_187] : memref<2x128xi32, #tpu.memory_space<vmem>> -> memref<1x128xi32, #tpu.memory_space<vmem>>
      %dma_start3A_189 = tpu.memref_squeeze %dma_start3A_188 : memref<1x128xi32, #tpu.memory_space<vmem>> -> memref<128xi32, #tpu.memory_space<vmem>>
      %dma_start3A_190 = arith.constant 0 : i32
      %dma_start3A_191 = arith.constant 0 : i32
      %dma_start3A_192 = tpu.memref_slice %arg14[%dma_start3A_190, %dma_start3A_191] : memref<10112x64xf32, #tpu.memory_space<vmem_shared>> -> memref<10112x64xf32, #tpu.memory_space<vmem_shared>>
      tpu.enqueue_indirect_dma source(%dma_start3A_186 : memref<128x64xf32, #tpu.memory_space<vmem>>) target(%dma_start3A_192 : memref<10112x64xf32, #tpu.memory_space<vmem_shared>>) offsets(%dma_start3A_189 : memref<128xi32, #tpu.memory_space<vmem>>) semaphore(%arg16 : memref<!tpu.dma_semaphore, #tpu.memory_space<semaphore_mem>>) {add = true}
      %dma_wait3A_193 = arith.constant 0 : i32
      %dma_wait3A_194 = arith.constant 0 : i32
      %dma_wait3A_195 = tpu.memref_slice %arg13[%rem3A_138, %dma_wait3A_193, %dma_wait3A_194] : memref<2x128x64xf32, #tpu.memory_space<vmem>> -> memref<1x128x64xf32, #tpu.memory_space<vmem>>
      %dma_wait3A_196 = tpu.memref_squeeze %dma_wait3A_195 : memref<1x128x64xf32, #tpu.memory_space<vmem>> -> memref<128x64xf32, #tpu.memory_space<vmem>>
      %dma_wait3A_197 = arith.constant 0 : i32
      %dma_wait3A_198 = tpu.memref_slice %arg12[%rem3A_138, %dma_wait3A_197] : memref<2x128xi32, #tpu.memory_space<vmem>> -> memref<1x128xi32, #tpu.memory_space<vmem>>
      %dma_wait3A_199 = tpu.memref_squeeze %dma_wait3A_198 : memref<1x128xi32, #tpu.memory_space<vmem>> -> memref<128xi32, #tpu.memory_space<vmem>>
      %dma_wait3A_200 = arith.constant 0 : i32
      %dma_wait3A_201 = arith.constant 0 : i32
      %dma_wait3A_202 = tpu.memref_slice %arg14[%dma_wait3A_200, %dma_wait3A_201] : memref<10112x64xf32, #tpu.memory_space<vmem_shared>> -> memref<10112x64xf32, #tpu.memory_space<vmem_shared>>
      tpu.wait_indirect_dma semaphore(%arg16 : memref<!tpu.dma_semaphore, #tpu.memory_space<semaphore_mem>>) src(%dma_wait3A_196 : memref<128x64xf32, #tpu.memory_space<vmem>>) dst(%dma_wait3A_202 : memref<10112x64xf32, #tpu.memory_space<vmem_shared>>)
    }
    %barrier3A_135 = arith.constant 0 : index
    tpu.barrier barrier_id(%barrier3A_135)
    "tpu.region"() ({
      %run_scoped3A = tpu.sem_alloc : memref<!tpu.dma_semaphore, #tpu.memory_space<semaphore_mem>>
      %dma_start3A = arith.constant 0 : i32
      %dma_start3A_136 = tpu.memref_slice %arg7[%arg0, %mul3A_2, %dma_start3A] : memref<2x10112x64xf32, #tpu.memory_space<hbm>> -> memref<1x632x64xf32, #tpu.memory_space<hbm>>
      %dma_start3A_137 = tpu.memref_squeeze %dma_start3A_136 : memref<1x632x64xf32, #tpu.memory_space<hbm>> -> memref<632x64xf32, #tpu.memory_space<hbm>>
      %dma_start3A_138 = arith.constant 0 : i32
      %dma_start3A_139 = tpu.memref_slice %arg14[%mul3A_2, %dma_start3A_138] : memref<10112x64xf32, #tpu.memory_space<vmem_shared>> -> memref<632x64xf32, #tpu.memory_space<vmem_shared>>
      tpu.enqueue_dma source(%dma_start3A_139 : memref<632x64xf32, #tpu.memory_space<vmem_shared>>) target(%dma_start3A_137 : memref<632x64xf32, #tpu.memory_space<hbm>>) target_semaphore(%run_scoped3A : memref<!tpu.dma_semaphore, #tpu.memory_space<semaphore_mem>>)
      %dma_wait3A = arith.constant 0 : i32
      %dma_wait3A_140 = tpu.memref_slice %arg7[%arg0, %mul3A_2, %dma_wait3A] : memref<2x10112x64xf32, #tpu.memory_space<hbm>> -> memref<1x632x64xf32, #tpu.memory_space<hbm>>
      %dma_wait3A_141 = tpu.memref_squeeze %dma_wait3A_140 : memref<1x632x64xf32, #tpu.memory_space<hbm>> -> memref<632x64xf32, #tpu.memory_space<hbm>>
      %dma_wait3A_142 = arith.constant 0 : i32
      %dma_wait3A_143 = tpu.memref_slice %arg14[%mul3A_2, %dma_wait3A_142] : memref<10112x64xf32, #tpu.memory_space<vmem_shared>> -> memref<632x64xf32, #tpu.memory_space<vmem_shared>>
      tpu.wait_dma2 semaphore(%run_scoped3A : memref<!tpu.dma_semaphore, #tpu.memory_space<semaphore_mem>>) src(%dma_wait3A_143 : memref<632x64xf32, #tpu.memory_space<vmem_shared>>) dst(%dma_wait3A_141 : memref<632x64xf32, #tpu.memory_space<hbm>>)
      tpu.yield
    }) : () -> ()
    return
  }
}

#map = affine_map<(d0, d1) -> (0)>
#map1 = affine_map<(d0, d1) -> (0, 0)>
module attributes {stable_mosaic.version = 14 : i64} {
  func.func @_scan_kernel(%arg0: i32, %arg1: i32, %arg2: memref<655360xi32, #tpu.memory_space<hbm>>, %arg3: memref<655360xi32, #tpu.memory_space<hbm>>, %arg4: memref<10112xi32, #tpu.memory_space<hbm>>, %arg5: memref<10112xf32, #tpu.memory_space<hbm>>, %arg6: memref<16xi32, #tpu.memory_space<hbm>>, %arg7: memref<32x20480xi32, #tpu.memory_space<hbm>>, %arg8: memref<32x16xi32, #tpu.memory_space<hbm>>, %arg9: memref<2x10112xf32, #tpu.memory_space<hbm>>, %arg10: memref<10112xi32, #tpu.memory_space<vmem>>, %arg11: memref<20480xi32, #tpu.memory_space<vmem>>, %arg12: memref<20608xi32, #tpu.memory_space<vmem>>, %arg13: memref<16xi32, #tpu.memory_space<vmem>>, %arg14: memref<16xi32, #tpu.memory_space<vmem>>, %arg15: memref<128xi32, #tpu.memory_space<vmem>>, %arg16: memref<128xf32, #tpu.memory_space<vmem>>, %arg17: memref<10112xf32, #tpu.memory_space<vmem_shared>>, %arg18: memref<!tpu.dma_semaphore, #tpu.memory_space<semaphore_mem>>) attributes {dimension_semantics = [#tpu.dimension_semantics<core_parallel>, #tpu.dimension_semantics<subcore_parallel>], iteration_bounds = array<i64: 2, 16>, scalar_prefetch = 0 : i64, scratch_operands = 9 : i64, tpu.core_type = #tpu.core_type<sc_vector_subcore>, window_params = [{transform_indices = #map}, {transform_indices = #map}, {transform_indices = #map}, {transform_indices = #map}, {transform_indices = #map}, {transform_indices = #map1}, {transform_indices = #map1}, {transform_indices = #map1}]} {
    %mul3A = arith.constant 16 : i32
    %mul3A_0 = arith.muli %arg0, %mul3A : i32
    %add3A = arith.addi %mul3A_0, %arg1 : i32
    %mul3A_1 = arith.constant 632 : i32
    %mul3A_2 = arith.muli %arg1, %mul3A_1 : i32
    "tpu.region"() ({
      %run_scoped3A = tpu.sem_alloc : memref<!tpu.dma_semaphore, #tpu.memory_space<semaphore_mem>>
      %dma_start3A = tpu.memref_slice %arg17[%mul3A_2] : memref<10112xf32, #tpu.memory_space<vmem_shared>> -> memref<632xf32, #tpu.memory_space<vmem_shared>>
      %dma_start3A_178 = tpu.memref_slice %arg5[%mul3A_2] : memref<10112xf32, #tpu.memory_space<hbm>> -> memref<632xf32, #tpu.memory_space<hbm>>
      tpu.enqueue_dma source(%dma_start3A_178 : memref<632xf32, #tpu.memory_space<hbm>>) target(%dma_start3A : memref<632xf32, #tpu.memory_space<vmem_shared>>) target_semaphore(%run_scoped3A : memref<!tpu.dma_semaphore, #tpu.memory_space<semaphore_mem>>)
      %dma_wait3A = tpu.memref_slice %arg17[%mul3A_2] : memref<10112xf32, #tpu.memory_space<vmem_shared>> -> memref<632xf32, #tpu.memory_space<vmem_shared>>
      %dma_wait3A_179 = tpu.memref_slice %arg5[%mul3A_2] : memref<10112xf32, #tpu.memory_space<hbm>> -> memref<632xf32, #tpu.memory_space<hbm>>
      tpu.wait_dma2 semaphore(%run_scoped3A : memref<!tpu.dma_semaphore, #tpu.memory_space<semaphore_mem>>) src(%dma_wait3A_179 : memref<632xf32, #tpu.memory_space<hbm>>) dst(%dma_wait3A : memref<632xf32, #tpu.memory_space<vmem_shared>>)
      tpu.yield
    }) : () -> ()
    %broadcast_in_dim3A = arith.constant 1.000000e+00 : f32
    %broadcast_in_dim3A_3 = vector.broadcast %broadcast_in_dim3A : f32 to vector<16xf32>
    %swap3A = arith.constant 0 : index
    %swap3A_4 = tpu.vector_load %arg16[%swap3A] {strides = array<i32>} : memref<128xf32, #tpu.memory_space<vmem>>, vector<16xf32>,
    tpu.vector_store %arg16[%swap3A], %broadcast_in_dim3A_3 {strides = array<i32>} : memref<128xf32, #tpu.memory_space<vmem>>, vector<16xf32>,
    %broadcast_in_dim3A_5 = arith.constant 1.000000e+00 : f32
    %broadcast_in_dim3A_6 = vector.broadcast %broadcast_in_dim3A_5 : f32 to vector<16xf32>
    %swap3A_7 = arith.constant 16 : index
    %swap3A_8 = tpu.vector_load %arg16[%swap3A_7] {strides = array<i32>} : memref<128xf32, #tpu.memory_space<vmem>>, vector<16xf32>,
    tpu.vector_store %arg16[%swap3A_7], %broadcast_in_dim3A_6 {strides = array<i32>} : memref<128xf32, #tpu.memory_space<vmem>>, vector<16xf32>,
    %broadcast_in_dim3A_9 = arith.constant 1.000000e+00 : f32
    %broadcast_in_dim3A_10 = vector.broadcast %broadcast_in_dim3A_9 : f32 to vector<16xf32>
    %swap3A_11 = arith.constant 32 : index
    %swap3A_12 = tpu.vector_load %arg16[%swap3A_11] {strides = array<i32>} : memref<128xf32, #tpu.memory_space<vmem>>, vector<16xf32>,
    tpu.vector_store %arg16[%swap3A_11], %broadcast_in_dim3A_10 {strides = array<i32>} : memref<128xf32, #tpu.memory_space<vmem>>, vector<16xf32>,
    %broadcast_in_dim3A_13 = arith.constant 1.000000e+00 : f32
    %broadcast_in_dim3A_14 = vector.broadcast %broadcast_in_dim3A_13 : f32 to vector<16xf32>
    %swap3A_15 = arith.constant 48 : index
    %swap3A_16 = tpu.vector_load %arg16[%swap3A_15] {strides = array<i32>} : memref<128xf32, #tpu.memory_space<vmem>>, vector<16xf32>,
    tpu.vector_store %arg16[%swap3A_15], %broadcast_in_dim3A_14 {strides = array<i32>} : memref<128xf32, #tpu.memory_space<vmem>>, vector<16xf32>,
    %broadcast_in_dim3A_17 = arith.constant 1.000000e+00 : f32
    %broadcast_in_dim3A_18 = vector.broadcast %broadcast_in_dim3A_17 : f32 to vector<16xf32>
    %swap3A_19 = arith.constant 64 : index
    %swap3A_20 = tpu.vector_load %arg16[%swap3A_19] {strides = array<i32>} : memref<128xf32, #tpu.memory_space<vmem>>, vector<16xf32>,
    tpu.vector_store %arg16[%swap3A_19], %broadcast_in_dim3A_18 {strides = array<i32>} : memref<128xf32, #tpu.memory_space<vmem>>, vector<16xf32>,
    %broadcast_in_dim3A_21 = arith.constant 1.000000e+00 : f32
    %broadcast_in_dim3A_22 = vector.broadcast %broadcast_in_dim3A_21 : f32 to vector<16xf32>
    %swap3A_23 = arith.constant 80 : index
    %swap3A_24 = tpu.vector_load %arg16[%swap3A_23] {strides = array<i32>} : memref<128xf32, #tpu.memory_space<vmem>>, vector<16xf32>,
    tpu.vector_store %arg16[%swap3A_23], %broadcast_in_dim3A_22 {strides = array<i32>} : memref<128xf32, #tpu.memory_space<vmem>>, vector<16xf32>,
    %broadcast_in_dim3A_25 = arith.constant 1.000000e+00 : f32
    %broadcast_in_dim3A_26 = vector.broadcast %broadcast_in_dim3A_25 : f32 to vector<16xf32>
    %swap3A_27 = arith.constant 96 : index
    %swap3A_28 = tpu.vector_load %arg16[%swap3A_27] {strides = array<i32>} : memref<128xf32, #tpu.memory_space<vmem>>, vector<16xf32>,
    tpu.vector_store %arg16[%swap3A_27], %broadcast_in_dim3A_26 {strides = array<i32>} : memref<128xf32, #tpu.memory_space<vmem>>, vector<16xf32>,
    %broadcast_in_dim3A_29 = arith.constant 1.000000e+00 : f32
    %broadcast_in_dim3A_30 = vector.broadcast %broadcast_in_dim3A_29 : f32 to vector<16xf32>
    %swap3A_31 = arith.constant 112 : index
    %swap3A_32 = tpu.vector_load %arg16[%swap3A_31] {strides = array<i32>} : memref<128xf32, #tpu.memory_space<vmem>>, vector<16xf32>,
    tpu.vector_store %arg16[%swap3A_31], %broadcast_in_dim3A_30 {strides = array<i32>} : memref<128xf32, #tpu.memory_space<vmem>>, vector<16xf32>,
    "tpu.region"() ({
      %run_scoped3A = tpu.sem_alloc : memref<!tpu.dma_semaphore, #tpu.memory_space<semaphore_mem>>
      tpu.enqueue_dma source(%arg4 : memref<10112xi32, #tpu.memory_space<hbm>>) target(%arg10 : memref<10112xi32, #tpu.memory_space<vmem>>) target_semaphore(%run_scoped3A : memref<!tpu.dma_semaphore, #tpu.memory_space<semaphore_mem>>)
      tpu.wait_dma2 semaphore(%run_scoped3A : memref<!tpu.dma_semaphore, #tpu.memory_space<semaphore_mem>>) src(%arg4 : memref<10112xi32, #tpu.memory_space<hbm>>) dst(%arg10 : memref<10112xi32, #tpu.memory_space<vmem>>)
      tpu.yield
    }) : () -> ()
    "tpu.region"() ({
      %run_scoped3A = tpu.sem_alloc : memref<!tpu.dma_semaphore, #tpu.memory_space<semaphore_mem>>
      tpu.enqueue_dma source(%arg6 : memref<16xi32, #tpu.memory_space<hbm>>) target(%arg13 : memref<16xi32, #tpu.memory_space<vmem>>) target_semaphore(%run_scoped3A : memref<!tpu.dma_semaphore, #tpu.memory_space<semaphore_mem>>)
      tpu.wait_dma2 semaphore(%run_scoped3A : memref<!tpu.dma_semaphore, #tpu.memory_space<semaphore_mem>>) src(%arg6 : memref<16xi32, #tpu.memory_space<hbm>>) dst(%arg13 : memref<16xi32, #tpu.memory_space<vmem>>)
      tpu.yield
    }) : () -> ()
    %get3A = arith.constant 0 : index
    %get3A_33 = tpu.vector_load %arg13[%get3A] {strides = array<i32>} : memref<16xi32, #tpu.memory_space<vmem>>, vector<16xi32>,
    %broadcast_in_dim3A_34 = arith.constant 1 : i32
    %broadcast_in_dim3A_35 = vector.broadcast %broadcast_in_dim3A_34 : i32 to vector<16xi32>
    tpu.vector_store_idx %arg10[%get3A_33], %broadcast_in_dim3A_35 : memref<10112xi32, #tpu.memory_space<vmem>>[vector<16xi32>], vector<16xi32>,
    %barrier3A = arith.constant 0 : index
    tpu.barrier barrier_id(%barrier3A)
    %eq3A = arith.constant 0 : i32
    %eq3A_36 = arith.cmpi eq, %arg0, %eq3A : i32
    %eq3A_37 = arith.constant 0 : i32
    %eq3A_38 = arith.cmpi eq, %arg1, %eq3A_37 : i32
    %and3A = arith.andi %eq3A_36, %eq3A_38 : i1
    %convert_element_type3A = arith.extui %and3A : i1 to i32
    %cond3A = arith.constant 0 : i32
    %cond3A_39 = arith.cmpi ne, %convert_element_type3A, %cond3A : i32
    scf.if %cond3A_39 {
      "tpu.region"() ({
        %run_scoped3A = tpu.sem_alloc : memref<!tpu.dma_semaphore, #tpu.memory_space<semaphore_mem>>
        %dma_start3A = arith.constant 0 : i32
        %dma_start3A_178 = tpu.memref_slice %arg16[%dma_start3A] : memref<128xf32, #tpu.memory_space<vmem>> -> memref<16xf32, #tpu.memory_space<vmem>>
        %dma_start3A_179 = arith.constant 0 : i32
        %dma_start3A_180 = tpu.memref_slice %arg17[%dma_start3A_179] : memref<10112xf32, #tpu.memory_space<vmem_shared>> -> memref<10112xf32, #tpu.memory_space<vmem_shared>>
        tpu.enqueue_indirect_dma source(%dma_start3A_178 : memref<16xf32, #tpu.memory_space<vmem>>) target(%dma_start3A_180 : memref<10112xf32, #tpu.memory_space<vmem_shared>>) offsets(%arg13 : memref<16xi32, #tpu.memory_space<vmem>>) semaphore(%run_scoped3A : memref<!tpu.dma_semaphore, #tpu.memory_space<semaphore_mem>>) {add = true}
        %dma_wait3A = arith.constant 0 : i32
        %dma_wait3A_181 = tpu.memref_slice %arg16[%dma_wait3A] : memref<128xf32, #tpu.memory_space<vmem>> -> memref<16xf32, #tpu.memory_space<vmem>>
        %dma_wait3A_182 = arith.constant 0 : i32
        %dma_wait3A_183 = tpu.memref_slice %arg17[%dma_wait3A_182] : memref<10112xf32, #tpu.memory_space<vmem_shared>> -> memref<10112xf32, #tpu.memory_space<vmem_shared>>
        tpu.wait_indirect_dma semaphore(%run_scoped3A : memref<!tpu.dma_semaphore, #tpu.memory_space<semaphore_mem>>) src(%dma_wait3A_181 : memref<16xf32, #tpu.memory_space<vmem>>) dst(%dma_wait3A_183 : memref<10112xf32, #tpu.memory_space<vmem_shared>>)
        tpu.yield
      }) : () -> ()
    } else {
    }
    %mul3A_40 = arith.constant 20480 : i32
    %mul3A_41 = arith.muli %add3A, %mul3A_40 : i32
    "tpu.region"() ({
      %run_scoped3A = tpu.sem_alloc : memref<!tpu.dma_semaphore, #tpu.memory_space<semaphore_mem>>
      %dma_start3A = tpu.memref_slice %arg3[%mul3A_41] : memref<655360xi32, #tpu.memory_space<hbm>> -> memref<20480xi32, #tpu.memory_space<hbm>>
      %dma_start3A_178 = tpu.memref_slice %arg3[%mul3A_41] : memref<655360xi32, #tpu.memory_space<hbm>> -> memref<20480xi32, #tpu.memory_space<hbm>>
      tpu.enqueue_dma source(%dma_start3A_178 : memref<20480xi32, #tpu.memory_space<hbm>>) target(%arg11 : memref<20480xi32, #tpu.memory_space<vmem>>) target_semaphore(%run_scoped3A : memref<!tpu.dma_semaphore, #tpu.memory_space<semaphore_mem>>)
      %dma_wait3A = tpu.memref_slice %arg3[%mul3A_41] : memref<655360xi32, #tpu.memory_space<hbm>> -> memref<20480xi32, #tpu.memory_space<hbm>>
      %dma_wait3A_179 = tpu.memref_slice %arg3[%mul3A_41] : memref<655360xi32, #tpu.memory_space<hbm>> -> memref<20480xi32, #tpu.memory_space<hbm>>
      tpu.wait_dma2 semaphore(%run_scoped3A : memref<!tpu.dma_semaphore, #tpu.memory_space<semaphore_mem>>) src(%dma_wait3A_179 : memref<20480xi32, #tpu.memory_space<hbm>>) dst(%arg11 : memref<20480xi32, #tpu.memory_space<vmem>>)
      tpu.yield
    }) : () -> ()
    %iota3A = tpu.iota {dimensions = array<i32: 0>} : vector<16xi32>
    %scan3A = arith.constant 0 : i32
    %scan3A_42 = arith.constant 0 : i32
    %scan3A_43 = arith.constant 1280 : i32
    %scan3A_44 = arith.addi %scan3A_42, %scan3A_43 : i32
    %scan3A_45 = arith.constant 1 : i32
    %scan3A_46 = scf.for %scan3A_178 = %scan3A_42 to %scan3A_44 step %scan3A_45 iter_args(%scan3A_179 = %scan3A) -> (i32)  : i32 {
      %mul3A_180 = arith.constant 16 : i32
      %mul3A_181 = arith.muli %scan3A_178, %mul3A_180 : i32
      %get3A_182 = arith.index_cast %mul3A_181 : i32 to index
      %get3A_183 = tpu.vector_load %arg11[%get3A_182] {strides = array<i32>} : memref<20480xi32, #tpu.memory_space<vmem>>, vector<16xi32>,
      %gather3A = tpu.vector_load_idx %arg10[%get3A_183] : memref<10112xi32, #tpu.memory_space<vmem>>[vector<16xi32>], vector<16xi32>,
      %gt3A = arith.constant 0 : i32
      %gt3A_184 = vector.broadcast %gt3A : i32 to vector<16xi32>
      %gt3A_185 = arith.cmpi sgt, %gather3A, %gt3A_184 : vector<16xi32>
      %mul3A_186 = arith.constant 16 : i32
      %mul3A_187 = arith.muli %scan3A_178, %mul3A_186 : i32
      %add3A_188 = arith.addi %mul3A_41, %mul3A_187 : i32
      %add3A_189 = vector.broadcast %add3A_188 : i32 to vector<16xi32>
      %add3A_190 = arith.addi %add3A_189, %iota3A : vector<16xi32>
      %swap3A_191 = arith.index_cast %scan3A_179 : i32 to index
      %swap3A_192 = tpu.vector_load %arg12[%swap3A_191] masked %gt3A_185 {strides = array<i32>} : memref<20608xi32, #tpu.memory_space<vmem>>, vector<16xi32>, vector<16xi1>
      tpu.vector_store %arg12[%swap3A_191], %add3A_190 masked %gt3A_185 {strides = array<i32>} : memref<20608xi32, #tpu.memory_space<vmem>>, vector<16xi32>, vector<16xi1>
      %all_reduce_population_count3A = tpu.all_reduce %gt3A_185 {dim = 0 : i64, kind = #tpu.reduction_kind<sum>} : vector<16xi1> -> vector<16xi32>
      %slice3A = vector.extract_strided_slice %all_reduce_population_count3A {offsets = [0], sizes = [1], strides = [1]} : vector<16xi32> to vector<1xi32>
      %squeeze3A = vector.extract %slice3A[0] : i32 from vector<1xi32>
      %add3A_193 = arith.addi %scan3A_179, %squeeze3A : i32
      scf.yield %add3A_193 : i32
    }
    %scan3A_47 = arith.constant 1280 : i32
    %mul3A_48 = arith.constant 128 : i32
    %mul3A_49 = arith.muli %add3A, %mul3A_48 : i32
    %add3A_50 = arith.constant 640000 : i32
    %add3A_51 = arith.addi %add3A_50, %mul3A_49 : i32
    %add3A_52 = arith.constant 0 : i32
    %add3A_53 = arith.addi %add3A_51, %add3A_52 : i32
    %add3A_54 = vector.broadcast %add3A_53 : i32 to vector<16xi32>
    %add3A_55 = arith.addi %add3A_54, %iota3A : vector<16xi32>
    %add3A_56 = arith.constant 0 : i32
    %add3A_57 = arith.addi %scan3A_46, %add3A_56 : i32
    %swap3A_58 = arith.index_cast %add3A_57 : i32 to index
    %swap3A_59 = tpu.vector_load %arg12[%swap3A_58] {strides = array<i32>} : memref<20608xi32, #tpu.memory_space<vmem>>, vector<16xi32>,
    tpu.vector_store %arg12[%swap3A_58], %add3A_55 {strides = array<i32>} : memref<20608xi32, #tpu.memory_space<vmem>>, vector<16xi32>,
    %mul3A_60 = arith.constant 128 : i32
    %mul3A_61 = arith.muli %add3A, %mul3A_60 : i32
    %add3A_62 = arith.constant 640000 : i32
    %add3A_63 = arith.addi %add3A_62, %mul3A_61 : i32
    %add3A_64 = arith.constant 16 : i32
    %add3A_65 = arith.addi %add3A_63, %add3A_64 : i32
    %add3A_66 = vector.broadcast %add3A_65 : i32 to vector<16xi32>
    %add3A_67 = arith.addi %add3A_66, %iota3A : vector<16xi32>
    %add3A_68 = arith.constant 16 : i32
    %add3A_69 = arith.addi %scan3A_46, %add3A_68 : i32
    %swap3A_70 = arith.index_cast %add3A_69 : i32 to index
    %swap3A_71 = tpu.vector_load %arg12[%swap3A_70] {strides = array<i32>} : memref<20608xi32, #tpu.memory_space<vmem>>, vector<16xi32>,
    tpu.vector_store %arg12[%swap3A_70], %add3A_67 {strides = array<i32>} : memref<20608xi32, #tpu.memory_space<vmem>>, vector<16xi32>,
    %mul3A_72 = arith.constant 128 : i32
    %mul3A_73 = arith.muli %add3A, %mul3A_72 : i32
    %add3A_74 = arith.constant 640000 : i32
    %add3A_75 = arith.addi %add3A_74, %mul3A_73 : i32
    %add3A_76 = arith.constant 32 : i32
    %add3A_77 = arith.addi %add3A_75, %add3A_76 : i32
    %add3A_78 = vector.broadcast %add3A_77 : i32 to vector<16xi32>
    %add3A_79 = arith.addi %add3A_78, %iota3A : vector<16xi32>
    %add3A_80 = arith.constant 32 : i32
    %add3A_81 = arith.addi %scan3A_46, %add3A_80 : i32
    %swap3A_82 = arith.index_cast %add3A_81 : i32 to index
    %swap3A_83 = tpu.vector_load %arg12[%swap3A_82] {strides = array<i32>} : memref<20608xi32, #tpu.memory_space<vmem>>, vector<16xi32>,
    tpu.vector_store %arg12[%swap3A_82], %add3A_79 {strides = array<i32>} : memref<20608xi32, #tpu.memory_space<vmem>>, vector<16xi32>,
    %mul3A_84 = arith.constant 128 : i32
    %mul3A_85 = arith.muli %add3A, %mul3A_84 : i32
    %add3A_86 = arith.constant 640000 : i32
    %add3A_87 = arith.addi %add3A_86, %mul3A_85 : i32
    %add3A_88 = arith.constant 48 : i32
    %add3A_89 = arith.addi %add3A_87, %add3A_88 : i32
    %add3A_90 = vector.broadcast %add3A_89 : i32 to vector<16xi32>
    %add3A_91 = arith.addi %add3A_90, %iota3A : vector<16xi32>
    %add3A_92 = arith.constant 48 : i32
    %add3A_93 = arith.addi %scan3A_46, %add3A_92 : i32
    %swap3A_94 = arith.index_cast %add3A_93 : i32 to index
    %swap3A_95 = tpu.vector_load %arg12[%swap3A_94] {strides = array<i32>} : memref<20608xi32, #tpu.memory_space<vmem>>, vector<16xi32>,
    tpu.vector_store %arg12[%swap3A_94], %add3A_91 {strides = array<i32>} : memref<20608xi32, #tpu.memory_space<vmem>>, vector<16xi32>,
    %mul3A_96 = arith.constant 128 : i32
    %mul3A_97 = arith.muli %add3A, %mul3A_96 : i32
    %add3A_98 = arith.constant 640000 : i32
    %add3A_99 = arith.addi %add3A_98, %mul3A_97 : i32
    %add3A_100 = arith.constant 64 : i32
    %add3A_101 = arith.addi %add3A_99, %add3A_100 : i32
    %add3A_102 = vector.broadcast %add3A_101 : i32 to vector<16xi32>
    %add3A_103 = arith.addi %add3A_102, %iota3A : vector<16xi32>
    %add3A_104 = arith.constant 64 : i32
    %add3A_105 = arith.addi %scan3A_46, %add3A_104 : i32
    %swap3A_106 = arith.index_cast %add3A_105 : i32 to index
    %swap3A_107 = tpu.vector_load %arg12[%swap3A_106] {strides = array<i32>} : memref<20608xi32, #tpu.memory_space<vmem>>, vector<16xi32>,
    tpu.vector_store %arg12[%swap3A_106], %add3A_103 {strides = array<i32>} : memref<20608xi32, #tpu.memory_space<vmem>>, vector<16xi32>,
    %mul3A_108 = arith.constant 128 : i32
    %mul3A_109 = arith.muli %add3A, %mul3A_108 : i32
    %add3A_110 = arith.constant 640000 : i32
    %add3A_111 = arith.addi %add3A_110, %mul3A_109 : i32
    %add3A_112 = arith.constant 80 : i32
    %add3A_113 = arith.addi %add3A_111, %add3A_112 : i32
    %add3A_114 = vector.broadcast %add3A_113 : i32 to vector<16xi32>
    %add3A_115 = arith.addi %add3A_114, %iota3A : vector<16xi32>
    %add3A_116 = arith.constant 80 : i32
    %add3A_117 = arith.addi %scan3A_46, %add3A_116 : i32
    %swap3A_118 = arith.index_cast %add3A_117 : i32 to index
    %swap3A_119 = tpu.vector_load %arg12[%swap3A_118] {strides = array<i32>} : memref<20608xi32, #tpu.memory_space<vmem>>, vector<16xi32>,
    tpu.vector_store %arg12[%swap3A_118], %add3A_115 {strides = array<i32>} : memref<20608xi32, #tpu.memory_space<vmem>>, vector<16xi32>,
    %mul3A_120 = arith.constant 128 : i32
    %mul3A_121 = arith.muli %add3A, %mul3A_120 : i32
    %add3A_122 = arith.constant 640000 : i32
    %add3A_123 = arith.addi %add3A_122, %mul3A_121 : i32
    %add3A_124 = arith.constant 96 : i32
    %add3A_125 = arith.addi %add3A_123, %add3A_124 : i32
    %add3A_126 = vector.broadcast %add3A_125 : i32 to vector<16xi32>
    %add3A_127 = arith.addi %add3A_126, %iota3A : vector<16xi32>
    %add3A_128 = arith.constant 96 : i32
    %add3A_129 = arith.addi %scan3A_46, %add3A_128 : i32
    %swap3A_130 = arith.index_cast %add3A_129 : i32 to index
    %swap3A_131 = tpu.vector_load %arg12[%swap3A_130] {strides = array<i32>} : memref<20608xi32, #tpu.memory_space<vmem>>, vector<16xi32>,
    tpu.vector_store %arg12[%swap3A_130], %add3A_127 {strides = array<i32>} : memref<20608xi32, #tpu.memory_space<vmem>>, vector<16xi32>,
    %mul3A_132 = arith.constant 128 : i32
    %mul3A_133 = arith.muli %add3A, %mul3A_132 : i32
    %add3A_134 = arith.constant 640000 : i32
    %add3A_135 = arith.addi %add3A_134, %mul3A_133 : i32
    %add3A_136 = arith.constant 112 : i32
    %add3A_137 = arith.addi %add3A_135, %add3A_136 : i32
    %add3A_138 = vector.broadcast %add3A_137 : i32 to vector<16xi32>
    %add3A_139 = arith.addi %add3A_138, %iota3A : vector<16xi32>
    %add3A_140 = arith.constant 112 : i32
    %add3A_141 = arith.addi %scan3A_46, %add3A_140 : i32
    %swap3A_142 = arith.index_cast %add3A_141 : i32 to index
    %swap3A_143 = tpu.vector_load %arg12[%swap3A_142] {strides = array<i32>} : memref<20608xi32, #tpu.memory_space<vmem>>, vector<16xi32>,
    tpu.vector_store %arg12[%swap3A_142], %add3A_139 {strides = array<i32>} : memref<20608xi32, #tpu.memory_space<vmem>>, vector<16xi32>,
    %add3A_144 = arith.constant 128 : i32
    %add3A_145 = arith.addi %scan3A_46, %add3A_144 : i32
    %sub3A = arith.constant 1 : i32
    %sub3A_146 = arith.subi %add3A_145, %sub3A : i32
    %jit3A = arith.constant 128 : i32
    %div3A = arith.divsi %sub3A_146, %jit3A : i32
    %sign3A = arith.constant 0 : i32
    %sign3A_147 = arith.cmpi sgt, %sub3A_146, %sign3A : i32
    %sign3A_148 = arith.extui %sign3A_147 : i1 to i32
    %sign3A_149 = arith.constant 0 : i32
    %sign3A_150 = arith.cmpi slt, %sub3A_146, %sign3A_149 : i32
    %sign3A_151 = arith.extui %sign3A_150 : i1 to i32
    %sign3A_152 = arith.subi %sign3A_148, %sign3A_151 : i32
    %sign3A_153 = arith.constant 0 : i32
    %sign3A_154 = arith.cmpi sgt, %jit3A, %sign3A_153 : i32
    %sign3A_155 = arith.extui %sign3A_154 : i1 to i32
    %sign3A_156 = arith.constant 0 : i32
    %sign3A_157 = arith.cmpi slt, %jit3A, %sign3A_156 : i32
    %sign3A_158 = arith.extui %sign3A_157 : i1 to i32
    %sign3A_159 = arith.subi %sign3A_155, %sign3A_158 : i32
    %ne3A = arith.cmpi ne, %sign3A_152, %sign3A_159 : i32
    %rem3A = arith.remsi %sub3A_146, %jit3A : i32
    %ne3A_160 = arith.constant 0 : i32
    %ne3A_161 = arith.cmpi ne, %rem3A, %ne3A_160 : i32
    %and3A_162 = arith.andi %ne3A, %ne3A_161 : i1
    %sub3A_163 = arith.constant 1 : i32
    %sub3A_164 = arith.subi %div3A, %sub3A_163 : i32
    %select_n3A = arith.select %and3A_162, %sub3A_164, %div3A : i32
    %while3A = arith.constant 0 : i32
    %while3A_165 = arith.constant 0 : i32
    %while3A_166 = arith.subi %select_n3A, %while3A_165 : i32
    %while3A_167 = arith.addi %while3A_165, %while3A_166 : i32
    %while3A_168 = arith.constant 1 : i32
    %while3A_169 = arith.divsi %while3A_166, %while3A_168 : i32
    %while3A_170 = arith.muli %while3A_169, %while3A_168 : i32
    %while3A_171 = arith.addi %while3A_165, %while3A_170 : i32
    %while3A_172 = arith.constant 1 : i32
    scf.for %while3A_178 = %while3A_165 to %while3A_171 step %while3A_172  : i32 {
      %mul3A_179 = arith.constant 128 : i32
      %mul3A_180 = arith.muli %while3A_178, %mul3A_179 : i32
      %dma_start3A = tpu.memref_slice %arg12[%mul3A_180] : memref<20608xi32, #tpu.memory_space<vmem>> -> memref<128xi32, #tpu.memory_space<vmem>>
      %dma_start3A_181 = arith.constant 0 : i32
      %dma_start3A_182 = tpu.memref_slice %arg2[%dma_start3A_181] : memref<655360xi32, #tpu.memory_space<hbm>> -> memref<655360xi32, #tpu.memory_space<hbm>>
      tpu.enqueue_indirect_dma source(%dma_start3A_182 : memref<655360xi32, #tpu.memory_space<hbm>>) target(%arg15 : memref<128xi32, #tpu.memory_space<vmem>>) offsets(%dma_start3A : memref<128xi32, #tpu.memory_space<vmem>>) semaphore(%arg18 : memref<!tpu.dma_semaphore, #tpu.memory_space<semaphore_mem>>)
      %dma_wait3A = tpu.memref_slice %arg12[%mul3A_180] : memref<20608xi32, #tpu.memory_space<vmem>> -> memref<128xi32, #tpu.memory_space<vmem>>
      %dma_wait3A_183 = arith.constant 0 : i32
      %dma_wait3A_184 = tpu.memref_slice %arg2[%dma_wait3A_183] : memref<655360xi32, #tpu.memory_space<hbm>> -> memref<655360xi32, #tpu.memory_space<hbm>>
      tpu.wait_indirect_dma semaphore(%arg18 : memref<!tpu.dma_semaphore, #tpu.memory_space<semaphore_mem>>) src(%dma_wait3A_184 : memref<655360xi32, #tpu.memory_space<hbm>>) dst(%arg15 : memref<128xi32, #tpu.memory_space<vmem>>)
      "tpu.region"() ({
        %run_scoped3A = tpu.sem_alloc : memref<!tpu.dma_semaphore, #tpu.memory_space<semaphore_mem>>
        %dma_start3A_187 = arith.constant 0 : i32
        %dma_start3A_188 = tpu.memref_slice %arg17[%dma_start3A_187] : memref<10112xf32, #tpu.memory_space<vmem_shared>> -> memref<10112xf32, #tpu.memory_space<vmem_shared>>
        tpu.enqueue_indirect_dma source(%arg16 : memref<128xf32, #tpu.memory_space<vmem>>) target(%dma_start3A_188 : memref<10112xf32, #tpu.memory_space<vmem_shared>>) offsets(%arg15 : memref<128xi32, #tpu.memory_space<vmem>>) semaphore(%run_scoped3A : memref<!tpu.dma_semaphore, #tpu.memory_space<semaphore_mem>>) {add = true}
        %dma_wait3A_189 = arith.constant 0 : i32
        %dma_wait3A_190 = tpu.memref_slice %arg17[%dma_wait3A_189] : memref<10112xf32, #tpu.memory_space<vmem_shared>> -> memref<10112xf32, #tpu.memory_space<vmem_shared>>
        tpu.wait_indirect_dma semaphore(%run_scoped3A : memref<!tpu.dma_semaphore, #tpu.memory_space<semaphore_mem>>) src(%arg16 : memref<128xf32, #tpu.memory_space<vmem>>) dst(%dma_wait3A_190 : memref<10112xf32, #tpu.memory_space<vmem_shared>>)
        tpu.yield
      }) : () -> ()
      %mul3A_185 = arith.constant 128 : i32
      %mul3A_186 = arith.muli %while3A_178, %mul3A_185 : i32
      "tpu.region"() ({
        %run_scoped3A = tpu.sem_alloc : memref<!tpu.dma_semaphore, #tpu.memory_space<semaphore_mem>>
        %dma_start3A_187 = tpu.memref_slice %arg12[%mul3A_180] : memref<20608xi32, #tpu.memory_space<vmem>> -> memref<128xi32, #tpu.memory_space<vmem>>
        %dma_start3A_188 = tpu.memref_slice %arg7[%add3A, %mul3A_186] : memref<32x20480xi32, #tpu.memory_space<hbm>> -> memref<1x128xi32, #tpu.memory_space<hbm>>
        %dma_start3A_189 = tpu.memref_squeeze %dma_start3A_188 : memref<1x128xi32, #tpu.memory_space<hbm>> -> memref<128xi32, #tpu.memory_space<hbm>>
        %dma_start3A_190 = tpu.memref_slice %arg7[%add3A, %mul3A_186] : memref<32x20480xi32, #tpu.memory_space<hbm>> -> memref<1x128xi32, #tpu.memory_space<hbm>>
        %dma_start3A_191 = tpu.memref_squeeze %dma_start3A_190 : memref<1x128xi32, #tpu.memory_space<hbm>> -> memref<128xi32, #tpu.memory_space<hbm>>
        %dma_start3A_192 = tpu.memref_slice %arg12[%mul3A_180] : memref<20608xi32, #tpu.memory_space<vmem>> -> memref<128xi32, #tpu.memory_space<vmem>>
        tpu.enqueue_dma source(%dma_start3A_192 : memref<128xi32, #tpu.memory_space<vmem>>) target(%dma_start3A_191 : memref<128xi32, #tpu.memory_space<hbm>>) target_semaphore(%run_scoped3A : memref<!tpu.dma_semaphore, #tpu.memory_space<semaphore_mem>>)
        %dma_wait3A_193 = tpu.memref_slice %arg12[%mul3A_180] : memref<20608xi32, #tpu.memory_space<vmem>> -> memref<128xi32, #tpu.memory_space<vmem>>
        %dma_wait3A_194 = tpu.memref_slice %arg7[%add3A, %mul3A_186] : memref<32x20480xi32, #tpu.memory_space<hbm>> -> memref<1x128xi32, #tpu.memory_space<hbm>>
        %dma_wait3A_195 = tpu.memref_squeeze %dma_wait3A_194 : memref<1x128xi32, #tpu.memory_space<hbm>> -> memref<128xi32, #tpu.memory_space<hbm>>
        %dma_wait3A_196 = tpu.memref_slice %arg7[%add3A, %mul3A_186] : memref<32x20480xi32, #tpu.memory_space<hbm>> -> memref<1x128xi32, #tpu.memory_space<hbm>>
        %dma_wait3A_197 = tpu.memref_squeeze %dma_wait3A_196 : memref<1x128xi32, #tpu.memory_space<hbm>> -> memref<128xi32, #tpu.memory_space<hbm>>
        %dma_wait3A_198 = tpu.memref_slice %arg12[%mul3A_180] : memref<20608xi32, #tpu.memory_space<vmem>> -> memref<128xi32, #tpu.memory_space<vmem>>
        tpu.wait_dma2 semaphore(%run_scoped3A : memref<!tpu.dma_semaphore, #tpu.memory_space<semaphore_mem>>) src(%dma_wait3A_198 : memref<128xi32, #tpu.memory_space<vmem>>) dst(%dma_wait3A_197 : memref<128xi32, #tpu.memory_space<hbm>>)
        tpu.yield
      }) : () -> ()
    }
    %while3A_173 = arith.constant 1 : i32
    scf.for %while3A_178 = %while3A_171 to %while3A_167 step %while3A_173  : i32 {
      %mul3A_179 = arith.constant 128 : i32
      %mul3A_180 = arith.muli %while3A_178, %mul3A_179 : i32
      %dma_start3A = tpu.memref_slice %arg12[%mul3A_180] : memref<20608xi32, #tpu.memory_space<vmem>> -> memref<128xi32, #tpu.memory_space<vmem>>
      %dma_start3A_181 = arith.constant 0 : i32
      %dma_start3A_182 = tpu.memref_slice %arg2[%dma_start3A_181] : memref<655360xi32, #tpu.memory_space<hbm>> -> memref<655360xi32, #tpu.memory_space<hbm>>
      tpu.enqueue_indirect_dma source(%dma_start3A_182 : memref<655360xi32, #tpu.memory_space<hbm>>) target(%arg15 : memref<128xi32, #tpu.memory_space<vmem>>) offsets(%dma_start3A : memref<128xi32, #tpu.memory_space<vmem>>) semaphore(%arg18 : memref<!tpu.dma_semaphore, #tpu.memory_space<semaphore_mem>>)
      %dma_wait3A = tpu.memref_slice %arg12[%mul3A_180] : memref<20608xi32, #tpu.memory_space<vmem>> -> memref<128xi32, #tpu.memory_space<vmem>>
      %dma_wait3A_183 = arith.constant 0 : i32
      %dma_wait3A_184 = tpu.memref_slice %arg2[%dma_wait3A_183] : memref<655360xi32, #tpu.memory_space<hbm>> -> memref<655360xi32, #tpu.memory_space<hbm>>
      tpu.wait_indirect_dma semaphore(%arg18 : memref<!tpu.dma_semaphore, #tpu.memory_space<semaphore_mem>>) src(%dma_wait3A_184 : memref<655360xi32, #tpu.memory_space<hbm>>) dst(%arg15 : memref<128xi32, #tpu.memory_space<vmem>>)
      "tpu.region"() ({
        %run_scoped3A = tpu.sem_alloc : memref<!tpu.dma_semaphore, #tpu.memory_space<semaphore_mem>>
        %dma_start3A_187 = arith.constant 0 : i32
        %dma_start3A_188 = tpu.memref_slice %arg17[%dma_start3A_187] : memref<10112xf32, #tpu.memory_space<vmem_shared>> -> memref<10112xf32, #tpu.memory_space<vmem_shared>>
        tpu.enqueue_indirect_dma source(%arg16 : memref<128xf32, #tpu.memory_space<vmem>>) target(%dma_start3A_188 : memref<10112xf32, #tpu.memory_space<vmem_shared>>) offsets(%arg15 : memref<128xi32, #tpu.memory_space<vmem>>) semaphore(%run_scoped3A : memref<!tpu.dma_semaphore, #tpu.memory_space<semaphore_mem>>) {add = true}
        %dma_wait3A_189 = arith.constant 0 : i32
        %dma_wait3A_190 = tpu.memref_slice %arg17[%dma_wait3A_189] : memref<10112xf32, #tpu.memory_space<vmem_shared>> -> memref<10112xf32, #tpu.memory_space<vmem_shared>>
        tpu.wait_indirect_dma semaphore(%run_scoped3A : memref<!tpu.dma_semaphore, #tpu.memory_space<semaphore_mem>>) src(%arg16 : memref<128xf32, #tpu.memory_space<vmem>>) dst(%dma_wait3A_190 : memref<10112xf32, #tpu.memory_space<vmem_shared>>)
        tpu.yield
      }) : () -> ()
      %mul3A_185 = arith.constant 128 : i32
      %mul3A_186 = arith.muli %while3A_178, %mul3A_185 : i32
      "tpu.region"() ({
        %run_scoped3A = tpu.sem_alloc : memref<!tpu.dma_semaphore, #tpu.memory_space<semaphore_mem>>
        %dma_start3A_187 = tpu.memref_slice %arg12[%mul3A_180] : memref<20608xi32, #tpu.memory_space<vmem>> -> memref<128xi32, #tpu.memory_space<vmem>>
        %dma_start3A_188 = tpu.memref_slice %arg7[%add3A, %mul3A_186] : memref<32x20480xi32, #tpu.memory_space<hbm>> -> memref<1x128xi32, #tpu.memory_space<hbm>>
        %dma_start3A_189 = tpu.memref_squeeze %dma_start3A_188 : memref<1x128xi32, #tpu.memory_space<hbm>> -> memref<128xi32, #tpu.memory_space<hbm>>
        %dma_start3A_190 = tpu.memref_slice %arg7[%add3A, %mul3A_186] : memref<32x20480xi32, #tpu.memory_space<hbm>> -> memref<1x128xi32, #tpu.memory_space<hbm>>
        %dma_start3A_191 = tpu.memref_squeeze %dma_start3A_190 : memref<1x128xi32, #tpu.memory_space<hbm>> -> memref<128xi32, #tpu.memory_space<hbm>>
        %dma_start3A_192 = tpu.memref_slice %arg12[%mul3A_180] : memref<20608xi32, #tpu.memory_space<vmem>> -> memref<128xi32, #tpu.memory_space<vmem>>
        tpu.enqueue_dma source(%dma_start3A_192 : memref<128xi32, #tpu.memory_space<vmem>>) target(%dma_start3A_191 : memref<128xi32, #tpu.memory_space<hbm>>) target_semaphore(%run_scoped3A : memref<!tpu.dma_semaphore, #tpu.memory_space<semaphore_mem>>)
        %dma_wait3A_193 = tpu.memref_slice %arg12[%mul3A_180] : memref<20608xi32, #tpu.memory_space<vmem>> -> memref<128xi32, #tpu.memory_space<vmem>>
        %dma_wait3A_194 = tpu.memref_slice %arg7[%add3A, %mul3A_186] : memref<32x20480xi32, #tpu.memory_space<hbm>> -> memref<1x128xi32, #tpu.memory_space<hbm>>
        %dma_wait3A_195 = tpu.memref_squeeze %dma_wait3A_194 : memref<1x128xi32, #tpu.memory_space<hbm>> -> memref<128xi32, #tpu.memory_space<hbm>>
        %dma_wait3A_196 = tpu.memref_slice %arg7[%add3A, %mul3A_186] : memref<32x20480xi32, #tpu.memory_space<hbm>> -> memref<1x128xi32, #tpu.memory_space<hbm>>
        %dma_wait3A_197 = tpu.memref_squeeze %dma_wait3A_196 : memref<1x128xi32, #tpu.memory_space<hbm>> -> memref<128xi32, #tpu.memory_space<hbm>>
        %dma_wait3A_198 = tpu.memref_slice %arg12[%mul3A_180] : memref<20608xi32, #tpu.memory_space<vmem>> -> memref<128xi32, #tpu.memory_space<vmem>>
        tpu.wait_dma2 semaphore(%run_scoped3A : memref<!tpu.dma_semaphore, #tpu.memory_space<semaphore_mem>>) src(%dma_wait3A_198 : memref<128xi32, #tpu.memory_space<vmem>>) dst(%dma_wait3A_197 : memref<128xi32, #tpu.memory_space<hbm>>)
        tpu.yield
      }) : () -> ()
    }
    %broadcast_in_dim3A_174 = vector.broadcast %scan3A_46 : i32 to vector<16xi32>
    %swap3A_175 = arith.constant 0 : index
    %swap3A_176 = tpu.vector_load %arg14[%swap3A_175] {strides = array<i32>} : memref<16xi32, #tpu.memory_space<vmem>>, vector<16xi32>,
    tpu.vector_store %arg14[%swap3A_175], %broadcast_in_dim3A_174 {strides = array<i32>} : memref<16xi32, #tpu.memory_space<vmem>>, vector<16xi32>,
    "tpu.region"() ({
      %run_scoped3A = tpu.sem_alloc : memref<!tpu.dma_semaphore, #tpu.memory_space<semaphore_mem>>
      %dma_start3A = arith.constant 0 : i32
      %dma_start3A_178 = tpu.memref_slice %arg8[%add3A, %dma_start3A] : memref<32x16xi32, #tpu.memory_space<hbm>> -> memref<1x16xi32, #tpu.memory_space<hbm>>
      %dma_start3A_179 = tpu.memref_squeeze %dma_start3A_178 : memref<1x16xi32, #tpu.memory_space<hbm>> -> memref<16xi32, #tpu.memory_space<hbm>>
      %dma_start3A_180 = arith.constant 0 : i32
      %dma_start3A_181 = tpu.memref_slice %arg8[%add3A, %dma_start3A_180] : memref<32x16xi32, #tpu.memory_space<hbm>> -> memref<1x16xi32, #tpu.memory_space<hbm>>
      %dma_start3A_182 = tpu.memref_squeeze %dma_start3A_181 : memref<1x16xi32, #tpu.memory_space<hbm>> -> memref<16xi32, #tpu.memory_space<hbm>>
      tpu.enqueue_dma source(%arg14 : memref<16xi32, #tpu.memory_space<vmem>>) target(%dma_start3A_182 : memref<16xi32, #tpu.memory_space<hbm>>) target_semaphore(%run_scoped3A : memref<!tpu.dma_semaphore, #tpu.memory_space<semaphore_mem>>)
      %dma_wait3A = arith.constant 0 : i32
      %dma_wait3A_183 = tpu.memref_slice %arg8[%add3A, %dma_wait3A] : memref<32x16xi32, #tpu.memory_space<hbm>> -> memref<1x16xi32, #tpu.memory_space<hbm>>
      %dma_wait3A_184 = tpu.memref_squeeze %dma_wait3A_183 : memref<1x16xi32, #tpu.memory_space<hbm>> -> memref<16xi32, #tpu.memory_space<hbm>>
      %dma_wait3A_185 = arith.constant 0 : i32
      %dma_wait3A_186 = tpu.memref_slice %arg8[%add3A, %dma_wait3A_185] : memref<32x16xi32, #tpu.memory_space<hbm>> -> memref<1x16xi32, #tpu.memory_space<hbm>>
      %dma_wait3A_187 = tpu.memref_squeeze %dma_wait3A_186 : memref<1x16xi32, #tpu.memory_space<hbm>> -> memref<16xi32, #tpu.memory_space<hbm>>
      tpu.wait_dma2 semaphore(%run_scoped3A : memref<!tpu.dma_semaphore, #tpu.memory_space<semaphore_mem>>) src(%arg14 : memref<16xi32, #tpu.memory_space<vmem>>) dst(%dma_wait3A_187 : memref<16xi32, #tpu.memory_space<hbm>>)
      tpu.yield
    }) : () -> ()
    %barrier3A_177 = arith.constant 0 : index
    tpu.barrier barrier_id(%barrier3A_177)
    "tpu.region"() ({
      %run_scoped3A = tpu.sem_alloc : memref<!tpu.dma_semaphore, #tpu.memory_space<semaphore_mem>>
      %dma_start3A = tpu.memref_slice %arg9[%arg0, %mul3A_2] : memref<2x10112xf32, #tpu.memory_space<hbm>> -> memref<1x632xf32, #tpu.memory_space<hbm>>
      %dma_start3A_178 = tpu.memref_squeeze %dma_start3A : memref<1x632xf32, #tpu.memory_space<hbm>> -> memref<632xf32, #tpu.memory_space<hbm>>
      %dma_start3A_179 = tpu.memref_slice %arg17[%mul3A_2] : memref<10112xf32, #tpu.memory_space<vmem_shared>> -> memref<632xf32, #tpu.memory_space<vmem_shared>>
      tpu.enqueue_dma source(%dma_start3A_179 : memref<632xf32, #tpu.memory_space<vmem_shared>>) target(%dma_start3A_178 : memref<632xf32, #tpu.memory_space<hbm>>) target_semaphore(%run_scoped3A : memref<!tpu.dma_semaphore, #tpu.memory_space<semaphore_mem>>)
      %dma_wait3A = tpu.memref_slice %arg9[%arg0, %mul3A_2] : memref<2x10112xf32, #tpu.memory_space<hbm>> -> memref<1x632xf32, #tpu.memory_space<hbm>>
      %dma_wait3A_180 = tpu.memref_squeeze %dma_wait3A : memref<1x632xf32, #tpu.memory_space<hbm>> -> memref<632xf32, #tpu.memory_space<hbm>>
      %dma_wait3A_181 = tpu.memref_slice %arg17[%mul3A_2] : memref<10112xf32, #tpu.memory_space<vmem_shared>> -> memref<632xf32, #tpu.memory_space<vmem_shared>>
      tpu.wait_dma2 semaphore(%run_scoped3A : memref<!tpu.dma_semaphore, #tpu.memory_space<semaphore_mem>>) src(%dma_wait3A_181 : memref<632xf32, #tpu.memory_space<vmem_shared>>) dst(%dma_wait3A_180 : memref<632xf32, #tpu.memory_space<hbm>>)
      tpu.yield
    }) : () -> ()
    return
  }
}

#map = affine_map<(d0, d1) -> (0, 0)>
#map1 = affine_map<(d0, d1) -> (0)>
#map2 = affine_map<(d0, d1) -> (0, 0, 0)>
module attributes {stable_mosaic.version = 14 : i64} {
  func.func @_edge_agg_lite3_kernel(%arg0: i32, %arg1: i32, %arg2: memref<10000x64xf32, #tpu.memory_space<hbm>>, %arg3: memref<655360xi32, #tpu.memory_space<hbm>>, %arg4: memref<655360xi32, #tpu.memory_space<hbm>>, %arg5: memref<32x20480xi32, #tpu.memory_space<hbm>>, %arg6: memref<32x16xi32, #tpu.memory_space<hbm>>, %arg7: memref<10112x64xf32, #tpu.memory_space<hbm>>, %arg8: memref<10000xf32, #tpu.memory_space<hbm>>, %arg9: memref<16xi32, #tpu.memory_space<hbm>>, %arg10: memref<2x16x64xf32, #tpu.memory_space<hbm>>, %arg11: memref<16x64xf32, #tpu.memory_space<hbm>>, %arg12: memref<16xf32, #tpu.memory_space<hbm>>, %arg13: memref<16xi32, #tpu.memory_space<vmem>>, %arg14: memref<16xi32, #tpu.memory_space<vmem>>, %arg15: memref<128xi32, #tpu.memory_space<vmem>>, %arg16: memref<128xi32, #tpu.memory_space<vmem>>, %arg17: memref<128xi32, #tpu.memory_space<vmem>>, %arg18: memref<128x64xf32, #tpu.memory_space<vmem>>, %arg19: memref<16x64xf32, #tpu.memory_space<vmem>>, %arg20: memref<16x64xf32, #tpu.memory_space<vmem>>, %arg21: memref<16xf32, #tpu.memory_space<vmem>>, %arg22: memref<10112x64xf32, #tpu.memory_space<vmem_shared>>, %arg23: memref<!tpu.dma_semaphore, #tpu.memory_space<semaphore_mem>>, %arg24: memref<!tpu.dma_semaphore, #tpu.memory_space<semaphore_mem>>) attributes {dimension_semantics = [#tpu.dimension_semantics<core_parallel>, #tpu.dimension_semantics<subcore_parallel>], iteration_bounds = array<i64: 2, 16>, scalar_prefetch = 0 : i64, scratch_operands = 12 : i64, tpu.core_type = #tpu.core_type<sc_vector_subcore>, window_params = [{transform_indices = #map}, {transform_indices = #map1}, {transform_indices = #map1}, {transform_indices = #map}, {transform_indices = #map}, {transform_indices = #map}, {transform_indices = #map1}, {transform_indices = #map1}, {transform_indices = #map2}, {transform_indices = #map}, {transform_indices = #map1}]} {
    %mul3A = arith.constant 16 : i32
    %mul3A_0 = arith.muli %arg0, %mul3A : i32
    %add3A = arith.addi %mul3A_0, %arg1 : i32
    "tpu.region"() ({
      %run_scoped3A = tpu.sem_alloc : memref<!tpu.dma_semaphore, #tpu.memory_space<semaphore_mem>>
      tpu.enqueue_dma source(%arg9 : memref<16xi32, #tpu.memory_space<hbm>>) target(%arg13 : memref<16xi32, #tpu.memory_space<vmem>>) target_semaphore(%run_scoped3A : memref<!tpu.dma_semaphore, #tpu.memory_space<semaphore_mem>>)
      tpu.wait_dma2 semaphore(%run_scoped3A : memref<!tpu.dma_semaphore, #tpu.memory_space<semaphore_mem>>) src(%arg9 : memref<16xi32, #tpu.memory_space<hbm>>) dst(%arg13 : memref<16xi32, #tpu.memory_space<vmem>>)
      tpu.yield
    }) : () -> ()
    "tpu.region"() ({
      %run_scoped3A = tpu.sem_alloc : memref<!tpu.dma_semaphore, #tpu.memory_space<semaphore_mem>>
      %dma_start3A = arith.constant 0 : i32
      %dma_start3A_47 = tpu.memref_slice %arg6[%add3A, %dma_start3A] : memref<32x16xi32, #tpu.memory_space<hbm>> -> memref<1x16xi32, #tpu.memory_space<hbm>>
      %dma_start3A_48 = tpu.memref_squeeze %dma_start3A_47 : memref<1x16xi32, #tpu.memory_space<hbm>> -> memref<16xi32, #tpu.memory_space<hbm>>
      %dma_start3A_49 = arith.constant 0 : i32
      %dma_start3A_50 = tpu.memref_slice %arg6[%add3A, %dma_start3A_49] : memref<32x16xi32, #tpu.memory_space<hbm>> -> memref<1x16xi32, #tpu.memory_space<hbm>>
      %dma_start3A_51 = tpu.memref_squeeze %dma_start3A_50 : memref<1x16xi32, #tpu.memory_space<hbm>> -> memref<16xi32, #tpu.memory_space<hbm>>
      tpu.enqueue_dma source(%dma_start3A_51 : memref<16xi32, #tpu.memory_space<hbm>>) target(%arg14 : memref<16xi32, #tpu.memory_space<vmem>>) target_semaphore(%run_scoped3A : memref<!tpu.dma_semaphore, #tpu.memory_space<semaphore_mem>>)
      %dma_wait3A = arith.constant 0 : i32
      %dma_wait3A_52 = tpu.memref_slice %arg6[%add3A, %dma_wait3A] : memref<32x16xi32, #tpu.memory_space<hbm>> -> memref<1x16xi32, #tpu.memory_space<hbm>>
      %dma_wait3A_53 = tpu.memref_squeeze %dma_wait3A_52 : memref<1x16xi32, #tpu.memory_space<hbm>> -> memref<16xi32, #tpu.memory_space<hbm>>
      %dma_wait3A_54 = arith.constant 0 : i32
      %dma_wait3A_55 = tpu.memref_slice %arg6[%add3A, %dma_wait3A_54] : memref<32x16xi32, #tpu.memory_space<hbm>> -> memref<1x16xi32, #tpu.memory_space<hbm>>
      %dma_wait3A_56 = tpu.memref_squeeze %dma_wait3A_55 : memref<1x16xi32, #tpu.memory_space<hbm>> -> memref<16xi32, #tpu.memory_space<hbm>>
      tpu.wait_dma2 semaphore(%run_scoped3A : memref<!tpu.dma_semaphore, #tpu.memory_space<semaphore_mem>>) src(%dma_wait3A_56 : memref<16xi32, #tpu.memory_space<hbm>>) dst(%arg14 : memref<16xi32, #tpu.memory_space<vmem>>)
      tpu.yield
    }) : () -> ()
    %eq3A = arith.constant 0 : i32
    %eq3A_1 = arith.cmpi eq, %arg1, %eq3A : i32
    %convert_element_type3A = arith.extui %eq3A_1 : i1 to i32
    %cond3A = arith.constant 0 : i32
    %cond3A_2 = arith.cmpi ne, %convert_element_type3A, %cond3A : i32
    scf.if %cond3A_2 {
      "tpu.region"() ({
        %run_scoped3A = tpu.sem_alloc : memref<!tpu.dma_semaphore, #tpu.memory_space<semaphore_mem>>
        %dma_start3A_51 = arith.constant 0 : i32
        %dma_start3A_52 = arith.constant 0 : i32
        %dma_start3A_53 = tpu.memref_slice %arg7[%dma_start3A_51, %dma_start3A_52] : memref<10112x64xf32, #tpu.memory_space<hbm>> -> memref<16x64xf32, #tpu.memory_space<hbm>>
        %dma_start3A_54 = arith.constant 0 : i32
        %dma_start3A_55 = arith.constant 0 : i32
        %dma_start3A_56 = tpu.memref_slice %arg7[%dma_start3A_54, %dma_start3A_55] : memref<10112x64xf32, #tpu.memory_space<hbm>> -> memref<16x64xf32, #tpu.memory_space<hbm>>
        tpu.enqueue_dma source(%dma_start3A_56 : memref<16x64xf32, #tpu.memory_space<hbm>>) target(%arg20 : memref<16x64xf32, #tpu.memory_space<vmem>>) target_semaphore(%run_scoped3A : memref<!tpu.dma_semaphore, #tpu.memory_space<semaphore_mem>>)
        %dma_wait3A_57 = arith.constant 0 : i32
        %dma_wait3A_58 = arith.constant 0 : i32
        %dma_wait3A_59 = tpu.memref_slice %arg7[%dma_wait3A_57, %dma_wait3A_58] : memref<10112x64xf32, #tpu.memory_space<hbm>> -> memref<16x64xf32, #tpu.memory_space<hbm>>
        %dma_wait3A_60 = arith.constant 0 : i32
        %dma_wait3A_61 = arith.constant 0 : i32
        %dma_wait3A_62 = tpu.memref_slice %arg7[%dma_wait3A_60, %dma_wait3A_61] : memref<10112x64xf32, #tpu.memory_space<hbm>> -> memref<16x64xf32, #tpu.memory_space<hbm>>
        tpu.wait_dma2 semaphore(%run_scoped3A : memref<!tpu.dma_semaphore, #tpu.memory_space<semaphore_mem>>) src(%dma_wait3A_62 : memref<16x64xf32, #tpu.memory_space<hbm>>) dst(%arg20 : memref<16x64xf32, #tpu.memory_space<vmem>>)
        tpu.yield
      }) : () -> ()
      %dma_start3A = arith.constant 0 : i32
      %dma_start3A_47 = arith.constant 0 : i32
      %dma_start3A_48 = tpu.memref_slice %arg22[%dma_start3A, %dma_start3A_47] : memref<10112x64xf32, #tpu.memory_space<vmem_shared>> -> memref<10112x64xf32, #tpu.memory_space<vmem_shared>>
      tpu.enqueue_indirect_dma source(%arg20 : memref<16x64xf32, #tpu.memory_space<vmem>>) target(%dma_start3A_48 : memref<10112x64xf32, #tpu.memory_space<vmem_shared>>) offsets(%arg13 : memref<16xi32, #tpu.memory_space<vmem>>) semaphore(%arg23 : memref<!tpu.dma_semaphore, #tpu.memory_space<semaphore_mem>>)
      %dma_wait3A = arith.constant 0 : i32
      %dma_wait3A_49 = arith.constant 0 : i32
      %dma_wait3A_50 = tpu.memref_slice %arg22[%dma_wait3A, %dma_wait3A_49] : memref<10112x64xf32, #tpu.memory_space<vmem_shared>> -> memref<10112x64xf32, #tpu.memory_space<vmem_shared>>
      tpu.wait_indirect_dma semaphore(%arg23 : memref<!tpu.dma_semaphore, #tpu.memory_space<semaphore_mem>>) src(%arg20 : memref<16x64xf32, #tpu.memory_space<vmem>>) dst(%dma_wait3A_50 : memref<10112x64xf32, #tpu.memory_space<vmem_shared>>)
    } else {
    }
    %barrier3A = arith.constant 0 : index
    tpu.barrier barrier_id(%barrier3A)
    %get3A = arith.constant 0 : index
    %get3A_3 = tpu.vector_load %arg14[%get3A] {strides = array<i32>} : memref<16xi32, #tpu.memory_space<vmem>>, vector<16xi32>,
    %slice3A = vector.extract_strided_slice %get3A_3 {offsets = [0], sizes = [1], strides = [1]} : vector<16xi32> to vector<1xi32>
    %squeeze3A = vector.extract %slice3A[0] : i32 from vector<1xi32>
    %add3A_4 = arith.constant 128 : i32
    %add3A_5 = arith.addi %squeeze3A, %add3A_4 : i32
    %sub3A = arith.constant 1 : i32
    %sub3A_6 = arith.subi %add3A_5, %sub3A : i32
    %jit3A = arith.constant 128 : i32
    %div3A = arith.divsi %sub3A_6, %jit3A : i32
    %sign3A = arith.constant 0 : i32
    %sign3A_7 = arith.cmpi sgt, %sub3A_6, %sign3A : i32
    %sign3A_8 = arith.extui %sign3A_7 : i1 to i32
    %sign3A_9 = arith.constant 0 : i32
    %sign3A_10 = arith.cmpi slt, %sub3A_6, %sign3A_9 : i32
    %sign3A_11 = arith.extui %sign3A_10 : i1 to i32
    %sign3A_12 = arith.subi %sign3A_8, %sign3A_11 : i32
    %sign3A_13 = arith.constant 0 : i32
    %sign3A_14 = arith.cmpi sgt, %jit3A, %sign3A_13 : i32
    %sign3A_15 = arith.extui %sign3A_14 : i1 to i32
    %sign3A_16 = arith.constant 0 : i32
    %sign3A_17 = arith.cmpi slt, %jit3A, %sign3A_16 : i32
    %sign3A_18 = arith.extui %sign3A_17 : i1 to i32
    %sign3A_19 = arith.subi %sign3A_15, %sign3A_18 : i32
    %ne3A = arith.cmpi ne, %sign3A_12, %sign3A_19 : i32
    %rem3A = arith.remsi %sub3A_6, %jit3A : i32
    %ne3A_20 = arith.constant 0 : i32
    %ne3A_21 = arith.cmpi ne, %rem3A, %ne3A_20 : i32
    %and3A = arith.andi %ne3A, %ne3A_21 : i1
    %sub3A_22 = arith.constant 1 : i32
    %sub3A_23 = arith.subi %div3A, %sub3A_22 : i32
    %select_n3A = arith.select %and3A, %sub3A_23, %div3A : i32
    %while3A = arith.constant 0 : i32
    %while3A_24 = arith.constant 0 : i32
    %while3A_25 = arith.subi %select_n3A, %while3A_24 : i32
    %while3A_26 = arith.addi %while3A_24, %while3A_25 : i32
    %while3A_27 = arith.constant 1 : i32
    %while3A_28 = arith.divsi %while3A_25, %while3A_27 : i32
    %while3A_29 = arith.muli %while3A_28, %while3A_27 : i32
    %while3A_30 = arith.addi %while3A_24, %while3A_29 : i32
    %while3A_31 = arith.constant 1 : i32
    scf.for %while3A_47 = %while3A_24 to %while3A_30 step %while3A_31  : i32 {
      %mul3A_48 = arith.constant 128 : i32
      %mul3A_49 = arith.muli %while3A_47, %mul3A_48 : i32
      "tpu.region"() ({
        %run_scoped3A = tpu.sem_alloc : memref<!tpu.dma_semaphore, #tpu.memory_space<semaphore_mem>>
        %dma_start3A_68 = tpu.memref_slice %arg5[%add3A, %mul3A_49] : memref<32x20480xi32, #tpu.memory_space<hbm>> -> memref<1x128xi32, #tpu.memory_space<hbm>>
        %dma_start3A_69 = tpu.memref_squeeze %dma_start3A_68 : memref<1x128xi32, #tpu.memory_space<hbm>> -> memref<128xi32, #tpu.memory_space<hbm>>
        %dma_start3A_70 = tpu.memref_slice %arg5[%add3A, %mul3A_49] : memref<32x20480xi32, #tpu.memory_space<hbm>> -> memref<1x128xi32, #tpu.memory_space<hbm>>
        %dma_start3A_71 = tpu.memref_squeeze %dma_start3A_70 : memref<1x128xi32, #tpu.memory_space<hbm>> -> memref<128xi32, #tpu.memory_space<hbm>>
        tpu.enqueue_dma source(%dma_start3A_71 : memref<128xi32, #tpu.memory_space<hbm>>) target(%arg15 : memref<128xi32, #tpu.memory_space<vmem>>) target_semaphore(%run_scoped3A : memref<!tpu.dma_semaphore, #tpu.memory_space<semaphore_mem>>)
        %dma_wait3A_72 = tpu.memref_slice %arg5[%add3A, %mul3A_49] : memref<32x20480xi32, #tpu.memory_space<hbm>> -> memref<1x128xi32, #tpu.memory_space<hbm>>
        %dma_wait3A_73 = tpu.memref_squeeze %dma_wait3A_72 : memref<1x128xi32, #tpu.memory_space<hbm>> -> memref<128xi32, #tpu.memory_space<hbm>>
        %dma_wait3A_74 = tpu.memref_slice %arg5[%add3A, %mul3A_49] : memref<32x20480xi32, #tpu.memory_space<hbm>> -> memref<1x128xi32, #tpu.memory_space<hbm>>
        %dma_wait3A_75 = tpu.memref_squeeze %dma_wait3A_74 : memref<1x128xi32, #tpu.memory_space<hbm>> -> memref<128xi32, #tpu.memory_space<hbm>>
        tpu.wait_dma2 semaphore(%run_scoped3A : memref<!tpu.dma_semaphore, #tpu.memory_space<semaphore_mem>>) src(%dma_wait3A_75 : memref<128xi32, #tpu.memory_space<hbm>>) dst(%arg15 : memref<128xi32, #tpu.memory_space<vmem>>)
        tpu.yield
      }) : () -> ()
      %dma_start3A = arith.constant 0 : i32
      %dma_start3A_50 = tpu.memref_slice %arg3[%dma_start3A] : memref<655360xi32, #tpu.memory_space<hbm>> -> memref<655360xi32, #tpu.memory_space<hbm>>
      tpu.enqueue_indirect_dma source(%dma_start3A_50 : memref<655360xi32, #tpu.memory_space<hbm>>) target(%arg16 : memref<128xi32, #tpu.memory_space<vmem>>) offsets(%arg15 : memref<128xi32, #tpu.memory_space<vmem>>) semaphore(%arg23 : memref<!tpu.dma_semaphore, #tpu.memory_space<semaphore_mem>>)
      %dma_wait3A = arith.constant 0 : i32
      %dma_wait3A_51 = tpu.memref_slice %arg3[%dma_wait3A] : memref<655360xi32, #tpu.memory_space<hbm>> -> memref<655360xi32, #tpu.memory_space<hbm>>
      tpu.wait_indirect_dma semaphore(%arg23 : memref<!tpu.dma_semaphore, #tpu.memory_space<semaphore_mem>>) src(%dma_wait3A_51 : memref<655360xi32, #tpu.memory_space<hbm>>) dst(%arg16 : memref<128xi32, #tpu.memory_space<vmem>>)
      %dma_start3A_52 = arith.constant 0 : i32
      %dma_start3A_53 = tpu.memref_slice %arg4[%dma_start3A_52] : memref<655360xi32, #tpu.memory_space<hbm>> -> memref<655360xi32, #tpu.memory_space<hbm>>
      tpu.enqueue_indirect_dma source(%dma_start3A_53 : memref<655360xi32, #tpu.memory_space<hbm>>) target(%arg17 : memref<128xi32, #tpu.memory_space<vmem>>) offsets(%arg15 : memref<128xi32, #tpu.memory_space<vmem>>) semaphore(%arg23 : memref<!tpu.dma_semaphore, #tpu.memory_space<semaphore_mem>>)
      %dma_wait3A_54 = arith.constant 0 : i32
      %dma_wait3A_55 = tpu.memref_slice %arg4[%dma_wait3A_54] : memref<655360xi32, #tpu.memory_space<hbm>> -> memref<655360xi32, #tpu.memory_space<hbm>>
      tpu.wait_indirect_dma semaphore(%arg23 : memref<!tpu.dma_semaphore, #tpu.memory_space<semaphore_mem>>) src(%dma_wait3A_55 : memref<655360xi32, #tpu.memory_space<hbm>>) dst(%arg17 : memref<128xi32, #tpu.memory_space<vmem>>)
      %dma_start3A_56 = arith.constant 0 : i32
      %dma_start3A_57 = arith.constant 0 : i32
      %dma_start3A_58 = tpu.memref_slice %arg2[%dma_start3A_56, %dma_start3A_57] : memref<10000x64xf32, #tpu.memory_space<hbm>> -> memref<10000x64xf32, #tpu.memory_space<hbm>>
      tpu.enqueue_indirect_dma source(%dma_start3A_58 : memref<10000x64xf32, #tpu.memory_space<hbm>>) target(%arg18 : memref<128x64xf32, #tpu.memory_space<vmem>>) offsets(%arg16 : memref<128xi32, #tpu.memory_space<vmem>>) semaphore(%arg23 : memref<!tpu.dma_semaphore, #tpu.memory_space<semaphore_mem>>)
      %dma_wait3A_59 = arith.constant 0 : i32
      %dma_wait3A_60 = arith.constant 0 : i32
      %dma_wait3A_61 = tpu.memref_slice %arg2[%dma_wait3A_59, %dma_wait3A_60] : memref<10000x64xf32, #tpu.memory_space<hbm>> -> memref<10000x64xf32, #tpu.memory_space<hbm>>
      tpu.wait_indirect_dma semaphore(%arg23 : memref<!tpu.dma_semaphore, #tpu.memory_space<semaphore_mem>>) src(%dma_wait3A_61 : memref<10000x64xf32, #tpu.memory_space<hbm>>) dst(%arg18 : memref<128x64xf32, #tpu.memory_space<vmem>>)
      %dma_start3A_62 = arith.constant 0 : i32
      %dma_start3A_63 = arith.constant 0 : i32
      %dma_start3A_64 = tpu.memref_slice %arg22[%dma_start3A_62, %dma_start3A_63] : memref<10112x64xf32, #tpu.memory_space<vmem_shared>> -> memref<10112x64xf32, #tpu.memory_space<vmem_shared>>
      tpu.enqueue_indirect_dma source(%arg18 : memref<128x64xf32, #tpu.memory_space<vmem>>) target(%dma_start3A_64 : memref<10112x64xf32, #tpu.memory_space<vmem_shared>>) offsets(%arg17 : memref<128xi32, #tpu.memory_space<vmem>>) semaphore(%arg24 : memref<!tpu.dma_semaphore, #tpu.memory_space<semaphore_mem>>) {add = true}
      %dma_wait3A_65 = arith.constant 0 : i32
      %dma_wait3A_66 = arith.constant 0 : i32
      %dma_wait3A_67 = tpu.memref_slice %arg22[%dma_wait3A_65, %dma_wait3A_66] : memref<10112x64xf32, #tpu.memory_space<vmem_shared>> -> memref<10112x64xf32, #tpu.memory_space<vmem_shared>>
      tpu.wait_indirect_dma semaphore(%arg24 : memref<!tpu.dma_semaphore, #tpu.memory_space<semaphore_mem>>) src(%arg18 : memref<128x64xf32, #tpu.memory_space<vmem>>) dst(%dma_wait3A_67 : memref<10112x64xf32, #tpu.memory_space<vmem_shared>>)
    }
    %while3A_32 = arith.constant 1 : i32
    scf.for %while3A_47 = %while3A_30 to %while3A_26 step %while3A_32  : i32 {
      %mul3A_48 = arith.constant 128 : i32
      %mul3A_49 = arith.muli %while3A_47, %mul3A_48 : i32
      "tpu.region"() ({
        %run_scoped3A = tpu.sem_alloc : memref<!tpu.dma_semaphore, #tpu.memory_space<semaphore_mem>>
        %dma_start3A_68 = tpu.memref_slice %arg5[%add3A, %mul3A_49] : memref<32x20480xi32, #tpu.memory_space<hbm>> -> memref<1x128xi32, #tpu.memory_space<hbm>>
        %dma_start3A_69 = tpu.memref_squeeze %dma_start3A_68 : memref<1x128xi32, #tpu.memory_space<hbm>> -> memref<128xi32, #tpu.memory_space<hbm>>
        %dma_start3A_70 = tpu.memref_slice %arg5[%add3A, %mul3A_49] : memref<32x20480xi32, #tpu.memory_space<hbm>> -> memref<1x128xi32, #tpu.memory_space<hbm>>
        %dma_start3A_71 = tpu.memref_squeeze %dma_start3A_70 : memref<1x128xi32, #tpu.memory_space<hbm>> -> memref<128xi32, #tpu.memory_space<hbm>>
        tpu.enqueue_dma source(%dma_start3A_71 : memref<128xi32, #tpu.memory_space<hbm>>) target(%arg15 : memref<128xi32, #tpu.memory_space<vmem>>) target_semaphore(%run_scoped3A : memref<!tpu.dma_semaphore, #tpu.memory_space<semaphore_mem>>)
        %dma_wait3A_72 = tpu.memref_slice %arg5[%add3A, %mul3A_49] : memref<32x20480xi32, #tpu.memory_space<hbm>> -> memref<1x128xi32, #tpu.memory_space<hbm>>
        %dma_wait3A_73 = tpu.memref_squeeze %dma_wait3A_72 : memref<1x128xi32, #tpu.memory_space<hbm>> -> memref<128xi32, #tpu.memory_space<hbm>>
        %dma_wait3A_74 = tpu.memref_slice %arg5[%add3A, %mul3A_49] : memref<32x20480xi32, #tpu.memory_space<hbm>> -> memref<1x128xi32, #tpu.memory_space<hbm>>
        %dma_wait3A_75 = tpu.memref_squeeze %dma_wait3A_74 : memref<1x128xi32, #tpu.memory_space<hbm>> -> memref<128xi32, #tpu.memory_space<hbm>>
        tpu.wait_dma2 semaphore(%run_scoped3A : memref<!tpu.dma_semaphore, #tpu.memory_space<semaphore_mem>>) src(%dma_wait3A_75 : memref<128xi32, #tpu.memory_space<hbm>>) dst(%arg15 : memref<128xi32, #tpu.memory_space<vmem>>)
        tpu.yield
      }) : () -> ()
      %dma_start3A = arith.constant 0 : i32
      %dma_start3A_50 = tpu.memref_slice %arg3[%dma_start3A] : memref<655360xi32, #tpu.memory_space<hbm>> -> memref<655360xi32, #tpu.memory_space<hbm>>
      tpu.enqueue_indirect_dma source(%dma_start3A_50 : memref<655360xi32, #tpu.memory_space<hbm>>) target(%arg16 : memref<128xi32, #tpu.memory_space<vmem>>) offsets(%arg15 : memref<128xi32, #tpu.memory_space<vmem>>) semaphore(%arg23 : memref<!tpu.dma_semaphore, #tpu.memory_space<semaphore_mem>>)
      %dma_wait3A = arith.constant 0 : i32
      %dma_wait3A_51 = tpu.memref_slice %arg3[%dma_wait3A] : memref<655360xi32, #tpu.memory_space<hbm>> -> memref<655360xi32, #tpu.memory_space<hbm>>
      tpu.wait_indirect_dma semaphore(%arg23 : memref<!tpu.dma_semaphore, #tpu.memory_space<semaphore_mem>>) src(%dma_wait3A_51 : memref<655360xi32, #tpu.memory_space<hbm>>) dst(%arg16 : memref<128xi32, #tpu.memory_space<vmem>>)
      %dma_start3A_52 = arith.constant 0 : i32
      %dma_start3A_53 = tpu.memref_slice %arg4[%dma_start3A_52] : memref<655360xi32, #tpu.memory_space<hbm>> -> memref<655360xi32, #tpu.memory_space<hbm>>
      tpu.enqueue_indirect_dma source(%dma_start3A_53 : memref<655360xi32, #tpu.memory_space<hbm>>) target(%arg17 : memref<128xi32, #tpu.memory_space<vmem>>) offsets(%arg15 : memref<128xi32, #tpu.memory_space<vmem>>) semaphore(%arg23 : memref<!tpu.dma_semaphore, #tpu.memory_space<semaphore_mem>>)
      %dma_wait3A_54 = arith.constant 0 : i32
      %dma_wait3A_55 = tpu.memref_slice %arg4[%dma_wait3A_54] : memref<655360xi32, #tpu.memory_space<hbm>> -> memref<655360xi32, #tpu.memory_space<hbm>>
      tpu.wait_indirect_dma semaphore(%arg23 : memref<!tpu.dma_semaphore, #tpu.memory_space<semaphore_mem>>) src(%dma_wait3A_55 : memref<655360xi32, #tpu.memory_space<hbm>>) dst(%arg17 : memref<128xi32, #tpu.memory_space<vmem>>)
      %dma_start3A_56 = arith.constant 0 : i32
      %dma_start3A_57 = arith.constant 0 : i32
      %dma_start3A_58 = tpu.memref_slice %arg2[%dma_start3A_56, %dma_start3A_57] : memref<10000x64xf32, #tpu.memory_space<hbm>> -> memref<10000x64xf32, #tpu.memory_space<hbm>>
      tpu.enqueue_indirect_dma source(%dma_start3A_58 : memref<10000x64xf32, #tpu.memory_space<hbm>>) target(%arg18 : memref<128x64xf32, #tpu.memory_space<vmem>>) offsets(%arg16 : memref<128xi32, #tpu.memory_space<vmem>>) semaphore(%arg23 : memref<!tpu.dma_semaphore, #tpu.memory_space<semaphore_mem>>)
      %dma_wait3A_59 = arith.constant 0 : i32
      %dma_wait3A_60 = arith.constant 0 : i32
      %dma_wait3A_61 = tpu.memref_slice %arg2[%dma_wait3A_59, %dma_wait3A_60] : memref<10000x64xf32, #tpu.memory_space<hbm>> -> memref<10000x64xf32, #tpu.memory_space<hbm>>
      tpu.wait_indirect_dma semaphore(%arg23 : memref<!tpu.dma_semaphore, #tpu.memory_space<semaphore_mem>>) src(%dma_wait3A_61 : memref<10000x64xf32, #tpu.memory_space<hbm>>) dst(%arg18 : memref<128x64xf32, #tpu.memory_space<vmem>>)
      %dma_start3A_62 = arith.constant 0 : i32
      %dma_start3A_63 = arith.constant 0 : i32
      %dma_start3A_64 = tpu.memref_slice %arg22[%dma_start3A_62, %dma_start3A_63] : memref<10112x64xf32, #tpu.memory_space<vmem_shared>> -> memref<10112x64xf32, #tpu.memory_space<vmem_shared>>
      tpu.enqueue_indirect_dma source(%arg18 : memref<128x64xf32, #tpu.memory_space<vmem>>) target(%dma_start3A_64 : memref<10112x64xf32, #tpu.memory_space<vmem_shared>>) offsets(%arg17 : memref<128xi32, #tpu.memory_space<vmem>>) semaphore(%arg24 : memref<!tpu.dma_semaphore, #tpu.memory_space<semaphore_mem>>) {add = true}
      %dma_wait3A_65 = arith.constant 0 : i32
      %dma_wait3A_66 = arith.constant 0 : i32
      %dma_wait3A_67 = tpu.memref_slice %arg22[%dma_wait3A_65, %dma_wait3A_66] : memref<10112x64xf32, #tpu.memory_space<vmem_shared>> -> memref<10112x64xf32, #tpu.memory_space<vmem_shared>>
      tpu.wait_indirect_dma semaphore(%arg24 : memref<!tpu.dma_semaphore, #tpu.memory_space<semaphore_mem>>) src(%arg18 : memref<128x64xf32, #tpu.memory_space<vmem>>) dst(%dma_wait3A_67 : memref<10112x64xf32, #tpu.memory_space<vmem_shared>>)
    }
    %barrier3A_33 = arith.constant 0 : index
    tpu.barrier barrier_id(%barrier3A_33)
    %eq3A_34 = arith.constant 0 : i32
    %eq3A_35 = arith.cmpi eq, %arg1, %eq3A_34 : i32
    %convert_element_type3A_36 = arith.extui %eq3A_35 : i1 to i32
    %cond3A_37 = arith.constant 0 : i32
    %cond3A_38 = arith.cmpi ne, %convert_element_type3A_36, %cond3A_37 : i32
    scf.if %cond3A_38 {
      %dma_start3A = arith.constant 0 : i32
      %dma_start3A_47 = arith.constant 0 : i32
      %dma_start3A_48 = tpu.memref_slice %arg22[%dma_start3A, %dma_start3A_47] : memref<10112x64xf32, #tpu.memory_space<vmem_shared>> -> memref<10112x64xf32, #tpu.memory_space<vmem_shared>>
      tpu.enqueue_indirect_dma source(%dma_start3A_48 : memref<10112x64xf32, #tpu.memory_space<vmem_shared>>) target(%arg19 : memref<16x64xf32, #tpu.memory_space<vmem>>) offsets(%arg13 : memref<16xi32, #tpu.memory_space<vmem>>) semaphore(%arg23 : memref<!tpu.dma_semaphore, #tpu.memory_space<semaphore_mem>>)
      %dma_wait3A = arith.constant 0 : i32
      %dma_wait3A_49 = arith.constant 0 : i32
      %dma_wait3A_50 = tpu.memref_slice %arg22[%dma_wait3A, %dma_wait3A_49] : memref<10112x64xf32, #tpu.memory_space<vmem_shared>> -> memref<10112x64xf32, #tpu.memory_space<vmem_shared>>
      tpu.wait_indirect_dma semaphore(%arg23 : memref<!tpu.dma_semaphore, #tpu.memory_space<semaphore_mem>>) src(%dma_wait3A_50 : memref<10112x64xf32, #tpu.memory_space<vmem_shared>>) dst(%arg19 : memref<16x64xf32, #tpu.memory_space<vmem>>)
      "tpu.region"() ({
        %run_scoped3A = tpu.sem_alloc : memref<!tpu.dma_semaphore, #tpu.memory_space<semaphore_mem>>
        %dma_start3A_51 = arith.constant 0 : i32
        %dma_start3A_52 = arith.constant 0 : i32
        %dma_start3A_53 = tpu.memref_slice %arg10[%arg0, %dma_start3A_51, %dma_start3A_52] : memref<2x16x64xf32, #tpu.memory_space<hbm>> -> memref<1x16x64xf32, #tpu.memory_space<hbm>>
        %dma_start3A_54 = tpu.memref_squeeze %dma_start3A_53 : memref<1x16x64xf32, #tpu.memory_space<hbm>> -> memref<16x64xf32, #tpu.memory_space<hbm>>
        %dma_start3A_55 = arith.constant 0 : i32
        %dma_start3A_56 = arith.constant 0 : i32
        %dma_start3A_57 = tpu.memref_slice %arg10[%arg0, %dma_start3A_55, %dma_start3A_56] : memref<2x16x64xf32, #tpu.memory_space<hbm>> -> memref<1x16x64xf32, #tpu.memory_space<hbm>>
        %dma_start3A_58 = tpu.memref_squeeze %dma_start3A_57 : memref<1x16x64xf32, #tpu.memory_space<hbm>> -> memref<16x64xf32, #tpu.memory_space<hbm>>
        tpu.enqueue_dma source(%arg19 : memref<16x64xf32, #tpu.memory_space<vmem>>) target(%dma_start3A_58 : memref<16x64xf32, #tpu.memory_space<hbm>>) target_semaphore(%run_scoped3A : memref<!tpu.dma_semaphore, #tpu.memory_space<semaphore_mem>>)
        %dma_wait3A_59 = arith.constant 0 : i32
        %dma_wait3A_60 = arith.constant 0 : i32
        %dma_wait3A_61 = tpu.memref_slice %arg10[%arg0, %dma_wait3A_59, %dma_wait3A_60] : memref<2x16x64xf32, #tpu.memory_space<hbm>> -> memref<1x16x64xf32, #tpu.memory_space<hbm>>
        %dma_wait3A_62 = tpu.memref_squeeze %dma_wait3A_61 : memref<1x16x64xf32, #tpu.memory_space<hbm>> -> memref<16x64xf32, #tpu.memory_space<hbm>>
        %dma_wait3A_63 = arith.constant 0 : i32
        %dma_wait3A_64 = arith.constant 0 : i32
        %dma_wait3A_65 = tpu.memref_slice %arg10[%arg0, %dma_wait3A_63, %dma_wait3A_64] : memref<2x16x64xf32, #tpu.memory_space<hbm>> -> memref<1x16x64xf32, #tpu.memory_space<hbm>>
        %dma_wait3A_66 = tpu.memref_squeeze %dma_wait3A_65 : memref<1x16x64xf32, #tpu.memory_space<hbm>> -> memref<16x64xf32, #tpu.memory_space<hbm>>
        tpu.wait_dma2 semaphore(%run_scoped3A : memref<!tpu.dma_semaphore, #tpu.memory_space<semaphore_mem>>) src(%arg19 : memref<16x64xf32, #tpu.memory_space<vmem>>) dst(%dma_wait3A_66 : memref<16x64xf32, #tpu.memory_space<hbm>>)
        tpu.yield
      }) : () -> ()
    } else {
    }
    %eq3A_39 = arith.constant 0 : i32
    %eq3A_40 = arith.cmpi eq, %arg0, %eq3A_39 : i32
    %eq3A_41 = arith.constant 0 : i32
    %eq3A_42 = arith.cmpi eq, %arg1, %eq3A_41 : i32
    %and3A_43 = arith.andi %eq3A_40, %eq3A_42 : i1
    %convert_element_type3A_44 = arith.extui %and3A_43 : i1 to i32
    %cond3A_45 = arith.constant 0 : i32
    %cond3A_46 = arith.cmpi ne, %convert_element_type3A_44, %cond3A_45 : i32
    scf.if %cond3A_46 {
      %dma_start3A = arith.constant 0 : i32
      %dma_start3A_47 = arith.constant 0 : i32
      %dma_start3A_48 = tpu.memref_slice %arg2[%dma_start3A, %dma_start3A_47] : memref<10000x64xf32, #tpu.memory_space<hbm>> -> memref<10000x64xf32, #tpu.memory_space<hbm>>
      tpu.enqueue_indirect_dma source(%dma_start3A_48 : memref<10000x64xf32, #tpu.memory_space<hbm>>) target(%arg20 : memref<16x64xf32, #tpu.memory_space<vmem>>) offsets(%arg13 : memref<16xi32, #tpu.memory_space<vmem>>) semaphore(%arg23 : memref<!tpu.dma_semaphore, #tpu.memory_space<semaphore_mem>>)
      %dma_wait3A = arith.constant 0 : i32
      %dma_wait3A_49 = arith.constant 0 : i32
      %dma_wait3A_50 = tpu.memref_slice %arg2[%dma_wait3A, %dma_wait3A_49] : memref<10000x64xf32, #tpu.memory_space<hbm>> -> memref<10000x64xf32, #tpu.memory_space<hbm>>
      tpu.wait_indirect_dma semaphore(%arg23 : memref<!tpu.dma_semaphore, #tpu.memory_space<semaphore_mem>>) src(%dma_wait3A_50 : memref<10000x64xf32, #tpu.memory_space<hbm>>) dst(%arg20 : memref<16x64xf32, #tpu.memory_space<vmem>>)
      "tpu.region"() ({
        %run_scoped3A = tpu.sem_alloc : memref<!tpu.dma_semaphore, #tpu.memory_space<semaphore_mem>>
        tpu.enqueue_dma source(%arg20 : memref<16x64xf32, #tpu.memory_space<vmem>>) target(%arg11 : memref<16x64xf32, #tpu.memory_space<hbm>>) target_semaphore(%run_scoped3A : memref<!tpu.dma_semaphore, #tpu.memory_space<semaphore_mem>>)
        tpu.wait_dma2 semaphore(%run_scoped3A : memref<!tpu.dma_semaphore, #tpu.memory_space<semaphore_mem>>) src(%arg20 : memref<16x64xf32, #tpu.memory_space<vmem>>) dst(%arg11 : memref<16x64xf32, #tpu.memory_space<hbm>>)
        tpu.yield
      }) : () -> ()
      %dma_start3A_51 = arith.constant 0 : i32
      %dma_start3A_52 = tpu.memref_slice %arg8[%dma_start3A_51] : memref<10000xf32, #tpu.memory_space<hbm>> -> memref<10000xf32, #tpu.memory_space<hbm>>
      tpu.enqueue_indirect_dma source(%dma_start3A_52 : memref<10000xf32, #tpu.memory_space<hbm>>) target(%arg21 : memref<16xf32, #tpu.memory_space<vmem>>) offsets(%arg13 : memref<16xi32, #tpu.memory_space<vmem>>) semaphore(%arg23 : memref<!tpu.dma_semaphore, #tpu.memory_space<semaphore_mem>>)
      %dma_wait3A_53 = arith.constant 0 : i32
      %dma_wait3A_54 = tpu.memref_slice %arg8[%dma_wait3A_53] : memref<10000xf32, #tpu.memory_space<hbm>> -> memref<10000xf32, #tpu.memory_space<hbm>>
      tpu.wait_indirect_dma semaphore(%arg23 : memref<!tpu.dma_semaphore, #tpu.memory_space<semaphore_mem>>) src(%dma_wait3A_54 : memref<10000xf32, #tpu.memory_space<hbm>>) dst(%arg21 : memref<16xf32, #tpu.memory_space<vmem>>)
      "tpu.region"() ({
        %run_scoped3A = tpu.sem_alloc : memref<!tpu.dma_semaphore, #tpu.memory_space<semaphore_mem>>
        tpu.enqueue_dma source(%arg21 : memref<16xf32, #tpu.memory_space<vmem>>) target(%arg12 : memref<16xf32, #tpu.memory_space<hbm>>) target_semaphore(%run_scoped3A : memref<!tpu.dma_semaphore, #tpu.memory_space<semaphore_mem>>)
        tpu.wait_dma2 semaphore(%run_scoped3A : memref<!tpu.dma_semaphore, #tpu.memory_space<semaphore_mem>>) src(%arg21 : memref<16xf32, #tpu.memory_space<vmem>>) dst(%arg12 : memref<16xf32, #tpu.memory_space<hbm>>)
        tpu.yield
      }) : () -> ()
    } else {
    }
    return
  }
}

module attributes {stable_mosaic.version = 14 : i64} {
  func.func @_tc_mm1_body(%arg0: memref<10000x128xf32, #tpu.memory_space<vmem>>, %arg1: memref<128x64xf32, #tpu.memory_space<vmem>>, %arg2: memref<2x10112x1xf32, #tpu.memory_space<vmem>>, %arg3: memref<2x10112x1xf32, #tpu.memory_space<vmem>>, %arg4: memref<10000x64xf32, #tpu.memory_space<vmem>>, %arg5: memref<10000x1xf32, #tpu.memory_space<vmem>>, %arg6: memref<10112x1xi32, #tpu.memory_space<vmem>>) attributes {dimension_semantics = [], scalar_prefetch = 0 : i64, scratch_operands = 0 : i64, tpu.core_type = #tpu.core_type<tc>} {
    %get3A = arith.constant 0 : index
    %get3A_0 = arith.constant 0 : index
    %get3A_1 = arith.constant 0 : index
    %get3A_2 = vector.load %arg2[%get3A, %get3A_0, %get3A_1] : memref<2x10112x1xf32, #tpu.memory_space<vmem>>, vector<1x10112x1xf32>
    %get3A_3 = vector.shape_cast %get3A_2 : vector<1x10112x1xf32> to vector<10112x1xf32>
    %get3A_4 = arith.constant 1 : index
    %get3A_5 = arith.constant 0 : index
    %get3A_6 = arith.constant 0 : index
    %get3A_7 = vector.load %arg2[%get3A_4, %get3A_5, %get3A_6] : memref<2x10112x1xf32, #tpu.memory_space<vmem>>, vector<1x10112x1xf32>
    %get3A_8 = vector.shape_cast %get3A_7 : vector<1x10112x1xf32> to vector<10112x1xf32>
    %add3A = arith.addf %get3A_3, %get3A_8 : vector<10112x1xf32>
    %add3A_9 = arith.constant 1.000000e+00 : f32
    %add3A_10 = vector.broadcast %add3A_9 : f32 to vector<10112x1xf32>
    %add3A_11 = arith.addf %add3A, %add3A_10 : vector<10112x1xf32>
    %rsqrt3A = math.rsqrt %add3A_11 : vector<10112x1xf32>
    %slice3A = vector.extract_strided_slice %rsqrt3A {offsets = [0, 0], sizes = [10000, 1], strides = [1, 1]} : vector<10112x1xf32> to vector<10000x1xf32>
    %get3A_12 = arith.constant 0 : index
    %get3A_13 = arith.constant 0 : index
    %get3A_14 = vector.load %arg0[%get3A_12, %get3A_13] : memref<10000x128xf32, #tpu.memory_space<vmem>>, vector<10000x128xf32>
    %get3A_15 = arith.constant 0 : index
    %get3A_16 = arith.constant 0 : index
    %get3A_17 = vector.load %arg1[%get3A_15, %get3A_16] : memref<128x64xf32, #tpu.memory_space<vmem>>, vector<128x64xf32>
    %dot_general3A = arith.constant dense<0.000000e+00> : vector<10000x64xf32>
    %dot_general3A_18 = tpu.matmul %get3A_14, %get3A_17, %dot_general3A {dimension_numbers = #tpu.dot_dimension_numbers<[1], [0], [0], [1], [0, 0, 1, 1], [], []>, transpose_lhs_hint = false} : vector<10000x128xf32>, vector<128x64xf32>, vector<10000x64xf32> -> vector<10000x64xf32>
    %mul3A = vector.broadcast %slice3A : vector<10000x1xf32> to vector<10000x64xf32>
    %mul3A_19 = arith.mulf %mul3A, %dot_general3A_18 : vector<10000x64xf32>
    %swap3A = arith.constant 0 : index
    %swap3A_20 = arith.constant 0 : index
    %swap3A_21 = vector.load %arg4[%swap3A, %swap3A_20] : memref<10000x64xf32, #tpu.memory_space<vmem>>, vector<10000x64xf32>
    tpu.vector_store %arg4[%swap3A, %swap3A_20], %mul3A_19 {strides = array<i32>} : memref<10000x64xf32, #tpu.memory_space<vmem>>, vector<10000x64xf32>,
    %swap3A_22 = arith.constant 0 : index
    %swap3A_23 = arith.constant 0 : index
    %swap3A_24 = vector.load %arg5[%swap3A_22, %swap3A_23] : memref<10000x1xf32, #tpu.memory_space<vmem>>, vector<10000x1xf32>
    tpu.vector_store %arg5[%swap3A_22, %swap3A_23], %slice3A {strides = array<i32>} : memref<10000x1xf32, #tpu.memory_space<vmem>>, vector<10000x1xf32>,
    %get3A_25 = arith.constant 0 : index
    %get3A_26 = arith.constant 0 : index
    %get3A_27 = arith.constant 0 : index
    %get3A_28 = vector.load %arg3[%get3A_25, %get3A_26, %get3A_27] : memref<2x10112x1xf32, #tpu.memory_space<vmem>>, vector<1x10112x1xf32>
    %get3A_29 = vector.shape_cast %get3A_28 : vector<1x10112x1xf32> to vector<10112x1xf32>
    %get3A_30 = arith.constant 1 : index
    %get3A_31 = arith.constant 0 : index
    %get3A_32 = arith.constant 0 : index
    %get3A_33 = vector.load %arg3[%get3A_30, %get3A_31, %get3A_32] : memref<2x10112x1xf32, #tpu.memory_space<vmem>>, vector<1x10112x1xf32>
    %get3A_34 = vector.shape_cast %get3A_33 : vector<1x10112x1xf32> to vector<10112x1xf32>
    %add3A_35 = arith.addf %get3A_29, %get3A_34 : vector<10112x1xf32>
    %gt3A = arith.constant 0.000000e+00 : f32
    %gt3A_36 = vector.broadcast %gt3A : f32 to vector<10112x1xf32>
    %gt3A_37 = arith.cmpf ogt, %add3A_35, %gt3A_36 : vector<10112x1xf32>
    %convert_element_type3A = arith.extui %gt3A_37 : vector<10112x1xi1> to vector<10112x1xi32>
    %swap3A_38 = arith.constant 0 : index
    %swap3A_39 = arith.constant 0 : index
    %swap3A_40 = vector.load %arg6[%swap3A_38, %swap3A_39] : memref<10112x1xi32, #tpu.memory_space<vmem>>, vector<10112x1xi32>
    tpu.vector_store %arg6[%swap3A_38, %swap3A_39], %convert_element_type3A {strides = array<i32>} : memref<10112x1xi32, #tpu.memory_space<vmem>>, vector<10112x1xi32>,
    return
  }
}

module attributes {stable_mosaic.version = 14 : i64} {
  func.func @_tc_comb_body(%arg0: memref<2x10112x64xf32, #tpu.memory_space<vmem>>, %arg1: memref<10000x64xf32, #tpu.memory_space<vmem>>, %arg2: memref<10000x1xf32, #tpu.memory_space<vmem>>, %arg3: memref<1x64xf32, #tpu.memory_space<vmem>>, %arg4: memref<64x64xf32, #tpu.memory_space<vmem>>, %arg5: memref<10000x64xf32, #tpu.memory_space<vmem>>) attributes {dimension_semantics = [], scalar_prefetch = 0 : i64, scratch_operands = 0 : i64, tpu.core_type = #tpu.core_type<tc>} {
    %get3A = arith.constant 0 : index
    %get3A_0 = arith.constant 0 : index
    %get3A_1 = vector.load %arg2[%get3A, %get3A_0] : memref<10000x1xf32, #tpu.memory_space<vmem>>, vector<10000x1xf32>
    %get3A_2 = arith.constant 0 : index
    %get3A_3 = arith.constant 0 : index
    %get3A_4 = arith.constant 0 : index
    %get3A_5 = vector.load %arg0[%get3A_2, %get3A_3, %get3A_4] : memref<2x10112x64xf32, #tpu.memory_space<vmem>>, vector<1x10000x64xf32>
    %get3A_6 = vector.shape_cast %get3A_5 : vector<1x10000x64xf32> to vector<10000x64xf32>
    %get3A_7 = arith.constant 1 : index
    %get3A_8 = arith.constant 0 : index
    %get3A_9 = arith.constant 0 : index
    %get3A_10 = vector.load %arg0[%get3A_7, %get3A_8, %get3A_9] : memref<2x10112x64xf32, #tpu.memory_space<vmem>>, vector<1x10000x64xf32>
    %get3A_11 = vector.shape_cast %get3A_10 : vector<1x10000x64xf32> to vector<10000x64xf32>
    %add3A = arith.addf %get3A_6, %get3A_11 : vector<10000x64xf32>
    %get3A_12 = arith.constant 0 : index
    %get3A_13 = arith.constant 0 : index
    %get3A_14 = vector.load %arg1[%get3A_12, %get3A_13] : memref<10000x64xf32, #tpu.memory_space<vmem>>, vector<10000x64xf32>
    %add3A_15 = arith.addf %add3A, %get3A_14 : vector<10000x64xf32>
    %mul3A = vector.broadcast %get3A_1 : vector<10000x1xf32> to vector<10000x64xf32>
    %mul3A_16 = arith.mulf %mul3A, %add3A_15 : vector<10000x64xf32>
    %get3A_17 = arith.constant 0 : index
    %get3A_18 = arith.constant 0 : index
    %get3A_19 = vector.load %arg3[%get3A_17, %get3A_18] : memref<1x64xf32, #tpu.memory_space<vmem>>, vector<1x64xf32>
    %add3A_20 = vector.broadcast %get3A_19 : vector<1x64xf32> to vector<10000x64xf32>
    %add3A_21 = arith.addf %mul3A_16, %add3A_20 : vector<10000x64xf32>
    %max3A = arith.constant 0.000000e+00 : f32
    %max3A_22 = vector.broadcast %max3A : f32 to vector<10000x64xf32>
    %max3A_23 = arith.maximumf %add3A_21, %max3A_22 : vector<10000x64xf32>
    %get3A_24 = arith.constant 0 : index
    %get3A_25 = arith.constant 0 : index
    %get3A_26 = vector.load %arg4[%get3A_24, %get3A_25] : memref<64x64xf32, #tpu.memory_space<vmem>>, vector<64x64xf32>
    %dot_general3A = arith.constant dense<0.000000e+00> : vector<10000x64xf32>
    %dot_general3A_27 = tpu.matmul %max3A_23, %get3A_26, %dot_general3A {dimension_numbers = #tpu.dot_dimension_numbers<[1], [0], [0], [1], [0, 0, 1, 1], [], []>, transpose_lhs_hint = false} : vector<10000x64xf32>, vector<64x64xf32>, vector<10000x64xf32> -> vector<10000x64xf32>
    %mul3A_28 = vector.broadcast %get3A_1 : vector<10000x1xf32> to vector<10000x64xf32>
    %mul3A_29 = arith.mulf %mul3A_28, %dot_general3A_27 : vector<10000x64xf32>
    %swap3A = arith.constant 0 : index
    %swap3A_30 = arith.constant 0 : index
    %swap3A_31 = vector.load %arg5[%swap3A, %swap3A_30] : memref<10000x64xf32, #tpu.memory_space<vmem>>, vector<10000x64xf32>
    tpu.vector_store %arg5[%swap3A, %swap3A_30], %mul3A_29 {strides = array<i32>} : memref<10000x64xf32, #tpu.memory_space<vmem>>, vector<10000x64xf32>,
    return
  }
}

module attributes {stable_mosaic.version = 14 : i64} {
  func.func @_tc_logits_body(%arg0: memref<2x16x64xf32, #tpu.memory_space<vmem>>, %arg1: memref<16x64xf32, #tpu.memory_space<vmem>>, %arg2: memref<16x1xf32, #tpu.memory_space<vmem>>, %arg3: memref<1x64xf32, #tpu.memory_space<vmem>>, %arg4: memref<64x128xf32, #tpu.memory_space<vmem>>, %arg5: memref<1x128xf32, #tpu.memory_space<vmem>>, %arg6: memref<16x128xf32, #tpu.memory_space<vmem>>) attributes {dimension_semantics = [], scalar_prefetch = 0 : i64, scratch_operands = 0 : i64, tpu.core_type = #tpu.core_type<tc>} {
    %get3A = arith.constant 0 : index
    %get3A_0 = arith.constant 0 : index
    %get3A_1 = vector.load %arg2[%get3A, %get3A_0] : memref<16x1xf32, #tpu.memory_space<vmem>>, vector<16x1xf32>
    %get3A_2 = arith.constant 0 : index
    %get3A_3 = arith.constant 0 : index
    %get3A_4 = arith.constant 0 : index
    %get3A_5 = vector.load %arg0[%get3A_2, %get3A_3, %get3A_4] : memref<2x16x64xf32, #tpu.memory_space<vmem>>, vector<1x16x64xf32>
    %get3A_6 = vector.shape_cast %get3A_5 : vector<1x16x64xf32> to vector<16x64xf32>
    %get3A_7 = arith.constant 1 : index
    %get3A_8 = arith.constant 0 : index
    %get3A_9 = arith.constant 0 : index
    %get3A_10 = vector.load %arg0[%get3A_7, %get3A_8, %get3A_9] : memref<2x16x64xf32, #tpu.memory_space<vmem>>, vector<1x16x64xf32>
    %get3A_11 = vector.shape_cast %get3A_10 : vector<1x16x64xf32> to vector<16x64xf32>
    %add3A = arith.addf %get3A_6, %get3A_11 : vector<16x64xf32>
    %get3A_12 = arith.constant 0 : index
    %get3A_13 = arith.constant 0 : index
    %get3A_14 = vector.load %arg1[%get3A_12, %get3A_13] : memref<16x64xf32, #tpu.memory_space<vmem>>, vector<16x64xf32>
    %add3A_15 = arith.addf %add3A, %get3A_14 : vector<16x64xf32>
    %mul3A = vector.broadcast %get3A_1 : vector<16x1xf32> to vector<16x64xf32>
    %mul3A_16 = arith.mulf %mul3A, %add3A_15 : vector<16x64xf32>
    %get3A_17 = arith.constant 0 : index
    %get3A_18 = arith.constant 0 : index
    %get3A_19 = vector.load %arg3[%get3A_17, %get3A_18] : memref<1x64xf32, #tpu.memory_space<vmem>>, vector<1x64xf32>
    %add3A_20 = vector.broadcast %get3A_19 : vector<1x64xf32> to vector<16x64xf32>
    %add3A_21 = arith.addf %mul3A_16, %add3A_20 : vector<16x64xf32>
    %get3A_22 = arith.constant 0 : index
    %get3A_23 = arith.constant 0 : index
    %get3A_24 = vector.load %arg4[%get3A_22, %get3A_23] : memref<64x128xf32, #tpu.memory_space<vmem>>, vector<64x128xf32>
    %dot_general3A = arith.constant dense<0.000000e+00> : vector<16x128xf32>
    %dot_general3A_25 = tpu.matmul %add3A_21, %get3A_24, %dot_general3A {dimension_numbers = #tpu.dot_dimension_numbers<[1], [0], [0], [1], [0, 0, 1, 1], [], []>, transpose_lhs_hint = false} : vector<16x64xf32>, vector<64x128xf32>, vector<16x128xf32> -> vector<16x128xf32>
    %get3A_26 = arith.constant 0 : index
    %get3A_27 = arith.constant 0 : index
    %get3A_28 = vector.load %arg5[%get3A_26, %get3A_27] : memref<1x128xf32, #tpu.memory_space<vmem>>, vector<1x128xf32>
    %add3A_29 = vector.broadcast %get3A_28 : vector<1x128xf32> to vector<16x128xf32>
    %add3A_30 = arith.addf %dot_general3A_25, %add3A_29 : vector<16x128xf32>
    %swap3A = arith.constant 0 : index
    %swap3A_31 = arith.constant 0 : index
    %swap3A_32 = vector.load %arg6[%swap3A, %swap3A_31] : memref<16x128xf32, #tpu.memory_space<vmem>>, vector<16x128xf32>
    tpu.vector_store %arg6[%swap3A, %swap3A_31], %add3A_30 {strides = array<i32>} : memref<16x128xf32, #tpu.memory_space<vmem>>, vector<16x128xf32>,
    return
  }
}

</mosaic_0001>

<sc_bundles>
// kernel: kernel.11.cloned.1.call-start
scs
__scs_entry_jumppad:
0x0: {  	(pc) =	sbr.rel $0x88, $3  }
0x1: {  	(tag) =	ssettag $0x0;
	lr =	simm.s32 $0x1  }
0x2: {  	[smem:$0x3F95] =	sst lr;
	_ =	strace $0xD0000000  }
0x3: {  	_ = 	snop  }
0x4: {  	_ = 	snop  }
0x5: {  	_ = 	snop  }
0x6: {  	_ = 	snop  }
0x7: {  	_ = 	snop  }
__scs_overlays_trampoline_lowered:
0x8: {  	[smem:$0x3FA4] =	sst s0  }
0x9: {  	[smem:$0x3FA5] =	sst s1  }
0xa: {  	[smem:$0x3FA6] =	sst s2  }
0xb: {  	[smem:$0x3FA7] =	sst s3  }
0xc: {  	[smem:$0x3FA8] =	sst s4  }
0xd: {  	[smem:$0x3FA9] =	sst s5  }
0xe: {  	[smem:$0x3FAA] =	sst s6  }
0xf: {  	[smem:$0x3FAB] =	sst s7  }
0x10: {  	[smem:$0x3FAC] =	sst s8  }
0x11: {  	[smem:$0x3FAD] =	sst s9;
	s0 =	simm.s32 @!p0 $0x0  }
0x12: {  	s1 =	sld [smem:$0x3F93];
	s0 =	simm.s32 @p0 $0x1  }
0x13: {  	[smem:$0x3FAE] =	sst s0;
	s0 =	simm.s32 @!p1 $0x0  }
0x14: {  	s2 =	sld [smem:$0x3F92];
	s0 =	simm.s32 @p1 $0x1  }
0x15: {  	[smem:$0x3FAF] =	sst s0;
	s0 =	simm.s32 @!p2 $0x0  }
0x16: {  	s3 =	sld [smem:$0x3FDB];
	s0 =	simm.s32 @p2 $0x1  }
0x17: {  	s4 =	simm.s32 $0x1BF5;
	[smem:$0x3FB1] =	sst s0  }
0x18: {  	s0 =	sld [smem:$0x3F94];
	_ =	swait.ge [sflag:s4], $0x0  }
0x19: {  	s7 =	sld [smem:$0x3F95]  }
0x1a: {  	s8 =	sadd.s32 $0xFFFFE003, lr  }
0x1b: {  	s9 =	sadd.s32 $0xFFFFFEF7, lr;
	s5 =	simm.s32 $0xFFFFFFFF;
	p2 =	slt.u32 s8, $0xFFFFF086  }
0x1c: {  	p1 =	slt.u32 s9, $0xF7A;
	s5 =	simm.s32 @!p2 $0x0  }
0x1d: {  	s5 =	simm.s32 @p1 $0x1;
	p0 =	seq.s32 s7, s2  }
0x1e: {  	s7 =	smul.u32 @!p0 $0xF7A, s2;
	p2 =	seq.s32 @!p0 s5, $0x0  }
0x1f: {  	s9 =	smul.u32 $0xF7A, s1;
	s8 =	simm.s32 @!p0 $0x1BF5;
	p2 =	por !p2, p0  }
0x20: {  	[sflag:s8] =	ssyncset.s32 @!p0 $0xFFFFF086;
	s6 =	sadd.s32 @!p0 s3, s7;
	s7 =	simm.s32 @!p0 $0x108  }
0x21: {  	s3 =	sadd.s32 s3, s9;
	s6 =	sadd.s32 @!p0 $0x88, s6;
	s7 =	simm.s32 @p2 $0x1082  }
0x22: {  	[simem:s7], [sflag:s8] =	dma.local @!p0 [hbm:s6], $0xF7A  }
0x23: {  	s9 =	sor.u32 $0xD0000000, s2;
	s6 =	simm.s32 $0x108;
	_ =	swait.ge @!p0 [sflag:s8], $0x0  }
0x24: {  	s3 =	sadd.s32 $0x88, s3;
	s6 =	simm.s32 @!p1 $0x1082;
	[sflag:s4] =	ssyncset.s32 $0xFFFFF086  }
0x25: {  	[simem:s6], [sflag:s4] =	dma.local [hbm:s3], $0xF7A  }
0x26: {  	[smem:$0x3F95] =	sst s1;
	(tag) =	ssettag s2;
	_ =	strace s9  }
0x27: {  	s1 =	sld [smem:$0x3FA5]  }
0x28: {  	s2 =	sld [smem:$0x3FA6]  }
0x29: {  	s4 =	sld [smem:$0x3FA8]  }
0x2a: {  	p0 =	seq.s32 s5, $0x0;
	s5 =	sld [smem:$0x3FA9]  }
0x2b: {  	s6 =	sld [smem:$0x3FAA]  }
0x2c: {  	s7 =	sld [smem:$0x3FAB]  }
0x2d: {  	s3 =	simm.s32 $0x108;
	s8 =	sld [smem:$0x3FAC]  }
0x2e: {  	s3 =	simm.s32 @!p0 $0x1082;
	s9 =	sld [smem:$0x3FAD]  }
0x2f: {  	lr =	sadd.s32 s0, s3;
	s0 =	sld [smem:$0x3FA4]  }
0x30: {  	s3 =	sld [smem:$0x3FA7]  }
0x31: {  	[smem:$0x3FB0] =	sst s10  }
0x32: {  	s10 =	sld [smem:$0x3FAE];
	_ =	sdelay $0x3  }
0x33: {  	p0 =	seq.s32 s10, $0x1;
	s10 =	sld [smem:$0x3FB0];
	_ =	sdelay $0x3  }
0x34: {  	[smem:$0x3FB0] =	sst s10  }
0x35: {  	s10 =	sld [smem:$0x3FAF];
	_ =	sdelay $0x3  }
0x36: {  	p1 =	seq.s32 s10, $0x1;
	s10 =	sld [smem:$0x3FB0];
	_ =	sdelay $0x3  }
0x37: {  	[smem:$0x3FB0] =	sst s10  }
0x38: {  	s10 =	sld [smem:$0x3FB1]  }
0x39: {  	_ = 	snop;
	(pc) =	sbr.ind lr, $3  }
0x3a: {  	_ = 	snop  }
0x3b: {  	_ = 	snop  }
0x3c: {  	p2 =	seq.s32 s10, $0x1;
	s10 =	sld [smem:$0x3FB0]  }
0x3d: {  	_ =	shalt  }
0x3e: {  	_ =	shalt  }
0x3f: {  	_ =	shalt  }
0x40: {  	_ =	shalt  }
0x41: {  	_ =	shalt  }
0x42: {  	_ =	shalt  }
0x43: {  	_ =	shalt  }
0x44: {  	_ =	shalt  }
0x45: {  	_ =	shalt  }
0x46: {  	_ =	shalt  }
0x47: {  	_ =	shalt  }
0x48: {  	_ =	shalt  }
0x49: {  	_ =	shalt  }
0x4a: {  	_ =	shalt  }
0x4b: {  	_ =	shalt  }
0x4c: {  	_ =	shalt  }
0x4d: {  	_ =	shalt  }
0x4e: {  	_ =	shalt  }
0x4f: {  	_ =	shalt  }
0x50: {  	_ =	shalt  }
0x51: {  	_ =	shalt  }
0x52: {  	_ =	shalt  }
0x53: {  	_ =	shalt  }
0x54: {  	_ =	shalt  }
0x55: {  	_ =	shalt  }
0x56: {  	_ =	shalt  }
0x57: {  	_ =	shalt  }
0x58: {  	_ =	shalt  }
0x59: {  	_ =	shalt  }
0x5a: {  	_ =	shalt  }
0x5b: {  	_ =	shalt  }
0x5c: {  	_ =	shalt  }
0x5d: {  	_ =	shalt  }
0x5e: {  	_ =	shalt  }
0x5f: {  	_ =	shalt  }
0x60: {  	_ =	shalt  }
0x61: {  	_ =	shalt  }
0x62: {  	_ =	shalt  }
0x63: {  	_ =	shalt  }
0x64: {  	_ =	shalt  }
0x65: {  	_ =	shalt  }
0x66: {  	_ =	shalt  }
0x67: {  	_ =	shalt  }
0x68: {  	_ =	shalt  }
0x69: {  	_ =	shalt  }
0x6a: {  	_ =	shalt  }
0x6b: {  	_ =	shalt  }
0x6c: {  	_ =	shalt  }
0x6d: {  	_ =	shalt  }
0x6e: {  	_ =	shalt  }
0x6f: {  	_ =	shalt  }
0x70: {  	_ =	shalt  }
0x71: {  	_ =	shalt  }
0x72: {  	_ =	shalt  }
0x73: {  	_ =	shalt  }
0x74: {  	_ =	shalt  }
0x75: {  	_ =	shalt  }
0x76: {  	_ =	shalt  }
0x77: {  	_ =	shalt  }
0x78: {  	_ =	shalt  }
0x79: {  	_ =	shalt  }
0x7a: {  	_ =	shalt  }
0x7b: {  	_ =	shalt  }
0x7c: {  	_ =	shalt  }
0x7d: {  	_ =	shalt  }
0x7e: {  	_ =	shalt  }
0x7f: {  	_ =	shalt  }
0x80: {  	_ =	shalt  }
0x81: {  	_ =	shalt  }
0x82: {  	_ =	shalt  }
0x83: {  	_ =	shalt  }
0x84: {  	_ =	shalt  }
0x85: {  	_ =	shalt  }
0x86: {  	_ =	shalt  }
0x87: {  	_ =	shalt  }
.Lfunc_end0:
.L_simem_size_0:
called_computation_lowered:
.L_overlay_start_0:
0x88: {  	s2 =	sld [smem:$0x3FD9]  }
0x89: {  	s3 =	sld [smem:$0x3FFE];
	_ =	sdelay $0x1  }
0x8a: {  	s1 =	srdreg.scid  }
0x8b: {  	s0 =	sand.u32 $0x1, s1  }
0x8c: {  	s17 =	sshll.u32 s0, $0xA;
	s2 =	sadd.s32 s3, s2  }
0x8d: {  	s2 =	sadd.s32 s2, s17  }
0x8e: {  	[smem:$0x3FBC] =	sst s2  }
0x8f: {  	_ = 	snop  }
0x90: {  	s2 =	sld [smem:$0x3FC7]  }
0x91: {  	s18 =	sld [smem:$0x3FC6];
	(tm) =	ssettm $0x1  }
0x92: {  	s4 =	sld [smem:$0x3FFB];
	_ =	sdelay $0x3  }
0x93: {  	_ =	strace s4  }
0x94: {  	s4 =	sld [smem:$0x3FFC];
	_ =	sdelay $0x3  }
0x95: {  	_ =	strace s4  }
0x96: {  	s4 =	sld [smem:$0x3FFD];
	_ =	sdelay $0x3  }
0x97: {  	_ =	strace s4  }
0x98: {  	_ =	strace $0x8FFFFFFF  }
0x99: {  	s19 =	sld [smem:$0x3FDB];
	_ =	sdelay $0x1  }
0x9a: {  	s5 =	simm.s32 $_scs_section_size  }
0x9b: {  	s6 =	simm.s32 $_size__tile_overlayer_lowered;
	s7 =	simm.s32 $_tile_overlayer_lowered  }
0x9c: {  	s22 =	simm.s32 $0x1BFF;
	s21 =	sshll.u32 s7, $0x1;
	s4 =	sadd.s32 s5, s19  }
0x9d: {  	s8 =	simm.s32 $0x0;
	s20 =	sshll.u32 s6, $0x1;
	s6 =	sadd.s32 s21, s4  }
0x9e: {  	[timem:s8], [sflag:s22] =	dma.local [hbm:s6], s20  }
0x9f: {  	_ =	swait.ge [sflag:s22], s20  }
0xa0: {  	s5 =	ssub.s32 $0x0, s20;
	[sflag:s22] =	ssyncset.done $0x0  }
0xa1: {  	[sflag:s22] =	ssyncadd.s32 s5;
	_ =	sdelay $0x1  }
0xa2: {  	s23 =	simm.s32 $0x1B8B  }
0xa3: {  	_ =	swait.ge [sflag:s23], $0x1  }
0xa4: {  	[sflag:s23] =	ssyncset.done $0x0  }
0xa5: {  	s25 =	simm.s32 $0x1B8E;
	s24 =	sld [smem:$0x3FFE];
	[sflag:s23] =	ssyncadd.s32 $0xFFFFFFFF  }
0xa6: {  	s26 =	simm.s32 $execute0_lowered;
	[smem:$0x3FD2] =	sst s25  }
0xa7: {  	s6 =	sshll.u32 s26, $0x1;
	_ =	strace $0x80000046;
	[dreg:$0x1] =	wrdreg $0xFFFFFFFF  }
0xa8: {  	s28 =	simm.s32 $_size_execute0_lowered;
	s4 =	sadd.s32 s4, s6;
	[dreg:$0x0] =	wrdreg $0x0  }
0xa9: {  	s6 =	sshll.u32 s28, $0x1;
	[dreg:$0x2] =	wrdreg s4  }
0xaa: {  	[dreg:$0x3] =	wrdreg s6  }
0xab: {  	[dreg:$0x4] =	wrdreg $0xC0  }
0xac: {  	_ =	task [dreg:s8], $0x5FFFF  }
0xad: {  	[dreg:$0x1] =	wrdreg $0xFFFFFFFF  }
0xae: {  	[dreg:$0x0] =	wrdreg $0x60  }
0xaf: {  	[dreg:$0x2] =	wrdreg s24  }
0xb0: {  	[dreg:$0x3] =	wrdreg s2  }
0xb1: {  	[dreg:$0x4] =	wrdreg s18  }
0xb2: {  	[dreg:$0x5] =	wrdreg $0x9F500  }
0xb3: {  	[dreg:$0x6] =	wrdreg $0xA1C80  }
0xb4: {  	[dreg:$0x7] =	wrdreg $0x9  }
0xb5: {  	_ =	task.clear_ibuf [dreg:s8], $0x8FFFF;
	_ =	strace $0x90000046  }
0xb6: {  	s29 =	simm.s32 $0x9;
	_ =	strace $0x80000048  }
0xb7: {  	_ =	swait.ge [sflag:s29], $0x1  }
0xb8: {  	[sflag:s29] =	ssyncadd.s32 $0xFFFFFFFF  }
0xb9: {  	_ =	strace $0x90000048  }
0xba: {  	_ =	sfence  }
0xbb: {  	s30 =	sld [smem:$0x0];
	_ =	sdelay $0x2  }
0xbc: {  	s31 =	sshll.u32 s1, $0xD;
	s1 =	sshrl.u32 s1, $0x2  }
0xbd: {  	s3 =	sand.u32 $0x4000, s31;
	s1 =	sadd.s32 s1, s30  }
0xbe: {  	s0 =	sor.u32 s3, s0;
	s1 =	sshll.u32 s1, $0x11  }
0xbf: {  	s0 =	sor.u32 s1, s0  }
0xc0: {  	s0 =	sadd.s32 $0x8F2B, s0  }
0xc1: {  	[sflag:s0] =	ssyncadd.remote.s32 $0x1  }
0xc2: {  	_ =	sfence.sel $0xFFFF  }
0xc3: {  	[dreg:$0x0] =	wrdreg $0xFFFFFFFF;
	(pc) =	sbr.abs _section_cstart, $3  }
0xc4: {  	[dreg:$0x1] =	wrdreg $0xFFFFFFFF  }
0xc5: {  	_ =	task.clear_ibuf [dreg:s8], $0x2FFFF;
	_ =	strace $0x9FFFFFFF  }
0xc6: {  	(tm) =	ssettm $0x7FFFFFFF  }
0xc7: {  	_ =	shalt  }
tec
execute0_lowered:
.L_overlay_start_1:
0x0: {  	(tag) =	ssettag $0x1  }
0x1: {  	s9 =	rddreg [dreg:$0x0]  }
0x2: {  	s1 =	rddreg [dreg:$0x1]  }
0x3: {  	s3 =	rddreg [dreg:$0x2]  }
0x4: {  	s0 =	srdreg.scid;
	s4 =	rddreg [dreg:$0x3]  }
0x5: {  	s5 =	rddreg [dreg:$0x4];
	s6 =	simm.s32 $0x0;
	s17 =	simm.s32 $0x80  }
0x6: {  	s18 =	simm.s32 $0x5000;
	s19 =	simm.s32 $0x1;
	s21 =	simm.s32 $0x5080  }
0x7: {  	s22 =	simm.s32 $0x9F20;
	s23 =	simm.s32 $0x7800;
	s24 =	simm.s32 $0x9F10  }
0x8: {  	s25 =	simm.s32 $0x9F40;
	s13 =	sand.u32 $0x1, s0;
	s0 =	stileid.u32  }
0x9: {  	s26 =	simm.s32 $0x0;
	[smem:$0x7FF] =	sst s6;
	s10 =	smul.u32 $0x278, s0  }
0xa: {  	s2 =	sshll.u32 s13, $0x4;
	s8 =	smul.u32 $0x2780, s13;
	s14 =	ssub.s32 $0x2, s13  }
0xb: {  	s31 =	sshll.u32 s0, $0x6;
	s20 =	sor.u32 s0, s13;
	s2 =	sor.u32 s0, s2  }
0xc: {  	s29 =	sshrl.u32 s14, $0x1;
	p0 =	sne.s32 s20, $0x0;
	s20 =	sshrl.u32 s5, $0x3  }
0xd: {  	s7 =	smul.u32 $0xA00, s2;
	s2 =	rddreg [dreg:$0x5];
	_ =	strace $0x80000047  }
0xe: {  	s8 =	sadd.s32 s10, s8;
	s14 =	ssub.s32 s14, s29;
	s30 =	sshrl.u32 s10, $0x3  }
.Ltmp0:
0xf: {  	s16 =	sadd.s32 s10, s4;
	s11 =	sshrl.u32 s8, $0x3;
	(pc) =	sbr.rel .LBB2_1-.Ltmp0, $4  }
0x10: {  	s8 =	sadd.s32 $0x17C00, s9;
	s14 =	smax.u32 s14, $0x1;
	s12 =	sadd.s32 s7, s9  }
0x11: {  	s7 =	sadd.s32 $0x17600, s9;
	s15 =	sadd.s32 s11, s9;
	s9 =	sadd.s32 $0x18C00, s9  }
0x12: {  	s10 =	sadd.s32 s8, s30;
	s11 =	sor.u32 $0x1C02, s31;
	s12 =	sadd.s32 $0x3600, s12  }
0x13: {  	v0 =	vimm.f32 $1.000000000e+00;
	s13 =	sadd.s32 $0x18200, s15;
	s15 =	sshrl.u32 s16, $0x3;
	s16 =	simm.s32 $0x2  }
.LBB2_6:
0x14: {  	[sflag:s16] =	ssyncset.done $0x0  }
0x15: {  	[sflag:s16] =	ssyncadd.s32 $0xFFFFFF80  }
0x16: {  	[tilespmem:s22], [sflag:$0x2] =	stream.linear.gather [spmem:s5], $0x20, $0x38;
	[tilespmem:$0xA1D0] =	vst v63  }
0x17: {  	_ =	swait.ge [sflag:s16], $0x20  }
0x18: {  	[sflag:s16] =	ssyncset.done $0x0  }
0x19: {  	[sflag:s16] =	ssyncadd.s32 $0xFFFFFFE0  }
0x1a: {  	[tilespmem:s23], [sflag:$0x2] =	stream.linear.gather [hbm4b:s1+s6], $0x2710, $0x38;
	[tilespmem:$0xA1D0] =	vst v63  }
0x1b: {  	_ =	swait.ge [sflag:s16], $0x2710  }
0x1c: {  	[sflag:s16] =	ssyncset.done $0x0  }
0x1d: {  	[sflag:s16] =	ssyncadd.s32 $0xFFFFD8F0  }
0x1e: {  	[tilespmem:s24], [sflag:$0x2] =	stream.linear.gather [hbm4b:s3+s6], $0x10, $0x38;
	[tilespmem:$0xA1D0] =	vst v63  }
0x1f: {  	_ =	swait.ge [sflag:s16], $0x10  }
0x20: {  	[sflag:s16] =	ssyncset.done $0x0  }
0x21: {  	[sflag:s16] =	ssyncadd.s32 $0xFFFFFFF0  }
0x22: {  	v1 =	vld [tilespmem:$0x9F10];
	_ =	sdelay $0x7  }
0x23: {  	v2 =	vld.idx.msk [tilespmem:v1+s23+$0x0], $0xffff;
	_ =	sdelay $0x4  }
0x24: {  	v3 =	vadd.s32 $0xFFFFFFFF, v2  }
0x25: {  	vm0 =	vgt.s32 v3, $0x0  }
0x26: {  	v3 =	vnsel vm0, $0x0, v3;
	_ =	sdelay $0x4  }
0x27: {  	v3 =	vld.idx.msk [tilespmem:v3+s22+$0x0], $0xffff;
	_ =	sdelay $0x4  }
0x28: {  	v3 =	vtrunc.f32 v3  }
0x29: {  	v3 =	vcvt.f32.s32 v3  }
0x2a: {  	vm14 =	vgt.s32 v2, $0x0  }
0x2b: {  	v2 =	vnsel vm14, $0x0, v3  }
0x2c: {  	v1 =	vadd.s32 v1, v2  }
0x2d: {  	vm15 =	vgt.s32 v1, $0x0  }
0x2e: {  	v1 =	vnsel vm15, $0x0, v1  }
0x2f: {  	v1 =	vmin.u32 v1, $0x270F  }
0x30: {  	[tilespmem:$0x9F40] =	vst v1  }
0x31: {  	[hbm4b:s9+s6] =	stream.linear.scatter [tilespmem:s25], [sflag:$0x2], $0x10, $0x38;
	[tilespmem:$0xA1D0] =	vst v63  }
0x32: {  	_ =	swait.ge [sflag:s16], $0x10  }
0x33: {  	[sflag:s16] =	ssyncset.done $0x0  }
0x34: {  	[sflag:s16] =	ssyncadd.s32 $0xFFFFFFF0  }
.LBB2_7:
0x35: {  	s26 =	sadd.s32 $0x1, s26  }
0x36: {  	p1 =	sne.s32 s26, s14  }
.Ltmp1:
0x37: {  	[bflag:$0x0] =	sbarrier.arrive $0xFFFF;
	(pc) =	sbr.rel @!p1 .LBB2_8-.Ltmp1, $4  }
0x38: {  	[hbm:s13], [sflag:s11] =	dma.local [spmem:s15], $0x4F  }
0x39: {  	_ =	swait.ge [sflag:s16], $0x4F  }
0x3a: {  	[sflag:s16] =	ssyncset.done $0x0  }
0x3b: {  	[sflag:s16] =	ssyncadd.s32 $0xFFFFFFB1  }
.LBB2_1:
0x3c: {  	[spmem:s15], [sflag:s11] =	dma.local [hbm:s10], $0x4F  }
0x3d: {  	_ =	swait.ge [sflag:s16], $0x4F  }
0x3e: {  	[sflag:s16] =	ssyncset.done $0x0  }
0x3f: {  	[sflag:s16] =	ssyncadd.s32 $0xFFFFFFB1  }
0x40: {  	[tilespmem:$0x5000] =	vst v0  }
0x41: {  	[tilespmem:$0x5010] =	vst v0  }
0x42: {  	[tilespmem:$0x5020] =	vst v0  }
0x43: {  	[tilespmem:$0x5030] =	vst v0  }
0x44: {  	[tilespmem:$0x5040] =	vst v0  }
0x45: {  	[tilespmem:$0x5050] =	vst v0  }
0x46: {  	[tilespmem:$0x5060] =	vst v0  }
0x47: {  	[tilespmem:$0x5070] =	vst v0  }
0x48: {  	[bflag:$0x0] =	sbarrier.arrive $0xFFFF  }
0x49: {  	[tilespmem:s6], [sflag:$0x2] =	stream.linear.gather [hbm4b:s12+s6], $0x5000, $0x38;
	[tilespmem:$0xA1D0] =	vst v63  }
0x4a: {  	_ =	swait.ge [sflag:s16], $0x5000  }
0x4b: {  	[sflag:s16] =	ssyncset.done $0x0  }
0x4c: {  	s28 =	simm.s32 $0x0;
	[sflag:s16] =	ssyncadd.s32 $0xFFFFB000  }
0x4d: {  	[spmem:s4] =	stream.indirect.scatter.add.f32 [tilespmem:s18], [sflag:$0x1], $0x1, s28, s17, $0xb8;
	[tilespmem:$0xA1D0] =	vst v63  }
0x4e: {  	s28 =	simm.s32 $0x80  }
0x4f: {  	[spmem:s4] =	stream.indirect.scatter.add.f32 [tilespmem:s18], [sflag:$0x1], $0x1, s28, s17, $0xb8;
	[tilespmem:$0xA1D0] =	vst v63  }
0x50: {  	s28 =	simm.s32 $0x100  }
0x51: {  	[spmem:s4] =	stream.indirect.scatter.add.f32 [tilespmem:s18], [sflag:$0x1], $0x1, s28, s17, $0xb8;
	[tilespmem:$0xA1D0] =	vst v63  }
0x52: {  	s28 =	simm.s32 $0x180  }
0x53: {  	[spmem:s4] =	stream.indirect.scatter.add.f32 [tilespmem:s18], [sflag:$0x1], $0x1, s28, s17, $0xb8;
	[tilespmem:$0xA1D0] =	vst v63  }
0x54: {  	s28 =	simm.s32 $0x200  }
0x55: {  	[spmem:s4] =	stream.indirect.scatter.add.f32 [tilespmem:s18], [sflag:$0x1], $0x1, s28, s17, $0xb8;
	[tilespmem:$0xA1D0] =	vst v63  }
0x56: {  	s28 =	simm.s32 $0x280  }
0x57: {  	[spmem:s4] =	stream.indirect.scatter.add.f32 [tilespmem:s18], [sflag:$0x1], $0x1, s28, s17, $0xb8;
	[tilespmem:$0xA1D0] =	vst v63  }
0x58: {  	s28 =	simm.s32 $0x300  }
0x59: {  	[spmem:s4] =	stream.indirect.scatter.add.f32 [tilespmem:s18], [sflag:$0x1], $0x1, s28, s17, $0xb8;
	[tilespmem:$0xA1D0] =	vst v63  }
0x5a: {  	s28 =	simm.s32 $0x380  }
0x5b: {  	[spmem:s4] =	stream.indirect.scatter.add.f32 [tilespmem:s18], [sflag:$0x1], $0x1, s28, s17, $0xb8;
	[tilespmem:$0xA1D0] =	vst v63  }
0x5c: {  	_ =	swait.ge [sflag:s19], $0x80  }
0x5d: {  	[sflag:s19] =	ssyncset.done $0x0  }
0x5e: {  	[sflag:s19] =	ssyncadd.s32 $0xFFFFFF80  }
0x5f: {  	_ =	swait.ge [sflag:s19], $0x80  }
0x60: {  	[sflag:s19] =	ssyncset.done $0x0  }
0x61: {  	[sflag:s19] =	ssyncadd.s32 $0xFFFFFF80  }
0x62: {  	_ =	swait.ge [sflag:s19], $0x80  }
0x63: {  	[sflag:s19] =	ssyncset.done $0x0  }
0x64: {  	[sflag:s19] =	ssyncadd.s32 $0xFFFFFF80  }
0x65: {  	_ =	swait.ge [sflag:s19], $0x80  }
0x66: {  	[sflag:s19] =	ssyncset.done $0x0  }
0x67: {  	[sflag:s19] =	ssyncadd.s32 $0xFFFFFF80  }
0x68: {  	_ =	swait.ge [sflag:s19], $0x80  }
0x69: {  	[sflag:s19] =	ssyncset.done $0x0  }
0x6a: {  	[sflag:s19] =	ssyncadd.s32 $0xFFFFFF80  }
0x6b: {  	_ =	swait.ge [sflag:s19], $0x80  }
0x6c: {  	[sflag:s19] =	ssyncset.done $0x0  }
0x6d: {  	[sflag:s19] =	ssyncadd.s32 $0xFFFFFF80  }
0x6e: {  	_ =	swait.ge [sflag:s19], $0x80  }
0x6f: {  	[sflag:s19] =	ssyncset.done $0x0  }
0x70: {  	[sflag:s19] =	ssyncadd.s32 $0xFFFFFF80  }
0x71: {  	_ =	swait.ge [sflag:s19], $0x80  }
0x72: {  	s30 =	simm.s32 $0x2000;
	s28 =	simm.s32 $0x1000;
	[sflag:s19] =	ssyncset.done $0x0  }
.LBB2_2:
0x73: {  	s31 =	sshra.s32 s28, $0x2  }
0x74: {  	[sflag:s19] =	ssyncadd.s32 $0xFFFFFF80;
	s28 =	smov.u32 s30;
	s29 =	sadd.s32 $0x1000, s30  }
0x75: {  	[spmem:s4] =	stream.indirect.scatter.add.f32 [tilespmem:s18], [sflag:$0x1], $0x1, s31, s17, $0xb8;
	[tilespmem:$0xA1D0] =	vst v63  }
0x76: {  	p1 =	sne.s32 s30, $0x13000;
	s30 =	sadd.s32 $0x80, s31  }
0x77: {  	[spmem:s4] =	stream.indirect.scatter.add.f32 [tilespmem:s18], [sflag:$0x1], $0x1, s30, s17, $0xb8;
	[tilespmem:$0xA1D0] =	vst v63  }
0x78: {  	s30 =	sadd.s32 $0x100, s31  }
0x79: {  	[spmem:s4] =	stream.indirect.scatter.add.f32 [tilespmem:s18], [sflag:$0x1], $0x1, s30, s17, $0xb8;
	[tilespmem:$0xA1D0] =	vst v63  }
0x7a: {  	s30 =	sadd.s32 $0x180, s31  }
0x7b: {  	[spmem:s4] =	stream.indirect.scatter.add.f32 [tilespmem:s18], [sflag:$0x1], $0x1, s30, s17, $0xb8;
	[tilespmem:$0xA1D0] =	vst v63  }
0x7c: {  	s30 =	sadd.s32 $0x200, s31  }
0x7d: {  	[spmem:s4] =	stream.indirect.scatter.add.f32 [tilespmem:s18], [sflag:$0x1], $0x1, s30, s17, $0xb8;
	[tilespmem:$0xA1D0] =	vst v63  }
0x7e: {  	s30 =	sadd.s32 $0x280, s31  }
0x7f: {  	[spmem:s4] =	stream.indirect.scatter.add.f32 [tilespmem:s18], [sflag:$0x1], $0x1, s30, s17, $0xb8;
	[tilespmem:$0xA1D0] =	vst v63  }
0x80: {  	s30 =	sadd.s32 $0x300, s31  }
0x81: {  	[spmem:s4] =	stream.indirect.scatter.add.f32 [tilespmem:s18], [sflag:$0x1], $0x1, s30, s17, $0xb8;
	[tilespmem:$0xA1D0] =	vst v63  }
0x82: {  	s30 =	sadd.s32 $0x380, s31  }
0x83: {  	[spmem:s4] =	stream.indirect.scatter.add.f32 [tilespmem:s18], [sflag:$0x1], $0x1, s30, s17, $0xb8;
	[tilespmem:$0xA1D0] =	vst v63  }
0x84: {  	_ =	swait.ge [sflag:s19], $0x80  }
0x85: {  	[sflag:s19] =	ssyncset.done $0x0  }
0x86: {  	[sflag:s19] =	ssyncadd.s32 $0xFFFFFF80  }
0x87: {  	_ =	swait.ge [sflag:s19], $0x80  }
0x88: {  	[sflag:s19] =	ssyncset.done $0x0  }
0x89: {  	[sflag:s19] =	ssyncadd.s32 $0xFFFFFF80  }
0x8a: {  	_ =	swait.ge [sflag:s19], $0x80  }
0x8b: {  	[sflag:s19] =	ssyncset.done $0x0  }
0x8c: {  	[sflag:s19] =	ssyncadd.s32 $0xFFFFFF80  }
0x8d: {  	_ =	swait.ge [sflag:s19], $0x80  }
0x8e: {  	[sflag:s19] =	ssyncset.done $0x0  }
0x8f: {  	[sflag:s19] =	ssyncadd.s32 $0xFFFFFF80  }
0x90: {  	_ =	swait.ge [sflag:s19], $0x80  }
0x91: {  	[sflag:s19] =	ssyncset.done $0x0  }
0x92: {  	[sflag:s19] =	ssyncadd.s32 $0xFFFFFF80  }
0x93: {  	_ =	swait.ge [sflag:s19], $0x80  }
0x94: {  	[sflag:s19] =	ssyncset.done $0x0  }
0x95: {  	[sflag:s19] =	ssyncadd.s32 $0xFFFFFF80  }
.Ltmp2:
0x96: {  	_ =	swait.ge [sflag:s19], $0x80;
	(pc) =	sbr.rel @p1 .LBB2_2-.Ltmp2, $4  }
0x97: {  	[sflag:s19] =	ssyncset.done $0x0  }
0x98: {  	[sflag:s19] =	ssyncadd.s32 $0xFFFFFF80  }
0x99: {  	_ =	swait.ge [sflag:s19], $0x80  }
0x9a: {  	s30 =	smov.u32 s29;
	[sflag:s19] =	ssyncset.done $0x0  }
0x9b: {  	s28 =	sshra.s32 s28, $0x2;
	[sflag:s19] =	ssyncadd.s32 $0xFFFFFF80  }
0x9c: {  	[spmem:s4] =	stream.indirect.scatter.add.f32 [tilespmem:s18], [sflag:$0x1], $0x1, s28, s17, $0xb8;
	[tilespmem:$0xA1D0] =	vst v63  }
0x9d: {  	s29 =	sadd.s32 $0x80, s28  }
0x9e: {  	[spmem:s4] =	stream.indirect.scatter.add.f32 [tilespmem:s18], [sflag:$0x1], $0x1, s29, s17, $0xb8;
	[tilespmem:$0xA1D0] =	vst v63  }
0x9f: {  	s31 =	sadd.s32 $0x100, s28  }
0xa0: {  	[spmem:s4] =	stream.indirect.scatter.add.f32 [tilespmem:s18], [sflag:$0x1], $0x1, s31, s17, $0xb8;
	[tilespmem:$0xA1D0] =	vst v63  }
0xa1: {  	s30 =	sadd.s32 $0x180, s28  }
0xa2: {  	[spmem:s4] =	stream.indirect.scatter.add.f32 [tilespmem:s18], [sflag:$0x1], $0x1, s30, s17, $0xb8;
	[tilespmem:$0xA1D0] =	vst v63  }
0xa3: {  	s31 =	sadd.s32 $0x200, s28  }
0xa4: {  	[spmem:s4] =	stream.indirect.scatter.add.f32 [tilespmem:s18], [sflag:$0x1], $0x1, s31, s17, $0xb8;
	[tilespmem:$0xA1D0] =	vst v63  }
0xa5: {  	s30 =	sadd.s32 $0x280, s28  }
0xa6: {  	[spmem:s4] =	stream.indirect.scatter.add.f32 [tilespmem:s18], [sflag:$0x1], $0x1, s30, s17, $0xb8;
	[tilespmem:$0xA1D0] =	vst v63  }
0xa7: {  	s31 =	sadd.s32 $0x300, s28  }
0xa8: {  	[spmem:s4] =	stream.indirect.scatter.add.f32 [tilespmem:s18], [sflag:$0x1], $0x1, s31, s17, $0xb8;
	[tilespmem:$0xA1D0] =	vst v63  }
0xa9: {  	s28 =	sadd.s32 $0x380, s28  }
0xaa: {  	[spmem:s4] =	stream.indirect.scatter.add.f32 [tilespmem:s18], [sflag:$0x1], $0x1, s28, s17, $0xb8;
	[tilespmem:$0xA1D0] =	vst v63  }
0xab: {  	_ =	swait.ge [sflag:s19], $0x80  }
0xac: {  	[sflag:s19] =	ssyncset.done $0x0  }
0xad: {  	[sflag:s19] =	ssyncadd.s32 $0xFFFFFF80  }
0xae: {  	_ =	swait.ge [sflag:s19], $0x80  }
0xaf: {  	[sflag:s19] =	ssyncset.done $0x0  }
0xb0: {  	[sflag:s19] =	ssyncadd.s32 $0xFFFFFF80  }
0xb1: {  	_ =	swait.ge [sflag:s19], $0x80  }
0xb2: {  	[sflag:s19] =	ssyncset.done $0x0  }
0xb3: {  	[sflag:s19] =	ssyncadd.s32 $0xFFFFFF80  }
0xb4: {  	_ =	swait.ge [sflag:s19], $0x80  }
0xb5: {  	[sflag:s19] =	ssyncset.done $0x0  }
0xb6: {  	[sflag:s19] =	ssyncadd.s32 $0xFFFFFF80  }
0xb7: {  	_ =	swait.ge [sflag:s19], $0x80  }
0xb8: {  	[sflag:s19] =	ssyncset.done $0x0  }
0xb9: {  	[sflag:s19] =	ssyncadd.s32 $0xFFFFFF80  }
0xba: {  	_ =	swait.ge [sflag:s19], $0x80  }
0xbb: {  	[sflag:s19] =	ssyncset.done $0x0  }
0xbc: {  	[sflag:s19] =	ssyncadd.s32 $0xFFFFFF80  }
0xbd: {  	_ =	swait.ge [sflag:s19], $0x80  }
.Ltmp3:
0xbe: {  	[sflag:s19] =	ssyncset.done $0x0;
	(pc) =	sbr.rel @p0 .LBB2_7-.Ltmp3, $4  }
0xbf: {  	[sflag:s19] =	ssyncadd.s32 $0xFFFFFF80  }
0xc0: {  	_ =	swait.ge [sflag:s19], $0x80  }
0xc1: {  	[sflag:s19] =	ssyncset.done $0x0  }
0xc2: {  	[sflag:s19] =	ssyncadd.s32 $0xFFFFFF80  }
0xc3: {  	[spmem:s20], [sflag:s11] =	dma.local [hbm:s8], $0x4  }
0xc4: {  	_ =	swait.ge [sflag:s16], $0x4  }
0xc5: {  	[sflag:s16] =	ssyncset.done $0x0  }
0xc6: {  	s28 =	simm.s32 $0x0;
	[sflag:s16] =	ssyncadd.s32 $0xFFFFFFFC  }
0xc7: {  	[tilespmem:s21], [sflag:$0x2] =	stream.linear.gather [hbm4b:s7+s28], $0x2780, $0x38;
	[tilespmem:$0xA1D0] =	vst v63  }
0xc8: {  	_ =	swait.ge [sflag:s16], $0x2780  }
0xc9: {  	[sflag:s16] =	ssyncset.done $0x0  }
0xca: {  	s28 =	simm.s32 $0x5080;
	[sflag:s16] =	ssyncadd.s32 $0xFFFFD880  }
0xcb: {  	[spmem:s5] =	stream.indirect.scatter.add.f32 [tilespmem:s18], [sflag:$0x2], $0x1, s28, s17, $0xb8;
	[tilespmem:$0xA1D0] =	vst v63  }
0xcc: {  	s28 =	simm.s32 $0x200;
	_ =	swait.ge [sflag:s16], $0x80  }
.LBB2_5:
0xcd: {  	s29 =	sshra.s32 s28, $0x2;
	[sflag:s16] =	ssyncset.done $0x0;
	p1 =	sne.s32 s28, $0x9C00  }
.Ltmp4:
0xce: {  	s29 =	sadd.s32 $0x5080, s29;
	[sflag:s16] =	ssyncadd.s32 $0xFFFFFF80;
	(pc) =	sbr.rel @p1 .LBB2_5-.Ltmp4, $3  }
0xcf: {  	[spmem:s5] =	stream.indirect.scatter.add.f32 [tilespmem:s18], [sflag:$0x2], $0x1, s29, s17, $0xb8;
	[tilespmem:$0xA1D0] =	vst v63  }
0xd0: {  	s28 =	sadd.s32 $0x200, s28;
	_ =	sdelay $0x1  }
0xd1: {  	_ =	swait.ge [sflag:s16], $0x80  }
.Ltmp5:
0xd2: {  	_ = 	snop;
	(pc) =	sbr.rel .LBB2_6-.Ltmp5, $1  }
0xd3: {  	_ =	sdelay $0x3  }
.LBB2_8:
0xd4: {  	_ =	sfence.sel $0x180000  }
0xd5: {  	[bflag:$0x0] =	sbarrier.arrive $0xFFFF  }
0xd6: {  	p0 =	sne.s32 s0, $0x0;
	_ =	strace $0x90000047  }
0xd7: {  	s0 =	sadd.s32 @!p0 $0x100000, s2;
	[bflag:$0x2] =	sbarrier.arrive $0xFFFF  }
0xd8: {  	[sflag:s0] =	ssyncadd.tile.s32 @!p0 $0x1;
	_ =	shalt  }
.Lfunc_end2:
_tile_overlayer_lowered:
.L_overlay_start_2:
0xd9: {  	(tag) =	ssettag $0x2  }
0xda: {  	s0 =	rddreg [dreg:$0x0];
	s2 =	stileid.u32  }
0xdb: {  	s1 =	rddreg [dreg:$0x1];
	p0 =	sne.s32 s2, $0x0  }
0xdc: {  	s3 =	rddreg [dreg:$0x2];
	[bflag:$0x3] =	sbarrier.arrive $0xFFFF;
	s2 =	simm.s32 @!p0 $0x1C02  }
0xdd: {  	[timem:s3], [sflag:s2] =	dma.local @!p0 [hbm:s0], s1  }
0xde: {  	s0 =	simm.s32 @!p0 $0x2  }
0xdf: {  	_ =	swait.ge @!p0 [sflag:s0], s1  }
0xe0: {  	s1 =	ssub.s32 @!p0 $0x0, s1;
	[sflag:s0] =	ssyncset.done @!p0 $0x0  }
0xe1: {  	[sflag:s0] =	ssyncadd.s32 @!p0 s1  }
0xe2: {  	[bflag:$0x3] =	sbarrier.arrive $0xFFFF  }
0xe3: {  	_ =	shalt  }

// kernel: kernel.14.cloned.1.call-start
scs
__scs_entry_jumppad:
0x0: {  	(pc) =	sbr.rel $0x88, $3  }
0x1: {  	(tag) =	ssettag $0x0;
	lr =	simm.s32 $0x1  }
0x2: {  	[smem:$0x3F95] =	sst lr;
	_ =	strace $0xD0000000  }
0x3: {  	_ = 	snop  }
0x4: {  	_ = 	snop  }
0x5: {  	_ = 	snop  }
0x6: {  	_ = 	snop  }
0x7: {  	_ = 	snop  }
__scs_overlays_trampoline_lowered:
0x8: {  	[smem:$0x3FA4] =	sst s0  }
0x9: {  	[smem:$0x3FA5] =	sst s1  }
0xa: {  	[smem:$0x3FA6] =	sst s2  }
0xb: {  	[smem:$0x3FA7] =	sst s3  }
0xc: {  	[smem:$0x3FA8] =	sst s4  }
0xd: {  	[smem:$0x3FA9] =	sst s5  }
0xe: {  	[smem:$0x3FAA] =	sst s6  }
0xf: {  	[smem:$0x3FAB] =	sst s7  }
0x10: {  	[smem:$0x3FAC] =	sst s8  }
0x11: {  	[smem:$0x3FAD] =	sst s9;
	s0 =	simm.s32 @!p0 $0x0  }
0x12: {  	s1 =	sld [smem:$0x3F93];
	s0 =	simm.s32 @p0 $0x1  }
0x13: {  	[smem:$0x3FAE] =	sst s0;
	s0 =	simm.s32 @!p1 $0x0  }
0x14: {  	s2 =	sld [smem:$0x3F92];
	s0 =	simm.s32 @p1 $0x1  }
0x15: {  	[smem:$0x3FAF] =	sst s0;
	s0 =	simm.s32 @!p2 $0x0  }
0x16: {  	s3 =	sld [smem:$0x3FDB];
	s0 =	simm.s32 @p2 $0x1  }
0x17: {  	s4 =	simm.s32 $0x1BF5;
	[smem:$0x3FB1] =	sst s0  }
0x18: {  	s0 =	sld [smem:$0x3F94];
	_ =	swait.ge [sflag:s4], $0x0  }
0x19: {  	s7 =	sld [smem:$0x3F95]  }
0x1a: {  	s8 =	sadd.s32 $0xFFFFE003, lr  }
0x1b: {  	s9 =	sadd.s32 $0xFFFFFEF7, lr;
	s5 =	simm.s32 $0xFFFFFFFF;
	p2 =	slt.u32 s8, $0xFFFFF086  }
0x1c: {  	p1 =	slt.u32 s9, $0xF7A;
	s5 =	simm.s32 @!p2 $0x0  }
0x1d: {  	s5 =	simm.s32 @p1 $0x1;
	p0 =	seq.s32 s7, s2  }
0x1e: {  	s7 =	smul.u32 @!p0 $0xF7A, s2;
	p2 =	seq.s32 @!p0 s5, $0x0  }
0x1f: {  	s9 =	smul.u32 $0xF7A, s1;
	s8 =	simm.s32 @!p0 $0x1BF5;
	p2 =	por !p2, p0  }
0x20: {  	[sflag:s8] =	ssyncset.s32 @!p0 $0xFFFFF086;
	s6 =	sadd.s32 @!p0 s3, s7;
	s7 =	simm.s32 @!p0 $0x108  }
0x21: {  	s3 =	sadd.s32 s3, s9;
	s6 =	sadd.s32 @!p0 $0x88, s6;
	s7 =	simm.s32 @p2 $0x1082  }
0x22: {  	[simem:s7], [sflag:s8] =	dma.local @!p0 [hbm:s6], $0xF7A  }
0x23: {  	s9 =	sor.u32 $0xD0000000, s2;
	s6 =	simm.s32 $0x108;
	_ =	swait.ge @!p0 [sflag:s8], $0x0  }
0x24: {  	s3 =	sadd.s32 $0x88, s3;
	s6 =	simm.s32 @!p1 $0x1082;
	[sflag:s4] =	ssyncset.s32 $0xFFFFF086  }
0x25: {  	[simem:s6], [sflag:s4] =	dma.local [hbm:s3], $0xF7A  }
0x26: {  	[smem:$0x3F95] =	sst s1;
	(tag) =	ssettag s2;
	_ =	strace s9  }
0x27: {  	s1 =	sld [smem:$0x3FA5]  }
0x28: {  	s2 =	sld [smem:$0x3FA6]  }
0x29: {  	s4 =	sld [smem:$0x3FA8]  }
0x2a: {  	p0 =	seq.s32 s5, $0x0;
	s5 =	sld [smem:$0x3FA9]  }
0x2b: {  	s6 =	sld [smem:$0x3FAA]  }
0x2c: {  	s7 =	sld [smem:$0x3FAB]  }
0x2d: {  	s3 =	simm.s32 $0x108;
	s8 =	sld [smem:$0x3FAC]  }
0x2e: {  	s3 =	simm.s32 @!p0 $0x1082;
	s9 =	sld [smem:$0x3FAD]  }
0x2f: {  	lr =	sadd.s32 s0, s3;
	s0 =	sld [smem:$0x3FA4]  }
0x30: {  	s3 =	sld [smem:$0x3FA7]  }
0x31: {  	[smem:$0x3FB0] =	sst s10  }
0x32: {  	s10 =	sld [smem:$0x3FAE];
	_ =	sdelay $0x3  }
0x33: {  	p0 =	seq.s32 s10, $0x1;
	s10 =	sld [smem:$0x3FB0];
	_ =	sdelay $0x3  }
0x34: {  	[smem:$0x3FB0] =	sst s10  }
0x35: {  	s10 =	sld [smem:$0x3FAF];
	_ =	sdelay $0x3  }
0x36: {  	p1 =	seq.s32 s10, $0x1;
	s10 =	sld [smem:$0x3FB0];
	_ =	sdelay $0x3  }
0x37: {  	[smem:$0x3FB0] =	sst s10  }
0x38: {  	s10 =	sld [smem:$0x3FB1]  }
0x39: {  	_ = 	snop;
	(pc) =	sbr.ind lr, $3  }
0x3a: {  	_ = 	snop  }
0x3b: {  	_ = 	snop  }
0x3c: {  	p2 =	seq.s32 s10, $0x1;
	s10 =	sld [smem:$0x3FB0]  }
0x3d: {  	_ =	shalt  }
0x3e: {  	_ =	shalt  }
0x3f: {  	_ =	shalt  }
0x40: {  	_ =	shalt  }
0x41: {  	_ =	shalt  }
0x42: {  	_ =	shalt  }
0x43: {  	_ =	shalt  }
0x44: {  	_ =	shalt  }
0x45: {  	_ =	shalt  }
0x46: {  	_ =	shalt  }
0x47: {  	_ =	shalt  }
0x48: {  	_ =	shalt  }
0x49: {  	_ =	shalt  }
0x4a: {  	_ =	shalt  }
0x4b: {  	_ =	shalt  }
0x4c: {  	_ =	shalt  }
0x4d: {  	_ =	shalt  }
0x4e: {  	_ =	shalt  }
0x4f: {  	_ =	shalt  }
0x50: {  	_ =	shalt  }
0x51: {  	_ =	shalt  }
0x52: {  	_ =	shalt  }
0x53: {  	_ =	shalt  }
0x54: {  	_ =	shalt  }
0x55: {  	_ =	shalt  }
0x56: {  	_ =	shalt  }
0x57: {  	_ =	shalt  }
0x58: {  	_ =	shalt  }
0x59: {  	_ =	shalt  }
0x5a: {  	_ =	shalt  }
0x5b: {  	_ =	shalt  }
0x5c: {  	_ =	shalt  }
0x5d: {  	_ =	shalt  }
0x5e: {  	_ =	shalt  }
0x5f: {  	_ =	shalt  }
0x60: {  	_ =	shalt  }
0x61: {  	_ =	shalt  }
0x62: {  	_ =	shalt  }
0x63: {  	_ =	shalt  }
0x64: {  	_ =	shalt  }
0x65: {  	_ =	shalt  }
0x66: {  	_ =	shalt  }
0x67: {  	_ =	shalt  }
0x68: {  	_ =	shalt  }
0x69: {  	_ =	shalt  }
0x6a: {  	_ =	shalt  }
0x6b: {  	_ =	shalt  }
0x6c: {  	_ =	shalt  }
0x6d: {  	_ =	shalt  }
0x6e: {  	_ =	shalt  }
0x6f: {  	_ =	shalt  }
0x70: {  	_ =	shalt  }
0x71: {  	_ =	shalt  }
0x72: {  	_ =	shalt  }
0x73: {  	_ =	shalt  }
0x74: {  	_ =	shalt  }
0x75: {  	_ =	shalt  }
0x76: {  	_ =	shalt  }
0x77: {  	_ =	shalt  }
0x78: {  	_ =	shalt  }
0x79: {  	_ =	shalt  }
0x7a: {  	_ =	shalt  }
0x7b: {  	_ =	shalt  }
0x7c: {  	_ =	shalt  }
0x7d: {  	_ =	shalt  }
0x7e: {  	_ =	shalt  }
0x7f: {  	_ =	shalt  }
0x80: {  	_ =	shalt  }
0x81: {  	_ =	shalt  }
0x82: {  	_ =	shalt  }
0x83: {  	_ =	shalt  }
0x84: {  	_ =	shalt  }
0x85: {  	_ =	shalt  }
0x86: {  	_ =	shalt  }
0x87: {  	_ =	shalt  }
.Lfunc_end0:
.L_simem_size_0:
called_computation.1_lowered:
.L_overlay_start_0:
0x88: {  	s2 =	sld [smem:$0x3FD9]  }
0x89: {  	s3 =	sld [smem:$0x3FFE];
	_ =	sdelay $0x1  }
0x8a: {  	s1 =	srdreg.scid  }
0x8b: {  	s0 =	sand.u32 $0x1, s1  }
0x8c: {  	s16 =	sshll.u32 s0, $0xA;
	s2 =	sadd.s32 s3, s2  }
0x8d: {  	s2 =	sadd.s32 s2, s16  }
0x8e: {  	[smem:$0x3FBC] =	sst s2  }
0x8f: {  	_ = 	snop  }
0x90: {  	(tm) =	ssettm $0x1  }
0x91: {  	s17 =	sld [smem:$0x3FFB];
	_ =	sdelay $0x3  }
0x92: {  	_ =	strace s17  }
0x93: {  	s2 =	sld [smem:$0x3FFC];
	_ =	sdelay $0x3  }
0x94: {  	_ =	strace s2  }
0x95: {  	s2 =	sld [smem:$0x3FFD];
	_ =	sdelay $0x3  }
0x96: {  	_ =	strace s2  }
0x97: {  	_ =	strace $0x8FFFFFFF  }
0x98: {  	s18 =	sld [smem:$0x3FDB];
	_ =	sdelay $0x1  }
0x99: {  	s19 =	simm.s32 $_scs_section_size  }
0x9a: {  	s4 =	simm.s32 $_size__tile_overlayer_lowered;
	s5 =	simm.s32 $_tile_overlayer_lowered  }
0x9b: {  	s22 =	simm.s32 $0x1BFF;
	s21 =	sshll.u32 s5, $0x1;
	s2 =	sadd.s32 s19, s18  }
0x9c: {  	s6 =	simm.s32 $0x0;
	s20 =	sshll.u32 s4, $0x1;
	s4 =	sadd.s32 s21, s2  }
0x9d: {  	[timem:s6], [sflag:s22] =	dma.local [hbm:s4], s20  }
0x9e: {  	_ =	swait.ge [sflag:s22], s20  }
0x9f: {  	s3 =	ssub.s32 $0x0, s20;
	[sflag:s22] =	ssyncset.done $0x0  }
0xa0: {  	[sflag:s22] =	ssyncadd.s32 s3;
	_ =	sdelay $0x1  }
0xa1: {  	s23 =	simm.s32 $0x1B8B  }
0xa2: {  	_ =	swait.ge [sflag:s23], $0x1  }
0xa3: {  	[sflag:s23] =	ssyncset.done $0x0  }
0xa4: {  	s25 =	simm.s32 $0x1B8E;
	s24 =	sld [smem:$0x3FFE];
	[sflag:s23] =	ssyncadd.s32 $0xFFFFFFFF  }
0xa5: {  	s26 =	simm.s32 $execute0_lowered;
	[smem:$0x3FD2] =	sst s25  }
0xa6: {  	s4 =	sshll.u32 s26, $0x1;
	_ =	strace $0x80000049;
	[dreg:$0x1] =	wrdreg $0xFFFFFFFF  }
0xa7: {  	s28 =	simm.s32 $_size_execute0_lowered;
	s2 =	sadd.s32 s2, s4;
	[dreg:$0x0] =	wrdreg $0x0  }
0xa8: {  	s4 =	sshll.u32 s28, $0x1;
	[dreg:$0x2] =	wrdreg s2  }
0xa9: {  	[dreg:$0x3] =	wrdreg s4  }
0xaa: {  	[dreg:$0x4] =	wrdreg $0xC0  }
0xab: {  	_ =	task [dreg:s6], $0x5FFFF  }
0xac: {  	[dreg:$0x1] =	wrdreg $0xFFFFFFFF  }
0xad: {  	[dreg:$0x0] =	wrdreg $0x60  }
0xae: {  	[dreg:$0x2] =	wrdreg s24  }
0xaf: {  	[dreg:$0x3] =	wrdreg $0xC9200  }
0xb0: {  	[dreg:$0x4] =	wrdreg $0x9  }
0xb1: {  	_ =	task.clear_ibuf [dreg:s6], $0x5FFFF;
	_ =	strace $0x90000049  }
0xb2: {  	s29 =	simm.s32 $0x9;
	_ =	strace $0x8000004B  }
0xb3: {  	_ =	swait.ge [sflag:s29], $0x1  }
0xb4: {  	[sflag:s29] =	ssyncadd.s32 $0xFFFFFFFF  }
0xb5: {  	_ =	strace $0x9000004B  }
0xb6: {  	_ =	sfence  }
0xb7: {  	s30 =	sld [smem:$0x0];
	_ =	sdelay $0x2  }
0xb8: {  	s31 =	sshll.u32 s1, $0xD;
	s1 =	sshrl.u32 s1, $0x2  }
0xb9: {  	s3 =	sand.u32 $0x4000, s31;
	s1 =	sadd.s32 s1, s30  }
0xba: {  	s0 =	sor.u32 s3, s0;
	s1 =	sshll.u32 s1, $0x11  }
0xbb: {  	s0 =	sor.u32 s1, s0  }
0xbc: {  	s0 =	sadd.s32 $0x8F2B, s0  }
0xbd: {  	[sflag:s0] =	ssyncadd.remote.s32 $0x1  }
0xbe: {  	_ =	sfence.sel $0xFFFF  }
0xbf: {  	[dreg:$0x0] =	wrdreg $0xFFFFFFFF;
	(pc) =	sbr.abs _section_cstart, $3  }
0xc0: {  	[dreg:$0x1] =	wrdreg $0xFFFFFFFF  }
0xc1: {  	_ =	task.clear_ibuf [dreg:s6], $0x2FFFF;
	_ =	strace $0x9FFFFFFF  }
0xc2: {  	(tm) =	ssettm $0x7FFFFFFF  }
0xc3: {  	_ =	shalt  }
tec
execute0_lowered:
.L_overlay_start_1:
0x0: {  	(tag) =	ssettag $0x1  }
0x1: {  	s0 =	srdreg.scid  }
0x2: {  	s10 =	sand.u32 $0x1, s0;
	s0 =	stileid.u32  }
0x3: {  	s8 =	rddreg [dreg:$0x0];
	s9 =	smul.u32 $0x278, s0  }
0x4: {  	s2 =	rddreg [dreg:$0x1];
	s3 =	simm.s32 $0x0;
	s6 =	smul.u32 $0x50000, s10  }
0x5: {  	[smem:$0x7FF] =	sst s3;
	s1 =	sshll.u32 s10, $0x4;
	s7 =	smul.u32 $0x5000, s0  }
0x6: {  	s14 =	smul.u32 $0x2780, s10;
	s16 =	ssub.s32 $0x2, s10;
	s31 =	sshll.u32 s0, $0x6  }
0x7: {  	s19 =	sor.u32 s0, s10;
	s11 =	sor.u32 s0, s1;
	s1 =	rddreg [dreg:$0x2]  }
0x8: {  	_ =	strace $0x8000004A;
	s18 =	sshrl.u32 s16, $0x1;
	p0 =	sne.s32 s19, $0x0  }
0x9: {  	s19 =	simm.s32 $0x1;
	s4 =	smul.u32 $0x5000, s11;
	s13 =	sshrl.u32 s9, $0x3  }
0xa: {  	s6 =	sadd.s32 s7, s6;
	s7 =	sadd.s32 $0x18C00, s8;
	s14 =	sadd.s32 s9, s14  }
0xb: {  	s17 =	sshll.u32 s11, $0x1;
	s16 =	ssub.s32 s16, s18;
	s30 =	sadd.s32 s9, s2  }
0xc: {  	s9 =	sor.u32 $0x1C02, s31;
	s11 =	sshll.u32 s11, $0x7;
	s18 =	simm.s32 $0x2780  }
0xd: {  	s13 =	sadd.s32 s13, s8;
	s15 =	sshrl.u32 s6, $0x3;
	s14 =	sshrl.u32 s14, $0x3  }
0xe: {  	s17 =	sadd.s32 s17, s8;
	s20 =	sadd.s32 $0x9C400, s11;
	s21 =	sadd.s32 $0x9C410, s11  }
0xf: {  	s22 =	sadd.s32 $0x9C420, s11;
	s23 =	sadd.s32 $0x9C430, s11;
	s24 =	sadd.s32 $0x9C440, s11  }
0x10: {  	s25 =	sadd.s32 $0x9C450, s11;
	s26 =	sadd.s32 $0x9C460, s11;
	s28 =	sadd.s32 $0x9C470, s11  }
0x11: {  	s5 =	sshrl.u32 s4, $0x3;
	s4 =	sadd.s32 $0x18E00, s8;
	s15 =	sadd.s32 s15, s8  }
0x12: {  	v0 =	vlaneseq.u32;
	s14 =	sadd.s32 s14, s8;
	s11 =	sadd.s32 $0x41800, s17;
	s17 =	simm.s32 $0xC800  }
.Ltmp0:
0x13: {  	v1 =	vor.u32 s20, v0;
	v2 =	vor.u32 s21, v0;
	s20 =	simm.s32 $0x80;
	s21 =	simm.s32 $0xC820;
	(pc) =	sbr.rel .LBB2_1-.Ltmp0, $4  }
0x14: {  	v3 =	vor.u32 s22, v0;
	v4 =	vor.u32 s23, v0;
	v5 =	vor.u32 s24, v0;
	s22 =	simm.s32 $0xC8A0;
	s23 =	simm.s32 $0xC810;
	s24 =	simm.s32 $0x0  }
0x15: {  	s12 =	sadd.s32 s5, s8;
	s5 =	sadd.s32 $0x17600, s8;
	s8 =	sadd.s32 $0x17C00, s13  }
0x16: {  	v9 =	vimm.f32 $1.000000000e+00;
	v10 =	vimm.s32 $0x1;
	s13 =	smax.u32 s16, $0x1;
	s16 =	simm.s32 $0x2;
	s10 =	sadd.s32 $0x3600, s12  }
0x17: {  	v6 =	vor.u32 s25, v0;
	v7 =	vor.u32 s26, v0;
	v8 =	vor.u32 s28, v0;
	s12 =	sadd.s32 $0x2CE00, s14;
	s14 =	sadd.s32 $0x2D800, s15;
	s15 =	sshrl.u32 s30, $0x3  }
.LBB2_6:
0x18: {  	[sflag:s16] =	ssyncadd.s32 $0xFFFFFF80  }
.LBB2_7:
0x19: {  	v11 =	vmov s25  }
0x1a: {  	[tilespmem:$0xC810] =	vst v11  }
0x1b: {  	[hbm4b:s11+s3] =	stream.linear.scatter [tilespmem:s23], [sflag:$0x2], $0x10, $0x38;
	[tilespmem:$0xCB98] =	vst v63  }
0x1c: {  	_ =	swait.ge [sflag:s16], $0x10  }
0x1d: {  	s24 =	sadd.s32 $0x1, s24;
	[sflag:s16] =	ssyncset.done $0x0  }
0x1e: {  	p1 =	sne.s32 s24, s13;
	[sflag:s16] =	ssyncadd.s32 $0xFFFFFFF0  }
.Ltmp1:
0x1f: {  	[bflag:$0x0] =	sbarrier.arrive $0xFFFF;
	(pc) =	sbr.rel @!p1 .LBB2_8-.Ltmp1, $4  }
0x20: {  	[hbm:s12], [sflag:s9] =	dma.local [spmem:s15], $0x4F  }
0x21: {  	_ =	swait.ge [sflag:s16], $0x4F  }
0x22: {  	[sflag:s16] =	ssyncset.done $0x0  }
0x23: {  	[sflag:s16] =	ssyncadd.s32 $0xFFFFFFB1  }
.LBB2_1:
0x24: {  	[spmem:s15], [sflag:s9] =	dma.local [hbm:s8], $0x4F  }
0x25: {  	_ =	swait.ge [sflag:s16], $0x4F  }
0x26: {  	[sflag:s16] =	ssyncset.done $0x0  }
0x27: {  	[sflag:s16] =	ssyncadd.s32 $0xFFFFFFB1  }
0x28: {  	[tilespmem:$0xC8A0] =	vst v9  }
0x29: {  	[tilespmem:$0xC8B0] =	vst v9  }
0x2a: {  	[tilespmem:$0xC8C0] =	vst v9  }
0x2b: {  	[tilespmem:$0xC8D0] =	vst v9  }
0x2c: {  	[tilespmem:$0xC8E0] =	vst v9  }
0x2d: {  	[tilespmem:$0xC8F0] =	vst v9  }
0x2e: {  	[tilespmem:$0xC900] =	vst v9  }
0x2f: {  	[tilespmem:$0xC910] =	vst v9  }
0x30: {  	[tilespmem:s3], [sflag:$0x2] =	stream.linear.gather [hbm4b:s5+s3], $0x2780, $0x38;
	[tilespmem:$0xCB98] =	vst v63  }
0x31: {  	_ =	swait.ge [sflag:s16], $0x2780  }
0x32: {  	[sflag:s16] =	ssyncset.done $0x0  }
0x33: {  	[sflag:s16] =	ssyncadd.s32 $0xFFFFD880  }
0x34: {  	[tilespmem:s17], [sflag:$0x2] =	stream.linear.gather [hbm4b:s7+s3], $0x10, $0x38;
	[tilespmem:$0xCB98] =	vst v63  }
0x35: {  	_ =	swait.ge [sflag:s16], $0x10  }
0x36: {  	[sflag:s16] =	ssyncset.done $0x0  }
0x37: {  	[sflag:s16] =	ssyncadd.s32 $0xFFFFFFF0  }
0x38: {  	v11 =	vld [tilespmem:$0xC800];
	_ =	sdelay $0x7  }
0x39: {  	s25 =	simm.s32 @!p0 $0x10;
	[tilespmem:v11+s3+$0x0] =	vst.idx.msk $0xffff, v10  }
0x3a: {  	s26 =	simm.s32 @!p0 $0xC800;
	s28 =	simm.s32 @!p0 $0xC8A0;
	[bflag:$0x0] =	sbarrier.arrive $0xFFFF  }
0x3b: {  	[spmem:s2] =	stream.indirect.scatter.add.f32 @!p0 [tilespmem:s28], [sflag:$0x2], $0x1, s26, s25, $0xb8;
	[tilespmem:$0xCB98] =	vst v63  }
0x3c: {  	s25 =	simm.s32 @!p0 $0x2  }
0x3d: {  	_ =	swait.ge @!p0 [sflag:s25], $0x10  }
0x3e: {  	[sflag:s25] =	ssyncset.done @!p0 $0x0  }
0x3f: {  	[sflag:s25] =	ssyncadd.s32 @!p0 $0xFFFFFFF0  }
0x40: {  	[tilespmem:s18], [sflag:$0x2] =	stream.linear.gather [hbm4b:s10+s3], $0x5000, $0x38;
	[tilespmem:$0xCB98] =	vst v63  }
0x41: {  	_ =	swait.ge [sflag:s16], $0x5000  }
0x42: {  	[sflag:s16] =	ssyncset.done $0x0  }
0x43: {  	s31 =	simm.s32 $0x0;
	[sflag:s16] =	ssyncadd.s32 $0xFFFFB000  }
0x44: {  	v11 =	vld [tilespmem:s31+$0x2780];
	_ =	sdelay $0x7  }
0x45: {  	v11 =	vld.idx.msk [tilespmem:v11+s3+$0x0], $0xffff;
	_ =	sdelay $0x4  }
0x46: {  	vm0 =	vgt.s32 v11, $0x0  }
0x47: {  	v11 =	vmpcnt.ones.xlane vm0  }
0x48: {  	v12 =	vor.u32 s6, v0;
	s29 =	simm.s32 $0x10  }
0x49: {  	s28 =	simm.s32 $0x80;
	s26 =	simm.s32 $0x0;
	s25 =	smov.u32 s6;
	[tilespmem:s3+$0x7780] =	vst.msk vm0, v12;
	(v2sf) =	vpush v11, $0x0  }
.LBB2_2:
0x4a: {  	p1 =	sne.s32 s28, $0x13FC0;
	v11 =	vld [tilespmem:s29+$0x2780];
	_ =	sdelay $0x7  }
0x4b: {  	v11 =	vld.idx.msk [tilespmem:v11+s3+$0x0], $0xffff;
	_ =	sdelay $0x4  }
.Ltmp2:
0x4c: {  	(pc) =	sbr.rel @p1 .LBB2_2-.Ltmp2, $4  }
0x4d: {  	s25 =	sadd.s32 $0x10, s25;
	vm0 =	vgt.s32 v11, $0x0;
	s29 =	spop (v2sf)  }
0x4e: {  	v11 =	vor.u32 s25, v0;
	v12 =	vmpcnt.ones.xlane vm0;
	s26 =	sadd.s32 s26, s29  }
0x4f: {  	[tilespmem:s26+$0x7780] =	vst.msk vm0, v11  }
0x50: {  	s29 =	sshra.s32 s28, $0x2;
	s28 =	sadd.s32 $0x40, s28;
	(v2sf) =	vpush v12, $0x0  }
0x51: {  	v11 =	vld [tilespmem:s29+$0x2780];
	_ =	sdelay $0x7  }
0x52: {  	v11 =	vld.idx.msk [tilespmem:v11+s3+$0x0], $0xffff;
	_ =	sdelay $0x4  }
0x53: {  	vm0 =	vgt.s32 v11, $0x0  }
0x54: {  	v11 =	vmpcnt.ones.xlane vm0;
	_ =	sdelay $0x1  }
0x55: {  	(v2sf) =	vpush v11, $0x0;
	_ =	sdelay $0xd  }
0x56: {  	s28 =	spop (v2sf)  }
0x57: {  	s25 =	sadd.s32 $0x10, s25;
	s26 =	sadd.s32 s26, s28;
	s28 =	spop (v2sf)  }
0x58: {  	v11 =	vor.u32 s25, v0;
	s25 =	sadd.s32 s26, s28  }
0x59: {  	s31 =	sadd.s32 $0x7F, s25  }
0x5a: {  	s28 =	sand.u32 $0x7F, s31  }
0x5b: {  	p2 =	slt.s32 s31, $0x1;
	p1 =	sne.s32 s28, $0x0;
	s28 =	sshra.s32 s31, $0x1F  }
0x5c: {  	s28 =	sshrl.u32 s28, $0x19;
	p1 =	por !p2, !p1  }
0x5d: {  	[tilespmem:s26+$0x7780] =	vst.msk vm0, v11;
	s26 =	sadd.s32 s28, s31;
	p1 =	por !p1, !p1;
	s28 =	simm.s32 $0x1  }
0x5e: {  	[tilespmem:s25+$0x7780] =	vst v1;
	s26 =	sshra.s32 s26, $0x7;
	s28 =	simm.s32 @!p1 $0x0  }
0x5f: {  	[tilespmem:s25+$0x7790] =	vst v2;
	s28 =	ssub.s32 s26, s28  }
0x60: {  	[tilespmem:s25+$0x77A0] =	vst v3;
	p1 =	slt.s32 s28, $0x1  }
.Ltmp3:
0x61: {  	[tilespmem:s25+$0x77B0] =	vst v4;
	(pc) =	sbr.rel @p1 .LBB2_7-.Ltmp3, $4  }
0x62: {  	[tilespmem:s25+$0x77C0] =	vst v5  }
0x63: {  	[tilespmem:s25+$0x77D0] =	vst v6  }
0x64: {  	[tilespmem:s25+$0x77E0] =	vst v7  }
0x65: {  	[tilespmem:s25+$0x77F0] =	vst v8;
	s26 =	simm.s32 $0x7780  }
0x66: {  	[tilespmem:s21], [sflag:$0x1] =	stream.indirect.gather [hbm4b:s4+s20], $0x1, s26, s20, $0xb8;
	[tilespmem:$0xCB98] =	vst v63  }
0x67: {  	_ =	swait.ge [sflag:s19], $0x80  }
0x68: {  	[sflag:s19] =	ssyncset.done $0x0  }
0x69: {  	[sflag:s19] =	ssyncadd.s32 $0xFFFFFF80  }
0x6a: {  	[spmem:s2] =	stream.indirect.scatter.add.f32 [tilespmem:s22], [sflag:$0x2], $0x1, s21, s20, $0xb8;
	[tilespmem:$0xCB98] =	vst v63  }
0x6b: {  	p1 =	sne.s32 s28, $0x1;
	_ =	swait.ge [sflag:s16], $0x80  }
.Ltmp4:
0x6c: {  	[sflag:s16] =	ssyncset.done $0x0;
	(pc) =	sbr.rel @!p1 .LBB2_6-.Ltmp4, $4  }
0x6d: {  	[sflag:s16] =	ssyncadd.s32 $0xFFFFFF80  }
0x6e: {  	[hbm4b:s14+s3] =	stream.linear.scatter [tilespmem:s26], [sflag:$0x2], $0x80, $0x38;
	[tilespmem:$0xCB98] =	vst v63  }
0x6f: {  	_ =	swait.ge [sflag:s16], $0x80  }
0x70: {  	s28 =	sadd.s32 $0xFFFFFFFF, s28;
	s29 =	smov.u32 s14;
	[sflag:s16] =	ssyncset.done $0x0  }
.LBB2_5:
0x71: {  	[sflag:s16] =	ssyncadd.s32 $0xFFFFFF80;
	s26 =	sadd.s32 $0x80, s26;
	s29 =	sadd.s32 $0x10, s29  }
0x72: {  	[tilespmem:s21], [sflag:$0x1] =	stream.indirect.gather [hbm4b:s4+s20], $0x1, s26, s20, $0xb8;
	[tilespmem:$0xCB98] =	vst v63  }
0x73: {  	p1 =	sne.s32 s28, $0x1;
	s28 =	sadd.s32 $0xFFFFFFFF, s28;
	_ =	swait.ge [sflag:s19], $0x80  }
0x74: {  	[sflag:s19] =	ssyncset.done $0x0  }
0x75: {  	[sflag:s19] =	ssyncadd.s32 $0xFFFFFF80  }
0x76: {  	[spmem:s2] =	stream.indirect.scatter.add.f32 [tilespmem:s22], [sflag:$0x2], $0x1, s21, s20, $0xb8;
	[tilespmem:$0xCB98] =	vst v63  }
0x77: {  	_ =	swait.ge [sflag:s16], $0x80  }
.Ltmp5:
0x78: {  	[sflag:s16] =	ssyncset.done $0x0;
	(pc) =	sbr.rel @p1 .LBB2_5-.Ltmp5, $4  }
0x79: {  	[sflag:s16] =	ssyncadd.s32 $0xFFFFFF80  }
0x7a: {  	[hbm4b:s29+s3] =	stream.linear.scatter [tilespmem:s26], [sflag:$0x2], $0x80, $0x38;
	[tilespmem:$0xCB98] =	vst v63  }
0x7b: {  	_ =	swait.ge [sflag:s16], $0x80  }
0x7c: {  	[sflag:s16] =	ssyncset.done $0x0  }
.Ltmp6:
0x7d: {  	_ = 	snop;
	(pc) =	sbr.rel .LBB2_6-.Ltmp6, $1  }
0x7e: {  	_ =	sdelay $0x3  }
.LBB2_8:
0x7f: {  	_ =	sfence.sel $0x180000  }
0x80: {  	[bflag:$0x0] =	sbarrier.arrive $0xFFFF  }
0x81: {  	p0 =	sne.s32 s0, $0x0;
	_ =	strace $0x9000004A  }
0x82: {  	s0 =	sadd.s32 @!p0 $0x100000, s1;
	[bflag:$0x2] =	sbarrier.arrive $0xFFFF  }
0x83: {  	[sflag:s0] =	ssyncadd.tile.s32 @!p0 $0x1;
	_ =	shalt  }
.Lfunc_end2:
_tile_overlayer_lowered:
.L_overlay_start_2:
0x84: {  	(tag) =	ssettag $0x2  }
0x85: {  	s0 =	rddreg [dreg:$0x0];
	s2 =	stileid.u32  }
0x86: {  	s1 =	rddreg [dreg:$0x1];
	p0 =	sne.s32 s2, $0x0  }
0x87: {  	s3 =	rddreg [dreg:$0x2];
	[bflag:$0x3] =	sbarrier.arrive $0xFFFF;
	s2 =	simm.s32 @!p0 $0x1C02  }
0x88: {  	[timem:s3], [sflag:s2] =	dma.local @!p0 [hbm:s0], s1  }
0x89: {  	s0 =	simm.s32 @!p0 $0x2  }
0x8a: {  	_ =	swait.ge @!p0 [sflag:s0], s1  }
0x8b: {  	s1 =	ssub.s32 @!p0 $0x0, s1;
	[sflag:s0] =	ssyncset.done @!p0 $0x0  }
0x8c: {  	[sflag:s0] =	ssyncadd.s32 @!p0 s1  }
0x8d: {  	[bflag:$0x3] =	sbarrier.arrive $0xFFFF  }
0x8e: {  	_ =	shalt  }

// kernel: kernel.17.cloned.1.call-start
scs
__scs_entry_jumppad:
0x0: {  	(pc) =	sbr.rel $0x88, $3  }
0x1: {  	(tag) =	ssettag $0x0;
	lr =	simm.s32 $0x1  }
0x2: {  	[smem:$0x3F95] =	sst lr;
	_ =	strace $0xD0000000  }
0x3: {  	_ = 	snop  }
0x4: {  	_ = 	snop  }
0x5: {  	_ = 	snop  }
0x6: {  	_ = 	snop  }
0x7: {  	_ = 	snop  }
__scs_overlays_trampoline_lowered:
0x8: {  	[smem:$0x3FA4] =	sst s0  }
0x9: {  	[smem:$0x3FA5] =	sst s1  }
0xa: {  	[smem:$0x3FA6] =	sst s2  }
0xb: {  	[smem:$0x3FA7] =	sst s3  }
0xc: {  	[smem:$0x3FA8] =	sst s4  }
0xd: {  	[smem:$0x3FA9] =	sst s5  }
0xe: {  	[smem:$0x3FAA] =	sst s6  }
0xf: {  	[smem:$0x3FAB] =	sst s7  }
0x10: {  	[smem:$0x3FAC] =	sst s8  }
0x11: {  	[smem:$0x3FAD] =	sst s9;
	s0 =	simm.s32 @!p0 $0x0  }
0x12: {  	s1 =	sld [smem:$0x3F93];
	s0 =	simm.s32 @p0 $0x1  }
0x13: {  	[smem:$0x3FAE] =	sst s0;
	s0 =	simm.s32 @!p1 $0x0  }
0x14: {  	s2 =	sld [smem:$0x3F92];
	s0 =	simm.s32 @p1 $0x1  }
0x15: {  	[smem:$0x3FAF] =	sst s0;
	s0 =	simm.s32 @!p2 $0x0  }
0x16: {  	s3 =	sld [smem:$0x3FDB];
	s0 =	simm.s32 @p2 $0x1  }
0x17: {  	s4 =	simm.s32 $0x1BF5;
	[smem:$0x3FB1] =	sst s0  }
0x18: {  	s0 =	sld [smem:$0x3F94];
	_ =	swait.ge [sflag:s4], $0x0  }
0x19: {  	s7 =	sld [smem:$0x3F95]  }
0x1a: {  	s8 =	sadd.s32 $0xFFFFE003, lr  }
0x1b: {  	s9 =	sadd.s32 $0xFFFFFEF7, lr;
	s5 =	simm.s32 $0xFFFFFFFF;
	p2 =	slt.u32 s8, $0xFFFFF086  }
0x1c: {  	p1 =	slt.u32 s9, $0xF7A;
	s5 =	simm.s32 @!p2 $0x0  }
0x1d: {  	s5 =	simm.s32 @p1 $0x1;
	p0 =	seq.s32 s7, s2  }
0x1e: {  	s7 =	smul.u32 @!p0 $0xF7A, s2;
	p2 =	seq.s32 @!p0 s5, $0x0  }
0x1f: {  	s9 =	smul.u32 $0xF7A, s1;
	s8 =	simm.s32 @!p0 $0x1BF5;
	p2 =	por !p2, p0  }
0x20: {  	[sflag:s8] =	ssyncset.s32 @!p0 $0xFFFFF086;
	s6 =	sadd.s32 @!p0 s3, s7;
	s7 =	simm.s32 @!p0 $0x108  }
0x21: {  	s3 =	sadd.s32 s3, s9;
	s6 =	sadd.s32 @!p0 $0x88, s6;
	s7 =	simm.s32 @p2 $0x1082  }
0x22: {  	[simem:s7], [sflag:s8] =	dma.local @!p0 [hbm:s6], $0xF7A  }
0x23: {  	s9 =	sor.u32 $0xD0000000, s2;
	s6 =	simm.s32 $0x108;
	_ =	swait.ge @!p0 [sflag:s8], $0x0  }
0x24: {  	s3 =	sadd.s32 $0x88, s3;
	s6 =	simm.s32 @!p1 $0x1082;
	[sflag:s4] =	ssyncset.s32 $0xFFFFF086  }
0x25: {  	[simem:s6], [sflag:s4] =	dma.local [hbm:s3], $0xF7A  }
0x26: {  	[smem:$0x3F95] =	sst s1;
	(tag) =	ssettag s2;
	_ =	strace s9  }
0x27: {  	s1 =	sld [smem:$0x3FA5]  }
0x28: {  	s2 =	sld [smem:$0x3FA6]  }
0x29: {  	s4 =	sld [smem:$0x3FA8]  }
0x2a: {  	p0 =	seq.s32 s5, $0x0;
	s5 =	sld [smem:$0x3FA9]  }
0x2b: {  	s6 =	sld [smem:$0x3FAA]  }
0x2c: {  	s7 =	sld [smem:$0x3FAB]  }
0x2d: {  	s3 =	simm.s32 $0x108;
	s8 =	sld [smem:$0x3FAC]  }
0x2e: {  	s3 =	simm.s32 @!p0 $0x1082;
	s9 =	sld [smem:$0x3FAD]  }
0x2f: {  	lr =	sadd.s32 s0, s3;
	s0 =	sld [smem:$0x3FA4]  }
0x30: {  	s3 =	sld [smem:$0x3FA7]  }
0x31: {  	[smem:$0x3FB0] =	sst s10  }
0x32: {  	s10 =	sld [smem:$0x3FAE];
	_ =	sdelay $0x3  }
0x33: {  	p0 =	seq.s32 s10, $0x1;
	s10 =	sld [smem:$0x3FB0];
	_ =	sdelay $0x3  }
0x34: {  	[smem:$0x3FB0] =	sst s10  }
0x35: {  	s10 =	sld [smem:$0x3FAF];
	_ =	sdelay $0x3  }
0x36: {  	p1 =	seq.s32 s10, $0x1;
	s10 =	sld [smem:$0x3FB0];
	_ =	sdelay $0x3  }
0x37: {  	[smem:$0x3FB0] =	sst s10  }
0x38: {  	s10 =	sld [smem:$0x3FB1]  }
0x39: {  	_ = 	snop;
	(pc) =	sbr.ind lr, $3  }
0x3a: {  	_ = 	snop  }
0x3b: {  	_ = 	snop  }
0x3c: {  	p2 =	seq.s32 s10, $0x1;
	s10 =	sld [smem:$0x3FB0]  }
0x3d: {  	_ =	shalt  }
0x3e: {  	_ =	shalt  }
0x3f: {  	_ =	shalt  }
0x40: {  	_ =	shalt  }
0x41: {  	_ =	shalt  }
0x42: {  	_ =	shalt  }
0x43: {  	_ =	shalt  }
0x44: {  	_ =	shalt  }
0x45: {  	_ =	shalt  }
0x46: {  	_ =	shalt  }
0x47: {  	_ =	shalt  }
0x48: {  	_ =	shalt  }
0x49: {  	_ =	shalt  }
0x4a: {  	_ =	shalt  }
0x4b: {  	_ =	shalt  }
0x4c: {  	_ =	shalt  }
0x4d: {  	_ =	shalt  }
0x4e: {  	_ =	shalt  }
0x4f: {  	_ =	shalt  }
0x50: {  	_ =	shalt  }
0x51: {  	_ =	shalt  }
0x52: {  	_ =	shalt  }
0x53: {  	_ =	shalt  }
0x54: {  	_ =	shalt  }
0x55: {  	_ =	shalt  }
0x56: {  	_ =	shalt  }
0x57: {  	_ =	shalt  }
0x58: {  	_ =	shalt  }
0x59: {  	_ =	shalt  }
0x5a: {  	_ =	shalt  }
0x5b: {  	_ =	shalt  }
0x5c: {  	_ =	shalt  }
0x5d: {  	_ =	shalt  }
0x5e: {  	_ =	shalt  }
0x5f: {  	_ =	shalt  }
0x60: {  	_ =	shalt  }
0x61: {  	_ =	shalt  }
0x62: {  	_ =	shalt  }
0x63: {  	_ =	shalt  }
0x64: {  	_ =	shalt  }
0x65: {  	_ =	shalt  }
0x66: {  	_ =	shalt  }
0x67: {  	_ =	shalt  }
0x68: {  	_ =	shalt  }
0x69: {  	_ =	shalt  }
0x6a: {  	_ =	shalt  }
0x6b: {  	_ =	shalt  }
0x6c: {  	_ =	shalt  }
0x6d: {  	_ =	shalt  }
0x6e: {  	_ =	shalt  }
0x6f: {  	_ =	shalt  }
0x70: {  	_ =	shalt  }
0x71: {  	_ =	shalt  }
0x72: {  	_ =	shalt  }
0x73: {  	_ =	shalt  }
0x74: {  	_ =	shalt  }
0x75: {  	_ =	shalt  }
0x76: {  	_ =	shalt  }
0x77: {  	_ =	shalt  }
0x78: {  	_ =	shalt  }
0x79: {  	_ =	shalt  }
0x7a: {  	_ =	shalt  }
0x7b: {  	_ =	shalt  }
0x7c: {  	_ =	shalt  }
0x7d: {  	_ =	shalt  }
0x7e: {  	_ =	shalt  }
0x7f: {  	_ =	shalt  }
0x80: {  	_ =	shalt  }
0x81: {  	_ =	shalt  }
0x82: {  	_ =	shalt  }
0x83: {  	_ =	shalt  }
0x84: {  	_ =	shalt  }
0x85: {  	_ =	shalt  }
0x86: {  	_ =	shalt  }
0x87: {  	_ =	shalt  }
.Lfunc_end0:
.L_simem_size_0:
called_computation.2_lowered:
.L_overlay_start_0:
0x88: {  	s2 =	sld [smem:$0x3FD9]  }
0x89: {  	s3 =	sld [smem:$0x3FFE];
	_ =	sdelay $0x1  }
0x8a: {  	s1 =	srdreg.scid  }
0x8b: {  	s0 =	sand.u32 $0x1, s1  }
0x8c: {  	s16 =	sshll.u32 s0, $0xA;
	s2 =	sadd.s32 s3, s2  }
0x8d: {  	s2 =	sadd.s32 s2, s16  }
0x8e: {  	[smem:$0x3FBC] =	sst s2  }
0x8f: {  	_ = 	snop  }
0x90: {  	(tm) =	ssettm $0x1  }
0x91: {  	s17 =	sld [smem:$0x3FFB];
	_ =	sdelay $0x3  }
0x92: {  	_ =	strace s17  }
0x93: {  	s2 =	sld [smem:$0x3FFC];
	_ =	sdelay $0x3  }
0x94: {  	_ =	strace s2  }
0x95: {  	s2 =	sld [smem:$0x3FFD];
	_ =	sdelay $0x3  }
0x96: {  	_ =	strace s2  }
0x97: {  	_ =	strace $0x8FFFFFFF  }
0x98: {  	s18 =	sld [smem:$0x3FDB];
	_ =	sdelay $0x1  }
0x99: {  	s19 =	simm.s32 $_scs_section_size  }
0x9a: {  	s4 =	simm.s32 $_size__tile_overlayer_lowered;
	s5 =	simm.s32 $_tile_overlayer_lowered  }
0x9b: {  	s22 =	simm.s32 $0x1BFF;
	s21 =	sshll.u32 s5, $0x1;
	s2 =	sadd.s32 s19, s18  }
0x9c: {  	s6 =	simm.s32 $0x0;
	s20 =	sshll.u32 s4, $0x1;
	s4 =	sadd.s32 s21, s2  }
0x9d: {  	[timem:s6], [sflag:s22] =	dma.local [hbm:s4], s20  }
0x9e: {  	_ =	swait.ge [sflag:s22], s20  }
0x9f: {  	s3 =	ssub.s32 $0x0, s20;
	[sflag:s22] =	ssyncset.done $0x0  }
0xa0: {  	[sflag:s22] =	ssyncadd.s32 s3;
	_ =	sdelay $0x1  }
0xa1: {  	s23 =	simm.s32 $0x1B8B  }
0xa2: {  	_ =	swait.ge [sflag:s23], $0x1  }
0xa3: {  	[sflag:s23] =	ssyncset.done $0x0  }
0xa4: {  	s25 =	simm.s32 $0x1B8E;
	s24 =	sld [smem:$0x3FFE];
	[sflag:s23] =	ssyncadd.s32 $0xFFFFFFFF  }
0xa5: {  	s26 =	simm.s32 $execute0_lowered;
	[smem:$0x3FD2] =	sst s25  }
0xa6: {  	s4 =	sshll.u32 s26, $0x1;
	_ =	strace $0x8000004C;
	[dreg:$0x1] =	wrdreg $0xFFFFFFFF  }
0xa7: {  	s28 =	simm.s32 $_size_execute0_lowered;
	s2 =	sadd.s32 s2, s4;
	[dreg:$0x0] =	wrdreg $0x0  }
0xa8: {  	s4 =	sshll.u32 s28, $0x1;
	[dreg:$0x2] =	wrdreg s2  }
0xa9: {  	[dreg:$0x3] =	wrdreg s4  }
0xaa: {  	[dreg:$0x4] =	wrdreg $0xC0  }
0xab: {  	_ =	task [dreg:s6], $0x5FFFF  }
0xac: {  	[dreg:$0x1] =	wrdreg $0xFFFFFFFF  }
0xad: {  	[dreg:$0x0] =	wrdreg $0x60  }
0xae: {  	[dreg:$0x2] =	wrdreg s24  }
0xaf: {  	[dreg:$0x3] =	wrdreg $0x141400  }
0xb0: {  	[dreg:$0x4] =	wrdreg $0xA5000  }
0xb1: {  	[dreg:$0x5] =	wrdreg $0x9  }
0xb2: {  	_ =	task.clear_ibuf [dreg:s6], $0x6FFFF;
	_ =	strace $0x9000004C  }
0xb3: {  	s29 =	simm.s32 $0x9;
	_ =	strace $0x8000004E  }
0xb4: {  	_ =	swait.ge [sflag:s29], $0x1  }
0xb5: {  	[sflag:s29] =	ssyncadd.s32 $0xFFFFFFFF  }
0xb6: {  	_ =	strace $0x9000004E  }
0xb7: {  	_ =	sfence  }
0xb8: {  	s30 =	sld [smem:$0x0];
	_ =	sdelay $0x2  }
0xb9: {  	s31 =	sshll.u32 s1, $0xD;
	s1 =	sshrl.u32 s1, $0x2  }
0xba: {  	s3 =	sand.u32 $0x4000, s31;
	s1 =	sadd.s32 s1, s30  }
0xbb: {  	s0 =	sor.u32 s3, s0;
	s1 =	sshll.u32 s1, $0x11  }
0xbc: {  	s0 =	sor.u32 s1, s0  }
0xbd: {  	s0 =	sadd.s32 $0x8F2B, s0  }
0xbe: {  	[sflag:s0] =	ssyncadd.remote.s32 $0x1  }
0xbf: {  	_ =	sfence.sel $0xFFFF  }
0xc0: {  	[dreg:$0x0] =	wrdreg $0xFFFFFFFF;
	(pc) =	sbr.abs _section_cstart, $3  }
0xc1: {  	[dreg:$0x1] =	wrdreg $0xFFFFFFFF  }
0xc2: {  	_ =	task.clear_ibuf [dreg:s6], $0x2FFFF;
	_ =	strace $0x9FFFFFFF  }
0xc3: {  	(tm) =	ssettm $0x7FFFFFFF  }
tec
execute0_lowered:
.L_overlay_start_1:
0x0: {  	(tag) =	ssettag $0x1  }
0x1: {  	s0 =	rddreg [dreg:$0x0]  }
0x2: {  	s11 =	stileid.u32;
	s2 =	rddreg [dreg:$0x1]  }
0x3: {  	s1 =	srdreg.scid;
	s3 =	rddreg [dreg:$0x2];
	s4 =	simm.s32 $0x0  }
0x4: {  	s13 =	simm.s32 $0x3;
	s15 =	simm.s32 $0x280;
	s16 =	simm.s32 $0x80  }
0x5: {  	s17 =	simm.s32 $0x500;
	s18 =	simm.s32 $0x2500;
	s19 =	simm.s32 $0x100  }
0x6: {  	s20 =	simm.s32 $0x4500;
	s28 =	simm.s32 $0x380;
	s5 =	smul.u32 $0x9C40, s11  }
0x7: {  	s29 =	simm.s32 $0x400;
	s30 =	simm.s32 $0x480;
	s7 =	smul.u32 $0x9E00, s11  }
0x8: {  	s1 =	sand.u32 $0x1, s1;
	s24 =	sshll.u32 s11, $0x6;
	s11 =	smul.u32 $0xA00, s11  }
0x9: {  	s31 =	simm.s32 $0x2;
	[smem:$0x7FF] =	sst s4;
	s6 =	smul.u32 $0xA000, s1  }
0xa: {  	s8 =	smul.u32 $0x9E000, s1;
	_ =	strace $0x8000004D;
	s1 =	ssub.s32 $0x2, s1  }
0xb: {  	s9 =	sshrl.u32 s5, $0x3;
	s22 =	sshrl.u32 s7, $0x3;
	s23 =	sshrl.u32 s1, $0x1  }
0xc: {  	s5 =	sadd.s32 s5, s3;
	s9 =	sadd.s32 s9, s0;
	s10 =	sadd.s32 s6, s0  }
0xd: {  	s21 =	sadd.s32 s7, s8;
	s8 =	sadd.s32 s22, s0;
	s1 =	ssub.s32 s1, s23  }
0xe: {  	s7 =	sadd.s32 s7, s2;
	s14 =	sshrl.u32 s5, $0x3;
	s22 =	simm.s32 $0x6500  }
0xf: {  	s23 =	simm.s32 $0x200;
	s6 =	sshrl.u32 s21, $0x3;
	s8 =	sadd.s32 $0x55400, s8  }
0x10: {  	s25 =	sadd.s32 $0x41A00, s9;
	s11 =	sadd.s32 s11, s10;
	s26 =	smax.u32 s1, $0x1  }
0x11: {  	s12 =	sshrl.u32 s7, $0x3;
	s21 =	simm.s32 $0x180;
	[dreg:$0x4] =	wrdreg s8  }
0x12: {  	s1 =	simm.s32 $0x0;
	s0 =	sadd.s32 s6, s0;
	[dreg:$0x5] =	wrdreg s25  }
0x13: {  	s6 =	sor.u32 $0x1C03, s24;
	[dreg:$0x7] =	wrdreg s26;
	s10 =	sadd.s32 $0x3600, s11  }
0x14: {  	s11 =	sadd.s32 $0x18E00, s11;
	s24 =	simm.s32 $0x8500;
	s0 =	sadd.s32 $0x69000, s0  }
0x15: {  	s25 =	simm.s32 $0x1;
	s26 =	simm.s32 $0x300;
	[dreg:$0x6] =	wrdreg s0  }
.LBB2_1:
0x16: {  	s0 =	rddreg [dreg:$0x4]  }
0x17: {  	[spmem:s12], [sflag:s6] =	dma.local [hbm:s0], $0x13C0  }
0x18: {  	_ =	swait.ge [sflag:s13], $0x13C0  }
0x19: {  	[sflag:s13] =	ssyncset.done $0x0  }
0x1a: {  	s7 =	rddreg [dreg:$0x5];
	[sflag:s13] =	ssyncadd.s32 $0xFFFFEC40  }
0x1b: {  	[spmem:s14], [sflag:s6] =	dma.local [hbm:s7], $0x1388  }
0x1c: {  	_ =	swait.ge [sflag:s13], $0x1388  }
0x1d: {  	[sflag:s13] =	ssyncset.done $0x0  }
0x1e: {  	[sflag:s13] =	ssyncadd.s32 $0xFFFFEC78  }
0x1f: {  	s8 =	sadd.s32 $0x0, s11;
	[bflag:$0x0] =	sbarrier.arrive $0xFFFF  }
0x20: {  	[tilespmem:s4], [sflag:$0x3] =	stream.linear.gather [hbm4b:s8+s4], $0x280, $0x38;
	[tilespmem:$0x1DF40] =	vst v63  }
0x21: {  	_ =	swait.ge [sflag:s13], $0x280  }
0x22: {  	[sflag:s13] =	ssyncset.done $0x0  }
0x23: {  	s9 =	sadd.s32 $0x0, s10;
	[sflag:s13] =	ssyncadd.s32 $0xFFFFFD80  }
0x24: {  	[tilespmem:s15], [sflag:$0x3] =	stream.linear.gather [hbm4b:s9+s4], $0x280, $0x38;
	[tilespmem:$0x1DF40] =	vst v63  }
0x25: {  	_ =	swait.ge [sflag:s13], $0x280  }
0x26: {  	[sflag:s13] =	ssyncset.done $0x0  }
0x27: {  	[sflag:s13] =	ssyncadd.s32 $0xFFFFFD80  }
0x28: {  	[tilespmem:s17], [sflag:$0x1] =	stream.indirect.gather [spmem:s3], $0x40, s4, s16, $0xb8;
	[tilespmem:$0x1DF40] =	vst v63  }
0x29: {  	_ = 	snop  }
0x2a: {  	[tilespmem:s18], [sflag:$0x1] =	stream.indirect.gather [spmem:s3], $0x40, s16, s16, $0xb8;
	[tilespmem:$0x1DF40] =	vst v63  }
0x2b: {  	_ = 	snop  }
0x2c: {  	[tilespmem:s20], [sflag:$0x1] =	stream.indirect.gather [spmem:s3], $0x40, s19, s16, $0xb8;
	[tilespmem:$0x1DF40] =	vst v63  }
0x2d: {  	_ = 	snop  }
0x2e: {  	[tilespmem:s22], [sflag:$0x1] =	stream.indirect.gather [spmem:s3], $0x40, s21, s16, $0xb8;
	[tilespmem:$0x1DF40] =	vst v63  }
0x2f: {  	_ = 	snop  }
0x30: {  	[tilespmem:s24], [sflag:$0x1] =	stream.indirect.gather [spmem:s3], $0x40, s23, s16, $0xb8;
	[tilespmem:$0x1DF40] =	vst v63  }
0x31: {  	_ =	swait.ge [sflag:s25], $0x2000  }
0x32: {  	[sflag:s25] =	ssyncset.done $0x0  }
0x33: {  	[sflag:s25] =	ssyncadd.s32 $0xFFFFE000  }
0x34: {  	_ =	swait.ge [sflag:s25], $0x2000  }
0x35: {  	[sflag:s25] =	ssyncset.done $0x0  }
0x36: {  	[sflag:s25] =	ssyncadd.s32 $0xFFFFE000  }
0x37: {  	_ =	swait.ge [sflag:s25], $0x2000  }
0x38: {  	[sflag:s25] =	ssyncset.done $0x0  }
0x39: {  	[sflag:s25] =	ssyncadd.s32 $0xFFFFE000  }
0x3a: {  	_ =	swait.ge [sflag:s25], $0x2000  }
0x3b: {  	[sflag:s25] =	ssyncset.done $0x0  }
0x3c: {  	[sflag:s25] =	ssyncadd.s32 $0xFFFFE000  }
0x3d: {  	_ =	swait.ge [sflag:s25], $0x2000  }
0x3e: {  	[sflag:s25] =	ssyncset.done $0x0  }
0x3f: {  	[sflag:s25] =	ssyncadd.s32 $0xFFFFE000  }
0x40: {  	[spmem:s2] =	stream.indirect.scatter.add.f32 [tilespmem:s17], [sflag:$0x2], $0x40, s15, s16, $0xb8;
	[tilespmem:$0x1DF40] =	vst v63  }
0x41: {  	_ = 	snop  }
0x42: {  	[spmem:s2] =	stream.indirect.scatter.add.f32 [tilespmem:s18], [sflag:$0x2], $0x40, s26, s16, $0xb8;
	[tilespmem:$0x1DF40] =	vst v63  }
0x43: {  	_ = 	snop  }
0x44: {  	[spmem:s2] =	stream.indirect.scatter.add.f32 [tilespmem:s20], [sflag:$0x2], $0x40, s28, s16, $0xb8;
	[tilespmem:$0x1DF40] =	vst v63  }
0x45: {  	_ = 	snop  }
0x46: {  	[spmem:s2] =	stream.indirect.scatter.add.f32 [tilespmem:s22], [sflag:$0x2], $0x40, s29, s16, $0xb8;
	[tilespmem:$0x1DF40] =	vst v63  }
0x47: {  	_ = 	snop  }
0x48: {  	[spmem:s2] =	stream.indirect.scatter.add.f32 [tilespmem:s24], [sflag:$0x2], $0x40, s30, s16, $0xb8;
	[tilespmem:$0x1DF40] =	vst v63  }
0x49: {  	_ =	swait.ge [sflag:s31], $0x2000  }
0x4a: {  	[sflag:s31] =	ssyncset.done $0x0  }
0x4b: {  	[sflag:s31] =	ssyncadd.s32 $0xFFFFE000  }
0x4c: {  	_ =	swait.ge [sflag:s31], $0x2000  }
0x4d: {  	[sflag:s31] =	ssyncset.done $0x0  }
0x4e: {  	[sflag:s31] =	ssyncadd.s32 $0xFFFFE000  }
0x4f: {  	_ =	swait.ge [sflag:s31], $0x2000  }
0x50: {  	[sflag:s31] =	ssyncset.done $0x0  }
0x51: {  	[sflag:s31] =	ssyncadd.s32 $0xFFFFE000  }
0x52: {  	_ =	swait.ge [sflag:s31], $0x2000  }
0x53: {  	[sflag:s31] =	ssyncset.done $0x0  }
0x54: {  	[sflag:s31] =	ssyncadd.s32 $0xFFFFE000  }
0x55: {  	_ =	swait.ge [sflag:s31], $0x2000  }
0x56: {  	s5 =	simm.s32 $0xA0;
	s0 =	simm.s32 $0x50;
	[sflag:s31] =	ssyncset.done $0x0  }
.LBB2_2:
0x57: {  	s8 =	sadd.s32 s0, s11  }
0x58: {  	[sflag:s31] =	ssyncadd.s32 $0xFFFFE000;
	s9 =	smov.u32 s5;
	s7 =	sadd.s32 $0x50, s5  }
0x59: {  	[tilespmem:s4], [sflag:$0x3] =	stream.linear.gather [hbm4b:s8+s4], $0x280, $0x38;
	[tilespmem:$0x1DF40] =	vst v63  }
0x5a: {  	p0 =	sne.s32 s5, $0x9B0;
	_ =	swait.ge [sflag:s13], $0x280  }
0x5b: {  	[sflag:s13] =	ssyncset.done $0x0  }
0x5c: {  	s5 =	sadd.s32 s0, s10;
	s0 =	smov.u32 s9;
	[sflag:s13] =	ssyncadd.s32 $0xFFFFFD80  }
0x5d: {  	[tilespmem:s15], [sflag:$0x3] =	stream.linear.gather [hbm4b:s5+s4], $0x280, $0x38;
	[tilespmem:$0x1DF40] =	vst v63  }
0x5e: {  	_ =	swait.ge [sflag:s13], $0x280  }
0x5f: {  	[sflag:s13] =	ssyncset.done $0x0  }
0x60: {  	[sflag:s13] =	ssyncadd.s32 $0xFFFFFD80  }
0x61: {  	[tilespmem:s17], [sflag:$0x1] =	stream.indirect.gather [spmem:s3], $0x40, s4, s16, $0xb8;
	[tilespmem:$0x1DF40] =	vst v63  }
0x62: {  	_ = 	snop  }
0x63: {  	[tilespmem:s18], [sflag:$0x1] =	stream.indirect.gather [spmem:s3], $0x40, s16, s16, $0xb8;
	[tilespmem:$0x1DF40] =	vst v63  }
0x64: {  	_ = 	snop  }
0x65: {  	[tilespmem:s20], [sflag:$0x1] =	stream.indirect.gather [spmem:s3], $0x40, s19, s16, $0xb8;
	[tilespmem:$0x1DF40] =	vst v63  }
0x66: {  	_ = 	snop  }
0x67: {  	[tilespmem:s22], [sflag:$0x1] =	stream.indirect.gather [spmem:s3], $0x40, s21, s16, $0xb8;
	[tilespmem:$0x1DF40] =	vst v63  }
0x68: {  	_ = 	snop  }
0x69: {  	[tilespmem:s24], [sflag:$0x1] =	stream.indirect.gather [spmem:s3], $0x40, s23, s16, $0xb8;
	[tilespmem:$0x1DF40] =	vst v63  }
0x6a: {  	_ =	swait.ge [sflag:s25], $0x2000  }
0x6b: {  	[sflag:s25] =	ssyncset.done $0x0  }
0x6c: {  	[sflag:s25] =	ssyncadd.s32 $0xFFFFE000  }
0x6d: {  	_ =	swait.ge [sflag:s25], $0x2000  }
0x6e: {  	[sflag:s25] =	ssyncset.done $0x0  }
0x6f: {  	[sflag:s25] =	ssyncadd.s32 $0xFFFFE000  }
0x70: {  	_ =	swait.ge [sflag:s25], $0x2000  }
0x71: {  	[sflag:s25] =	ssyncset.done $0x0  }
0x72: {  	[sflag:s25] =	ssyncadd.s32 $0xFFFFE000  }
0x73: {  	_ =	swait.ge [sflag:s25], $0x2000  }
0x74: {  	[sflag:s25] =	ssyncset.done $0x0  }
0x75: {  	[sflag:s25] =	ssyncadd.s32 $0xFFFFE000  }
0x76: {  	_ =	swait.ge [sflag:s25], $0x2000  }
0x77: {  	[sflag:s25] =	ssyncset.done $0x0  }
0x78: {  	[sflag:s25] =	ssyncadd.s32 $0xFFFFE000  }
0x79: {  	[spmem:s2] =	stream.indirect.scatter.add.f32 [tilespmem:s17], [sflag:$0x2], $0x40, s15, s16, $0xb8;
	[tilespmem:$0x1DF40] =	vst v63  }
0x7a: {  	_ = 	snop  }
0x7b: {  	[spmem:s2] =	stream.indirect.scatter.add.f32 [tilespmem:s18], [sflag:$0x2], $0x40, s26, s16, $0xb8;
	[tilespmem:$0x1DF40] =	vst v63  }
0x7c: {  	_ = 	snop  }
0x7d: {  	[spmem:s2] =	stream.indirect.scatter.add.f32 [tilespmem:s20], [sflag:$0x2], $0x40, s28, s16, $0xb8;
	[tilespmem:$0x1DF40] =	vst v63  }
0x7e: {  	_ = 	snop  }
0x7f: {  	[spmem:s2] =	stream.indirect.scatter.add.f32 [tilespmem:s22], [sflag:$0x2], $0x40, s29, s16, $0xb8;
	[tilespmem:$0x1DF40] =	vst v63  }
0x80: {  	_ = 	snop  }
0x81: {  	[spmem:s2] =	stream.indirect.scatter.add.f32 [tilespmem:s24], [sflag:$0x2], $0x40, s30, s16, $0xb8;
	[tilespmem:$0x1DF40] =	vst v63  }
0x82: {  	_ =	swait.ge [sflag:s31], $0x2000  }
0x83: {  	[sflag:s31] =	ssyncset.done $0x0  }
0x84: {  	[sflag:s31] =	ssyncadd.s32 $0xFFFFE000  }
0x85: {  	_ =	swait.ge [sflag:s31], $0x2000  }
0x86: {  	[sflag:s31] =	ssyncset.done $0x0  }
0x87: {  	[sflag:s31] =	ssyncadd.s32 $0xFFFFE000  }
0x88: {  	_ =	swait.ge [sflag:s31], $0x2000  }
0x89: {  	[sflag:s31] =	ssyncset.done $0x0  }
0x8a: {  	[sflag:s31] =	ssyncadd.s32 $0xFFFFE000  }
.Ltmp0:
0x8b: {  	_ =	swait.ge [sflag:s31], $0x2000;
	(pc) =	sbr.rel @p0 .LBB2_2-.Ltmp0, $4  }
0x8c: {  	[sflag:s31] =	ssyncset.done $0x0  }
0x8d: {  	[sflag:s31] =	ssyncadd.s32 $0xFFFFE000  }
0x8e: {  	_ =	swait.ge [sflag:s31], $0x2000  }
0x8f: {  	s5 =	smov.u32 s7;
	[sflag:s31] =	ssyncset.done $0x0  }
0x90: {  	s5 =	sadd.s32 s0, s11;
	[sflag:s31] =	ssyncadd.s32 $0xFFFFE000  }
0x91: {  	[tilespmem:s4], [sflag:$0x3] =	stream.linear.gather [hbm4b:s5+s4], $0x280, $0x38;
	[tilespmem:$0x1DF40] =	vst v63  }
0x92: {  	_ =	swait.ge [sflag:s13], $0x280  }
0x93: {  	[sflag:s13] =	ssyncset.done $0x0  }
0x94: {  	s7 =	sadd.s32 s0, s10;
	[sflag:s13] =	ssyncadd.s32 $0xFFFFFD80  }
0x95: {  	[tilespmem:s15], [sflag:$0x3] =	stream.linear.gather [hbm4b:s7+s4], $0x280, $0x38;
	[tilespmem:$0x1DF40] =	vst v63  }
0x96: {  	_ =	swait.ge [sflag:s13], $0x280  }
0x97: {  	[sflag:s13] =	ssyncset.done $0x0  }
0x98: {  	[sflag:s13] =	ssyncadd.s32 $0xFFFFFD80  }
0x99: {  	[tilespmem:s17], [sflag:$0x1] =	stream.indirect.gather [spmem:s3], $0x40, s4, s16, $0xb8;
	[tilespmem:$0x1DF40] =	vst v63  }
0x9a: {  	_ = 	snop  }
0x9b: {  	[tilespmem:s18], [sflag:$0x1] =	stream.indirect.gather [spmem:s3], $0x40, s16, s16, $0xb8;
	[tilespmem:$0x1DF40] =	vst v63  }
0x9c: {  	_ = 	snop  }
0x9d: {  	[tilespmem:s20], [sflag:$0x1] =	stream.indirect.gather [spmem:s3], $0x40, s19, s16, $0xb8;
	[tilespmem:$0x1DF40] =	vst v63  }
0x9e: {  	_ = 	snop  }
0x9f: {  	[tilespmem:s22], [sflag:$0x1] =	stream.indirect.gather [spmem:s3], $0x40, s21, s16, $0xb8;
	[tilespmem:$0x1DF40] =	vst v63  }
0xa0: {  	_ = 	snop  }
0xa1: {  	[tilespmem:s24], [sflag:$0x1] =	stream.indirect.gather [spmem:s3], $0x40, s23, s16, $0xb8;
	[tilespmem:$0x1DF40] =	vst v63  }
0xa2: {  	_ =	swait.ge [sflag:s25], $0x2000  }
0xa3: {  	[sflag:s25] =	ssyncset.done $0x0  }
0xa4: {  	[sflag:s25] =	ssyncadd.s32 $0xFFFFE000  }
0xa5: {  	_ =	swait.ge [sflag:s25], $0x2000  }
0xa6: {  	[sflag:s25] =	ssyncset.done $0x0  }
0xa7: {  	[sflag:s25] =	ssyncadd.s32 $0xFFFFE000  }
0xa8: {  	_ =	swait.ge [sflag:s25], $0x2000  }
0xa9: {  	[sflag:s25] =	ssyncset.done $0x0  }
0xaa: {  	[sflag:s25] =	ssyncadd.s32 $0xFFFFE000  }
0xab: {  	_ =	swait.ge [sflag:s25], $0x2000  }
0xac: {  	[sflag:s25] =	ssyncset.done $0x0  }
0xad: {  	[sflag:s25] =	ssyncadd.s32 $0xFFFFE000  }
0xae: {  	_ =	swait.ge [sflag:s25], $0x2000  }
0xaf: {  	[sflag:s25] =	ssyncset.done $0x0  }
0xb0: {  	[sflag:s25] =	ssyncadd.s32 $0xFFFFE000  }
0xb1: {  	[spmem:s2] =	stream.indirect.scatter.add.f32 [tilespmem:s17], [sflag:$0x2], $0x40, s15, s16, $0xb8;
	[tilespmem:$0x1DF40] =	vst v63  }
0xb2: {  	_ = 	snop  }
0xb3: {  	[spmem:s2] =	stream.indirect.scatter.add.f32 [tilespmem:s18], [sflag:$0x2], $0x40, s26, s16, $0xb8;
	[tilespmem:$0x1DF40] =	vst v63  }
0xb4: {  	_ = 	snop  }
0xb5: {  	[spmem:s2] =	stream.indirect.scatter.add.f32 [tilespmem:s20], [sflag:$0x2], $0x40, s28, s16, $0xb8;
	[tilespmem:$0x1DF40] =	vst v63  }
0xb6: {  	_ = 	snop  }
0xb7: {  	[spmem:s2] =	stream.indirect.scatter.add.f32 [tilespmem:s22], [sflag:$0x2], $0x40, s29, s16, $0xb8;
	[tilespmem:$0x1DF40] =	vst v63  }
0xb8: {  	_ = 	snop  }
0xb9: {  	[spmem:s2] =	stream.indirect.scatter.add.f32 [tilespmem:s24], [sflag:$0x2], $0x40, s30, s16, $0xb8;
	[tilespmem:$0x1DF40] =	vst v63  }
0xba: {  	_ =	swait.ge [sflag:s31], $0x2000  }
0xbb: {  	[sflag:s31] =	ssyncset.done $0x0  }
0xbc: {  	[sflag:s31] =	ssyncadd.s32 $0xFFFFE000  }
0xbd: {  	_ =	swait.ge [sflag:s31], $0x2000  }
0xbe: {  	[sflag:s31] =	ssyncset.done $0x0  }
0xbf: {  	[sflag:s31] =	ssyncadd.s32 $0xFFFFE000  }
0xc0: {  	_ =	swait.ge [sflag:s31], $0x2000  }
0xc1: {  	[sflag:s31] =	ssyncset.done $0x0  }
0xc2: {  	[sflag:s31] =	ssyncadd.s32 $0xFFFFE000  }
0xc3: {  	_ =	swait.ge [sflag:s31], $0x2000  }
0xc4: {  	[sflag:s31] =	ssyncset.done $0x0  }
0xc5: {  	[sflag:s31] =	ssyncadd.s32 $0xFFFFE000  }
0xc6: {  	_ =	swait.ge [sflag:s31], $0x2000  }
0xc7: {  	[sflag:s31] =	ssyncset.done $0x0  }
0xc8: {  	[sflag:s31] =	ssyncadd.s32 $0xFFFFE000  }
0xc9: {  	[bflag:$0x0] =	sbarrier.arrive $0xFFFF  }
0xca: {  	s8 =	rddreg [dreg:$0x6]  }
0xcb: {  	[hbm:s8], [sflag:s6] =	dma.local [spmem:s12], $0x13C0  }
0xcc: {  	_ =	swait.ge [sflag:s13], $0x13C0  }
0xcd: {  	s1 =	sadd.s32 $0x1, s1;
	s9 =	rddreg [dreg:$0x7]  }
0xce: {  	p0 =	sne.s32 s1, s9  }
.Ltmp1:
0xcf: {  	_ = 	snop;
	(pc) =	sbr.rel @p0 .LBB2_1-.Ltmp1, $3  }
0xd0: {  	_ =	sdelay $0x1  }
0xd1: {  	[sflag:s13] =	ssyncset.done $0x0  }
0xd2: {  	[sflag:s13] =	ssyncadd.s32 $0xFFFFEC40  }
0xd3: {  	_ =	sfence.sel $0x180000  }
0xd4: {  	[bflag:$0x0] =	sbarrier.arrive $0xFFFF  }
0xd5: {  	_ =	strace $0x9000004D  }
0xd6: {  	s0 =	stileid.u32;
	[bflag:$0x2] =	sbarrier.arrive $0xFFFF  }
0xd7: {  	p0 =	sne.s32 s0, $0x0;
	s0 =	rddreg [dreg:$0x3]  }
0xd8: {  	s0 =	sadd.s32 @!p0 $0x100000, s0  }
0xd9: {  	[sflag:s0] =	ssyncadd.tile.s32 @!p0 $0x1;
	_ =	shalt  }
.Lfunc_end2:
_tile_overlayer_lowered:
.L_overlay_start_2:
0xda: {  	(tag) =	ssettag $0x2  }
0xdb: {  	s0 =	rddreg [dreg:$0x0];
	s2 =	stileid.u32  }
0xdc: {  	s1 =	rddreg [dreg:$0x1];
	p0 =	sne.s32 s2, $0x0  }
0xdd: {  	s3 =	rddreg [dreg:$0x2];
	[bflag:$0x3] =	sbarrier.arrive $0xFFFF;
	s2 =	simm.s32 @!p0 $0x1C03  }
0xde: {  	[timem:s3], [sflag:s2] =	dma.local @!p0 [hbm:s0], s1  }
0xdf: {  	s0 =	simm.s32 @!p0 $0x3  }
0xe0: {  	_ =	swait.ge @!p0 [sflag:s0], s1  }
0xe1: {  	s1 =	ssub.s32 @!p0 $0x0, s1;
	[sflag:s0] =	ssyncset.done @!p0 $0x0  }
0xe2: {  	[sflag:s0] =	ssyncadd.s32 @!p0 s1  }
0xe3: {  	[bflag:$0x3] =	sbarrier.arrive $0xFFFF  }
0xe4: {  	_ =	shalt  }

// kernel: kernel.20.cloned.1.call-start
scs
__scs_entry_jumppad:
0x0: {  	(pc) =	sbr.rel $0x88, $3  }
0x1: {  	(tag) =	ssettag $0x0;
	lr =	simm.s32 $0x1  }
0x2: {  	[smem:$0x3F95] =	sst lr;
	_ =	strace $0xD0000000  }
0x3: {  	_ = 	snop  }
0x4: {  	_ = 	snop  }
0x5: {  	_ = 	snop  }
0x6: {  	_ = 	snop  }
0x7: {  	_ = 	snop  }
__scs_overlays_trampoline_lowered:
0x8: {  	[smem:$0x3FA4] =	sst s0  }
0x9: {  	[smem:$0x3FA5] =	sst s1  }
0xa: {  	[smem:$0x3FA6] =	sst s2  }
0xb: {  	[smem:$0x3FA7] =	sst s3  }
0xc: {  	[smem:$0x3FA8] =	sst s4  }
0xd: {  	[smem:$0x3FA9] =	sst s5  }
0xe: {  	[smem:$0x3FAA] =	sst s6  }
0xf: {  	[smem:$0x3FAB] =	sst s7  }
0x10: {  	[smem:$0x3FAC] =	sst s8  }
0x11: {  	[smem:$0x3FAD] =	sst s9;
	s0 =	simm.s32 @!p0 $0x0  }
0x12: {  	s1 =	sld [smem:$0x3F93];
	s0 =	simm.s32 @p0 $0x1  }
0x13: {  	[smem:$0x3FAE] =	sst s0;
	s0 =	simm.s32 @!p1 $0x0  }
0x14: {  	s2 =	sld [smem:$0x3F92];
	s0 =	simm.s32 @p1 $0x1  }
0x15: {  	[smem:$0x3FAF] =	sst s0;
	s0 =	simm.s32 @!p2 $0x0  }
0x16: {  	s3 =	sld [smem:$0x3FDB];
	s0 =	simm.s32 @p2 $0x1  }
0x17: {  	s4 =	simm.s32 $0x1BF5;
	[smem:$0x3FB1] =	sst s0  }
0x18: {  	s0 =	sld [smem:$0x3F94];
	_ =	swait.ge [sflag:s4], $0x0  }
0x19: {  	s7 =	sld [smem:$0x3F95]  }
0x1a: {  	s8 =	sadd.s32 $0xFFFFE003, lr  }
0x1b: {  	s9 =	sadd.s32 $0xFFFFFEF7, lr;
	s5 =	simm.s32 $0xFFFFFFFF;
	p2 =	slt.u32 s8, $0xFFFFF086  }
0x1c: {  	p1 =	slt.u32 s9, $0xF7A;
	s5 =	simm.s32 @!p2 $0x0  }
0x1d: {  	s5 =	simm.s32 @p1 $0x1;
	p0 =	seq.s32 s7, s2  }
0x1e: {  	s7 =	smul.u32 @!p0 $0xF7A, s2;
	p2 =	seq.s32 @!p0 s5, $0x0  }
0x1f: {  	s9 =	smul.u32 $0xF7A, s1;
	s8 =	simm.s32 @!p0 $0x1BF5;
	p2 =	por !p2, p0  }
0x20: {  	[sflag:s8] =	ssyncset.s32 @!p0 $0xFFFFF086;
	s6 =	sadd.s32 @!p0 s3, s7;
	s7 =	simm.s32 @!p0 $0x108  }
0x21: {  	s3 =	sadd.s32 s3, s9;
	s6 =	sadd.s32 @!p0 $0x88, s6;
	s7 =	simm.s32 @p2 $0x1082  }
0x22: {  	[simem:s7], [sflag:s8] =	dma.local @!p0 [hbm:s6], $0xF7A  }
0x23: {  	s9 =	sor.u32 $0xD0000000, s2;
	s6 =	simm.s32 $0x108;
	_ =	swait.ge @!p0 [sflag:s8], $0x0  }
0x24: {  	s3 =	sadd.s32 $0x88, s3;
	s6 =	simm.s32 @!p1 $0x1082;
	[sflag:s4] =	ssyncset.s32 $0xFFFFF086  }
0x25: {  	[simem:s6], [sflag:s4] =	dma.local [hbm:s3], $0xF7A  }
0x26: {  	[smem:$0x3F95] =	sst s1;
	(tag) =	ssettag s2;
	_ =	strace s9  }
0x27: {  	s1 =	sld [smem:$0x3FA5]  }
0x28: {  	s2 =	sld [smem:$0x3FA6]  }
0x29: {  	s4 =	sld [smem:$0x3FA8]  }
0x2a: {  	p0 =	seq.s32 s5, $0x0;
	s5 =	sld [smem:$0x3FA9]  }
0x2b: {  	s6 =	sld [smem:$0x3FAA]  }
0x2c: {  	s7 =	sld [smem:$0x3FAB]  }
0x2d: {  	s3 =	simm.s32 $0x108;
	s8 =	sld [smem:$0x3FAC]  }
0x2e: {  	s3 =	simm.s32 @!p0 $0x1082;
	s9 =	sld [smem:$0x3FAD]  }
0x2f: {  	lr =	sadd.s32 s0, s3;
	s0 =	sld [smem:$0x3FA4]  }
0x30: {  	s3 =	sld [smem:$0x3FA7]  }
0x31: {  	[smem:$0x3FB0] =	sst s10  }
0x32: {  	s10 =	sld [smem:$0x3FAE];
	_ =	sdelay $0x3  }
0x33: {  	p0 =	seq.s32 s10, $0x1;
	s10 =	sld [smem:$0x3FB0];
	_ =	sdelay $0x3  }
0x34: {  	[smem:$0x3FB0] =	sst s10  }
0x35: {  	s10 =	sld [smem:$0x3FAF];
	_ =	sdelay $0x3  }
0x36: {  	p1 =	seq.s32 s10, $0x1;
	s10 =	sld [smem:$0x3FB0];
	_ =	sdelay $0x3  }
0x37: {  	[smem:$0x3FB0] =	sst s10  }
0x38: {  	s10 =	sld [smem:$0x3FB1]  }
0x39: {  	_ = 	snop;
	(pc) =	sbr.ind lr, $3  }
0x3a: {  	_ = 	snop  }
0x3b: {  	_ = 	snop  }
0x3c: {  	p2 =	seq.s32 s10, $0x1;
	s10 =	sld [smem:$0x3FB0]  }
0x3d: {  	_ =	shalt  }
0x3e: {  	_ =	shalt  }
0x3f: {  	_ =	shalt  }
0x40: {  	_ =	shalt  }
0x41: {  	_ =	shalt  }
0x42: {  	_ =	shalt  }
0x43: {  	_ =	shalt  }
0x44: {  	_ =	shalt  }
0x45: {  	_ =	shalt  }
0x46: {  	_ =	shalt  }
0x47: {  	_ =	shalt  }
0x48: {  	_ =	shalt  }
0x49: {  	_ =	shalt  }
0x4a: {  	_ =	shalt  }
0x4b: {  	_ =	shalt  }
0x4c: {  	_ =	shalt  }
0x4d: {  	_ =	shalt  }
0x4e: {  	_ =	shalt  }
0x4f: {  	_ =	shalt  }
0x50: {  	_ =	shalt  }
0x51: {  	_ =	shalt  }
0x52: {  	_ =	shalt  }
0x53: {  	_ =	shalt  }
0x54: {  	_ =	shalt  }
0x55: {  	_ =	shalt  }
0x56: {  	_ =	shalt  }
0x57: {  	_ =	shalt  }
0x58: {  	_ =	shalt  }
0x59: {  	_ =	shalt  }
0x5a: {  	_ =	shalt  }
0x5b: {  	_ =	shalt  }
0x5c: {  	_ =	shalt  }
0x5d: {  	_ =	shalt  }
0x5e: {  	_ =	shalt  }
0x5f: {  	_ =	shalt  }
0x60: {  	_ =	shalt  }
0x61: {  	_ =	shalt  }
0x62: {  	_ =	shalt  }
0x63: {  	_ =	shalt  }
0x64: {  	_ =	shalt  }
0x65: {  	_ =	shalt  }
0x66: {  	_ =	shalt  }
0x67: {  	_ =	shalt  }
0x68: {  	_ =	shalt  }
0x69: {  	_ =	shalt  }
0x6a: {  	_ =	shalt  }
0x6b: {  	_ =	shalt  }
0x6c: {  	_ =	shalt  }
0x6d: {  	_ =	shalt  }
0x6e: {  	_ =	shalt  }
0x6f: {  	_ =	shalt  }
0x70: {  	_ =	shalt  }
0x71: {  	_ =	shalt  }
0x72: {  	_ =	shalt  }
0x73: {  	_ =	shalt  }
0x74: {  	_ =	shalt  }
0x75: {  	_ =	shalt  }
0x76: {  	_ =	shalt  }
0x77: {  	_ =	shalt  }
0x78: {  	_ =	shalt  }
0x79: {  	_ =	shalt  }
0x7a: {  	_ =	shalt  }
0x7b: {  	_ =	shalt  }
0x7c: {  	_ =	shalt  }
0x7d: {  	_ =	shalt  }
0x7e: {  	_ =	shalt  }
0x7f: {  	_ =	shalt  }
0x80: {  	_ =	shalt  }
0x81: {  	_ =	shalt  }
0x82: {  	_ =	shalt  }
0x83: {  	_ =	shalt  }
0x84: {  	_ =	shalt  }
0x85: {  	_ =	shalt  }
0x86: {  	_ =	shalt  }
0x87: {  	_ =	shalt  }
.Lfunc_end0:
.L_simem_size_0:
called_computation.3_lowered:
.L_overlay_start_0:
0x88: {  	s2 =	sld [smem:$0x3FD9]  }
0x89: {  	s3 =	sld [smem:$0x3FFE];
	_ =	sdelay $0x1  }
0x8a: {  	s1 =	srdreg.scid  }
0x8b: {  	s0 =	sand.u32 $0x1, s1  }
0x8c: {  	s16 =	sshll.u32 s0, $0xA;
	s2 =	sadd.s32 s3, s2  }
0x8d: {  	s2 =	sadd.s32 s2, s16  }
0x8e: {  	[smem:$0x3FBC] =	sst s2  }
0x8f: {  	_ = 	snop  }
0x90: {  	(tm) =	ssettm $0x1  }
0x91: {  	s17 =	sld [smem:$0x3FFB];
	_ =	sdelay $0x3  }
0x92: {  	_ =	strace s17  }
0x93: {  	s2 =	sld [smem:$0x3FFC];
	_ =	sdelay $0x3  }
0x94: {  	_ =	strace s2  }
0x95: {  	s2 =	sld [smem:$0x3FFD];
	_ =	sdelay $0x3  }
0x96: {  	_ =	strace s2  }
0x97: {  	_ =	strace $0x8FFFFFFF  }
0x98: {  	s18 =	sld [smem:$0x3FDB];
	_ =	sdelay $0x1  }
0x99: {  	s19 =	simm.s32 $_scs_section_size  }
0x9a: {  	s4 =	simm.s32 $_size__tile_overlayer_lowered;
	s5 =	simm.s32 $_tile_overlayer_lowered  }
0x9b: {  	s22 =	simm.s32 $0x1BFF;
	s21 =	sshll.u32 s5, $0x1;
	s2 =	sadd.s32 s19, s18  }
0x9c: {  	s6 =	simm.s32 $0x0;
	s20 =	sshll.u32 s4, $0x1;
	s4 =	sadd.s32 s21, s2  }
0x9d: {  	[timem:s6], [sflag:s22] =	dma.local [hbm:s4], s20  }
0x9e: {  	_ =	swait.ge [sflag:s22], s20  }
0x9f: {  	s3 =	ssub.s32 $0x0, s20;
	[sflag:s22] =	ssyncset.done $0x0  }
0xa0: {  	[sflag:s22] =	ssyncadd.s32 s3;
	_ =	sdelay $0x1  }
0xa1: {  	s23 =	simm.s32 $0x1B8B  }
0xa2: {  	_ =	swait.ge [sflag:s23], $0x1  }
0xa3: {  	[sflag:s23] =	ssyncset.done $0x0  }
0xa4: {  	s25 =	simm.s32 $0x1B8E;
	s24 =	sld [smem:$0x3FFE];
	[sflag:s23] =	ssyncadd.s32 $0xFFFFFFFF  }
0xa5: {  	s26 =	simm.s32 $execute0_lowered;
	[smem:$0x3FD2] =	sst s25  }
0xa6: {  	s4 =	sshll.u32 s26, $0x1;
	_ =	strace $0x8000004F;
	[dreg:$0x1] =	wrdreg $0xFFFFFFFF  }
0xa7: {  	s28 =	simm.s32 $_size_execute0_lowered;
	s2 =	sadd.s32 s2, s4;
	[dreg:$0x0] =	wrdreg $0x0  }
0xa8: {  	s4 =	sshll.u32 s28, $0x1;
	[dreg:$0x2] =	wrdreg s2  }
0xa9: {  	[dreg:$0x3] =	wrdreg s4  }
0xaa: {  	[dreg:$0x4] =	wrdreg $0xC0  }
0xab: {  	_ =	task [dreg:s6], $0x5FFFF  }
0xac: {  	[dreg:$0x1] =	wrdreg $0xFFFFFFFF  }
0xad: {  	[dreg:$0x0] =	wrdreg $0x60  }
0xae: {  	[dreg:$0x2] =	wrdreg s24  }
0xaf: {  	[dreg:$0x3] =	wrdreg $0x10A000  }
0xb0: {  	[dreg:$0x4] =	wrdreg $0x9  }
0xb1: {  	_ =	task.clear_ibuf [dreg:s6], $0x5FFFF;
	_ =	strace $0x9000004F  }
0xb2: {  	s29 =	simm.s32 $0x9;
	_ =	strace $0x80000051  }
0xb3: {  	_ =	swait.ge [sflag:s29], $0x1  }
0xb4: {  	[sflag:s29] =	ssyncadd.s32 $0xFFFFFFFF  }
0xb5: {  	_ =	strace $0x90000051  }
0xb6: {  	_ =	sfence  }
0xb7: {  	s30 =	sld [smem:$0x0];
	_ =	sdelay $0x2  }
0xb8: {  	s31 =	sshll.u32 s1, $0xD;
	s1 =	sshrl.u32 s1, $0x2  }
0xb9: {  	s3 =	sand.u32 $0x4000, s31;
	s1 =	sadd.s32 s1, s30  }
0xba: {  	s0 =	sor.u32 s3, s0;
	s1 =	sshll.u32 s1, $0x11  }
0xbb: {  	s0 =	sor.u32 s1, s0  }
0xbc: {  	s0 =	sadd.s32 $0x8F2B, s0  }
0xbd: {  	[sflag:s0] =	ssyncadd.remote.s32 $0x1  }
0xbe: {  	_ =	sfence.sel $0xFFFF  }
0xbf: {  	[dreg:$0x0] =	wrdreg $0xFFFFFFFF;
	(pc) =	sbr.abs _section_cstart, $3  }
0xc0: {  	[dreg:$0x1] =	wrdreg $0xFFFFFFFF  }
0xc1: {  	_ =	task.clear_ibuf [dreg:s6], $0x2FFFF;
	_ =	strace $0x9FFFFFFF  }
0xc2: {  	(tm) =	ssettm $0x7FFFFFFF  }
0xc3: {  	_ =	shalt  }
tec
execute0_lowered:
.L_overlay_start_1:
0x0: {  	(tag) =	ssettag $0x1  }
0x1: {  	s8 =	rddreg [dreg:$0x0]  }
0x2: {  	s2 =	rddreg [dreg:$0x1]  }
0x3: {  	s0 =	rddreg [dreg:$0x2]  }
0x4: {  	s3 =	simm.s32 $0x0;
	s1 =	stileid.u32;
	s5 =	srdreg.scid  }
0x5: {  	[smem:$0x7FF] =	sst s3;
	s9 =	smul.u32 $0x9E00, s1;
	s4 =	sadd.s32 $0x41A00, s8  }
0x6: {  	s11 =	sand.u32 $0x1, s5;
	s5 =	sadd.s32 $0x18E00, s8;
	s6 =	sadd.s32 $0x3600, s8  }
0x7: {  	s7 =	sadd.s32 $0x2CE00, s8;
	s28 =	sshll.u32 s1, $0x6;
	s19 =	smul.u32 $0x5000, s1  }
0x8: {  	_ =	strace $0x80000050;
	s12 =	smul.u32 $0x9E000, s11;
	s13 =	ssub.s32 $0x2, s11  }
0x9: {  	s14 =	sshll.u32 s11, $0x4;
	s11 =	smul.u32 $0x50000, s11;
	s10 =	sshrl.u32 s9, $0x3  }
0xa: {  	s15 =	sshrl.u32 s13, $0x1;
	s14 =	sor.u32 s1, s14;
	s16 =	sadd.s32 s9, s2  }
0xb: {  	s10 =	sadd.s32 s10, s8;
	s12 =	sadd.s32 s9, s12;
	s13 =	ssub.s32 s13, s15  }
0xc: {  	s26 =	smul.u32 $0x5000, s14;
	s9 =	sor.u32 $0x1C03, s28;
	s14 =	sshll.u32 s14, $0x7  }
0xd: {  	s11 =	sadd.s32 s19, s11;
	s15 =	simm.s32 $0x3;
	s19 =	simm.s32 $0x2  }
0xe: {  	s12 =	sshrl.u32 s12, $0x3;
	s30 =	sadd.s32 $0x9C400, s14;
	s17 =	sadd.s32 $0x9C410, s14  }
0xf: {  	s18 =	sadd.s32 $0x9C420, s14;
	s20 =	sadd.s32 $0x9C430, s14;
	s21 =	sadd.s32 $0x9C440, s14  }
.Ltmp0:
0x10: {  	s22 =	sadd.s32 $0x9C450, s14;
	s31 =	sadd.s32 $0x9C460, s14;
	(pc) =	sbr.rel .LBB2_1-.Ltmp0, $4  }
0x11: {  	v0 =	vlaneseq.u32;
	s23 =	sadd.s32 $0x9C470, s14;
	s13 =	smax.u32 s13, $0x1;
	s14 =	sshrl.u32 s16, $0x3  }
0x12: {  	s16 =	simm.s32 $0x2780;
	s12 =	sadd.s32 s12, s8;
	s8 =	sadd.s32 $0x55400, s10;
	v1 =	vor.u32 s30, v0;
	v2 =	vor.u32 s17, v0  }
0x13: {  	s29 =	sshrl.u32 s26, $0x3;
	v3 =	vor.u32 s18, v0;
	v4 =	vor.u32 s20, v0;
	v5 =	vor.u32 s21, v0;
	s17 =	simm.s32 $0x1;
	s18 =	simm.s32 $0x80  }
0x14: {  	v6 =	vor.u32 s22, v0;
	v7 =	vor.u32 s31, v0;
	v8 =	vor.u32 s23, v0;
	s20 =	simm.s32 $0x0;
	s10 =	sadd.s32 s6, s29;
	s12 =	sadd.s32 $0x69000, s12  }
.LBB2_7:
0x15: {  	s21 =	sor.u32 $0xC800, s25;
	[sflag:s19] =	ssyncadd.s32 @p0 $0xFFFFE000  }
0x16: {  	[tilespmem:s21], [sflag:$0x1] =	stream.indirect.gather [hbm4b:s5+s18], $0x1, s22, s18, $0xb8;
	[tilespmem:$0x1A800] =	vst v63  }
0x17: {  	_ =	swait.ge [sflag:s17], $0x80  }
0x18: {  	[sflag:s17] =	ssyncset.done $0x0  }
0x19: {  	s24 =	sor.u32 $0xC900, s25;
	[sflag:s17] =	ssyncadd.s32 $0xFFFFFF80  }
0x1a: {  	[tilespmem:s24], [sflag:$0x1] =	stream.indirect.gather [hbm4b:s6+s18], $0x1, s22, s18, $0xb8;
	[tilespmem:$0x1A800] =	vst v63  }
0x1b: {  	_ =	swait.ge [sflag:s17], $0x80  }
0x1c: {  	[sflag:s17] =	ssyncset.done $0x0  }
0x1d: {  	s31 =	sor.u32 $0xCA00, s23;
	[sflag:s17] =	ssyncadd.s32 $0xFFFFFF80  }
0x1e: {  	[tilespmem:s31], [sflag:$0x1] =	stream.indirect.gather [hbm4b:s4+s18], $0x40, s21, s18, $0xb8;
	[tilespmem:$0x1A800] =	vst v63  }
0x1f: {  	_ =	swait.ge [sflag:s17], $0x2000  }
0x20: {  	[sflag:s17] =	ssyncset.done $0x0  }
0x21: {  	[sflag:s17] =	ssyncadd.s32 $0xFFFFE000  }
0x22: {  	[spmem:s2] =	stream.indirect.scatter.add.f32 [tilespmem:s31], [sflag:$0x2], $0x40, s24, s18, $0xb8;
	[tilespmem:$0x1A800] =	vst v63  }
0x23: {  	_ =	swait.ge [sflag:s19], $0x2000  }
0x24: {  	[sflag:s19] =	ssyncset.done $0x0  }
0x25: {  	[sflag:s19] =	ssyncadd.s32 $0xFFFFE000  }
.LBB2_8:
0x26: {  	s20 =	sadd.s32 $0x1, s20  }
0x27: {  	p0 =	sne.s32 s20, s13  }
.Ltmp1:
0x28: {  	[bflag:$0x0] =	sbarrier.arrive $0xFFFF;
	(pc) =	sbr.rel @!p0 .LBB2_9-.Ltmp1, $4  }
0x29: {  	[hbm:s12], [sflag:s9] =	dma.local [spmem:s14], $0x13C0  }
0x2a: {  	_ =	swait.ge [sflag:s15], $0x13C0  }
0x2b: {  	[sflag:s15] =	ssyncset.done $0x0  }
0x2c: {  	[sflag:s15] =	ssyncadd.s32 $0xFFFFEC40  }
.LBB2_1:
0x2d: {  	[spmem:s14], [sflag:s9] =	dma.local [hbm:s8], $0x13C0  }
0x2e: {  	_ =	swait.ge [sflag:s15], $0x13C0  }
0x2f: {  	[sflag:s15] =	ssyncset.done $0x0  }
0x30: {  	[sflag:s15] =	ssyncadd.s32 $0xFFFFEC40  }
0x31: {  	[tilespmem:s3], [sflag:$0x3] =	stream.linear.gather [hbm4b:s7+s3], $0x2780, $0x38;
	[tilespmem:$0x1A800] =	vst v63  }
0x32: {  	_ =	swait.ge [sflag:s15], $0x2780  }
0x33: {  	[sflag:s15] =	ssyncset.done $0x0  }
0x34: {  	[sflag:s15] =	ssyncadd.s32 $0xFFFFD880  }
0x35: {  	[tilespmem:s16], [sflag:$0x3] =	stream.linear.gather [hbm4b:s10+s3], $0x5000, $0x38;
	[tilespmem:$0x1A800] =	vst v63  }
0x36: {  	_ =	swait.ge [sflag:s15], $0x5000  }
0x37: {  	[sflag:s15] =	ssyncset.done $0x0  }
0x38: {  	[sflag:s15] =	ssyncadd.s32 $0xFFFFB000  }
0x39: {  	s21 =	simm.s32 $0x0;
	[bflag:$0x0] =	sbarrier.arrive $0xFFFF  }
0x3a: {  	v9 =	vld [tilespmem:s21+$0x2780];
	_ =	sdelay $0x7  }
0x3b: {  	v9 =	vld.idx.msk [tilespmem:v9+s3+$0x0], $0xffff;
	_ =	sdelay $0x4  }
0x3c: {  	vm0 =	vgt.s32 v9, $0x0  }
0x3d: {  	v9 =	vmpcnt.ones.xlane vm0  }
0x3e: {  	v10 =	vor.u32 s11, v0;
	s24 =	simm.s32 $0x10  }
0x3f: {  	s23 =	simm.s32 $0x80;
	s22 =	simm.s32 $0x0;
	s21 =	smov.u32 s11;
	[tilespmem:s3+$0x7780] =	vst.msk vm0, v10;
	(v2sf) =	vpush v9, $0x0  }
.LBB2_2:
0x40: {  	p0 =	sne.s32 s23, $0x13FC0;
	v9 =	vld [tilespmem:s24+$0x2780];
	_ =	sdelay $0x7  }
0x41: {  	v9 =	vld.idx.msk [tilespmem:v9+s3+$0x0], $0xffff;
	_ =	sdelay $0x4  }
.Ltmp2:
0x42: {  	(pc) =	sbr.rel @p0 .LBB2_2-.Ltmp2, $4  }
0x43: {  	s21 =	sadd.s32 $0x10, s21;
	vm0 =	vgt.s32 v9, $0x0;
	s24 =	spop (v2sf)  }
0x44: {  	v9 =	vor.u32 s21, v0;
	v10 =	vmpcnt.ones.xlane vm0;
	s22 =	sadd.s32 s22, s24  }
0x45: {  	[tilespmem:s22+$0x7780] =	vst.msk vm0, v9  }
0x46: {  	s24 =	sshra.s32 s23, $0x2;
	s23 =	sadd.s32 $0x40, s23;
	(v2sf) =	vpush v10, $0x0  }
0x47: {  	v9 =	vld [tilespmem:s24+$0x2780];
	_ =	sdelay $0x7  }
0x48: {  	v9 =	vld.idx.msk [tilespmem:v9+s3+$0x0], $0xffff;
	_ =	sdelay $0x4  }
0x49: {  	vm0 =	vgt.s32 v9, $0x0  }
0x4a: {  	v9 =	vmpcnt.ones.xlane vm0;
	_ =	sdelay $0x1  }
0x4b: {  	(v2sf) =	vpush v9, $0x0;
	_ =	sdelay $0xd  }
0x4c: {  	s23 =	spop (v2sf)  }
0x4d: {  	s22 =	sadd.s32 s22, s23;
	s28 =	spop (v2sf)  }
0x4e: {  	s23 =	sadd.s32 s22, s28  }
0x4f: {  	s29 =	sadd.s32 $0x7F, s23  }
0x50: {  	s21 =	sadd.s32 $0x10, s21;
	s30 =	sand.u32 $0x7F, s29  }
0x51: {  	v9 =	vor.u32 s21, v0;
	s31 =	sshra.s32 s29, $0x1F;
	p1 =	slt.s32 s29, $0x1;
	p0 =	sne.s32 s30, $0x0  }
0x52: {  	[tilespmem:s22+$0x7780] =	vst.msk vm0, v9;
	s22 =	sshrl.u32 s31, $0x19;
	p0 =	por !p1, !p0  }
0x53: {  	s21 =	sadd.s32 s22, s29;
	s22 =	simm.s32 $0x1;
	p0 =	por !p0, !p0  }
0x54: {  	[tilespmem:s23+$0x7780] =	vst v1;
	s21 =	sshra.s32 s21, $0x7;
	s22 =	simm.s32 @!p0 $0x0  }
0x55: {  	[tilespmem:s23+$0x7790] =	vst v2;
	s21 =	ssub.s32 s21, s22  }
0x56: {  	[tilespmem:s23+$0x77A0] =	vst v3;
	p0 =	slt.s32 s21, $0x1  }
.Ltmp3:
0x57: {  	[tilespmem:s23+$0x77B0] =	vst v4;
	(pc) =	sbr.rel @p0 .LBB2_8-.Ltmp3, $4  }
0x58: {  	[tilespmem:s23+$0x77C0] =	vst v5  }
0x59: {  	[tilespmem:s23+$0x77D0] =	vst v6  }
0x5a: {  	[tilespmem:s23+$0x77E0] =	vst v7  }
0x5b: {  	[tilespmem:s23+$0x77F0] =	vst v8  }
0x5c: {  	p1 =	sne.s32 s21, $0x1  }
.Ltmp4:
0x5d: {  	_ = 	snop;
	(pc) =	sbr.rel @!p1 .LBB2_7-.Ltmp4, $4  }
0x5e: {  	_ = 	snop  }
0x5f: {  	s23 =	simm.s32 $0x0  }
0x60: {  	s22 =	simm.s32 $0x7780;
	s26 =	simm.s32 $0x1;
	s23 =	sand.u32 $0x1, s23  }
0x61: {  	p0 =	por $0x0, $0x0;
	s25 =	sshll.u32 s23, $0x7;
	s23 =	sshll.u32 s23, $0xD  }
0x62: {  	s24 =	sor.u32 $0xC800, s25  }
0x63: {  	[tilespmem:s24], [sflag:$0x1] =	stream.indirect.gather [hbm4b:s5+s18], $0x1, s22, s18, $0xb8;
	[tilespmem:$0x1A800] =	vst v63  }
0x64: {  	_ =	swait.ge [sflag:s17], $0x80  }
0x65: {  	[sflag:s17] =	ssyncset.done $0x0  }
0x66: {  	s29 =	sor.u32 $0xC900, s25;
	[sflag:s17] =	ssyncadd.s32 $0xFFFFFF80  }
0x67: {  	[tilespmem:s29], [sflag:$0x1] =	stream.indirect.gather [hbm4b:s6+s18], $0x1, s22, s18, $0xb8;
	[tilespmem:$0x1A800] =	vst v63  }
0x68: {  	_ =	swait.ge [sflag:s17], $0x80  }
0x69: {  	[sflag:s17] =	ssyncset.done $0x0  }
0x6a: {  	s30 =	sor.u32 $0xCA00, s23;
	[sflag:s17] =	ssyncadd.s32 $0xFFFFFF80  }
0x6b: {  	[tilespmem:s30], [sflag:$0x1] =	stream.indirect.gather [hbm4b:s4+s18], $0x40, s24, s18, $0xb8;
	[tilespmem:$0x1A800] =	vst v63  }
0x6c: {  	p1 =	sne.s32 s21, $0x2;
	_ =	swait.ge [sflag:s17], $0x2000  }
.Ltmp5:
0x6d: {  	[sflag:s17] =	ssyncset.done $0x0;
	(pc) =	sbr.rel @!p1 .LBB2_7-.Ltmp5, $4  }
0x6e: {  	s31 =	sand.u32 $0x1, s26;
	p0 =	por $0x1, $0x1;
	[sflag:s17] =	ssyncadd.s32 $0xFFFFE000  }
0x6f: {  	[spmem:s2] =	stream.indirect.scatter.add.f32 [tilespmem:s30], [sflag:$0x2], $0x40, s29, s18, $0xb8;
	[tilespmem:$0x1A800] =	vst v63  }
0x70: {  	s25 =	sshll.u32 s31, $0x7;
	s23 =	sshll.u32 s31, $0xD;
	_ =	swait.ge [sflag:s19], $0x2000  }
0x71: {  	s22 =	simm.s32 $0x7800;
	s24 =	simm.s32 $0x2;
	[sflag:s19] =	ssyncset.done $0x0  }
.LBB2_6:
0x72: {  	s26 =	sor.u32 $0xC800, s25  }
0x73: {  	[sflag:s19] =	ssyncadd.s32 $0xFFFFE000;
	s28 =	smov.u32 s24;
	s24 =	sadd.s32 $0x1, s24  }
0x74: {  	[tilespmem:s26], [sflag:$0x1] =	stream.indirect.gather [hbm4b:s5+s18], $0x1, s22, s18, $0xb8;
	[tilespmem:$0x1A800] =	vst v63  }
0x75: {  	p1 =	sne.s32 s21, s24;
	_ =	swait.ge [sflag:s17], $0x80  }
0x76: {  	[sflag:s17] =	ssyncset.done $0x0  }
0x77: {  	s25 =	sor.u32 $0xC900, s25;
	[sflag:s17] =	ssyncadd.s32 $0xFFFFFF80  }
0x78: {  	[tilespmem:s25], [sflag:$0x1] =	stream.indirect.gather [hbm4b:s6+s18], $0x1, s22, s18, $0xb8;
	[tilespmem:$0x1A800] =	vst v63  }
0x79: {  	_ =	swait.ge [sflag:s17], $0x80  }
0x7a: {  	[sflag:s17] =	ssyncset.done $0x0  }
0x7b: {  	s23 =	sor.u32 $0xCA00, s23;
	[sflag:s17] =	ssyncadd.s32 $0xFFFFFF80  }
0x7c: {  	[tilespmem:s23], [sflag:$0x1] =	stream.indirect.gather [hbm4b:s4+s18], $0x40, s26, s18, $0xb8;
	[tilespmem:$0x1A800] =	vst v63  }
0x7d: {  	_ =	swait.ge [sflag:s17], $0x2000  }
.Ltmp6:
0x7e: {  	[sflag:s17] =	ssyncset.done $0x0;
	(pc) =	sbr.rel @p1 .LBB2_6-.Ltmp6, $4  }
0x7f: {  	[sflag:s17] =	ssyncadd.s32 $0xFFFFE000  }
0x80: {  	[spmem:s2] =	stream.indirect.scatter.add.f32 [tilespmem:s23], [sflag:$0x2], $0x40, s25, s18, $0xb8;
	[tilespmem:$0x1A800] =	vst v63  }
0x81: {  	s22 =	sadd.s32 $0x80, s22;
	s23 =	sand.u32 $0x1, s28;
	_ =	swait.ge [sflag:s19], $0x2000  }
0x82: {  	s25 =	sshll.u32 s23, $0x7;
	s23 =	sshll.u32 s23, $0xD;
	[sflag:s19] =	ssyncset.done $0x0  }
.Ltmp7:
0x83: {  	_ = 	snop;
	(pc) =	sbr.rel .LBB2_7-.Ltmp7, $1  }
0x84: {  	_ =	sdelay $0x3  }
.LBB2_9:
0x85: {  	_ =	sfence.sel $0x180000  }
0x86: {  	[bflag:$0x0] =	sbarrier.arrive $0xFFFF  }
0x87: {  	p0 =	sne.s32 s1, $0x0;
	_ =	strace $0x90000050  }
0x88: {  	s0 =	sadd.s32 @!p0 $0x100000, s0;
	[bflag:$0x2] =	sbarrier.arrive $0xFFFF  }
0x89: {  	[sflag:s0] =	ssyncadd.tile.s32 @!p0 $0x1;
	_ =	shalt  }
.Lfunc_end2:
_tile_overlayer_lowered:
.L_overlay_start_2:
0x8a: {  	(tag) =	ssettag $0x2  }
0x8b: {  	s0 =	rddreg [dreg:$0x0];
	s2 =	stileid.u32  }
0x8c: {  	s1 =	rddreg [dreg:$0x1];
	p0 =	sne.s32 s2, $0x0  }
0x8d: {  	s3 =	rddreg [dreg:$0x2];
	[bflag:$0x3] =	sbarrier.arrive $0xFFFF;
	s2 =	simm.s32 @!p0 $0x1C03  }
0x8e: {  	[timem:s3], [sflag:s2] =	dma.local @!p0 [hbm:s0], s1  }
0x8f: {  	s0 =	simm.s32 @!p0 $0x3  }
0x90: {  	_ =	swait.ge @!p0 [sflag:s0], s1  }
0x91: {  	s1 =	ssub.s32 @!p0 $0x0, s1;
	[sflag:s0] =	ssyncset.done @!p0 $0x0  }
0x92: {  	[sflag:s0] =	ssyncadd.s32 @!p0 s1  }
0x93: {  	[bflag:$0x3] =	sbarrier.arrive $0xFFFF  }
0x94: {  	_ =	shalt  }

// kernel: kernel.23.cloned.1.call-start
scs
__scs_entry_jumppad:
0x0: {  	(pc) =	sbr.rel $0x88, $3  }
0x1: {  	(tag) =	ssettag $0x0;
	lr =	simm.s32 $0x1  }
0x2: {  	[smem:$0x3F95] =	sst lr;
	_ =	strace $0xD0000000  }
0x3: {  	_ = 	snop  }
0x4: {  	_ = 	snop  }
0x5: {  	_ = 	snop  }
0x6: {  	_ = 	snop  }
0x7: {  	_ = 	snop  }
__scs_overlays_trampoline_lowered:
0x8: {  	[smem:$0x3FA4] =	sst s0  }
0x9: {  	[smem:$0x3FA5] =	sst s1  }
0xa: {  	[smem:$0x3FA6] =	sst s2  }
0xb: {  	[smem:$0x3FA7] =	sst s3  }
0xc: {  	[smem:$0x3FA8] =	sst s4  }
0xd: {  	[smem:$0x3FA9] =	sst s5  }
0xe: {  	[smem:$0x3FAA] =	sst s6  }
0xf: {  	[smem:$0x3FAB] =	sst s7  }
0x10: {  	[smem:$0x3FAC] =	sst s8  }
0x11: {  	[smem:$0x3FAD] =	sst s9;
	s0 =	simm.s32 @!p0 $0x0  }
0x12: {  	s1 =	sld [smem:$0x3F93];
	s0 =	simm.s32 @p0 $0x1  }
0x13: {  	[smem:$0x3FAE] =	sst s0;
	s0 =	simm.s32 @!p1 $0x0  }
0x14: {  	s2 =	sld [smem:$0x3F92];
	s0 =	simm.s32 @p1 $0x1  }
0x15: {  	[smem:$0x3FAF] =	sst s0;
	s0 =	simm.s32 @!p2 $0x0  }
0x16: {  	s3 =	sld [smem:$0x3FDB];
	s0 =	simm.s32 @p2 $0x1  }
0x17: {  	s4 =	simm.s32 $0x1BF5;
	[smem:$0x3FB1] =	sst s0  }
0x18: {  	s0 =	sld [smem:$0x3F94];
	_ =	swait.ge [sflag:s4], $0x0  }
0x19: {  	s7 =	sld [smem:$0x3F95]  }
0x1a: {  	s8 =	sadd.s32 $0xFFFFE003, lr  }
0x1b: {  	s9 =	sadd.s32 $0xFFFFFEF7, lr;
	s5 =	simm.s32 $0xFFFFFFFF;
	p2 =	slt.u32 s8, $0xFFFFF086  }
0x1c: {  	p1 =	slt.u32 s9, $0xF7A;
	s5 =	simm.s32 @!p2 $0x0  }
0x1d: {  	s5 =	simm.s32 @p1 $0x1;
	p0 =	seq.s32 s7, s2  }
0x1e: {  	s7 =	smul.u32 @!p0 $0xF7A, s2;
	p2 =	seq.s32 @!p0 s5, $0x0  }
0x1f: {  	s9 =	smul.u32 $0xF7A, s1;
	s8 =	simm.s32 @!p0 $0x1BF5;
	p2 =	por !p2, p0  }
0x20: {  	[sflag:s8] =	ssyncset.s32 @!p0 $0xFFFFF086;
	s6 =	sadd.s32 @!p0 s3, s7;
	s7 =	simm.s32 @!p0 $0x108  }
0x21: {  	s3 =	sadd.s32 s3, s9;
	s6 =	sadd.s32 @!p0 $0x88, s6;
	s7 =	simm.s32 @p2 $0x1082  }
0x22: {  	[simem:s7], [sflag:s8] =	dma.local @!p0 [hbm:s6], $0xF7A  }
0x23: {  	s9 =	sor.u32 $0xD0000000, s2;
	s6 =	simm.s32 $0x108;
	_ =	swait.ge @!p0 [sflag:s8], $0x0  }
0x24: {  	s3 =	sadd.s32 $0x88, s3;
	s6 =	simm.s32 @!p1 $0x1082;
	[sflag:s4] =	ssyncset.s32 $0xFFFFF086  }
0x25: {  	[simem:s6], [sflag:s4] =	dma.local [hbm:s3], $0xF7A  }
0x26: {  	[smem:$0x3F95] =	sst s1;
	(tag) =	ssettag s2;
	_ =	strace s9  }
0x27: {  	s1 =	sld [smem:$0x3FA5]  }
0x28: {  	s2 =	sld [smem:$0x3FA6]  }
0x29: {  	s4 =	sld [smem:$0x3FA8]  }
0x2a: {  	p0 =	seq.s32 s5, $0x0;
	s5 =	sld [smem:$0x3FA9]  }
0x2b: {  	s6 =	sld [smem:$0x3FAA]  }
0x2c: {  	s7 =	sld [smem:$0x3FAB]  }
0x2d: {  	s3 =	simm.s32 $0x108;
	s8 =	sld [smem:$0x3FAC]  }
0x2e: {  	s3 =	simm.s32 @!p0 $0x1082;
	s9 =	sld [smem:$0x3FAD]  }
0x2f: {  	lr =	sadd.s32 s0, s3;
	s0 =	sld [smem:$0x3FA4]  }
0x30: {  	s3 =	sld [smem:$0x3FA7]  }
0x31: {  	[smem:$0x3FB0] =	sst s10  }
0x32: {  	s10 =	sld [smem:$0x3FAE];
	_ =	sdelay $0x3  }
0x33: {  	p0 =	seq.s32 s10, $0x1;
	s10 =	sld [smem:$0x3FB0];
	_ =	sdelay $0x3  }
0x34: {  	[smem:$0x3FB0] =	sst s10  }
0x35: {  	s10 =	sld [smem:$0x3FAF];
	_ =	sdelay $0x3  }
0x36: {  	p1 =	seq.s32 s10, $0x1;
	s10 =	sld [smem:$0x3FB0];
	_ =	sdelay $0x3  }
0x37: {  	[smem:$0x3FB0] =	sst s10  }
0x38: {  	s10 =	sld [smem:$0x3FB1]  }
0x39: {  	_ = 	snop;
	(pc) =	sbr.ind lr, $3  }
0x3a: {  	_ = 	snop  }
0x3b: {  	_ = 	snop  }
0x3c: {  	p2 =	seq.s32 s10, $0x1;
	s10 =	sld [smem:$0x3FB0]  }
0x3d: {  	_ =	shalt  }
0x3e: {  	_ =	shalt  }
0x3f: {  	_ =	shalt  }
0x40: {  	_ =	shalt  }
0x41: {  	_ =	shalt  }
0x42: {  	_ =	shalt  }
0x43: {  	_ =	shalt  }
0x44: {  	_ =	shalt  }
0x45: {  	_ =	shalt  }
0x46: {  	_ =	shalt  }
0x47: {  	_ =	shalt  }
0x48: {  	_ =	shalt  }
0x49: {  	_ =	shalt  }
0x4a: {  	_ =	shalt  }
0x4b: {  	_ =	shalt  }
0x4c: {  	_ =	shalt  }
0x4d: {  	_ =	shalt  }
0x4e: {  	_ =	shalt  }
0x4f: {  	_ =	shalt  }
0x50: {  	_ =	shalt  }
0x51: {  	_ =	shalt  }
0x52: {  	_ =	shalt  }
0x53: {  	_ =	shalt  }
0x54: {  	_ =	shalt  }
0x55: {  	_ =	shalt  }
0x56: {  	_ =	shalt  }
0x57: {  	_ =	shalt  }
0x58: {  	_ =	shalt  }
0x59: {  	_ =	shalt  }
0x5a: {  	_ =	shalt  }
0x5b: {  	_ =	shalt  }
0x5c: {  	_ =	shalt  }
0x5d: {  	_ =	shalt  }
0x5e: {  	_ =	shalt  }
0x5f: {  	_ =	shalt  }
0x60: {  	_ =	shalt  }
0x61: {  	_ =	shalt  }
0x62: {  	_ =	shalt  }
0x63: {  	_ =	shalt  }
0x64: {  	_ =	shalt  }
0x65: {  	_ =	shalt  }
0x66: {  	_ =	shalt  }
0x67: {  	_ =	shalt  }
0x68: {  	_ =	shalt  }
0x69: {  	_ =	shalt  }
0x6a: {  	_ =	shalt  }
0x6b: {  	_ =	shalt  }
0x6c: {  	_ =	shalt  }
0x6d: {  	_ =	shalt  }
0x6e: {  	_ =	shalt  }
0x6f: {  	_ =	shalt  }
0x70: {  	_ =	shalt  }
0x71: {  	_ =	shalt  }
0x72: {  	_ =	shalt  }
0x73: {  	_ =	shalt  }
0x74: {  	_ =	shalt  }
0x75: {  	_ =	shalt  }
0x76: {  	_ =	shalt  }
0x77: {  	_ =	shalt  }
0x78: {  	_ =	shalt  }
0x79: {  	_ =	shalt  }
0x7a: {  	_ =	shalt  }
0x7b: {  	_ =	shalt  }
0x7c: {  	_ =	shalt  }
0x7d: {  	_ =	shalt  }
0x7e: {  	_ =	shalt  }
0x7f: {  	_ =	shalt  }
0x80: {  	_ =	shalt  }
0x81: {  	_ =	shalt  }
0x82: {  	_ =	shalt  }
0x83: {  	_ =	shalt  }
0x84: {  	_ =	shalt  }
0x85: {  	_ =	shalt  }
0x86: {  	_ =	shalt  }
0x87: {  	_ =	shalt  }
.Lfunc_end0:
.L_simem_size_0:
called_computation.4_lowered:
.L_overlay_start_0:
0x88: {  	s2 =	sld [smem:$0x3FD9]  }
0x89: {  	s3 =	sld [smem:$0x3FFE];
	_ =	sdelay $0x1  }
0x8a: {  	s1 =	srdreg.scid  }
0x8b: {  	s0 =	sand.u32 $0x1, s1  }
0x8c: {  	s17 =	sshll.u32 s0, $0xA;
	s2 =	sadd.s32 s3, s2  }
0x8d: {  	s2 =	sadd.s32 s2, s17  }
0x8e: {  	[smem:$0x3FBC] =	sst s2  }
0x8f: {  	_ = 	snop  }
0x90: {  	s2 =	sld [smem:$0x3FD0];
	(tm) =	ssettm $0x1  }
0x91: {  	s18 =	sld [smem:$0x3FFB];
	_ =	sdelay $0x3  }
0x92: {  	_ =	strace s18  }
0x93: {  	s3 =	sld [smem:$0x3FFC];
	_ =	sdelay $0x3  }
0x94: {  	_ =	strace s3  }
0x95: {  	s3 =	sld [smem:$0x3FFD];
	_ =	sdelay $0x3  }
0x96: {  	_ =	strace s3  }
0x97: {  	_ =	strace $0x8FFFFFFF  }
0x98: {  	s19 =	sld [smem:$0x3FDB];
	_ =	sdelay $0x1  }
0x99: {  	s4 =	simm.s32 $_scs_section_size  }
0x9a: {  	s5 =	simm.s32 $_size__tile_overlayer_lowered;
	s6 =	simm.s32 $_tile_overlayer_lowered  }
0x9b: {  	s22 =	simm.s32 $0x1BFF;
	s21 =	sshll.u32 s6, $0x1;
	s3 =	sadd.s32 s4, s19  }
0x9c: {  	s7 =	simm.s32 $0x0;
	s20 =	sshll.u32 s5, $0x1;
	s5 =	sadd.s32 s21, s3  }
0x9d: {  	[timem:s7], [sflag:s22] =	dma.local [hbm:s5], s20  }
0x9e: {  	_ =	swait.ge [sflag:s22], s20  }
0x9f: {  	s4 =	ssub.s32 $0x0, s20;
	[sflag:s22] =	ssyncset.done $0x0  }
0xa0: {  	[sflag:s22] =	ssyncadd.s32 s4;
	_ =	sdelay $0x1  }
0xa1: {  	s23 =	simm.s32 $0x1B8B  }
0xa2: {  	_ =	swait.ge [sflag:s23], $0x1  }
0xa3: {  	[sflag:s23] =	ssyncset.done $0x0  }
0xa4: {  	s25 =	simm.s32 $0x1B8E;
	s24 =	sld [smem:$0x3FFE];
	[sflag:s23] =	ssyncadd.s32 $0xFFFFFFFF  }
0xa5: {  	s26 =	simm.s32 $execute0_lowered;
	[smem:$0x3FD2] =	sst s25  }
0xa6: {  	s5 =	sshll.u32 s26, $0x1;
	_ =	strace $0x80000052;
	[dreg:$0x1] =	wrdreg $0xFFFFFFFF  }
0xa7: {  	s28 =	simm.s32 $_size_execute0_lowered;
	s3 =	sadd.s32 s3, s5;
	[dreg:$0x0] =	wrdreg $0x0  }
0xa8: {  	s5 =	sshll.u32 s28, $0x1;
	[dreg:$0x2] =	wrdreg s3  }
0xa9: {  	[dreg:$0x3] =	wrdreg s5  }
0xaa: {  	[dreg:$0x4] =	wrdreg $0xC0  }
0xab: {  	_ =	task [dreg:s7], $0x5FFFF  }
0xac: {  	[dreg:$0x1] =	wrdreg $0xFFFFFFFF  }
0xad: {  	[dreg:$0x0] =	wrdreg $0x60  }
0xae: {  	[dreg:$0x2] =	wrdreg s24  }
0xaf: {  	[dreg:$0x3] =	wrdreg s2  }
0xb0: {  	[dreg:$0x4] =	wrdreg $0x29B00  }
0xb1: {  	[dreg:$0x5] =	wrdreg $0x9  }
0xb2: {  	_ =	task.clear_ibuf [dreg:s7], $0x6FFFF;
	_ =	strace $0x90000052  }
0xb3: {  	s29 =	simm.s32 $0x9;
	_ =	strace $0x80000054  }
0xb4: {  	_ =	swait.ge [sflag:s29], $0x1  }
0xb5: {  	[sflag:s29] =	ssyncadd.s32 $0xFFFFFFFF  }
0xb6: {  	_ =	strace $0x90000054  }
0xb7: {  	_ =	sfence  }
0xb8: {  	s30 =	sld [smem:$0x0];
	_ =	sdelay $0x2  }
0xb9: {  	s31 =	sshll.u32 s1, $0xD;
	s1 =	sshrl.u32 s1, $0x2  }
0xba: {  	s3 =	sand.u32 $0x4000, s31;
	s1 =	sadd.s32 s1, s30  }
0xbb: {  	s0 =	sor.u32 s3, s0;
	s1 =	sshll.u32 s1, $0x11  }
0xbc: {  	s0 =	sor.u32 s1, s0  }
0xbd: {  	s0 =	sadd.s32 $0x8F2B, s0  }
0xbe: {  	[sflag:s0] =	ssyncadd.remote.s32 $0x1  }
0xbf: {  	_ =	sfence.sel $0xFFFF  }
0xc0: {  	[dreg:$0x0] =	wrdreg $0xFFFFFFFF;
	(pc) =	sbr.abs _section_cstart, $3  }
0xc1: {  	[dreg:$0x1] =	wrdreg $0xFFFFFFFF  }
0xc2: {  	_ =	task.clear_ibuf [dreg:s7], $0x2FFFF;
	_ =	strace $0x9FFFFFFF  }
0xc3: {  	(tm) =	ssettm $0x7FFFFFFF  }
tec
execute0_lowered:
.L_overlay_start_1:
0x0: {  	(tag) =	ssettag $0x1  }
0x1: {  	s10 =	rddreg [dreg:$0x0]  }
0x2: {  	s12 =	rddreg [dreg:$0x1]  }
0x3: {  	s1 =	rddreg [dreg:$0x2];
	s2 =	srdreg.scid  }
0x4: {  	s0 =	rddreg [dreg:$0x3];
	s15 =	stileid.u32;
	s19 =	simm.s32 $0x80  }
0x5: {  	s20 =	simm.s32 $0xA0;
	s21 =	simm.s32 $0x120;
	s22 =	simm.s32 $0x1A0  }
0x6: {  	s23 =	simm.s32 $0x2;
	s13 =	sand.u32 $0x1, s2;
	s2 =	simm.s32 $0x0  }
0x7: {  	s6 =	smul.u32 $0x5000, s15;
	s3 =	sadd.s32 $0x41A00, s10;
	s4 =	sadd.s32 $0x18E00, s10  }
0x8: {  	s7 =	sshll.u32 s15, $0x1;
	s9 =	sadd.s32 $0x2D000, s10;
	p0 =	sne.s32 s15, $0x0  }
0x9: {  	s5 =	smul.u32 $0x50000, s13;
	[smem:$0x7FF] =	sst s2;
	s8 =	sshll.u32 s13, $0x5  }
0xa: {  	s16 =	ssub.s32 $0x2, s13;
	s18 =	sshll.u32 s13, $0x7;
	s24 =	sor.u32 s15, s13  }
0xb: {  	s15 =	simm.s32 $0x3;
	_ =	strace $0x80000053;
	s31 =	sor.u32 s7, s8  }
0xc: {  	s7 =	sadd.s32 $0x17600, s10;
	s8 =	sadd.s32 $0x18C00, s10;
	s17 =	sshrl.u32 s16, $0x1  }
0xd: {  	s12 =	sadd.s32 s12, s18;
	s18 =	simm.s32 $0x20;
	p1 =	sne.s32 s24, $0x0  }
.Ltmp0:
0xe: {  	s24 =	simm.s32 $0x0;
	s5 =	sadd.s32 s6, s5;
	(pc) =	sbr.rel .LBB2_1-.Ltmp0, $4  }
0xf: {  	s11 =	sadd.s32 s31, s10;
	s16 =	ssub.s32 s16, s17;
	s17 =	simm.s32 $0x1  }
0x10: {  	s6 =	sshrl.u32 s5, $0x3;
	s5 =	sadd.s32 $0x3600, s10;
	s11 =	sadd.s32 $0x41800, s11  }
0x11: {  	s13 =	smax.u32 s16, $0x1;
	s16 =	simm.s32 $0x10;
	s14 =	sadd.s32 s6, s10  }
0x12: {  	s6 =	sadd.s32 $0x55400, s10;
	s10 =	sadd.s32 $0x2CE00, s10;
	s14 =	sadd.s32 $0x2D800, s14  }
.LBB2_4:
0x13: {  	[sflag:s23] =	ssyncadd.s32 $0xFFFFE000  }
.LBB2_5:
0x14: {  	[bflag:$0x0] =	sbarrier.arrive $0xFFFF;
	s30 =	simm.s32 @!p0 $0x21A0  }
0x15: {  	[tilespmem:s30], [sflag:$0x1] =	stream.indirect.gather @!p0 [spmem:s1], $0x40, s25, s29, $0xb8;
	[tilespmem:$0xC7B0] =	vst v63  }
0x16: {  	_ =	swait.ge @!p0 [sflag:s28], $0x400  }
0x17: {  	[sflag:s28] =	ssyncset.done @!p0 $0x0  }
0x18: {  	[sflag:s28] =	ssyncadd.s32 @!p0 $0xFFFFFC00  }
0x19: {  	[hbm4b:s12+s25] =	stream.linear.scatter @!p0 [tilespmem:s30], [sflag:$0x3], $0x400, $0x38;
	[tilespmem:$0xC7B0] =	vst v63  }
0x1a: {  	_ =	swait.ge @!p0 [sflag:s26], $0x400  }
0x1b: {  	s29 =	simm.s32 @!p1 $0x1;
	s28 =	simm.s32 @!p1 $0x25A0;
	[sflag:s26] =	ssyncset.done @!p0 $0x0  }
0x1c: {  	s25 =	simm.s32 @!p1 $0x10;
	[sflag:s26] =	ssyncadd.s32 @!p0 $0xFFFFFC00;
	s26 =	simm.s32 @!p1 $0x0  }
0x1d: {  	[tilespmem:s28], [sflag:$0x1] =	stream.indirect.gather @!p1 [hbm4b:s3+s25], $0x40, s26, s25, $0xb8;
	[tilespmem:$0xC7B0] =	vst v63  }
0x1e: {  	_ =	swait.ge @!p1 [sflag:s29], $0x400  }
0x1f: {  	[sflag:s29] =	ssyncset.done @!p1 $0x0  }
0x20: {  	[sflag:s29] =	ssyncadd.s32 @!p1 $0xFFFFFC00  }
0x21: {  	[hbm4b:s9+s26] =	stream.linear.scatter @!p1 [tilespmem:s28], [sflag:$0x3], $0x400, $0x38;
	[tilespmem:$0xC7B0] =	vst v63  }
0x22: {  	s28 =	simm.s32 @!p1 $0x3  }
0x23: {  	_ =	swait.ge @!p1 [sflag:s28], $0x400  }
0x24: {  	[sflag:s28] =	ssyncset.done @!p1 $0x0  }
0x25: {  	s30 =	simm.s32 @!p1 $0x29A0;
	[sflag:s28] =	ssyncadd.s32 @!p1 $0xFFFFFC00  }
0x26: {  	[tilespmem:s30], [sflag:$0x1] =	stream.indirect.gather @!p1 [hbm4b:s7+s25], $0x1, s26, s25, $0xb8;
	[tilespmem:$0xC7B0] =	vst v63  }
0x27: {  	s24 =	sadd.s32 $0x1, s24;
	_ =	swait.ge @!p1 [sflag:s29], $0x10  }
0x28: {  	p2 =	sne.s32 s24, s13;
	[sflag:s29] =	ssyncset.done @!p1 $0x0  }
.Ltmp1:
0x29: {  	[sflag:s29] =	ssyncadd.s32 @!p1 $0xFFFFFFF0;
	(pc) =	sbr.rel @!p2 .LBB2_6-.Ltmp1, $4  }
0x2a: {  	[hbm4b:s10+s26] =	stream.linear.scatter @!p1 [tilespmem:s30], [sflag:$0x3], $0x10, $0x38;
	[tilespmem:$0xC7B0] =	vst v63  }
0x2b: {  	_ =	swait.ge @!p1 [sflag:s28], $0x10  }
0x2c: {  	[sflag:s28] =	ssyncset.done @!p1 $0x0  }
0x2d: {  	[sflag:s28] =	ssyncadd.s32 @!p1 $0xFFFFFFF0  }
.LBB2_1:
0x2e: {  	[tilespmem:s2], [sflag:$0x3] =	stream.linear.gather [hbm4b:s8+s2], $0x10, $0x38;
	[tilespmem:$0xC7B0] =	vst v63  }
0x2f: {  	_ =	swait.ge [sflag:s15], $0x10  }
0x30: {  	[sflag:s15] =	ssyncset.done $0x0  }
0x31: {  	[sflag:s15] =	ssyncadd.s32 $0xFFFFFFF0  }
0x32: {  	[tilespmem:s16], [sflag:$0x3] =	stream.linear.gather [hbm4b:s11+s2], $0x10, $0x38;
	[tilespmem:$0xC7B0] =	vst v63  }
0x33: {  	_ =	swait.ge [sflag:s15], $0x10  }
0x34: {  	s25 =	simm.s32 @!p0 $0x0;
	[sflag:s15] =	ssyncset.done $0x0  }
0x35: {  	s28 =	simm.s32 @!p0 $0x25A0;
	s26 =	simm.s32 @!p0 $0x3;
	[sflag:s15] =	ssyncadd.s32 $0xFFFFFFF0  }
0x36: {  	[tilespmem:s28], [sflag:$0x3] =	stream.linear.gather @!p0 [hbm4b:s6+s25], $0x400, $0x38;
	[tilespmem:$0xC7B0] =	vst v63  }
0x37: {  	_ =	swait.ge @!p0 [sflag:s26], $0x400  }
0x38: {  	[sflag:s26] =	ssyncset.done @!p0 $0x0  }
0x39: {  	s29 =	simm.s32 @!p0 $0x10;
	[sflag:s26] =	ssyncadd.s32 @!p0 $0xFFFFFC00  }
0x3a: {  	[spmem:s1] =	stream.indirect.scatter @!p0 [tilespmem:s28], [sflag:$0x1], $0x40, s25, s29, $0xb8;
	[tilespmem:$0xC7B0] =	vst v63  }
0x3b: {  	s28 =	simm.s32 @!p0 $0x1  }
0x3c: {  	_ =	swait.ge @!p0 [sflag:s28], $0x400  }
0x3d: {  	[sflag:s28] =	ssyncset.done @!p0 $0x0  }
0x3e: {  	[sflag:s28] =	ssyncadd.s32 @!p0 $0xFFFFFC00  }
0x3f: {  	[bflag:$0x0] =	sbarrier.arrive $0xFFFF  }
0x40: {  	v0 =	vld [tilespmem:$0x10];
	_ =	sdelay $0x4  }
0x41: {  	(v2sf) =	vpush v0, $0x0;
	_ =	sdelay $0xe  }
0x42: {  	s30 =	spop (v2sf)  }
0x43: {  	s30 =	sadd.s32 $0x7F, s30  }
0x44: {  	s31 =	sand.u32 $0x7F, s30  }
0x45: {  	p3 =	slt.s32 s30, $0x1;
	p2 =	sne.s32 s31, $0x0;
	s31 =	sshra.s32 s30, $0x1F  }
0x46: {  	s31 =	sshrl.u32 s31, $0x19;
	p2 =	por !p3, !p2  }
0x47: {  	s30 =	sadd.s32 s31, s30;
	p2 =	por !p2, !p2;
	s31 =	simm.s32 $0x1  }
0x48: {  	s30 =	sshra.s32 s30, $0x7;
	s31 =	simm.s32 @!p2 $0x0  }
0x49: {  	s30 =	ssub.s32 s30, s31  }
0x4a: {  	p2 =	slt.s32 s30, $0x1  }
.Ltmp2:
0x4b: {  	_ = 	snop;
	(pc) =	sbr.rel @p2 .LBB2_5-.Ltmp2, $1  }
0x4c: {  	_ =	sdelay $0x3  }
0x4d: {  	[tilespmem:s18], [sflag:$0x3] =	stream.linear.gather [hbm4b:s14+s2], $0x80, $0x38;
	[tilespmem:$0xC7B0] =	vst v63  }
0x4e: {  	_ =	swait.ge [sflag:s15], $0x80  }
0x4f: {  	[sflag:s15] =	ssyncset.done $0x0  }
0x50: {  	[sflag:s15] =	ssyncadd.s32 $0xFFFFFF80  }
0x51: {  	[tilespmem:s20], [sflag:$0x1] =	stream.indirect.gather [hbm4b:s4+s19], $0x1, s18, s19, $0xb8;
	[tilespmem:$0xC7B0] =	vst v63  }
0x52: {  	_ =	swait.ge [sflag:s17], $0x80  }
0x53: {  	[sflag:s17] =	ssyncset.done $0x0  }
0x54: {  	[sflag:s17] =	ssyncadd.s32 $0xFFFFFF80  }
0x55: {  	[tilespmem:s21], [sflag:$0x1] =	stream.indirect.gather [hbm4b:s5+s19], $0x1, s18, s19, $0xb8;
	[tilespmem:$0xC7B0] =	vst v63  }
0x56: {  	_ =	swait.ge [sflag:s17], $0x80  }
0x57: {  	[sflag:s17] =	ssyncset.done $0x0  }
0x58: {  	[sflag:s17] =	ssyncadd.s32 $0xFFFFFF80  }
0x59: {  	[tilespmem:s22], [sflag:$0x1] =	stream.indirect.gather [hbm4b:s3+s19], $0x40, s20, s19, $0xb8;
	[tilespmem:$0xC7B0] =	vst v63  }
0x5a: {  	p2 =	sne.s32 s30, $0x1;
	_ =	swait.ge [sflag:s17], $0x2000  }
.Ltmp3:
0x5b: {  	[sflag:s17] =	ssyncset.done $0x0;
	(pc) =	sbr.rel @!p2 .LBB2_4-.Ltmp3, $4  }
0x5c: {  	[sflag:s17] =	ssyncadd.s32 $0xFFFFE000  }
0x5d: {  	[spmem:s1] =	stream.indirect.scatter.add.f32 [tilespmem:s22], [sflag:$0x2], $0x40, s21, s19, $0xb8;
	[tilespmem:$0xC7B0] =	vst v63  }
0x5e: {  	_ =	swait.ge [sflag:s23], $0x2000  }
0x5f: {  	s30 =	sadd.s32 $0xFFFFFFFF, s30;
	s31 =	smov.u32 s14;
	[sflag:s23] =	ssyncset.done $0x0  }
.LBB2_3:
0x60: {  	p2 =	sne.s32 s30, $0x1;
	[sflag:s23] =	ssyncadd.s32 $0xFFFFE000;
	s31 =	sadd.s32 $0x10, s31  }
0x61: {  	[tilespmem:s18], [sflag:$0x3] =	stream.linear.gather [hbm4b:s31+s2], $0x80, $0x38;
	[tilespmem:$0xC7B0] =	vst v63  }
0x62: {  	s30 =	sadd.s32 $0xFFFFFFFF, s30;
	_ =	swait.ge [sflag:s15], $0x80  }
0x63: {  	[sflag:s15] =	ssyncset.done $0x0  }
0x64: {  	[sflag:s15] =	ssyncadd.s32 $0xFFFFFF80  }
0x65: {  	[tilespmem:s20], [sflag:$0x1] =	stream.indirect.gather [hbm4b:s4+s19], $0x1, s18, s19, $0xb8;
	[tilespmem:$0xC7B0] =	vst v63  }
0x66: {  	_ =	swait.ge [sflag:s17], $0x80  }
0x67: {  	[sflag:s17] =	ssyncset.done $0x0  }
0x68: {  	[sflag:s17] =	ssyncadd.s32 $0xFFFFFF80  }
0x69: {  	[tilespmem:s21], [sflag:$0x1] =	stream.indirect.gather [hbm4b:s5+s19], $0x1, s18, s19, $0xb8;
	[tilespmem:$0xC7B0] =	vst v63  }
0x6a: {  	_ =	swait.ge [sflag:s17], $0x80  }
0x6b: {  	[sflag:s17] =	ssyncset.done $0x0  }
0x6c: {  	[sflag:s17] =	ssyncadd.s32 $0xFFFFFF80  }
0x6d: {  	[tilespmem:s22], [sflag:$0x1] =	stream.indirect.gather [hbm4b:s3+s19], $0x40, s20, s19, $0xb8;
	[tilespmem:$0xC7B0] =	vst v63  }
0x6e: {  	_ =	swait.ge [sflag:s17], $0x2000  }
.Ltmp4:
0x6f: {  	[sflag:s17] =	ssyncset.done $0x0;
	(pc) =	sbr.rel @p2 .LBB2_3-.Ltmp4, $4  }
0x70: {  	[sflag:s17] =	ssyncadd.s32 $0xFFFFE000  }
0x71: {  	[spmem:s1] =	stream.indirect.scatter.add.f32 [tilespmem:s22], [sflag:$0x2], $0x40, s21, s19, $0xb8;
	[tilespmem:$0xC7B0] =	vst v63  }
0x72: {  	_ =	swait.ge [sflag:s23], $0x2000  }
0x73: {  	[sflag:s23] =	ssyncset.done $0x0  }
.Ltmp5:
0x74: {  	_ = 	snop;
	(pc) =	sbr.rel .LBB2_4-.Ltmp5, $1  }
0x75: {  	_ =	sdelay $0x3  }
.LBB2_6:
0x76: {  	_ =	sfence.sel $0x180000  }
0x77: {  	[bflag:$0x0] =	sbarrier.arrive $0xFFFF  }
0x78: {  	_ =	strace $0x90000053  }
0x79: {  	s0 =	sadd.s32 @!p0 $0x100000, s0;
	[bflag:$0x2] =	sbarrier.arrive $0xFFFF  }
0x7a: {  	[sflag:s0] =	ssyncadd.tile.s32 @!p0 $0x1;
	_ =	shalt  }
.Lfunc_end2:
_tile_overlayer_lowered:
.L_overlay_start_2:
0x7b: {  	(tag) =	ssettag $0x2  }
0x7c: {  	s0 =	rddreg [dreg:$0x0];
	s2 =	stileid.u32  }
0x7d: {  	s1 =	rddreg [dreg:$0x1];
	p0 =	sne.s32 s2, $0x0  }
0x7e: {  	s3 =	rddreg [dreg:$0x2];
	[bflag:$0x3] =	sbarrier.arrive $0xFFFF;
	s2 =	simm.s32 @!p0 $0x1C03  }
0x7f: {  	[timem:s3], [sflag:s2] =	dma.local @!p0 [hbm:s0], s1  }
0x80: {  	s0 =	simm.s32 @!p0 $0x3  }
0x81: {  	_ =	swait.ge @!p0 [sflag:s0], s1  }
0x82: {  	s1 =	ssub.s32 @!p0 $0x0, s1;
	[sflag:s0] =	ssyncset.done @!p0 $0x0  }
0x83: {  	[sflag:s0] =	ssyncadd.s32 @!p0 s1  }
0x84: {  	[bflag:$0x3] =	sbarrier.arrive $0xFFFF  }
0x85: {  	_ =	shalt  }

</sc_bundles>
